<compile_context>
chip_gen: v7x
topology: tpu7x:2x2x1
jax: 0.10.2.dev20260603
libtpu: 0.0.44.dev20260713+nightly
codegen_flags: <defaults>
</compile_context>

<pallas_src>
import functools

import jax
import jax.numpy as jnp
import numpy as np
from jax import lax
from jax.experimental import pallas as pl
from jax.experimental.pallas import tpu as pltpu
from jax.experimental.pallas import tpu_sc as plsc

N = 10000
E = 320000
EH = 160000
H = 128
L = 128
NC = 2
NS = 16
NW = NC * NS
IB = 8

GE = E // L
GH = EH // L
BLK_E, TAIL_E = divmod(GE, IB)
BLK_H, TAIL_H = divmod(GH, IB)
QBE, RBE = divmod(BLK_E, NW)
QBH, RBH = divmod(BLK_H, NW)
PAD_E = (BLK_E + 1) * IB
PAD_H = (BLK_H + 1) * IB

ROWS_A = 624
ROWS_TAIL = N - NS * ROWS_A

SHIFT = float(np.log(2.0))

_sc_mesh = plsc.VectorSubcoreMesh(core_axis_name="c", subcore_axis_name="s")


@functools.partial(
    pl.kernel,
    out_type=(
        jax.ShapeDtypeStruct((NC, N, H), jnp.float32),
        jax.ShapeDtypeStruct((NC, N, H), jnp.float32),
    ),
    mesh=_sc_mesh,
    scratch_types=[
        pltpu.VMEM_SHARED((N, H), jnp.float32),
        pltpu.VMEM((3, L, H), jnp.float32),
        pltpu.VMEM((IB, L), jnp.int32),
        pltpu.SemaphoreType.DMA((3,)),
        pltpu.SemaphoreType.DMA((3,)),
    ],
)
def _sc_segment_sums(e_hbm, ie_hbm, eh_hbm, ih_hbm, zeros_hbm,
                     pe_out, ph_out, accum_sh, data_v, idx_v, sem_g, sem_s):
    c = lax.axis_index("c")
    s = lax.axis_index("s")
    wid = s * NC + c
    myrow = s * ROWS_A
    last = s == NS - 1

    def phase(src_hbm, idx_hbm, qb, rb, tail, out_ref, zero_first):
        gbase = (wid * qb + jnp.minimum(wid, rb)) * IB
        cnt = (qb + (wid < rb).astype(jnp.int32)) * IB
        cnt = cnt + jnp.where(wid == NW - 1, tail, 0)

        NBUF, D = 3, 2

        def wait_gather(b):
            pltpu.make_async_copy(src_hbm.at[pl.ds(0, L)], data_v.at[b],
                                  sem_g.at[b]).wait()

        def wait_scatter(b):
            pltpu.make_async_copy(data_v.at[b],
                                  accum_sh.at[idx_v.at[0]],
                                  sem_s.at[b]).wait()

        def start_gather(g, b):
            pltpu.async_copy(src_hbm.at[pl.ds((gbase + g) * L, L)],
                             data_v.at[b], sem_g.at[b])

        for g in range(D):
            start_gather(g, g % NBUF)

        if zero_first:
            pltpu.sync_copy(zeros_hbm, accum_sh.at[pl.ds(myrow, ROWS_A)])

            @pl.when(last)
            def _():
                pltpu.sync_copy(zeros_hbm.at[pl.ds(0, ROWS_TAIL)],
                                accum_sh.at[pl.ds(NS * ROWS_A, ROWS_TAIL)])

        plsc.subcore_barrier()

        def block(blk, carry):
            pltpu.sync_copy(idx_hbm.at[1, pl.ds(gbase + blk * IB, IB)], idx_v)
            for k in range(IB):
                sj = blk * IB + k
                gi = sj + D
                b = lax.rem(gi, NBUF)

                @pl.when(gi < cnt)
                def _():
                    @pl.when(gi >= NBUF)
                    def _():
                        wait_scatter(b)
                    start_gather(gi, b)

                bj = lax.rem(sj, NBUF)

                @pl.when(sj < cnt)
                def _():
                    wait_gather(bj)
                    pltpu.async_copy(data_v.at[bj],
                                     accum_sh.at[idx_v.at[k]],
                                     sem_s.at[bj], add=True)

            return carry

        lax.fori_loop(0, (cnt + IB - 1) // IB, block, 0)
        for b in range(NBUF):
            wait_scatter(b)
        plsc.subcore_barrier()
        pltpu.sync_copy(accum_sh.at[pl.ds(myrow, ROWS_A)],
                        out_ref.at[c, pl.ds(myrow, ROWS_A)])

        @pl.when(last)
        def _():
            pltpu.sync_copy(accum_sh.at[pl.ds(NS * ROWS_A, ROWS_TAIL)],
                            out_ref.at[c, pl.ds(NS * ROWS_A, ROWS_TAIL)])

    phase(e_hbm, ie_hbm, QBE, RBE, TAIL_E, pe_out, zero_first=True)
    phase(eh_hbm, ih_hbm, QBH, RBH, TAIL_H, ph_out, zero_first=False)


def _act(x):
    return jnp.maximum(x, 0.0) + jnp.log1p(jnp.exp(-jnp.abs(x))) - SHIFT


def _matT(x, w_ref):
    return lax.dot_general(x, w_ref[...], (((1,), (1,)), ((), ())),
                           preferred_element_type=jnp.float32)


def _mlp_body(pe_ref, ph_ref, v_ref, w1_ref, b1_ref, w2_ref, b2_ref,
              w1h_ref, b1h_ref, w2h_ref, b2h_ref, wc1_ref, wc2_ref, bc_ref,
              out_ref):
    a = pe_ref[0] + pe_ref[1]
    ah = (ph_ref[0] + ph_ref[1]) - a
    h = _matT(_act(_matT(a, w1_ref) + b1_ref[...]), w2_ref) + b2_ref[...]
    hh = _matT(_act(_matT(ah, w1h_ref) + b1h_ref[...]), w2h_ref) + b2h_ref[...]
    o = _act(_matT(h, wc1_ref) + _matT(hh, wc2_ref) + bc_ref[...])
    out_ref[...] = v_ref[...] + o


_MLP_B = 2000


def _mlp_call(pe, ph, v, *weights):
    part_spec = pl.BlockSpec((NC, _MLP_B, H), lambda i: (0, i, 0))
    row_spec = pl.BlockSpec((_MLP_B, H), lambda i: (i, 0))
    w_spec = pl.BlockSpec((H, H), lambda i: (0, 0))
    b_spec = pl.BlockSpec((1, H), lambda i: (0, 0))
    w_specs = [w_spec, b_spec] * 4 + [w_spec, w_spec, b_spec]
    return pl.pallas_call(
        _mlp_body,
        grid=(N // _MLP_B,),
        in_specs=[part_spec, part_spec, row_spec] + w_specs,
        out_specs=row_spec,
        out_shape=jax.ShapeDtypeStruct((N, H), jnp.float32),
    )(pe, ph, v, *weights)


def kernel(v, e, edge_index, e_hull, edge_index_hull,
           W1, b1, W2, b2, W1h, b1h, W2h, b2h, Wc, bc):
    ie = jnp.pad(edge_index.reshape(2, GE, L), ((0, 0), (0, PAD_E - GE), (0, 0)))
    ih = jnp.pad(edge_index_hull.reshape(2, GH, L), ((0, 0), (0, PAD_H - GH), (0, 0)))
    zeros = jnp.asarray(np.zeros((ROWS_A, H), np.float32))
    pe, ph = _sc_segment_sums(e, ie, e_hull, ih, zeros)
    return _mlp_call(
        pe, ph, v,
        W1, b1[None], W2, b2[None],
        W1h, b1h[None], W2h, b2h[None],
        Wc[:, :H], Wc[:, H:], bc[None])

# --- scband reference (transcript-rebuilt; emitter-appended) ---
"""Pipeline reference for scband-update-v-6975026889058 (READ-ONLY COPY).

The authoritative reference and input builder live on the scoring server;
editing this copy changes nothing except your own understanding.
"""

import jax, jax.numpy as jnp
import numpy as np

N = 10000
E = 320000
EH = 160000
H = 128
FLT = 128
SHIFT = float(np.log(2.0))

def _glorot(k, shape):
    scale = float(np.sqrt(2.0 / (shape[0] + shape[1])))
    return jax.random.normal(k, shape, dtype=jnp.float32) * scale

def setup_inputs(seed: int = 0):
    key = jax.random.key(seed)
    ks = jax.random.split(key, 12)
    v = jax.random.normal(ks[0], (N, H), dtype=jnp.float32)
    e = jax.random.normal(ks[1], (E, FLT), dtype=jnp.float32)
    edge_index = jax.random.randint(ks[2], (2, E), 0, N, dtype=jnp.int32)
    e_hull = jax.random.normal(ks[3], (EH, FLT), dtype=jnp.float32)
    edge_index_hull = jax.random.randint(ks[4], (2, EH), 0, N, dtype=jnp.int32)
    W1 = _glorot(ks[5], (H, FLT)); b1 = jnp.zeros((H,), jnp.float32)
    W2 = _glorot(ks[6], (H, H)); b2 = jnp.zeros((H,), jnp.float32)
    W1h = _glorot(ks[7], (H, FLT)); b1h = jnp.zeros((H,), jnp.float32)
    W2h = _glorot(ks[8], (H, H)); b2h = jnp.zeros((H,), jnp.float32)
    Wc = _glorot(ks[9], (H, 2 * H)); bc = jnp.zeros((H,), jnp.float32)
    return {"v": v, "e": e, "edge_index": edge_index, "e_hull": e_hull, "edge_index_hull": edge_index_hull,
            "W1": W1, "b1": b1, "W2": W2, "b2": b2, "W1h": W1h, "b1h": b1h, "W2h": W2h, "b2h": b2h,
            "Wc": Wc, "bc": bc}

def _act(x):
    return jax.nn.softplus(x) - SHIFT

def reference(v, e, edge_index, e_hull, edge_index_hull, W1, b1, W2, b2, W1h, b1h, W2h, b2h, Wc, bc):
    i = edge_index[1]
    out = jax.ops.segment_sum(e, i, num_segments=v.shape[0])
    out = out @ W1.T + b1
    out = _act(out)
    out = out @ W2.T + b2
    i_ = edge_index_hull[1]
    out_hull = jax.ops.segment_sum(e_hull, i_, num_segments=v.shape[0])
    out_hull = out_hull @ W1h.T + b1h
    out_hull = _act(out_hull)
    out_hull = out_hull @ W2h.T + b2h
    cat = jnp.concatenate([out, out_hull], axis=1)
    out = _act(cat @ Wc.T + bc)
    return v + out

if __name__ == "__main__":
    import jax
    _d = setup_inputs()
    print(jax.jit(kernel)(*tuple(_d.values())))

</pallas_src>

<mosaic_0001>
#map = affine_map<(d0, d1) -> (0, 0)>
#map1 = affine_map<(d0, d1) -> (0, 0, 0)>
module attributes {stable_mosaic.version = 14 : i64} {
  func.func @_sc_segment_sums(%arg0: i32, %arg1: i32, %arg2: memref<320000x128xf32, #tpu.memory_space<hbm>>, %arg3: memref<2x2504x128xi32, #tpu.memory_space<hbm>>, %arg4: memref<160000x128xf32, #tpu.memory_space<hbm>>, %arg5: memref<2x1256x128xi32, #tpu.memory_space<hbm>>, %arg6: memref<624x128xf32, #tpu.memory_space<hbm>>, %arg7: memref<2x10000x128xf32, #tpu.memory_space<hbm>>, %arg8: memref<2x10000x128xf32, #tpu.memory_space<hbm>>, %arg9: memref<10000x128xf32, #tpu.memory_space<vmem_shared>>, %arg10: memref<3x128x128xf32, #tpu.memory_space<vmem>>, %arg11: memref<8x128xi32, #tpu.memory_space<vmem>>, %arg12: memref<3x!tpu.dma_semaphore, #tpu.memory_space<semaphore_mem>>, %arg13: memref<3x!tpu.dma_semaphore, #tpu.memory_space<semaphore_mem>>) attributes {dimension_semantics = [#tpu.dimension_semantics<core_parallel>, #tpu.dimension_semantics<subcore_parallel>], iteration_bounds = array<i64: 2, 16>, scalar_prefetch = 0 : i64, scratch_operands = 5 : i64, tpu.core_type = #tpu.core_type<sc_vector_subcore>, window_params = [{transform_indices = #map}, {transform_indices = #map1}, {transform_indices = #map}, {transform_indices = #map1}, {transform_indices = #map}, {transform_indices = #map1}, {transform_indices = #map1}]} {
    %mul3A = arith.constant 2 : i32
    %mul3A_0 = arith.muli %arg1, %mul3A : i32
    %add3A = arith.addi %mul3A_0, %arg0 : i32
    %mul3A_1 = arith.constant 624 : i32
    %mul3A_2 = arith.muli %arg1, %mul3A_1 : i32
    %eq3A = arith.constant 15 : i32
    %eq3A_3 = arith.cmpi eq, %arg1, %eq3A : i32
    %mul3A_4 = arith.constant 9 : i32
    %mul3A_5 = arith.muli %add3A, %mul3A_4 : i32
    %min3A = arith.constant 24 : i32
    %min3A_6 = arith.minsi %add3A, %min3A : i32
    %add3A_7 = arith.addi %mul3A_5, %min3A_6 : i32
    %mul3A_8 = arith.constant 8 : i32
    %mul3A_9 = arith.muli %add3A_7, %mul3A_8 : i32
    %lt3A = arith.constant 24 : i32
    %lt3A_10 = arith.cmpi slt, %add3A, %lt3A : i32
    %convert_element_type3A = arith.extui %lt3A_10 : i1 to i32
    %add3A_11 = arith.constant 9 : i32
    %add3A_12 = arith.addi %add3A_11, %convert_element_type3A : i32
    %mul3A_13 = arith.constant 8 : i32
    %mul3A_14 = arith.muli %add3A_12, %mul3A_13 : i32
    %eq3A_15 = arith.constant 31 : i32
    %eq3A_16 = arith.cmpi eq, %add3A, %eq3A_15 : i32
    %jit3A = arith.constant 4 : i32
    %jit3A_17 = arith.constant 0 : i32
    %select_n3A = arith.select %eq3A_16, %jit3A, %jit3A_17 : i32
    %add3A_18 = arith.addi %mul3A_14, %select_n3A : i32
    %add3A_19 = arith.constant 0 : i32
    %add3A_20 = arith.addi %mul3A_9, %add3A_19 : i32
    %mul3A_21 = arith.constant 128 : i32
    %mul3A_22 = arith.muli %add3A_20, %mul3A_21 : i32
    %dma_start3A = arith.constant 0 : i32
    %dma_start3A_23 = arith.constant 0 : i32
    %dma_start3A_24 = arith.constant 0 : i32
    %dma_start3A_25 = arith.constant 0 : i32
    %dma_start3A_26 = tpu.memref_slice %arg10[%dma_start3A, %dma_start3A_24, %dma_start3A_25] : memref<3x128x128xf32, #tpu.memory_space<vmem>> -> memref<1x128x128xf32, #tpu.memory_space<vmem>>
    %dma_start3A_27 = tpu.memref_squeeze %dma_start3A_26 : memref<1x128x128xf32, #tpu.memory_space<vmem>> -> memref<128x128xf32, #tpu.memory_space<vmem>>
    %dma_start3A_28 = arith.constant 0 : i32
    %dma_start3A_29 = tpu.memref_slice %arg2[%mul3A_22, %dma_start3A_28] : memref<320000x128xf32, #tpu.memory_space<hbm>> -> memref<128x128xf32, #tpu.memory_space<hbm>>
    %dma_start3A_30 = tpu.memref_slice %arg12[%dma_start3A_23] : memref<3x!tpu.dma_semaphore, #tpu.memory_space<semaphore_mem>> -> memref<1x!tpu.dma_semaphore, #tpu.memory_space<semaphore_mem>>
    %dma_start3A_31 = tpu.memref_squeeze %dma_start3A_30 : memref<1x!tpu.dma_semaphore, #tpu.memory_space<semaphore_mem>> -> memref<!tpu.dma_semaphore, #tpu.memory_space<semaphore_mem>>
    %dma_start3A_32 = arith.constant 0 : i32
    %dma_start3A_33 = arith.constant 0 : i32
    %dma_start3A_34 = tpu.memref_slice %arg10[%dma_start3A, %dma_start3A_32, %dma_start3A_33] : memref<3x128x128xf32, #tpu.memory_space<vmem>> -> memref<1x128x128xf32, #tpu.memory_space<vmem>>
    %dma_start3A_35 = tpu.memref_squeeze %dma_start3A_34 : memref<1x128x128xf32, #tpu.memory_space<vmem>> -> memref<128x128xf32, #tpu.memory_space<vmem>>
    %dma_start3A_36 = arith.constant 0 : i32
    %dma_start3A_37 = tpu.memref_slice %arg2[%mul3A_22, %dma_start3A_36] : memref<320000x128xf32, #tpu.memory_space<hbm>> -> memref<128x128xf32, #tpu.memory_space<hbm>>
    tpu.enqueue_dma source(%dma_start3A_37 : memref<128x128xf32, #tpu.memory_space<hbm>>) target(%dma_start3A_35 : memref<128x128xf32, #tpu.memory_space<vmem>>) target_semaphore(%dma_start3A_31 : memref<!tpu.dma_semaphore, #tpu.memory_space<semaphore_mem>>)
    %add3A_38 = arith.constant 1 : i32
    %add3A_39 = arith.addi %mul3A_9, %add3A_38 : i32
    %mul3A_40 = arith.constant 128 : i32
    %mul3A_41 = arith.muli %add3A_39, %mul3A_40 : i32
    %dma_start3A_42 = arith.constant 1 : i32
    %dma_start3A_43 = arith.constant 1 : i32
    %dma_start3A_44 = arith.constant 0 : i32
    %dma_start3A_45 = arith.constant 0 : i32
    %dma_start3A_46 = tpu.memref_slice %arg10[%dma_start3A_42, %dma_start3A_44, %dma_start3A_45] : memref<3x128x128xf32, #tpu.memory_space<vmem>> -> memref<1x128x128xf32, #tpu.memory_space<vmem>>
    %dma_start3A_47 = tpu.memref_squeeze %dma_start3A_46 : memref<1x128x128xf32, #tpu.memory_space<vmem>> -> memref<128x128xf32, #tpu.memory_space<vmem>>
    %dma_start3A_48 = arith.constant 0 : i32
    %dma_start3A_49 = tpu.memref_slice %arg2[%mul3A_41, %dma_start3A_48] : memref<320000x128xf32, #tpu.memory_space<hbm>> -> memref<128x128xf32, #tpu.memory_space<hbm>>
    %dma_start3A_50 = tpu.memref_slice %arg12[%dma_start3A_43] : memref<3x!tpu.dma_semaphore, #tpu.memory_space<semaphore_mem>> -> memref<1x!tpu.dma_semaphore, #tpu.memory_space<semaphore_mem>>
    %dma_start3A_51 = tpu.memref_squeeze %dma_start3A_50 : memref<1x!tpu.dma_semaphore, #tpu.memory_space<semaphore_mem>> -> memref<!tpu.dma_semaphore, #tpu.memory_space<semaphore_mem>>
    %dma_start3A_52 = arith.constant 0 : i32
    %dma_start3A_53 = arith.constant 0 : i32
    %dma_start3A_54 = tpu.memref_slice %arg10[%dma_start3A_42, %dma_start3A_52, %dma_start3A_53] : memref<3x128x128xf32, #tpu.memory_space<vmem>> -> memref<1x128x128xf32, #tpu.memory_space<vmem>>
    %dma_start3A_55 = tpu.memref_squeeze %dma_start3A_54 : memref<1x128x128xf32, #tpu.memory_space<vmem>> -> memref<128x128xf32, #tpu.memory_space<vmem>>
    %dma_start3A_56 = arith.constant 0 : i32
    %dma_start3A_57 = tpu.memref_slice %arg2[%mul3A_41, %dma_start3A_56] : memref<320000x128xf32, #tpu.memory_space<hbm>> -> memref<128x128xf32, #tpu.memory_space<hbm>>
    tpu.enqueue_dma source(%dma_start3A_57 : memref<128x128xf32, #tpu.memory_space<hbm>>) target(%dma_start3A_55 : memref<128x128xf32, #tpu.memory_space<vmem>>) target_semaphore(%dma_start3A_51 : memref<!tpu.dma_semaphore, #tpu.memory_space<semaphore_mem>>)
    "tpu.region"() ({
      %run_scoped3A = tpu.sem_alloc : memref<!tpu.dma_semaphore, #tpu.memory_space<semaphore_mem>>
      %dma_start3A_287 = arith.constant 0 : i32
      %dma_start3A_288 = tpu.memref_slice %arg9[%mul3A_2, %dma_start3A_287] : memref<10000x128xf32, #tpu.memory_space<vmem_shared>> -> memref<624x128xf32, #tpu.memory_space<vmem_shared>>
      tpu.enqueue_dma source(%arg6 : memref<624x128xf32, #tpu.memory_space<hbm>>) target(%dma_start3A_288 : memref<624x128xf32, #tpu.memory_space<vmem_shared>>) target_semaphore(%run_scoped3A : memref<!tpu.dma_semaphore, #tpu.memory_space<semaphore_mem>>)
      %dma_wait3A_289 = arith.constant 0 : i32
      %dma_wait3A_290 = tpu.memref_slice %arg9[%mul3A_2, %dma_wait3A_289] : memref<10000x128xf32, #tpu.memory_space<vmem_shared>> -> memref<624x128xf32, #tpu.memory_space<vmem_shared>>
      tpu.wait_dma2 semaphore(%run_scoped3A : memref<!tpu.dma_semaphore, #tpu.memory_space<semaphore_mem>>) src(%arg6 : memref<624x128xf32, #tpu.memory_space<hbm>>) dst(%dma_wait3A_290 : memref<624x128xf32, #tpu.memory_space<vmem_shared>>)
      tpu.yield
    }) : () -> ()
    %convert_element_type3A_58 = arith.extui %eq3A_3 : i1 to i32
    %cond3A = arith.constant 0 : i32
    %cond3A_59 = arith.cmpi ne, %convert_element_type3A_58, %cond3A : i32
    scf.if %cond3A_59 {
      "tpu.region"() ({
        %run_scoped3A = tpu.sem_alloc : memref<!tpu.dma_semaphore, #tpu.memory_space<semaphore_mem>>
        %dma_start3A_287 = arith.constant 9984 : i32
        %dma_start3A_288 = arith.constant 0 : i32
        %dma_start3A_289 = tpu.memref_slice %arg9[%dma_start3A_287, %dma_start3A_288] : memref<10000x128xf32, #tpu.memory_space<vmem_shared>> -> memref<16x128xf32, #tpu.memory_space<vmem_shared>>
        %dma_start3A_290 = arith.constant 0 : i32
        %dma_start3A_291 = arith.constant 0 : i32
        %dma_start3A_292 = tpu.memref_slice %arg6[%dma_start3A_290, %dma_start3A_291] : memref<624x128xf32, #tpu.memory_space<hbm>> -> memref<16x128xf32, #tpu.memory_space<hbm>>
        tpu.enqueue_dma source(%dma_start3A_292 : memref<16x128xf32, #tpu.memory_space<hbm>>) target(%dma_start3A_289 : memref<16x128xf32, #tpu.memory_space<vmem_shared>>) target_semaphore(%run_scoped3A : memref<!tpu.dma_semaphore, #tpu.memory_space<semaphore_mem>>)
        %dma_wait3A_293 = arith.constant 9984 : i32
        %dma_wait3A_294 = arith.constant 0 : i32
        %dma_wait3A_295 = tpu.memref_slice %arg9[%dma_wait3A_293, %dma_wait3A_294] : memref<10000x128xf32, #tpu.memory_space<vmem_shared>> -> memref<16x128xf32, #tpu.memory_space<vmem_shared>>
        %dma_wait3A_296 = arith.constant 0 : i32
        %dma_wait3A_297 = arith.constant 0 : i32
        %dma_wait3A_298 = tpu.memref_slice %arg6[%dma_wait3A_296, %dma_wait3A_297] : memref<624x128xf32, #tpu.memory_space<hbm>> -> memref<16x128xf32, #tpu.memory_space<hbm>>
        tpu.wait_dma2 semaphore(%run_scoped3A : memref<!tpu.dma_semaphore, #tpu.memory_space<semaphore_mem>>) src(%dma_wait3A_298 : memref<16x128xf32, #tpu.memory_space<hbm>>) dst(%dma_wait3A_295 : memref<16x128xf32, #tpu.memory_space<vmem_shared>>)
        tpu.yield
      }) : () -> ()
    } else {
    }
    %barrier3A = arith.constant 0 : index
    tpu.barrier barrier_id(%barrier3A)
    %add3A_60 = arith.constant 8 : i32
    %add3A_61 = arith.addi %add3A_18, %add3A_60 : i32
    %sub3A = arith.constant 1 : i32
    %sub3A_62 = arith.subi %add3A_61, %sub3A : i32
    %jit3A_63 = arith.constant 8 : i32
    %div3A = arith.divsi %sub3A_62, %jit3A_63 : i32
    %sign3A = arith.constant 0 : i32
    %sign3A_64 = arith.cmpi sgt, %sub3A_62, %sign3A : i32
    %sign3A_65 = arith.extui %sign3A_64 : i1 to i32
    %sign3A_66 = arith.constant 0 : i32
    %sign3A_67 = arith.cmpi slt, %sub3A_62, %sign3A_66 : i32
    %sign3A_68 = arith.extui %sign3A_67 : i1 to i32
    %sign3A_69 = arith.subi %sign3A_65, %sign3A_68 : i32
    %sign3A_70 = arith.constant 0 : i32
    %sign3A_71 = arith.cmpi sgt, %jit3A_63, %sign3A_70 : i32
    %sign3A_72 = arith.extui %sign3A_71 : i1 to i32
    %sign3A_73 = arith.constant 0 : i32
    %sign3A_74 = arith.cmpi slt, %jit3A_63, %sign3A_73 : i32
    %sign3A_75 = arith.extui %sign3A_74 : i1 to i32
    %sign3A_76 = arith.subi %sign3A_72, %sign3A_75 : i32
    %ne3A = arith.cmpi ne, %sign3A_69, %sign3A_76 : i32
    %rem3A = arith.remsi %sub3A_62, %jit3A_63 : i32
    %ne3A_77 = arith.constant 0 : i32
    %ne3A_78 = arith.cmpi ne, %rem3A, %ne3A_77 : i32
    %and3A = arith.andi %ne3A, %ne3A_78 : i1
    %sub3A_79 = arith.constant 1 : i32
    %sub3A_80 = arith.subi %div3A, %sub3A_79 : i32
    %select_n3A_81 = arith.select %and3A, %sub3A_80, %div3A : i32
    %while3A = arith.constant 0 : i32
    %while3A_82 = arith.constant 0 : i32
    %while3A_83 = arith.subi %select_n3A_81, %while3A_82 : i32
    %while3A_84 = arith.addi %while3A_82, %while3A_83 : i32
    %while3A_85 = arith.constant 1 : i32
    %while3A_86 = arith.divsi %while3A_83, %while3A_85 : i32
    %while3A_87 = arith.muli %while3A_86, %while3A_85 : i32
    %while3A_88 = arith.addi %while3A_82, %while3A_87 : i32
    %while3A_89 = arith.constant 1 : i32
    scf.for %while3A_287 = %while3A_82 to %while3A_88 step %while3A_89  : i32 {
      %mul3A_288 = arith.constant 8 : i32
      %mul3A_289 = arith.muli %while3A_287, %mul3A_288 : i32
      %add3A_290 = arith.addi %mul3A_9, %mul3A_289 : i32
      %run_scoped3A = arith.constant 1 : i32
      "tpu.region"() ({
        %run_scoped3A_435 = tpu.sem_alloc : memref<!tpu.dma_semaphore, #tpu.memory_space<semaphore_mem>>
        %dma_start3A_436 = arith.constant 0 : i32
        %dma_start3A_437 = tpu.memref_slice %arg3[%run_scoped3A, %add3A_290, %dma_start3A_436] : memref<2x2504x128xi32, #tpu.memory_space<hbm>> -> memref<1x8x128xi32, #tpu.memory_space<hbm>>
        %dma_start3A_438 = tpu.memref_squeeze %dma_start3A_437 : memref<1x8x128xi32, #tpu.memory_space<hbm>> -> memref<8x128xi32, #tpu.memory_space<hbm>>
        %dma_start3A_439 = arith.constant 0 : i32
        %dma_start3A_440 = tpu.memref_slice %arg3[%run_scoped3A, %add3A_290, %dma_start3A_439] : memref<2x2504x128xi32, #tpu.memory_space<hbm>> -> memref<1x8x128xi32, #tpu.memory_space<hbm>>
        %dma_start3A_441 = tpu.memref_squeeze %dma_start3A_440 : memref<1x8x128xi32, #tpu.memory_space<hbm>> -> memref<8x128xi32, #tpu.memory_space<hbm>>
        tpu.enqueue_dma source(%dma_start3A_441 : memref<8x128xi32, #tpu.memory_space<hbm>>) target(%arg11 : memref<8x128xi32, #tpu.memory_space<vmem>>) target_semaphore(%run_scoped3A_435 : memref<!tpu.dma_semaphore, #tpu.memory_space<semaphore_mem>>)
        %dma_wait3A_442 = arith.constant 0 : i32
        %dma_wait3A_443 = tpu.memref_slice %arg3[%run_scoped3A, %add3A_290, %dma_wait3A_442] : memref<2x2504x128xi32, #tpu.memory_space<hbm>> -> memref<1x8x128xi32, #tpu.memory_space<hbm>>
        %dma_wait3A_444 = tpu.memref_squeeze %dma_wait3A_443 : memref<1x8x128xi32, #tpu.memory_space<hbm>> -> memref<8x128xi32, #tpu.memory_space<hbm>>
        %dma_wait3A_445 = arith.constant 0 : i32
        %dma_wait3A_446 = tpu.memref_slice %arg3[%run_scoped3A, %add3A_290, %dma_wait3A_445] : memref<2x2504x128xi32, #tpu.memory_space<hbm>> -> memref<1x8x128xi32, #tpu.memory_space<hbm>>
        %dma_wait3A_447 = tpu.memref_squeeze %dma_wait3A_446 : memref<1x8x128xi32, #tpu.memory_space<hbm>> -> memref<8x128xi32, #tpu.memory_space<hbm>>
        tpu.wait_dma2 semaphore(%run_scoped3A_435 : memref<!tpu.dma_semaphore, #tpu.memory_space<semaphore_mem>>) src(%dma_wait3A_447 : memref<8x128xi32, #tpu.memory_space<hbm>>) dst(%arg11 : memref<8x128xi32, #tpu.memory_space<vmem>>)
        tpu.yield
      }) : () -> ()
      %mul3A_291 = arith.constant 8 : i32
      %mul3A_292 = arith.muli %while3A_287, %mul3A_291 : i32
      %add3A_293 = arith.constant 0 : i32
      %add3A_294 = arith.addi %mul3A_292, %add3A_293 : i32
      %add3A_295 = arith.constant 2 : i32
      %add3A_296 = arith.addi %add3A_294, %add3A_295 : i32
      %rem3A_297 = arith.constant 3 : i32
      %rem3A_298 = arith.remsi %add3A_296, %rem3A_297 : i32
      %lt3A_299 = arith.cmpi slt, %add3A_296, %add3A_18 : i32
      %convert_element_type3A_300 = arith.extui %lt3A_299 : i1 to i32
      %cond3A_301 = arith.constant 0 : i32
      %cond3A_302 = arith.cmpi ne, %convert_element_type3A_300, %cond3A_301 : i32
      scf.if %cond3A_302 {
        %ge3A = arith.constant 3 : i32
        %ge3A_435 = arith.cmpi sge, %add3A_296, %ge3A : i32
        %convert_element_type3A_436 = arith.extui %ge3A_435 : i1 to i32
        %cond3A_437 = arith.constant 0 : i32
        %cond3A_438 = arith.cmpi ne, %convert_element_type3A_436, %cond3A_437 : i32
        scf.if %cond3A_438 {
          %dma_wait3A_456 = arith.constant 0 : i32
          %dma_wait3A_457 = arith.constant 0 : i32
          %dma_wait3A_458 = arith.constant 0 : i32
          %dma_wait3A_459 = tpu.memref_slice %arg10[%rem3A_298, %dma_wait3A_457, %dma_wait3A_458] : memref<3x128x128xf32, #tpu.memory_space<vmem>> -> memref<1x128x128xf32, #tpu.memory_space<vmem>>
          %dma_wait3A_460 = tpu.memref_squeeze %dma_wait3A_459 : memref<1x128x128xf32, #tpu.memory_space<vmem>> -> memref<128x128xf32, #tpu.memory_space<vmem>>
          %dma_wait3A_461 = arith.constant 0 : i32
          %dma_wait3A_462 = tpu.memref_slice %arg11[%dma_wait3A_456, %dma_wait3A_461] : memref<8x128xi32, #tpu.memory_space<vmem>> -> memref<1x128xi32, #tpu.memory_space<vmem>>
          %dma_wait3A_463 = tpu.memref_squeeze %dma_wait3A_462 : memref<1x128xi32, #tpu.memory_space<vmem>> -> memref<128xi32, #tpu.memory_space<vmem>>
          %dma_wait3A_464 = arith.constant 0 : i32
          %dma_wait3A_465 = arith.constant 0 : i32
          %dma_wait3A_466 = tpu.memref_slice %arg9[%dma_wait3A_464, %dma_wait3A_465] : memref<10000x128xf32, #tpu.memory_space<vmem_shared>> -> memref<10000x128xf32, #tpu.memory_space<vmem_shared>>
          %dma_wait3A_467 = tpu.memref_slice %arg13[%rem3A_298] : memref<3x!tpu.dma_semaphore, #tpu.memory_space<semaphore_mem>> -> memref<1x!tpu.dma_semaphore, #tpu.memory_space<semaphore_mem>>
          %dma_wait3A_468 = tpu.memref_squeeze %dma_wait3A_467 : memref<1x!tpu.dma_semaphore, #tpu.memory_space<semaphore_mem>> -> memref<!tpu.dma_semaphore, #tpu.memory_space<semaphore_mem>>
          tpu.wait_indirect_dma semaphore(%dma_wait3A_468 : memref<!tpu.dma_semaphore, #tpu.memory_space<semaphore_mem>>) src(%dma_wait3A_460 : memref<128x128xf32, #tpu.memory_space<vmem>>) dst(%dma_wait3A_466 : memref<10000x128xf32, #tpu.memory_space<vmem_shared>>)
        } else {
        }
        %add3A_439 = arith.addi %mul3A_9, %add3A_296 : i32
        %mul3A_440 = arith.constant 128 : i32
        %mul3A_441 = arith.muli %add3A_439, %mul3A_440 : i32
        %dma_start3A_442 = arith.constant 0 : i32
        %dma_start3A_443 = arith.constant 0 : i32
        %dma_start3A_444 = tpu.memref_slice %arg10[%rem3A_298, %dma_start3A_442, %dma_start3A_443] : memref<3x128x128xf32, #tpu.memory_space<vmem>> -> memref<1x128x128xf32, #tpu.memory_space<vmem>>
        %dma_start3A_445 = tpu.memref_squeeze %dma_start3A_444 : memref<1x128x128xf32, #tpu.memory_space<vmem>> -> memref<128x128xf32, #tpu.memory_space<vmem>>
        %dma_start3A_446 = arith.constant 0 : i32
        %dma_start3A_447 = tpu.memref_slice %arg2[%mul3A_441, %dma_start3A_446] : memref<320000x128xf32, #tpu.memory_space<hbm>> -> memref<128x128xf32, #tpu.memory_space<hbm>>
        %dma_start3A_448 = tpu.memref_slice %arg12[%rem3A_298] : memref<3x!tpu.dma_semaphore, #tpu.memory_space<semaphore_mem>> -> memref<1x!tpu.dma_semaphore, #tpu.memory_space<semaphore_mem>>
        %dma_start3A_449 = tpu.memref_squeeze %dma_start3A_448 : memref<1x!tpu.dma_semaphore, #tpu.memory_space<semaphore_mem>> -> memref<!tpu.dma_semaphore, #tpu.memory_space<semaphore_mem>>
        %dma_start3A_450 = arith.constant 0 : i32
        %dma_start3A_451 = arith.constant 0 : i32
        %dma_start3A_452 = tpu.memref_slice %arg10[%rem3A_298, %dma_start3A_450, %dma_start3A_451] : memref<3x128x128xf32, #tpu.memory_space<vmem>> -> memref<1x128x128xf32, #tpu.memory_space<vmem>>
        %dma_start3A_453 = tpu.memref_squeeze %dma_start3A_452 : memref<1x128x128xf32, #tpu.memory_space<vmem>> -> memref<128x128xf32, #tpu.memory_space<vmem>>
        %dma_start3A_454 = arith.constant 0 : i32
        %dma_start3A_455 = tpu.memref_slice %arg2[%mul3A_441, %dma_start3A_454] : memref<320000x128xf32, #tpu.memory_space<hbm>> -> memref<128x128xf32, #tpu.memory_space<hbm>>
        tpu.enqueue_dma source(%dma_start3A_455 : memref<128x128xf32, #tpu.memory_space<hbm>>) target(%dma_start3A_453 : memref<128x128xf32, #tpu.memory_space<vmem>>) target_semaphore(%dma_start3A_449 : memref<!tpu.dma_semaphore, #tpu.memory_space<semaphore_mem>>)
      } else {
      }
      %rem3A_303 = arith.constant 3 : i32
      %rem3A_304 = arith.remsi %add3A_294, %rem3A_303 : i32
      %lt3A_305 = arith.cmpi slt, %add3A_294, %add3A_18 : i32
      %convert_element_type3A_306 = arith.extui %lt3A_305 : i1 to i32
      %cond3A_307 = arith.constant 0 : i32
      %cond3A_308 = arith.cmpi ne, %convert_element_type3A_306, %cond3A_307 : i32
      scf.if %cond3A_308 {
        %dma_wait3A_435 = arith.constant 0 : i32
        %dma_wait3A_436 = arith.constant 0 : i32
        %dma_wait3A_437 = tpu.memref_slice %arg10[%rem3A_304, %dma_wait3A_435, %dma_wait3A_436] : memref<3x128x128xf32, #tpu.memory_space<vmem>> -> memref<1x128x128xf32, #tpu.memory_space<vmem>>
        %dma_wait3A_438 = tpu.memref_squeeze %dma_wait3A_437 : memref<1x128x128xf32, #tpu.memory_space<vmem>> -> memref<128x128xf32, #tpu.memory_space<vmem>>
        %dma_wait3A_439 = arith.constant 0 : i32
        %dma_wait3A_440 = arith.constant 0 : i32
        %dma_wait3A_441 = tpu.memref_slice %arg2[%dma_wait3A_439, %dma_wait3A_440] : memref<320000x128xf32, #tpu.memory_space<hbm>> -> memref<128x128xf32, #tpu.memory_space<hbm>>
        %dma_wait3A_442 = tpu.memref_slice %arg12[%rem3A_304] : memref<3x!tpu.dma_semaphore, #tpu.memory_space<semaphore_mem>> -> memref<1x!tpu.dma_semaphore, #tpu.memory_space<semaphore_mem>>
        %dma_wait3A_443 = tpu.memref_squeeze %dma_wait3A_442 : memref<1x!tpu.dma_semaphore, #tpu.memory_space<semaphore_mem>> -> memref<!tpu.dma_semaphore, #tpu.memory_space<semaphore_mem>>
        %dma_wait3A_444 = arith.constant 0 : i32
        %dma_wait3A_445 = arith.constant 0 : i32
        %dma_wait3A_446 = tpu.memref_slice %arg10[%rem3A_304, %dma_wait3A_444, %dma_wait3A_445] : memref<3x128x128xf32, #tpu.memory_space<vmem>> -> memref<1x128x128xf32, #tpu.memory_space<vmem>>
        %dma_wait3A_447 = tpu.memref_squeeze %dma_wait3A_446 : memref<1x128x128xf32, #tpu.memory_space<vmem>> -> memref<128x128xf32, #tpu.memory_space<vmem>>
        %dma_wait3A_448 = arith.constant 0 : i32
        %dma_wait3A_449 = arith.constant 0 : i32
        %dma_wait3A_450 = tpu.memref_slice %arg2[%dma_wait3A_448, %dma_wait3A_449] : memref<320000x128xf32, #tpu.memory_space<hbm>> -> memref<128x128xf32, #tpu.memory_space<hbm>>
        tpu.wait_dma2 semaphore(%dma_wait3A_443 : memref<!tpu.dma_semaphore, #tpu.memory_space<semaphore_mem>>) src(%dma_wait3A_450 : memref<128x128xf32, #tpu.memory_space<hbm>>) dst(%dma_wait3A_447 : memref<128x128xf32, #tpu.memory_space<vmem>>)
        %dma_start3A_451 = arith.constant 0 : i32
        %dma_start3A_452 = arith.constant 0 : i32
        %dma_start3A_453 = arith.constant 0 : i32
        %dma_start3A_454 = tpu.memref_slice %arg10[%rem3A_304, %dma_start3A_452, %dma_start3A_453] : memref<3x128x128xf32, #tpu.memory_space<vmem>> -> memref<1x128x128xf32, #tpu.memory_space<vmem>>
        %dma_start3A_455 = tpu.memref_squeeze %dma_start3A_454 : memref<1x128x128xf32, #tpu.memory_space<vmem>> -> memref<128x128xf32, #tpu.memory_space<vmem>>
        %dma_start3A_456 = arith.constant 0 : i32
        %dma_start3A_457 = tpu.memref_slice %arg11[%dma_start3A_451, %dma_start3A_456] : memref<8x128xi32, #tpu.memory_space<vmem>> -> memref<1x128xi32, #tpu.memory_space<vmem>>
        %dma_start3A_458 = tpu.memref_squeeze %dma_start3A_457 : memref<1x128xi32, #tpu.memory_space<vmem>> -> memref<128xi32, #tpu.memory_space<vmem>>
        %dma_start3A_459 = arith.constant 0 : i32
        %dma_start3A_460 = arith.constant 0 : i32
        %dma_start3A_461 = tpu.memref_slice %arg9[%dma_start3A_459, %dma_start3A_460] : memref<10000x128xf32, #tpu.memory_space<vmem_shared>> -> memref<10000x128xf32, #tpu.memory_space<vmem_shared>>
        %dma_start3A_462 = tpu.memref_slice %arg13[%rem3A_304] : memref<3x!tpu.dma_semaphore, #tpu.memory_space<semaphore_mem>> -> memref<1x!tpu.dma_semaphore, #tpu.memory_space<semaphore_mem>>
        %dma_start3A_463 = tpu.memref_squeeze %dma_start3A_462 : memref<1x!tpu.dma_semaphore, #tpu.memory_space<semaphore_mem>> -> memref<!tpu.dma_semaphore, #tpu.memory_space<semaphore_mem>>
        tpu.enqueue_indirect_dma source(%dma_start3A_455 : memref<128x128xf32, #tpu.memory_space<vmem>>) target(%dma_start3A_461 : memref<10000x128xf32, #tpu.memory_space<vmem_shared>>) offsets(%dma_start3A_458 : memref<128xi32, #tpu.memory_space<vmem>>) semaphore(%dma_start3A_463 : memref<!tpu.dma_semaphore, #tpu.memory_space<semaphore_mem>>) {add = true}
      } else {
      }
      %mul3A_309 = arith.constant 8 : i32
      %mul3A_310 = arith.muli %while3A_287, %mul3A_309 : i32
      %add3A_311 = arith.constant 1 : i32
      %add3A_312 = arith.addi %mul3A_310, %add3A_311 : i32
      %add3A_313 = arith.constant 2 : i32
      %add3A_314 = arith.addi %add3A_312, %add3A_313 : i32
      %rem3A_315 = arith.constant 3 : i32
      %rem3A_316 = arith.remsi %add3A_314, %rem3A_315 : i32
      %lt3A_317 = arith.cmpi slt, %add3A_314, %add3A_18 : i32
      %convert_element_type3A_318 = arith.extui %lt3A_317 : i1 to i32
      %cond3A_319 = arith.constant 0 : i32
      %cond3A_320 = arith.cmpi ne, %convert_element_type3A_318, %cond3A_319 : i32
      scf.if %cond3A_320 {
        %ge3A = arith.constant 3 : i32
        %ge3A_435 = arith.cmpi sge, %add3A_314, %ge3A : i32
        %convert_element_type3A_436 = arith.extui %ge3A_435 : i1 to i32
        %cond3A_437 = arith.constant 0 : i32
        %cond3A_438 = arith.cmpi ne, %convert_element_type3A_436, %cond3A_437 : i32
        scf.if %cond3A_438 {
          %dma_wait3A_456 = arith.constant 0 : i32
          %dma_wait3A_457 = arith.constant 0 : i32
          %dma_wait3A_458 = arith.constant 0 : i32
          %dma_wait3A_459 = tpu.memref_slice %arg10[%rem3A_316, %dma_wait3A_457, %dma_wait3A_458] : memref<3x128x128xf32, #tpu.memory_space<vmem>> -> memref<1x128x128xf32, #tpu.memory_space<vmem>>
          %dma_wait3A_460 = tpu.memref_squeeze %dma_wait3A_459 : memref<1x128x128xf32, #tpu.memory_space<vmem>> -> memref<128x128xf32, #tpu.memory_space<vmem>>
          %dma_wait3A_461 = arith.constant 0 : i32
          %dma_wait3A_462 = tpu.memref_slice %arg11[%dma_wait3A_456, %dma_wait3A_461] : memref<8x128xi32, #tpu.memory_space<vmem>> -> memref<1x128xi32, #tpu.memory_space<vmem>>
          %dma_wait3A_463 = tpu.memref_squeeze %dma_wait3A_462 : memref<1x128xi32, #tpu.memory_space<vmem>> -> memref<128xi32, #tpu.memory_space<vmem>>
          %dma_wait3A_464 = arith.constant 0 : i32
          %dma_wait3A_465 = arith.constant 0 : i32
          %dma_wait3A_466 = tpu.memref_slice %arg9[%dma_wait3A_464, %dma_wait3A_465] : memref<10000x128xf32, #tpu.memory_space<vmem_shared>> -> memref<10000x128xf32, #tpu.memory_space<vmem_shared>>
          %dma_wait3A_467 = tpu.memref_slice %arg13[%rem3A_316] : memref<3x!tpu.dma_semaphore, #tpu.memory_space<semaphore_mem>> -> memref<1x!tpu.dma_semaphore, #tpu.memory_space<semaphore_mem>>
          %dma_wait3A_468 = tpu.memref_squeeze %dma_wait3A_467 : memref<1x!tpu.dma_semaphore, #tpu.memory_space<semaphore_mem>> -> memref<!tpu.dma_semaphore, #tpu.memory_space<semaphore_mem>>
          tpu.wait_indirect_dma semaphore(%dma_wait3A_468 : memref<!tpu.dma_semaphore, #tpu.memory_space<semaphore_mem>>) src(%dma_wait3A_460 : memref<128x128xf32, #tpu.memory_space<vmem>>) dst(%dma_wait3A_466 : memref<10000x128xf32, #tpu.memory_space<vmem_shared>>)
        } else {
        }
        %add3A_439 = arith.addi %mul3A_9, %add3A_314 : i32
        %mul3A_440 = arith.constant 128 : i32
        %mul3A_441 = arith.muli %add3A_439, %mul3A_440 : i32
        %dma_start3A_442 = arith.constant 0 : i32
        %dma_start3A_443 = arith.constant 0 : i32
        %dma_start3A_444 = tpu.memref_slice %arg10[%rem3A_316, %dma_start3A_442, %dma_start3A_443] : memref<3x128x128xf32, #tpu.memory_space<vmem>> -> memref<1x128x128xf32, #tpu.memory_space<vmem>>
        %dma_start3A_445 = tpu.memref_squeeze %dma_start3A_444 : memref<1x128x128xf32, #tpu.memory_space<vmem>> -> memref<128x128xf32, #tpu.memory_space<vmem>>
        %dma_start3A_446 = arith.constant 0 : i32
        %dma_start3A_447 = tpu.memref_slice %arg2[%mul3A_441, %dma_start3A_446] : memref<320000x128xf32, #tpu.memory_space<hbm>> -> memref<128x128xf32, #tpu.memory_space<hbm>>
        %dma_start3A_448 = tpu.memref_slice %arg12[%rem3A_316] : memref<3x!tpu.dma_semaphore, #tpu.memory_space<semaphore_mem>> -> memref<1x!tpu.dma_semaphore, #tpu.memory_space<semaphore_mem>>
        %dma_start3A_449 = tpu.memref_squeeze %dma_start3A_448 : memref<1x!tpu.dma_semaphore, #tpu.memory_space<semaphore_mem>> -> memref<!tpu.dma_semaphore, #tpu.memory_space<semaphore_mem>>
        %dma_start3A_450 = arith.constant 0 : i32
        %dma_start3A_451 = arith.constant 0 : i32
        %dma_start3A_452 = tpu.memref_slice %arg10[%rem3A_316, %dma_start3A_450, %dma_start3A_451] : memref<3x128x128xf32, #tpu.memory_space<vmem>> -> memref<1x128x128xf32, #tpu.memory_space<vmem>>
        %dma_start3A_453 = tpu.memref_squeeze %dma_start3A_452 : memref<1x128x128xf32, #tpu.memory_space<vmem>> -> memref<128x128xf32, #tpu.memory_space<vmem>>
        %dma_start3A_454 = arith.constant 0 : i32
        %dma_start3A_455 = tpu.memref_slice %arg2[%mul3A_441, %dma_start3A_454] : memref<320000x128xf32, #tpu.memory_space<hbm>> -> memref<128x128xf32, #tpu.memory_space<hbm>>
        tpu.enqueue_dma source(%dma_start3A_455 : memref<128x128xf32, #tpu.memory_space<hbm>>) target(%dma_start3A_453 : memref<128x128xf32, #tpu.memory_space<vmem>>) target_semaphore(%dma_start3A_449 : memref<!tpu.dma_semaphore, #tpu.memory_space<semaphore_mem>>)
      } else {
      }
      %rem3A_321 = arith.constant 3 : i32
      %rem3A_322 = arith.remsi %add3A_312, %rem3A_321 : i32
      %lt3A_323 = arith.cmpi slt, %add3A_312, %add3A_18 : i32
      %convert_element_type3A_324 = arith.extui %lt3A_323 : i1 to i32
      %cond3A_325 = arith.constant 0 : i32
      %cond3A_326 = arith.cmpi ne, %convert_element_type3A_324, %cond3A_325 : i32
      scf.if %cond3A_326 {
        %dma_wait3A_435 = arith.constant 0 : i32
        %dma_wait3A_436 = arith.constant 0 : i32
        %dma_wait3A_437 = tpu.memref_slice %arg10[%rem3A_322, %dma_wait3A_435, %dma_wait3A_436] : memref<3x128x128xf32, #tpu.memory_space<vmem>> -> memref<1x128x128xf32, #tpu.memory_space<vmem>>
        %dma_wait3A_438 = tpu.memref_squeeze %dma_wait3A_437 : memref<1x128x128xf32, #tpu.memory_space<vmem>> -> memref<128x128xf32, #tpu.memory_space<vmem>>
        %dma_wait3A_439 = arith.constant 0 : i32
        %dma_wait3A_440 = arith.constant 0 : i32
        %dma_wait3A_441 = tpu.memref_slice %arg2[%dma_wait3A_439, %dma_wait3A_440] : memref<320000x128xf32, #tpu.memory_space<hbm>> -> memref<128x128xf32, #tpu.memory_space<hbm>>
        %dma_wait3A_442 = tpu.memref_slice %arg12[%rem3A_322] : memref<3x!tpu.dma_semaphore, #tpu.memory_space<semaphore_mem>> -> memref<1x!tpu.dma_semaphore, #tpu.memory_space<semaphore_mem>>
        %dma_wait3A_443 = tpu.memref_squeeze %dma_wait3A_442 : memref<1x!tpu.dma_semaphore, #tpu.memory_space<semaphore_mem>> -> memref<!tpu.dma_semaphore, #tpu.memory_space<semaphore_mem>>
        %dma_wait3A_444 = arith.constant 0 : i32
        %dma_wait3A_445 = arith.constant 0 : i32
        %dma_wait3A_446 = tpu.memref_slice %arg10[%rem3A_322, %dma_wait3A_444, %dma_wait3A_445] : memref<3x128x128xf32, #tpu.memory_space<vmem>> -> memref<1x128x128xf32, #tpu.memory_space<vmem>>
        %dma_wait3A_447 = tpu.memref_squeeze %dma_wait3A_446 : memref<1x128x128xf32, #tpu.memory_space<vmem>> -> memref<128x128xf32, #tpu.memory_space<vmem>>
        %dma_wait3A_448 = arith.constant 0 : i32
        %dma_wait3A_449 = arith.constant 0 : i32
        %dma_wait3A_450 = tpu.memref_slice %arg2[%dma_wait3A_448, %dma_wait3A_449] : memref<320000x128xf32, #tpu.memory_space<hbm>> -> memref<128x128xf32, #tpu.memory_space<hbm>>
        tpu.wait_dma2 semaphore(%dma_wait3A_443 : memref<!tpu.dma_semaphore, #tpu.memory_space<semaphore_mem>>) src(%dma_wait3A_450 : memref<128x128xf32, #tpu.memory_space<hbm>>) dst(%dma_wait3A_447 : memref<128x128xf32, #tpu.memory_space<vmem>>)
        %dma_start3A_451 = arith.constant 1 : i32
        %dma_start3A_452 = arith.constant 0 : i32
        %dma_start3A_453 = arith.constant 0 : i32
        %dma_start3A_454 = tpu.memref_slice %arg10[%rem3A_322, %dma_start3A_452, %dma_start3A_453] : memref<3x128x128xf32, #tpu.memory_space<vmem>> -> memref<1x128x128xf32, #tpu.memory_space<vmem>>
        %dma_start3A_455 = tpu.memref_squeeze %dma_start3A_454 : memref<1x128x128xf32, #tpu.memory_space<vmem>> -> memref<128x128xf32, #tpu.memory_space<vmem>>
        %dma_start3A_456 = arith.constant 0 : i32
        %dma_start3A_457 = tpu.memref_slice %arg11[%dma_start3A_451, %dma_start3A_456] : memref<8x128xi32, #tpu.memory_space<vmem>> -> memref<1x128xi32, #tpu.memory_space<vmem>>
        %dma_start3A_458 = tpu.memref_squeeze %dma_start3A_457 : memref<1x128xi32, #tpu.memory_space<vmem>> -> memref<128xi32, #tpu.memory_space<vmem>>
        %dma_start3A_459 = arith.constant 0 : i32
        %dma_start3A_460 = arith.constant 0 : i32
        %dma_start3A_461 = tpu.memref_slice %arg9[%dma_start3A_459, %dma_start3A_460] : memref<10000x128xf32, #tpu.memory_space<vmem_shared>> -> memref<10000x128xf32, #tpu.memory_space<vmem_shared>>
        %dma_start3A_462 = tpu.memref_slice %arg13[%rem3A_322] : memref<3x!tpu.dma_semaphore, #tpu.memory_space<semaphore_mem>> -> memref<1x!tpu.dma_semaphore, #tpu.memory_space<semaphore_mem>>
        %dma_start3A_463 = tpu.memref_squeeze %dma_start3A_462 : memref<1x!tpu.dma_semaphore, #tpu.memory_space<semaphore_mem>> -> memref<!tpu.dma_semaphore, #tpu.memory_space<semaphore_mem>>
        tpu.enqueue_indirect_dma source(%dma_start3A_455 : memref<128x128xf32, #tpu.memory_space<vmem>>) target(%dma_start3A_461 : memref<10000x128xf32, #tpu.memory_space<vmem_shared>>) offsets(%dma_start3A_458 : memref<128xi32, #tpu.memory_space<vmem>>) semaphore(%dma_start3A_463 : memref<!tpu.dma_semaphore, #tpu.memory_space<semaphore_mem>>) {add = true}
      } else {
      }
      %mul3A_327 = arith.constant 8 : i32
      %mul3A_328 = arith.muli %while3A_287, %mul3A_327 : i32
      %add3A_329 = arith.constant 2 : i32
      %add3A_330 = arith.addi %mul3A_328, %add3A_329 : i32
      %add3A_331 = arith.constant 2 : i32
      %add3A_332 = arith.addi %add3A_330, %add3A_331 : i32
      %rem3A_333 = arith.constant 3 : i32
      %rem3A_334 = arith.remsi %add3A_332, %rem3A_333 : i32
      %lt3A_335 = arith.cmpi slt, %add3A_332, %add3A_18 : i32
      %convert_element_type3A_336 = arith.extui %lt3A_335 : i1 to i32
      %cond3A_337 = arith.constant 0 : i32
      %cond3A_338 = arith.cmpi ne, %convert_element_type3A_336, %cond3A_337 : i32
      scf.if %cond3A_338 {
        %ge3A = arith.constant 3 : i32
        %ge3A_435 = arith.cmpi sge, %add3A_332, %ge3A : i32
        %convert_element_type3A_436 = arith.extui %ge3A_435 : i1 to i32
        %cond3A_437 = arith.constant 0 : i32
        %cond3A_438 = arith.cmpi ne, %convert_element_type3A_436, %cond3A_437 : i32
        scf.if %cond3A_438 {
          %dma_wait3A_456 = arith.constant 0 : i32
          %dma_wait3A_457 = arith.constant 0 : i32
          %dma_wait3A_458 = arith.constant 0 : i32
          %dma_wait3A_459 = tpu.memref_slice %arg10[%rem3A_334, %dma_wait3A_457, %dma_wait3A_458] : memref<3x128x128xf32, #tpu.memory_space<vmem>> -> memref<1x128x128xf32, #tpu.memory_space<vmem>>
          %dma_wait3A_460 = tpu.memref_squeeze %dma_wait3A_459 : memref<1x128x128xf32, #tpu.memory_space<vmem>> -> memref<128x128xf32, #tpu.memory_space<vmem>>
          %dma_wait3A_461 = arith.constant 0 : i32
          %dma_wait3A_462 = tpu.memref_slice %arg11[%dma_wait3A_456, %dma_wait3A_461] : memref<8x128xi32, #tpu.memory_space<vmem>> -> memref<1x128xi32, #tpu.memory_space<vmem>>
          %dma_wait3A_463 = tpu.memref_squeeze %dma_wait3A_462 : memref<1x128xi32, #tpu.memory_space<vmem>> -> memref<128xi32, #tpu.memory_space<vmem>>
          %dma_wait3A_464 = arith.constant 0 : i32
          %dma_wait3A_465 = arith.constant 0 : i32
          %dma_wait3A_466 = tpu.memref_slice %arg9[%dma_wait3A_464, %dma_wait3A_465] : memref<10000x128xf32, #tpu.memory_space<vmem_shared>> -> memref<10000x128xf32, #tpu.memory_space<vmem_shared>>
          %dma_wait3A_467 = tpu.memref_slice %arg13[%rem3A_334] : memref<3x!tpu.dma_semaphore, #tpu.memory_space<semaphore_mem>> -> memref<1x!tpu.dma_semaphore, #tpu.memory_space<semaphore_mem>>
          %dma_wait3A_468 = tpu.memref_squeeze %dma_wait3A_467 : memref<1x!tpu.dma_semaphore, #tpu.memory_space<semaphore_mem>> -> memref<!tpu.dma_semaphore, #tpu.memory_space<semaphore_mem>>
          tpu.wait_indirect_dma semaphore(%dma_wait3A_468 : memref<!tpu.dma_semaphore, #tpu.memory_space<semaphore_mem>>) src(%dma_wait3A_460 : memref<128x128xf32, #tpu.memory_space<vmem>>) dst(%dma_wait3A_466 : memref<10000x128xf32, #tpu.memory_space<vmem_shared>>)
        } else {
        }
        %add3A_439 = arith.addi %mul3A_9, %add3A_332 : i32
        %mul3A_440 = arith.constant 128 : i32
        %mul3A_441 = arith.muli %add3A_439, %mul3A_440 : i32
        %dma_start3A_442 = arith.constant 0 : i32
        %dma_start3A_443 = arith.constant 0 : i32
        %dma_start3A_444 = tpu.memref_slice %arg10[%rem3A_334, %dma_start3A_442, %dma_start3A_443] : memref<3x128x128xf32, #tpu.memory_space<vmem>> -> memref<1x128x128xf32, #tpu.memory_space<vmem>>
        %dma_start3A_445 = tpu.memref_squeeze %dma_start3A_444 : memref<1x128x128xf32, #tpu.memory_space<vmem>> -> memref<128x128xf32, #tpu.memory_space<vmem>>
        %dma_start3A_446 = arith.constant 0 : i32
        %dma_start3A_447 = tpu.memref_slice %arg2[%mul3A_441, %dma_start3A_446] : memref<320000x128xf32, #tpu.memory_space<hbm>> -> memref<128x128xf32, #tpu.memory_space<hbm>>
        %dma_start3A_448 = tpu.memref_slice %arg12[%rem3A_334] : memref<3x!tpu.dma_semaphore, #tpu.memory_space<semaphore_mem>> -> memref<1x!tpu.dma_semaphore, #tpu.memory_space<semaphore_mem>>
        %dma_start3A_449 = tpu.memref_squeeze %dma_start3A_448 : memref<1x!tpu.dma_semaphore, #tpu.memory_space<semaphore_mem>> -> memref<!tpu.dma_semaphore, #tpu.memory_space<semaphore_mem>>
        %dma_start3A_450 = arith.constant 0 : i32
        %dma_start3A_451 = arith.constant 0 : i32
        %dma_start3A_452 = tpu.memref_slice %arg10[%rem3A_334, %dma_start3A_450, %dma_start3A_451] : memref<3x128x128xf32, #tpu.memory_space<vmem>> -> memref<1x128x128xf32, #tpu.memory_space<vmem>>
        %dma_start3A_453 = tpu.memref_squeeze %dma_start3A_452 : memref<1x128x128xf32, #tpu.memory_space<vmem>> -> memref<128x128xf32, #tpu.memory_space<vmem>>
        %dma_start3A_454 = arith.constant 0 : i32
        %dma_start3A_455 = tpu.memref_slice %arg2[%mul3A_441, %dma_start3A_454] : memref<320000x128xf32, #tpu.memory_space<hbm>> -> memref<128x128xf32, #tpu.memory_space<hbm>>
        tpu.enqueue_dma source(%dma_start3A_455 : memref<128x128xf32, #tpu.memory_space<hbm>>) target(%dma_start3A_453 : memref<128x128xf32, #tpu.memory_space<vmem>>) target_semaphore(%dma_start3A_449 : memref<!tpu.dma_semaphore, #tpu.memory_space<semaphore_mem>>)
      } else {
      }
      %rem3A_339 = arith.constant 3 : i32
      %rem3A_340 = arith.remsi %add3A_330, %rem3A_339 : i32
      %lt3A_341 = arith.cmpi slt, %add3A_330, %add3A_18 : i32
      %convert_element_type3A_342 = arith.extui %lt3A_341 : i1 to i32
      %cond3A_343 = arith.constant 0 : i32
      %cond3A_344 = arith.cmpi ne, %convert_element_type3A_342, %cond3A_343 : i32
      scf.if %cond3A_344 {
        %dma_wait3A_435 = arith.constant 0 : i32
        %dma_wait3A_436 = arith.constant 0 : i32
        %dma_wait3A_437 = tpu.memref_slice %arg10[%rem3A_340, %dma_wait3A_435, %dma_wait3A_436] : memref<3x128x128xf32, #tpu.memory_space<vmem>> -> memref<1x128x128xf32, #tpu.memory_space<vmem>>
        %dma_wait3A_438 = tpu.memref_squeeze %dma_wait3A_437 : memref<1x128x128xf32, #tpu.memory_space<vmem>> -> memref<128x128xf32, #tpu.memory_space<vmem>>
        %dma_wait3A_439 = arith.constant 0 : i32
        %dma_wait3A_440 = arith.constant 0 : i32
        %dma_wait3A_441 = tpu.memref_slice %arg2[%dma_wait3A_439, %dma_wait3A_440] : memref<320000x128xf32, #tpu.memory_space<hbm>> -> memref<128x128xf32, #tpu.memory_space<hbm>>
        %dma_wait3A_442 = tpu.memref_slice %arg12[%rem3A_340] : memref<3x!tpu.dma_semaphore, #tpu.memory_space<semaphore_mem>> -> memref<1x!tpu.dma_semaphore, #tpu.memory_space<semaphore_mem>>
        %dma_wait3A_443 = tpu.memref_squeeze %dma_wait3A_442 : memref<1x!tpu.dma_semaphore, #tpu.memory_space<semaphore_mem>> -> memref<!tpu.dma_semaphore, #tpu.memory_space<semaphore_mem>>
        %dma_wait3A_444 = arith.constant 0 : i32
        %dma_wait3A_445 = arith.constant 0 : i32
        %dma_wait3A_446 = tpu.memref_slice %arg10[%rem3A_340, %dma_wait3A_444, %dma_wait3A_445] : memref<3x128x128xf32, #tpu.memory_space<vmem>> -> memref<1x128x128xf32, #tpu.memory_space<vmem>>
        %dma_wait3A_447 = tpu.memref_squeeze %dma_wait3A_446 : memref<1x128x128xf32, #tpu.memory_space<vmem>> -> memref<128x128xf32, #tpu.memory_space<vmem>>
        %dma_wait3A_448 = arith.constant 0 : i32
        %dma_wait3A_449 = arith.constant 0 : i32
        %dma_wait3A_450 = tpu.memref_slice %arg2[%dma_wait3A_448, %dma_wait3A_449] : memref<320000x128xf32, #tpu.memory_space<hbm>> -> memref<128x128xf32, #tpu.memory_space<hbm>>
        tpu.wait_dma2 semaphore(%dma_wait3A_443 : memref<!tpu.dma_semaphore, #tpu.memory_space<semaphore_mem>>) src(%dma_wait3A_450 : memref<128x128xf32, #tpu.memory_space<hbm>>) dst(%dma_wait3A_447 : memref<128x128xf32, #tpu.memory_space<vmem>>)
        %dma_start3A_451 = arith.constant 2 : i32
        %dma_start3A_452 = arith.constant 0 : i32
        %dma_start3A_453 = arith.constant 0 : i32
        %dma_start3A_454 = tpu.memref_slice %arg10[%rem3A_340, %dma_start3A_452, %dma_start3A_453] : memref<3x128x128xf32, #tpu.memory_space<vmem>> -> memref<1x128x128xf32, #tpu.memory_space<vmem>>
        %dma_start3A_455 = tpu.memref_squeeze %dma_start3A_454 : memref<1x128x128xf32, #tpu.memory_space<vmem>> -> memref<128x128xf32, #tpu.memory_space<vmem>>
        %dma_start3A_456 = arith.constant 0 : i32
        %dma_start3A_457 = tpu.memref_slice %arg11[%dma_start3A_451, %dma_start3A_456] : memref<8x128xi32, #tpu.memory_space<vmem>> -> memref<1x128xi32, #tpu.memory_space<vmem>>
        %dma_start3A_458 = tpu.memref_squeeze %dma_start3A_457 : memref<1x128xi32, #tpu.memory_space<vmem>> -> memref<128xi32, #tpu.memory_space<vmem>>
        %dma_start3A_459 = arith.constant 0 : i32
        %dma_start3A_460 = arith.constant 0 : i32
        %dma_start3A_461 = tpu.memref_slice %arg9[%dma_start3A_459, %dma_start3A_460] : memref<10000x128xf32, #tpu.memory_space<vmem_shared>> -> memref<10000x128xf32, #tpu.memory_space<vmem_shared>>
        %dma_start3A_462 = tpu.memref_slice %arg13[%rem3A_340] : memref<3x!tpu.dma_semaphore, #tpu.memory_space<semaphore_mem>> -> memref<1x!tpu.dma_semaphore, #tpu.memory_space<semaphore_mem>>
        %dma_start3A_463 = tpu.memref_squeeze %dma_start3A_462 : memref<1x!tpu.dma_semaphore, #tpu.memory_space<semaphore_mem>> -> memref<!tpu.dma_semaphore, #tpu.memory_space<semaphore_mem>>
        tpu.enqueue_indirect_dma source(%dma_start3A_455 : memref<128x128xf32, #tpu.memory_space<vmem>>) target(%dma_start3A_461 : memref<10000x128xf32, #tpu.memory_space<vmem_shared>>) offsets(%dma_start3A_458 : memref<128xi32, #tpu.memory_space<vmem>>) semaphore(%dma_start3A_463 : memref<!tpu.dma_semaphore, #tpu.memory_space<semaphore_mem>>) {add = true}
      } else {
      }
      %mul3A_345 = arith.constant 8 : i32
      %mul3A_346 = arith.muli %while3A_287, %mul3A_345 : i32
      %add3A_347 = arith.constant 3 : i32
      %add3A_348 = arith.addi %mul3A_346, %add3A_347 : i32
      %add3A_349 = arith.constant 2 : i32
      %add3A_350 = arith.addi %add3A_348, %add3A_349 : i32
      %rem3A_351 = arith.constant 3 : i32
      %rem3A_352 = arith.remsi %add3A_350, %rem3A_351 : i32
      %lt3A_353 = arith.cmpi slt, %add3A_350, %add3A_18 : i32
      %convert_element_type3A_354 = arith.extui %lt3A_353 : i1 to i32
      %cond3A_355 = arith.constant 0 : i32
      %cond3A_356 = arith.cmpi ne, %convert_element_type3A_354, %cond3A_355 : i32
      scf.if %cond3A_356 {
        %ge3A = arith.constant 3 : i32
        %ge3A_435 = arith.cmpi sge, %add3A_350, %ge3A : i32
        %convert_element_type3A_436 = arith.extui %ge3A_435 : i1 to i32
        %cond3A_437 = arith.constant 0 : i32
        %cond3A_438 = arith.cmpi ne, %convert_element_type3A_436, %cond3A_437 : i32
        scf.if %cond3A_438 {
          %dma_wait3A_456 = arith.constant 0 : i32
          %dma_wait3A_457 = arith.constant 0 : i32
          %dma_wait3A_458 = arith.constant 0 : i32
          %dma_wait3A_459 = tpu.memref_slice %arg10[%rem3A_352, %dma_wait3A_457, %dma_wait3A_458] : memref<3x128x128xf32, #tpu.memory_space<vmem>> -> memref<1x128x128xf32, #tpu.memory_space<vmem>>
          %dma_wait3A_460 = tpu.memref_squeeze %dma_wait3A_459 : memref<1x128x128xf32, #tpu.memory_space<vmem>> -> memref<128x128xf32, #tpu.memory_space<vmem>>
          %dma_wait3A_461 = arith.constant 0 : i32
          %dma_wait3A_462 = tpu.memref_slice %arg11[%dma_wait3A_456, %dma_wait3A_461] : memref<8x128xi32, #tpu.memory_space<vmem>> -> memref<1x128xi32, #tpu.memory_space<vmem>>
          %dma_wait3A_463 = tpu.memref_squeeze %dma_wait3A_462 : memref<1x128xi32, #tpu.memory_space<vmem>> -> memref<128xi32, #tpu.memory_space<vmem>>
          %dma_wait3A_464 = arith.constant 0 : i32
          %dma_wait3A_465 = arith.constant 0 : i32
          %dma_wait3A_466 = tpu.memref_slice %arg9[%dma_wait3A_464, %dma_wait3A_465] : memref<10000x128xf32, #tpu.memory_space<vmem_shared>> -> memref<10000x128xf32, #tpu.memory_space<vmem_shared>>
          %dma_wait3A_467 = tpu.memref_slice %arg13[%rem3A_352] : memref<3x!tpu.dma_semaphore, #tpu.memory_space<semaphore_mem>> -> memref<1x!tpu.dma_semaphore, #tpu.memory_space<semaphore_mem>>
          %dma_wait3A_468 = tpu.memref_squeeze %dma_wait3A_467 : memref<1x!tpu.dma_semaphore, #tpu.memory_space<semaphore_mem>> -> memref<!tpu.dma_semaphore, #tpu.memory_space<semaphore_mem>>
          tpu.wait_indirect_dma semaphore(%dma_wait3A_468 : memref<!tpu.dma_semaphore, #tpu.memory_space<semaphore_mem>>) src(%dma_wait3A_460 : memref<128x128xf32, #tpu.memory_space<vmem>>) dst(%dma_wait3A_466 : memref<10000x128xf32, #tpu.memory_space<vmem_shared>>)
        } else {
        }
        %add3A_439 = arith.addi %mul3A_9, %add3A_350 : i32
        %mul3A_440 = arith.constant 128 : i32
        %mul3A_441 = arith.muli %add3A_439, %mul3A_440 : i32
        %dma_start3A_442 = arith.constant 0 : i32
        %dma_start3A_443 = arith.constant 0 : i32
        %dma_start3A_444 = tpu.memref_slice %arg10[%rem3A_352, %dma_start3A_442, %dma_start3A_443] : memref<3x128x128xf32, #tpu.memory_space<vmem>> -> memref<1x128x128xf32, #tpu.memory_space<vmem>>
        %dma_start3A_445 = tpu.memref_squeeze %dma_start3A_444 : memref<1x128x128xf32, #tpu.memory_space<vmem>> -> memref<128x128xf32, #tpu.memory_space<vmem>>
        %dma_start3A_446 = arith.constant 0 : i32
        %dma_start3A_447 = tpu.memref_slice %arg2[%mul3A_441, %dma_start3A_446] : memref<320000x128xf32, #tpu.memory_space<hbm>> -> memref<128x128xf32, #tpu.memory_space<hbm>>
        %dma_start3A_448 = tpu.memref_slice %arg12[%rem3A_352] : memref<3x!tpu.dma_semaphore, #tpu.memory_space<semaphore_mem>> -> memref<1x!tpu.dma_semaphore, #tpu.memory_space<semaphore_mem>>
        %dma_start3A_449 = tpu.memref_squeeze %dma_start3A_448 : memref<1x!tpu.dma_semaphore, #tpu.memory_space<semaphore_mem>> -> memref<!tpu.dma_semaphore, #tpu.memory_space<semaphore_mem>>
        %dma_start3A_450 = arith.constant 0 : i32
        %dma_start3A_451 = arith.constant 0 : i32
        %dma_start3A_452 = tpu.memref_slice %arg10[%rem3A_352, %dma_start3A_450, %dma_start3A_451] : memref<3x128x128xf32, #tpu.memory_space<vmem>> -> memref<1x128x128xf32, #tpu.memory_space<vmem>>
        %dma_start3A_453 = tpu.memref_squeeze %dma_start3A_452 : memref<1x128x128xf32, #tpu.memory_space<vmem>> -> memref<128x128xf32, #tpu.memory_space<vmem>>
        %dma_start3A_454 = arith.constant 0 : i32
        %dma_start3A_455 = tpu.memref_slice %arg2[%mul3A_441, %dma_start3A_454] : memref<320000x128xf32, #tpu.memory_space<hbm>> -> memref<128x128xf32, #tpu.memory_space<hbm>>
        tpu.enqueue_dma source(%dma_start3A_455 : memref<128x128xf32, #tpu.memory_space<hbm>>) target(%dma_start3A_453 : memref<128x128xf32, #tpu.memory_space<vmem>>) target_semaphore(%dma_start3A_449 : memref<!tpu.dma_semaphore, #tpu.memory_space<semaphore_mem>>)
      } else {
      }
      %rem3A_357 = arith.constant 3 : i32
      %rem3A_358 = arith.remsi %add3A_348, %rem3A_357 : i32
      %lt3A_359 = arith.cmpi slt, %add3A_348, %add3A_18 : i32
      %convert_element_type3A_360 = arith.extui %lt3A_359 : i1 to i32
      %cond3A_361 = arith.constant 0 : i32
      %cond3A_362 = arith.cmpi ne, %convert_element_type3A_360, %cond3A_361 : i32
      scf.if %cond3A_362 {
        %dma_wait3A_435 = arith.constant 0 : i32
        %dma_wait3A_436 = arith.constant 0 : i32
        %dma_wait3A_437 = tpu.memref_slice %arg10[%rem3A_358, %dma_wait3A_435, %dma_wait3A_436] : memref<3x128x128xf32, #tpu.memory_space<vmem>> -> memref<1x128x128xf32, #tpu.memory_space<vmem>>
        %dma_wait3A_438 = tpu.memref_squeeze %dma_wait3A_437 : memref<1x128x128xf32, #tpu.memory_space<vmem>> -> memref<128x128xf32, #tpu.memory_space<vmem>>
        %dma_wait3A_439 = arith.constant 0 : i32
        %dma_wait3A_440 = arith.constant 0 : i32
        %dma_wait3A_441 = tpu.memref_slice %arg2[%dma_wait3A_439, %dma_wait3A_440] : memref<320000x128xf32, #tpu.memory_space<hbm>> -> memref<128x128xf32, #tpu.memory_space<hbm>>
        %dma_wait3A_442 = tpu.memref_slice %arg12[%rem3A_358] : memref<3x!tpu.dma_semaphore, #tpu.memory_space<semaphore_mem>> -> memref<1x!tpu.dma_semaphore, #tpu.memory_space<semaphore_mem>>
        %dma_wait3A_443 = tpu.memref_squeeze %dma_wait3A_442 : memref<1x!tpu.dma_semaphore, #tpu.memory_space<semaphore_mem>> -> memref<!tpu.dma_semaphore, #tpu.memory_space<semaphore_mem>>
        %dma_wait3A_444 = arith.constant 0 : i32
        %dma_wait3A_445 = arith.constant 0 : i32
        %dma_wait3A_446 = tpu.memref_slice %arg10[%rem3A_358, %dma_wait3A_444, %dma_wait3A_445] : memref<3x128x128xf32, #tpu.memory_space<vmem>> -> memref<1x128x128xf32, #tpu.memory_space<vmem>>
        %dma_wait3A_447 = tpu.memref_squeeze %dma_wait3A_446 : memref<1x128x128xf32, #tpu.memory_space<vmem>> -> memref<128x128xf32, #tpu.memory_space<vmem>>
        %dma_wait3A_448 = arith.constant 0 : i32
        %dma_wait3A_449 = arith.constant 0 : i32
        %dma_wait3A_450 = tpu.memref_slice %arg2[%dma_wait3A_448, %dma_wait3A_449] : memref<320000x128xf32, #tpu.memory_space<hbm>> -> memref<128x128xf32, #tpu.memory_space<hbm>>
        tpu.wait_dma2 semaphore(%dma_wait3A_443 : memref<!tpu.dma_semaphore, #tpu.memory_space<semaphore_mem>>) src(%dma_wait3A_450 : memref<128x128xf32, #tpu.memory_space<hbm>>) dst(%dma_wait3A_447 : memref<128x128xf32, #tpu.memory_space<vmem>>)
        %dma_start3A_451 = arith.constant 3 : i32
        %dma_start3A_452 = arith.constant 0 : i32
        %dma_start3A_453 = arith.constant 0 : i32
        %dma_start3A_454 = tpu.memref_slice %arg10[%rem3A_358, %dma_start3A_452, %dma_start3A_453] : memref<3x128x128xf32, #tpu.memory_space<vmem>> -> memref<1x128x128xf32, #tpu.memory_space<vmem>>
        %dma_start3A_455 = tpu.memref_squeeze %dma_start3A_454 : memref<1x128x128xf32, #tpu.memory_space<vmem>> -> memref<128x128xf32, #tpu.memory_space<vmem>>
        %dma_start3A_456 = arith.constant 0 : i32
        %dma_start3A_457 = tpu.memref_slice %arg11[%dma_start3A_451, %dma_start3A_456] : memref<8x128xi32, #tpu.memory_space<vmem>> -> memref<1x128xi32, #tpu.memory_space<vmem>>
        %dma_start3A_458 = tpu.memref_squeeze %dma_start3A_457 : memref<1x128xi32, #tpu.memory_space<vmem>> -> memref<128xi32, #tpu.memory_space<vmem>>
        %dma_start3A_459 = arith.constant 0 : i32
        %dma_start3A_460 = arith.constant 0 : i32
        %dma_start3A_461 = tpu.memref_slice %arg9[%dma_start3A_459, %dma_start3A_460] : memref<10000x128xf32, #tpu.memory_space<vmem_shared>> -> memref<10000x128xf32, #tpu.memory_space<vmem_shared>>
        %dma_start3A_462 = tpu.memref_slice %arg13[%rem3A_358] : memref<3x!tpu.dma_semaphore, #tpu.memory_space<semaphore_mem>> -> memref<1x!tpu.dma_semaphore, #tpu.memory_space<semaphore_mem>>
        %dma_start3A_463 = tpu.memref_squeeze %dma_start3A_462 : memref<1x!tpu.dma_semaphore, #tpu.memory_space<semaphore_mem>> -> memref<!tpu.dma_semaphore, #tpu.memory_space<semaphore_mem>>
        tpu.enqueue_indirect_dma source(%dma_start3A_455 : memref<128x128xf32, #tpu.memory_space<vmem>>) target(%dma_start3A_461 : memref<10000x128xf32, #tpu.memory_space<vmem_shared>>) offsets(%dma_start3A_458 : memref<128xi32, #tpu.memory_space<vmem>>) semaphore(%dma_start3A_463 : memref<!tpu.dma_semaphore, #tpu.memory_space<semaphore_mem>>) {add = true}
      } else {
      }
      %mul3A_363 = arith.constant 8 : i32
      %mul3A_364 = arith.muli %while3A_287, %mul3A_363 : i32
      %add3A_365 = arith.constant 4 : i32
      %add3A_366 = arith.addi %mul3A_364, %add3A_365 : i32
      %add3A_367 = arith.constant 2 : i32
      %add3A_368 = arith.addi %add3A_366, %add3A_367 : i32
      %rem3A_369 = arith.constant 3 : i32
      %rem3A_370 = arith.remsi %add3A_368, %rem3A_369 : i32
      %lt3A_371 = arith.cmpi slt, %add3A_368, %add3A_18 : i32
      %convert_element_type3A_372 = arith.extui %lt3A_371 : i1 to i32
      %cond3A_373 = arith.constant 0 : i32
      %cond3A_374 = arith.cmpi ne, %convert_element_type3A_372, %cond3A_373 : i32
      scf.if %cond3A_374 {
        %ge3A = arith.constant 3 : i32
        %ge3A_435 = arith.cmpi sge, %add3A_368, %ge3A : i32
        %convert_element_type3A_436 = arith.extui %ge3A_435 : i1 to i32
        %cond3A_437 = arith.constant 0 : i32
        %cond3A_438 = arith.cmpi ne, %convert_element_type3A_436, %cond3A_437 : i32
        scf.if %cond3A_438 {
          %dma_wait3A_456 = arith.constant 0 : i32
          %dma_wait3A_457 = arith.constant 0 : i32
          %dma_wait3A_458 = arith.constant 0 : i32
          %dma_wait3A_459 = tpu.memref_slice %arg10[%rem3A_370, %dma_wait3A_457, %dma_wait3A_458] : memref<3x128x128xf32, #tpu.memory_space<vmem>> -> memref<1x128x128xf32, #tpu.memory_space<vmem>>
          %dma_wait3A_460 = tpu.memref_squeeze %dma_wait3A_459 : memref<1x128x128xf32, #tpu.memory_space<vmem>> -> memref<128x128xf32, #tpu.memory_space<vmem>>
          %dma_wait3A_461 = arith.constant 0 : i32
          %dma_wait3A_462 = tpu.memref_slice %arg11[%dma_wait3A_456, %dma_wait3A_461] : memref<8x128xi32, #tpu.memory_space<vmem>> -> memref<1x128xi32, #tpu.memory_space<vmem>>
          %dma_wait3A_463 = tpu.memref_squeeze %dma_wait3A_462 : memref<1x128xi32, #tpu.memory_space<vmem>> -> memref<128xi32, #tpu.memory_space<vmem>>
          %dma_wait3A_464 = arith.constant 0 : i32
          %dma_wait3A_465 = arith.constant 0 : i32
          %dma_wait3A_466 = tpu.memref_slice %arg9[%dma_wait3A_464, %dma_wait3A_465] : memref<10000x128xf32, #tpu.memory_space<vmem_shared>> -> memref<10000x128xf32, #tpu.memory_space<vmem_shared>>
          %dma_wait3A_467 = tpu.memref_slice %arg13[%rem3A_370] : memref<3x!tpu.dma_semaphore, #tpu.memory_space<semaphore_mem>> -> memref<1x!tpu.dma_semaphore, #tpu.memory_space<semaphore_mem>>
          %dma_wait3A_468 = tpu.memref_squeeze %dma_wait3A_467 : memref<1x!tpu.dma_semaphore, #tpu.memory_space<semaphore_mem>> -> memref<!tpu.dma_semaphore, #tpu.memory_space<semaphore_mem>>
          tpu.wait_indirect_dma semaphore(%dma_wait3A_468 : memref<!tpu.dma_semaphore, #tpu.memory_space<semaphore_mem>>) src(%dma_wait3A_460 : memref<128x128xf32, #tpu.memory_space<vmem>>) dst(%dma_wait3A_466 : memref<10000x128xf32, #tpu.memory_space<vmem_shared>>)
        } else {
        }
        %add3A_439 = arith.addi %mul3A_9, %add3A_368 : i32
        %mul3A_440 = arith.constant 128 : i32
        %mul3A_441 = arith.muli %add3A_439, %mul3A_440 : i32
        %dma_start3A_442 = arith.constant 0 : i32
        %dma_start3A_443 = arith.constant 0 : i32
        %dma_start3A_444 = tpu.memref_slice %arg10[%rem3A_370, %dma_start3A_442, %dma_start3A_443] : memref<3x128x128xf32, #tpu.memory_space<vmem>> -> memref<1x128x128xf32, #tpu.memory_space<vmem>>
        %dma_start3A_445 = tpu.memref_squeeze %dma_start3A_444 : memref<1x128x128xf32, #tpu.memory_space<vmem>> -> memref<128x128xf32, #tpu.memory_space<vmem>>
        %dma_start3A_446 = arith.constant 0 : i32
        %dma_start3A_447 = tpu.memref_slice %arg2[%mul3A_441, %dma_start3A_446] : memref<320000x128xf32, #tpu.memory_space<hbm>> -> memref<128x128xf32, #tpu.memory_space<hbm>>
        %dma_start3A_448 = tpu.memref_slice %arg12[%rem3A_370] : memref<3x!tpu.dma_semaphore, #tpu.memory_space<semaphore_mem>> -> memref<1x!tpu.dma_semaphore, #tpu.memory_space<semaphore_mem>>
        %dma_start3A_449 = tpu.memref_squeeze %dma_start3A_448 : memref<1x!tpu.dma_semaphore, #tpu.memory_space<semaphore_mem>> -> memref<!tpu.dma_semaphore, #tpu.memory_space<semaphore_mem>>
        %dma_start3A_450 = arith.constant 0 : i32
        %dma_start3A_451 = arith.constant 0 : i32
        %dma_start3A_452 = tpu.memref_slice %arg10[%rem3A_370, %dma_start3A_450, %dma_start3A_451] : memref<3x128x128xf32, #tpu.memory_space<vmem>> -> memref<1x128x128xf32, #tpu.memory_space<vmem>>
        %dma_start3A_453 = tpu.memref_squeeze %dma_start3A_452 : memref<1x128x128xf32, #tpu.memory_space<vmem>> -> memref<128x128xf32, #tpu.memory_space<vmem>>
        %dma_start3A_454 = arith.constant 0 : i32
        %dma_start3A_455 = tpu.memref_slice %arg2[%mul3A_441, %dma_start3A_454] : memref<320000x128xf32, #tpu.memory_space<hbm>> -> memref<128x128xf32, #tpu.memory_space<hbm>>
        tpu.enqueue_dma source(%dma_start3A_455 : memref<128x128xf32, #tpu.memory_space<hbm>>) target(%dma_start3A_453 : memref<128x128xf32, #tpu.memory_space<vmem>>) target_semaphore(%dma_start3A_449 : memref<!tpu.dma_semaphore, #tpu.memory_space<semaphore_mem>>)
      } else {
      }
      %rem3A_375 = arith.constant 3 : i32
      %rem3A_376 = arith.remsi %add3A_366, %rem3A_375 : i32
      %lt3A_377 = arith.cmpi slt, %add3A_366, %add3A_18 : i32
      %convert_element_type3A_378 = arith.extui %lt3A_377 : i1 to i32
      %cond3A_379 = arith.constant 0 : i32
      %cond3A_380 = arith.cmpi ne, %convert_element_type3A_378, %cond3A_379 : i32
      scf.if %cond3A_380 {
        %dma_wait3A_435 = arith.constant 0 : i32
        %dma_wait3A_436 = arith.constant 0 : i32
        %dma_wait3A_437 = tpu.memref_slice %arg10[%rem3A_376, %dma_wait3A_435, %dma_wait3A_436] : memref<3x128x128xf32, #tpu.memory_space<vmem>> -> memref<1x128x128xf32, #tpu.memory_space<vmem>>
        %dma_wait3A_438 = tpu.memref_squeeze %dma_wait3A_437 : memref<1x128x128xf32, #tpu.memory_space<vmem>> -> memref<128x128xf32, #tpu.memory_space<vmem>>
        %dma_wait3A_439 = arith.constant 0 : i32
        %dma_wait3A_440 = arith.constant 0 : i32
        %dma_wait3A_441 = tpu.memref_slice %arg2[%dma_wait3A_439, %dma_wait3A_440] : memref<320000x128xf32, #tpu.memory_space<hbm>> -> memref<128x128xf32, #tpu.memory_space<hbm>>
        %dma_wait3A_442 = tpu.memref_slice %arg12[%rem3A_376] : memref<3x!tpu.dma_semaphore, #tpu.memory_space<semaphore_mem>> -> memref<1x!tpu.dma_semaphore, #tpu.memory_space<semaphore_mem>>
        %dma_wait3A_443 = tpu.memref_squeeze %dma_wait3A_442 : memref<1x!tpu.dma_semaphore, #tpu.memory_space<semaphore_mem>> -> memref<!tpu.dma_semaphore, #tpu.memory_space<semaphore_mem>>
        %dma_wait3A_444 = arith.constant 0 : i32
        %dma_wait3A_445 = arith.constant 0 : i32
        %dma_wait3A_446 = tpu.memref_slice %arg10[%rem3A_376, %dma_wait3A_444, %dma_wait3A_445] : memref<3x128x128xf32, #tpu.memory_space<vmem>> -> memref<1x128x128xf32, #tpu.memory_space<vmem>>
        %dma_wait3A_447 = tpu.memref_squeeze %dma_wait3A_446 : memref<1x128x128xf32, #tpu.memory_space<vmem>> -> memref<128x128xf32, #tpu.memory_space<vmem>>
        %dma_wait3A_448 = arith.constant 0 : i32
        %dma_wait3A_449 = arith.constant 0 : i32
        %dma_wait3A_450 = tpu.memref_slice %arg2[%dma_wait3A_448, %dma_wait3A_449] : memref<320000x128xf32, #tpu.memory_space<hbm>> -> memref<128x128xf32, #tpu.memory_space<hbm>>
        tpu.wait_dma2 semaphore(%dma_wait3A_443 : memref<!tpu.dma_semaphore, #tpu.memory_space<semaphore_mem>>) src(%dma_wait3A_450 : memref<128x128xf32, #tpu.memory_space<hbm>>) dst(%dma_wait3A_447 : memref<128x128xf32, #tpu.memory_space<vmem>>)
        %dma_start3A_451 = arith.constant 4 : i32
        %dma_start3A_452 = arith.constant 0 : i32
        %dma_start3A_453 = arith.constant 0 : i32
        %dma_start3A_454 = tpu.memref_slice %arg10[%rem3A_376, %dma_start3A_452, %dma_start3A_453] : memref<3x128x128xf32, #tpu.memory_space<vmem>> -> memref<1x128x128xf32, #tpu.memory_space<vmem>>
        %dma_start3A_455 = tpu.memref_squeeze %dma_start3A_454 : memref<1x128x128xf32, #tpu.memory_space<vmem>> -> memref<128x128xf32, #tpu.memory_space<vmem>>
        %dma_start3A_456 = arith.constant 0 : i32
        %dma_start3A_457 = tpu.memref_slice %arg11[%dma_start3A_451, %dma_start3A_456] : memref<8x128xi32, #tpu.memory_space<vmem>> -> memref<1x128xi32, #tpu.memory_space<vmem>>
        %dma_start3A_458 = tpu.memref_squeeze %dma_start3A_457 : memref<1x128xi32, #tpu.memory_space<vmem>> -> memref<128xi32, #tpu.memory_space<vmem>>
        %dma_start3A_459 = arith.constant 0 : i32
        %dma_start3A_460 = arith.constant 0 : i32
        %dma_start3A_461 = tpu.memref_slice %arg9[%dma_start3A_459, %dma_start3A_460] : memref<10000x128xf32, #tpu.memory_space<vmem_shared>> -> memref<10000x128xf32, #tpu.memory_space<vmem_shared>>
        %dma_start3A_462 = tpu.memref_slice %arg13[%rem3A_376] : memref<3x!tpu.dma_semaphore, #tpu.memory_space<semaphore_mem>> -> memref<1x!tpu.dma_semaphore, #tpu.memory_space<semaphore_mem>>
        %dma_start3A_463 = tpu.memref_squeeze %dma_start3A_462 : memref<1x!tpu.dma_semaphore, #tpu.memory_space<semaphore_mem>> -> memref<!tpu.dma_semaphore, #tpu.memory_space<semaphore_mem>>
        tpu.enqueue_indirect_dma source(%dma_start3A_455 : memref<128x128xf32, #tpu.memory_space<vmem>>) target(%dma_start3A_461 : memref<10000x128xf32, #tpu.memory_space<vmem_shared>>) offsets(%dma_start3A_458 : memref<128xi32, #tpu.memory_space<vmem>>) semaphore(%dma_start3A_463 : memref<!tpu.dma_semaphore, #tpu.memory_space<semaphore_mem>>) {add = true}
      } else {
      }
      %mul3A_381 = arith.constant 8 : i32
      %mul3A_382 = arith.muli %while3A_287, %mul3A_381 : i32
      %add3A_383 = arith.constant 5 : i32
      %add3A_384 = arith.addi %mul3A_382, %add3A_383 : i32
      %add3A_385 = arith.constant 2 : i32
      %add3A_386 = arith.addi %add3A_384, %add3A_385 : i32
      %rem3A_387 = arith.constant 3 : i32
      %rem3A_388 = arith.remsi %add3A_386, %rem3A_387 : i32
      %lt3A_389 = arith.cmpi slt, %add3A_386, %add3A_18 : i32
      %convert_element_type3A_390 = arith.extui %lt3A_389 : i1 to i32
      %cond3A_391 = arith.constant 0 : i32
      %cond3A_392 = arith.cmpi ne, %convert_element_type3A_390, %cond3A_391 : i32
      scf.if %cond3A_392 {
        %ge3A = arith.constant 3 : i32
        %ge3A_435 = arith.cmpi sge, %add3A_386, %ge3A : i32
        %convert_element_type3A_436 = arith.extui %ge3A_435 : i1 to i32
        %cond3A_437 = arith.constant 0 : i32
        %cond3A_438 = arith.cmpi ne, %convert_element_type3A_436, %cond3A_437 : i32
        scf.if %cond3A_438 {
          %dma_wait3A_456 = arith.constant 0 : i32
          %dma_wait3A_457 = arith.constant 0 : i32
          %dma_wait3A_458 = arith.constant 0 : i32
          %dma_wait3A_459 = tpu.memref_slice %arg10[%rem3A_388, %dma_wait3A_457, %dma_wait3A_458] : memref<3x128x128xf32, #tpu.memory_space<vmem>> -> memref<1x128x128xf32, #tpu.memory_space<vmem>>
          %dma_wait3A_460 = tpu.memref_squeeze %dma_wait3A_459 : memref<1x128x128xf32, #tpu.memory_space<vmem>> -> memref<128x128xf32, #tpu.memory_space<vmem>>
          %dma_wait3A_461 = arith.constant 0 : i32
          %dma_wait3A_462 = tpu.memref_slice %arg11[%dma_wait3A_456, %dma_wait3A_461] : memref<8x128xi32, #tpu.memory_space<vmem>> -> memref<1x128xi32, #tpu.memory_space<vmem>>
          %dma_wait3A_463 = tpu.memref_squeeze %dma_wait3A_462 : memref<1x128xi32, #tpu.memory_space<vmem>> -> memref<128xi32, #tpu.memory_space<vmem>>
          %dma_wait3A_464 = arith.constant 0 : i32
          %dma_wait3A_465 = arith.constant 0 : i32
          %dma_wait3A_466 = tpu.memref_slice %arg9[%dma_wait3A_464, %dma_wait3A_465] : memref<10000x128xf32, #tpu.memory_space<vmem_shared>> -> memref<10000x128xf32, #tpu.memory_space<vmem_shared>>
          %dma_wait3A_467 = tpu.memref_slice %arg13[%rem3A_388] : memref<3x!tpu.dma_semaphore, #tpu.memory_space<semaphore_mem>> -> memref<1x!tpu.dma_semaphore, #tpu.memory_space<semaphore_mem>>
          %dma_wait3A_468 = tpu.memref_squeeze %dma_wait3A_467 : memref<1x!tpu.dma_semaphore, #tpu.memory_space<semaphore_mem>> -> memref<!tpu.dma_semaphore, #tpu.memory_space<semaphore_mem>>
          tpu.wait_indirect_dma semaphore(%dma_wait3A_468 : memref<!tpu.dma_semaphore, #tpu.memory_space<semaphore_mem>>) src(%dma_wait3A_460 : memref<128x128xf32, #tpu.memory_space<vmem>>) dst(%dma_wait3A_466 : memref<10000x128xf32, #tpu.memory_space<vmem_shared>>)
        } else {
        }
        %add3A_439 = arith.addi %mul3A_9, %add3A_386 : i32
        %mul3A_440 = arith.constant 128 : i32
        %mul3A_441 = arith.muli %add3A_439, %mul3A_440 : i32
        %dma_start3A_442 = arith.constant 0 : i32
        %dma_start3A_443 = arith.constant 0 : i32
        %dma_start3A_444 = tpu.memref_slice %arg10[%rem3A_388, %dma_start3A_442, %dma_start3A_443] : memref<3x128x128xf32, #tpu.memory_space<vmem>> -> memref<1x128x128xf32, #tpu.memory_space<vmem>>
        %dma_start3A_445 = tpu.memref_squeeze %dma_start3A_444 : memref<1x128x128xf32, #tpu.memory_space<vmem>> -> memref<128x128xf32, #tpu.memory_space<vmem>>
        %dma_start3A_446 = arith.constant 0 : i32
        %dma_start3A_447 = tpu.memref_slice %arg2[%mul3A_441, %dma_start3A_446] : memref<320000x128xf32, #tpu.memory_space<hbm>> -> memref<128x128xf32, #tpu.memory_space<hbm>>
        %dma_start3A_448 = tpu.memref_slice %arg12[%rem3A_388] : memref<3x!tpu.dma_semaphore, #tpu.memory_space<semaphore_mem>> -> memref<1x!tpu.dma_semaphore, #tpu.memory_space<semaphore_mem>>
        %dma_start3A_449 = tpu.memref_squeeze %dma_start3A_448 : memref<1x!tpu.dma_semaphore, #tpu.memory_space<semaphore_mem>> -> memref<!tpu.dma_semaphore, #tpu.memory_space<semaphore_mem>>
        %dma_start3A_450 = arith.constant 0 : i32
        %dma_start3A_451 = arith.constant 0 : i32
        %dma_start3A_452 = tpu.memref_slice %arg10[%rem3A_388, %dma_start3A_450, %dma_start3A_451] : memref<3x128x128xf32, #tpu.memory_space<vmem>> -> memref<1x128x128xf32, #tpu.memory_space<vmem>>
        %dma_start3A_453 = tpu.memref_squeeze %dma_start3A_452 : memref<1x128x128xf32, #tpu.memory_space<vmem>> -> memref<128x128xf32, #tpu.memory_space<vmem>>
        %dma_start3A_454 = arith.constant 0 : i32
        %dma_start3A_455 = tpu.memref_slice %arg2[%mul3A_441, %dma_start3A_454] : memref<320000x128xf32, #tpu.memory_space<hbm>> -> memref<128x128xf32, #tpu.memory_space<hbm>>
        tpu.enqueue_dma source(%dma_start3A_455 : memref<128x128xf32, #tpu.memory_space<hbm>>) target(%dma_start3A_453 : memref<128x128xf32, #tpu.memory_space<vmem>>) target_semaphore(%dma_start3A_449 : memref<!tpu.dma_semaphore, #tpu.memory_space<semaphore_mem>>)
      } else {
      }
      %rem3A_393 = arith.constant 3 : i32
      %rem3A_394 = arith.remsi %add3A_384, %rem3A_393 : i32
      %lt3A_395 = arith.cmpi slt, %add3A_384, %add3A_18 : i32
      %convert_element_type3A_396 = arith.extui %lt3A_395 : i1 to i32
      %cond3A_397 = arith.constant 0 : i32
      %cond3A_398 = arith.cmpi ne, %convert_element_type3A_396, %cond3A_397 : i32
      scf.if %cond3A_398 {
        %dma_wait3A_435 = arith.constant 0 : i32
        %dma_wait3A_436 = arith.constant 0 : i32
        %dma_wait3A_437 = tpu.memref_slice %arg10[%rem3A_394, %dma_wait3A_435, %dma_wait3A_436] : memref<3x128x128xf32, #tpu.memory_space<vmem>> -> memref<1x128x128xf32, #tpu.memory_space<vmem>>
        %dma_wait3A_438 = tpu.memref_squeeze %dma_wait3A_437 : memref<1x128x128xf32, #tpu.memory_space<vmem>> -> memref<128x128xf32, #tpu.memory_space<vmem>>
        %dma_wait3A_439 = arith.constant 0 : i32
        %dma_wait3A_440 = arith.constant 0 : i32
        %dma_wait3A_441 = tpu.memref_slice %arg2[%dma_wait3A_439, %dma_wait3A_440] : memref<320000x128xf32, #tpu.memory_space<hbm>> -> memref<128x128xf32, #tpu.memory_space<hbm>>
        %dma_wait3A_442 = tpu.memref_slice %arg12[%rem3A_394] : memref<3x!tpu.dma_semaphore, #tpu.memory_space<semaphore_mem>> -> memref<1x!tpu.dma_semaphore, #tpu.memory_space<semaphore_mem>>
        %dma_wait3A_443 = tpu.memref_squeeze %dma_wait3A_442 : memref<1x!tpu.dma_semaphore, #tpu.memory_space<semaphore_mem>> -> memref<!tpu.dma_semaphore, #tpu.memory_space<semaphore_mem>>
        %dma_wait3A_444 = arith.constant 0 : i32
        %dma_wait3A_445 = arith.constant 0 : i32
        %dma_wait3A_446 = tpu.memref_slice %arg10[%rem3A_394, %dma_wait3A_444, %dma_wait3A_445] : memref<3x128x128xf32, #tpu.memory_space<vmem>> -> memref<1x128x128xf32, #tpu.memory_space<vmem>>
        %dma_wait3A_447 = tpu.memref_squeeze %dma_wait3A_446 : memref<1x128x128xf32, #tpu.memory_space<vmem>> -> memref<128x128xf32, #tpu.memory_space<vmem>>
        %dma_wait3A_448 = arith.constant 0 : i32
        %dma_wait3A_449 = arith.constant 0 : i32
        %dma_wait3A_450 = tpu.memref_slice %arg2[%dma_wait3A_448, %dma_wait3A_449] : memref<320000x128xf32, #tpu.memory_space<hbm>> -> memref<128x128xf32, #tpu.memory_space<hbm>>
        tpu.wait_dma2 semaphore(%dma_wait3A_443 : memref<!tpu.dma_semaphore, #tpu.memory_space<semaphore_mem>>) src(%dma_wait3A_450 : memref<128x128xf32, #tpu.memory_space<hbm>>) dst(%dma_wait3A_447 : memref<128x128xf32, #tpu.memory_space<vmem>>)
        %dma_start3A_451 = arith.constant 5 : i32
        %dma_start3A_452 = arith.constant 0 : i32
        %dma_start3A_453 = arith.constant 0 : i32
        %dma_start3A_454 = tpu.memref_slice %arg10[%rem3A_394, %dma_start3A_452, %dma_start3A_453] : memref<3x128x128xf32, #tpu.memory_space<vmem>> -> memref<1x128x128xf32, #tpu.memory_space<vmem>>
        %dma_start3A_455 = tpu.memref_squeeze %dma_start3A_454 : memref<1x128x128xf32, #tpu.memory_space<vmem>> -> memref<128x128xf32, #tpu.memory_space<vmem>>
        %dma_start3A_456 = arith.constant 0 : i32
        %dma_start3A_457 = tpu.memref_slice %arg11[%dma_start3A_451, %dma_start3A_456] : memref<8x128xi32, #tpu.memory_space<vmem>> -> memref<1x128xi32, #tpu.memory_space<vmem>>
        %dma_start3A_458 = tpu.memref_squeeze %dma_start3A_457 : memref<1x128xi32, #tpu.memory_space<vmem>> -> memref<128xi32, #tpu.memory_space<vmem>>
        %dma_start3A_459 = arith.constant 0 : i32
        %dma_start3A_460 = arith.constant 0 : i32
        %dma_start3A_461 = tpu.memref_slice %arg9[%dma_start3A_459, %dma_start3A_460] : memref<10000x128xf32, #tpu.memory_space<vmem_shared>> -> memref<10000x128xf32, #tpu.memory_space<vmem_shared>>
        %dma_start3A_462 = tpu.memref_slice %arg13[%rem3A_394] : memref<3x!tpu.dma_semaphore, #tpu.memory_space<semaphore_mem>> -> memref<1x!tpu.dma_semaphore, #tpu.memory_space<semaphore_mem>>
        %dma_start3A_463 = tpu.memref_squeeze %dma_start3A_462 : memref<1x!tpu.dma_semaphore, #tpu.memory_space<semaphore_mem>> -> memref<!tpu.dma_semaphore, #tpu.memory_space<semaphore_mem>>
        tpu.enqueue_indirect_dma source(%dma_start3A_455 : memref<128x128xf32, #tpu.memory_space<vmem>>) target(%dma_start3A_461 : memref<10000x128xf32, #tpu.memory_space<vmem_shared>>) offsets(%dma_start3A_458 : memref<128xi32, #tpu.memory_space<vmem>>) semaphore(%dma_start3A_463 : memref<!tpu.dma_semaphore, #tpu.memory_space<semaphore_mem>>) {add = true}
      } else {
      }
      %mul3A_399 = arith.constant 8 : i32
      %mul3A_400 = arith.muli %while3A_287, %mul3A_399 : i32
      %add3A_401 = arith.constant 6 : i32
      %add3A_402 = arith.addi %mul3A_400, %add3A_401 : i32
      %add3A_403 = arith.constant 2 : i32
      %add3A_404 = arith.addi %add3A_402, %add3A_403 : i32
      %rem3A_405 = arith.constant 3 : i32
      %rem3A_406 = arith.remsi %add3A_404, %rem3A_405 : i32
      %lt3A_407 = arith.cmpi slt, %add3A_404, %add3A_18 : i32
      %convert_element_type3A_408 = arith.extui %lt3A_407 : i1 to i32
      %cond3A_409 = arith.constant 0 : i32
      %cond3A_410 = arith.cmpi ne, %convert_element_type3A_408, %cond3A_409 : i32
      scf.if %cond3A_410 {
        %ge3A = arith.constant 3 : i32
        %ge3A_435 = arith.cmpi sge, %add3A_404, %ge3A : i32
        %convert_element_type3A_436 = arith.extui %ge3A_435 : i1 to i32
        %cond3A_437 = arith.constant 0 : i32
        %cond3A_438 = arith.cmpi ne, %convert_element_type3A_436, %cond3A_437 : i32
        scf.if %cond3A_438 {
          %dma_wait3A_456 = arith.constant 0 : i32
          %dma_wait3A_457 = arith.constant 0 : i32
          %dma_wait3A_458 = arith.constant 0 : i32
          %dma_wait3A_459 = tpu.memref_slice %arg10[%rem3A_406, %dma_wait3A_457, %dma_wait3A_458] : memref<3x128x128xf32, #tpu.memory_space<vmem>> -> memref<1x128x128xf32, #tpu.memory_space<vmem>>
          %dma_wait3A_460 = tpu.memref_squeeze %dma_wait3A_459 : memref<1x128x128xf32, #tpu.memory_space<vmem>> -> memref<128x128xf32, #tpu.memory_space<vmem>>
          %dma_wait3A_461 = arith.constant 0 : i32
          %dma_wait3A_462 = tpu.memref_slice %arg11[%dma_wait3A_456, %dma_wait3A_461] : memref<8x128xi32, #tpu.memory_space<vmem>> -> memref<1x128xi32, #tpu.memory_space<vmem>>
          %dma_wait3A_463 = tpu.memref_squeeze %dma_wait3A_462 : memref<1x128xi32, #tpu.memory_space<vmem>> -> memref<128xi32, #tpu.memory_space<vmem>>
          %dma_wait3A_464 = arith.constant 0 : i32
          %dma_wait3A_465 = arith.constant 0 : i32
          %dma_wait3A_466 = tpu.memref_slice %arg9[%dma_wait3A_464, %dma_wait3A_465] : memref<10000x128xf32, #tpu.memory_space<vmem_shared>> -> memref<10000x128xf32, #tpu.memory_space<vmem_shared>>
          %dma_wait3A_467 = tpu.memref_slice %arg13[%rem3A_406] : memref<3x!tpu.dma_semaphore, #tpu.memory_space<semaphore_mem>> -> memref<1x!tpu.dma_semaphore, #tpu.memory_space<semaphore_mem>>
          %dma_wait3A_468 = tpu.memref_squeeze %dma_wait3A_467 : memref<1x!tpu.dma_semaphore, #tpu.memory_space<semaphore_mem>> -> memref<!tpu.dma_semaphore, #tpu.memory_space<semaphore_mem>>
          tpu.wait_indirect_dma semaphore(%dma_wait3A_468 : memref<!tpu.dma_semaphore, #tpu.memory_space<semaphore_mem>>) src(%dma_wait3A_460 : memref<128x128xf32, #tpu.memory_space<vmem>>) dst(%dma_wait3A_466 : memref<10000x128xf32, #tpu.memory_space<vmem_shared>>)
        } else {
        }
        %add3A_439 = arith.addi %mul3A_9, %add3A_404 : i32
        %mul3A_440 = arith.constant 128 : i32
        %mul3A_441 = arith.muli %add3A_439, %mul3A_440 : i32
        %dma_start3A_442 = arith.constant 0 : i32
        %dma_start3A_443 = arith.constant 0 : i32
        %dma_start3A_444 = tpu.memref_slice %arg10[%rem3A_406, %dma_start3A_442, %dma_start3A_443] : memref<3x128x128xf32, #tpu.memory_space<vmem>> -> memref<1x128x128xf32, #tpu.memory_space<vmem>>
        %dma_start3A_445 = tpu.memref_squeeze %dma_start3A_444 : memref<1x128x128xf32, #tpu.memory_space<vmem>> -> memref<128x128xf32, #tpu.memory_space<vmem>>
        %dma_start3A_446 = arith.constant 0 : i32
        %dma_start3A_447 = tpu.memref_slice %arg2[%mul3A_441, %dma_start3A_446] : memref<320000x128xf32, #tpu.memory_space<hbm>> -> memref<128x128xf32, #tpu.memory_space<hbm>>
        %dma_start3A_448 = tpu.memref_slice %arg12[%rem3A_406] : memref<3x!tpu.dma_semaphore, #tpu.memory_space<semaphore_mem>> -> memref<1x!tpu.dma_semaphore, #tpu.memory_space<semaphore_mem>>
        %dma_start3A_449 = tpu.memref_squeeze %dma_start3A_448 : memref<1x!tpu.dma_semaphore, #tpu.memory_space<semaphore_mem>> -> memref<!tpu.dma_semaphore, #tpu.memory_space<semaphore_mem>>
        %dma_start3A_450 = arith.constant 0 : i32
        %dma_start3A_451 = arith.constant 0 : i32
        %dma_start3A_452 = tpu.memref_slice %arg10[%rem3A_406, %dma_start3A_450, %dma_start3A_451] : memref<3x128x128xf32, #tpu.memory_space<vmem>> -> memref<1x128x128xf32, #tpu.memory_space<vmem>>
        %dma_start3A_453 = tpu.memref_squeeze %dma_start3A_452 : memref<1x128x128xf32, #tpu.memory_space<vmem>> -> memref<128x128xf32, #tpu.memory_space<vmem>>
        %dma_start3A_454 = arith.constant 0 : i32
        %dma_start3A_455 = tpu.memref_slice %arg2[%mul3A_441, %dma_start3A_454] : memref<320000x128xf32, #tpu.memory_space<hbm>> -> memref<128x128xf32, #tpu.memory_space<hbm>>
        tpu.enqueue_dma source(%dma_start3A_455 : memref<128x128xf32, #tpu.memory_space<hbm>>) target(%dma_start3A_453 : memref<128x128xf32, #tpu.memory_space<vmem>>) target_semaphore(%dma_start3A_449 : memref<!tpu.dma_semaphore, #tpu.memory_space<semaphore_mem>>)
      } else {
      }
      %rem3A_411 = arith.constant 3 : i32
      %rem3A_412 = arith.remsi %add3A_402, %rem3A_411 : i32
      %lt3A_413 = arith.cmpi slt, %add3A_402, %add3A_18 : i32
      %convert_element_type3A_414 = arith.extui %lt3A_413 : i1 to i32
      %cond3A_415 = arith.constant 0 : i32
      %cond3A_416 = arith.cmpi ne, %convert_element_type3A_414, %cond3A_415 : i32
      scf.if %cond3A_416 {
        %dma_wait3A_435 = arith.constant 0 : i32
        %dma_wait3A_436 = arith.constant 0 : i32
        %dma_wait3A_437 = tpu.memref_slice %arg10[%rem3A_412, %dma_wait3A_435, %dma_wait3A_436] : memref<3x128x128xf32, #tpu.memory_space<vmem>> -> memref<1x128x128xf32, #tpu.memory_space<vmem>>
        %dma_wait3A_438 = tpu.memref_squeeze %dma_wait3A_437 : memref<1x128x128xf32, #tpu.memory_space<vmem>> -> memref<128x128xf32, #tpu.memory_space<vmem>>
        %dma_wait3A_439 = arith.constant 0 : i32
        %dma_wait3A_440 = arith.constant 0 : i32
        %dma_wait3A_441 = tpu.memref_slice %arg2[%dma_wait3A_439, %dma_wait3A_440] : memref<320000x128xf32, #tpu.memory_space<hbm>> -> memref<128x128xf32, #tpu.memory_space<hbm>>
        %dma_wait3A_442 = tpu.memref_slice %arg12[%rem3A_412] : memref<3x!tpu.dma_semaphore, #tpu.memory_space<semaphore_mem>> -> memref<1x!tpu.dma_semaphore, #tpu.memory_space<semaphore_mem>>
        %dma_wait3A_443 = tpu.memref_squeeze %dma_wait3A_442 : memref<1x!tpu.dma_semaphore, #tpu.memory_space<semaphore_mem>> -> memref<!tpu.dma_semaphore, #tpu.memory_space<semaphore_mem>>
        %dma_wait3A_444 = arith.constant 0 : i32
        %dma_wait3A_445 = arith.constant 0 : i32
        %dma_wait3A_446 = tpu.memref_slice %arg10[%rem3A_412, %dma_wait3A_444, %dma_wait3A_445] : memref<3x128x128xf32, #tpu.memory_space<vmem>> -> memref<1x128x128xf32, #tpu.memory_space<vmem>>
        %dma_wait3A_447 = tpu.memref_squeeze %dma_wait3A_446 : memref<1x128x128xf32, #tpu.memory_space<vmem>> -> memref<128x128xf32, #tpu.memory_space<vmem>>
        %dma_wait3A_448 = arith.constant 0 : i32
        %dma_wait3A_449 = arith.constant 0 : i32
        %dma_wait3A_450 = tpu.memref_slice %arg2[%dma_wait3A_448, %dma_wait3A_449] : memref<320000x128xf32, #tpu.memory_space<hbm>> -> memref<128x128xf32, #tpu.memory_space<hbm>>
        tpu.wait_dma2 semaphore(%dma_wait3A_443 : memref<!tpu.dma_semaphore, #tpu.memory_space<semaphore_mem>>) src(%dma_wait3A_450 : memref<128x128xf32, #tpu.memory_space<hbm>>) dst(%dma_wait3A_447 : memref<128x128xf32, #tpu.memory_space<vmem>>)
        %dma_start3A_451 = arith.constant 6 : i32
        %dma_start3A_452 = arith.constant 0 : i32
        %dma_start3A_453 = arith.constant 0 : i32
        %dma_start3A_454 = tpu.memref_slice %arg10[%rem3A_412, %dma_start3A_452, %dma_start3A_453] : memref<3x128x128xf32, #tpu.memory_space<vmem>> -> memref<1x128x128xf32, #tpu.memory_space<vmem>>
        %dma_start3A_455 = tpu.memref_squeeze %dma_start3A_454 : memref<1x128x128xf32, #tpu.memory_space<vmem>> -> memref<128x128xf32, #tpu.memory_space<vmem>>
        %dma_start3A_456 = arith.constant 0 : i32
        %dma_start3A_457 = tpu.memref_slice %arg11[%dma_start3A_451, %dma_start3A_456] : memref<8x128xi32, #tpu.memory_space<vmem>> -> memref<1x128xi32, #tpu.memory_space<vmem>>
        %dma_start3A_458 = tpu.memref_squeeze %dma_start3A_457 : memref<1x128xi32, #tpu.memory_space<vmem>> -> memref<128xi32, #tpu.memory_space<vmem>>
        %dma_start3A_459 = arith.constant 0 : i32
        %dma_start3A_460 = arith.constant 0 : i32
        %dma_start3A_461 = tpu.memref_slice %arg9[%dma_start3A_459, %dma_start3A_460] : memref<10000x128xf32, #tpu.memory_space<vmem_shared>> -> memref<10000x128xf32, #tpu.memory_space<vmem_shared>>
        %dma_start3A_462 = tpu.memref_slice %arg13[%rem3A_412] : memref<3x!tpu.dma_semaphore, #tpu.memory_space<semaphore_mem>> -> memref<1x!tpu.dma_semaphore, #tpu.memory_space<semaphore_mem>>
        %dma_start3A_463 = tpu.memref_squeeze %dma_start3A_462 : memref<1x!tpu.dma_semaphore, #tpu.memory_space<semaphore_mem>> -> memref<!tpu.dma_semaphore, #tpu.memory_space<semaphore_mem>>
        tpu.enqueue_indirect_dma source(%dma_start3A_455 : memref<128x128xf32, #tpu.memory_space<vmem>>) target(%dma_start3A_461 : memref<10000x128xf32, #tpu.memory_space<vmem_shared>>) offsets(%dma_start3A_458 : memref<128xi32, #tpu.memory_space<vmem>>) semaphore(%dma_start3A_463 : memref<!tpu.dma_semaphore, #tpu.memory_space<semaphore_mem>>) {add = true}
      } else {
      }
      %mul3A_417 = arith.constant 8 : i32
      %mul3A_418 = arith.muli %while3A_287, %mul3A_417 : i32
      %add3A_419 = arith.constant 7 : i32
      %add3A_420 = arith.addi %mul3A_418, %add3A_419 : i32
      %add3A_421 = arith.constant 2 : i32
      %add3A_422 = arith.addi %add3A_420, %add3A_421 : i32
      %rem3A_423 = arith.constant 3 : i32
      %rem3A_424 = arith.remsi %add3A_422, %rem3A_423 : i32
      %lt3A_425 = arith.cmpi slt, %add3A_422, %add3A_18 : i32
      %convert_element_type3A_426 = arith.extui %lt3A_425 : i1 to i32
      %cond3A_427 = arith.constant 0 : i32
      %cond3A_428 = arith.cmpi ne, %convert_element_type3A_426, %cond3A_427 : i32
      scf.if %cond3A_428 {
        %ge3A = arith.constant 3 : i32
        %ge3A_435 = arith.cmpi sge, %add3A_422, %ge3A : i32
        %convert_element_type3A_436 = arith.extui %ge3A_435 : i1 to i32
        %cond3A_437 = arith.constant 0 : i32
        %cond3A_438 = arith.cmpi ne, %convert_element_type3A_436, %cond3A_437 : i32
        scf.if %cond3A_438 {
          %dma_wait3A_456 = arith.constant 0 : i32
          %dma_wait3A_457 = arith.constant 0 : i32
          %dma_wait3A_458 = arith.constant 0 : i32
          %dma_wait3A_459 = tpu.memref_slice %arg10[%rem3A_424, %dma_wait3A_457, %dma_wait3A_458] : memref<3x128x128xf32, #tpu.memory_space<vmem>> -> memref<1x128x128xf32, #tpu.memory_space<vmem>>
          %dma_wait3A_460 = tpu.memref_squeeze %dma_wait3A_459 : memref<1x128x128xf32, #tpu.memory_space<vmem>> -> memref<128x128xf32, #tpu.memory_space<vmem>>
          %dma_wait3A_461 = arith.constant 0 : i32
          %dma_wait3A_462 = tpu.memref_slice %arg11[%dma_wait3A_456, %dma_wait3A_461] : memref<8x128xi32, #tpu.memory_space<vmem>> -> memref<1x128xi32, #tpu.memory_space<vmem>>
          %dma_wait3A_463 = tpu.memref_squeeze %dma_wait3A_462 : memref<1x128xi32, #tpu.memory_space<vmem>> -> memref<128xi32, #tpu.memory_space<vmem>>
          %dma_wait3A_464 = arith.constant 0 : i32
          %dma_wait3A_465 = arith.constant 0 : i32
          %dma_wait3A_466 = tpu.memref_slice %arg9[%dma_wait3A_464, %dma_wait3A_465] : memref<10000x128xf32, #tpu.memory_space<vmem_shared>> -> memref<10000x128xf32, #tpu.memory_space<vmem_shared>>
          %dma_wait3A_467 = tpu.memref_slice %arg13[%rem3A_424] : memref<3x!tpu.dma_semaphore, #tpu.memory_space<semaphore_mem>> -> memref<1x!tpu.dma_semaphore, #tpu.memory_space<semaphore_mem>>
          %dma_wait3A_468 = tpu.memref_squeeze %dma_wait3A_467 : memref<1x!tpu.dma_semaphore, #tpu.memory_space<semaphore_mem>> -> memref<!tpu.dma_semaphore, #tpu.memory_space<semaphore_mem>>
          tpu.wait_indirect_dma semaphore(%dma_wait3A_468 : memref<!tpu.dma_semaphore, #tpu.memory_space<semaphore_mem>>) src(%dma_wait3A_460 : memref<128x128xf32, #tpu.memory_space<vmem>>) dst(%dma_wait3A_466 : memref<10000x128xf32, #tpu.memory_space<vmem_shared>>)
        } else {
        }
        %add3A_439 = arith.addi %mul3A_9, %add3A_422 : i32
        %mul3A_440 = arith.constant 128 : i32
        %mul3A_441 = arith.muli %add3A_439, %mul3A_440 : i32
        %dma_start3A_442 = arith.constant 0 : i32
        %dma_start3A_443 = arith.constant 0 : i32
        %dma_start3A_444 = tpu.memref_slice %arg10[%rem3A_424, %dma_start3A_442, %dma_start3A_443] : memref<3x128x128xf32, #tpu.memory_space<vmem>> -> memref<1x128x128xf32, #tpu.memory_space<vmem>>
        %dma_start3A_445 = tpu.memref_squeeze %dma_start3A_444 : memref<1x128x128xf32, #tpu.memory_space<vmem>> -> memref<128x128xf32, #tpu.memory_space<vmem>>
        %dma_start3A_446 = arith.constant 0 : i32
        %dma_start3A_447 = tpu.memref_slice %arg2[%mul3A_441, %dma_start3A_446] : memref<320000x128xf32, #tpu.memory_space<hbm>> -> memref<128x128xf32, #tpu.memory_space<hbm>>
        %dma_start3A_448 = tpu.memref_slice %arg12[%rem3A_424] : memref<3x!tpu.dma_semaphore, #tpu.memory_space<semaphore_mem>> -> memref<1x!tpu.dma_semaphore, #tpu.memory_space<semaphore_mem>>
        %dma_start3A_449 = tpu.memref_squeeze %dma_start3A_448 : memref<1x!tpu.dma_semaphore, #tpu.memory_space<semaphore_mem>> -> memref<!tpu.dma_semaphore, #tpu.memory_space<semaphore_mem>>
        %dma_start3A_450 = arith.constant 0 : i32
        %dma_start3A_451 = arith.constant 0 : i32
        %dma_start3A_452 = tpu.memref_slice %arg10[%rem3A_424, %dma_start3A_450, %dma_start3A_451] : memref<3x128x128xf32, #tpu.memory_space<vmem>> -> memref<1x128x128xf32, #tpu.memory_space<vmem>>
        %dma_start3A_453 = tpu.memref_squeeze %dma_start3A_452 : memref<1x128x128xf32, #tpu.memory_space<vmem>> -> memref<128x128xf32, #tpu.memory_space<vmem>>
        %dma_start3A_454 = arith.constant 0 : i32
        %dma_start3A_455 = tpu.memref_slice %arg2[%mul3A_441, %dma_start3A_454] : memref<320000x128xf32, #tpu.memory_space<hbm>> -> memref<128x128xf32, #tpu.memory_space<hbm>>
        tpu.enqueue_dma source(%dma_start3A_455 : memref<128x128xf32, #tpu.memory_space<hbm>>) target(%dma_start3A_453 : memref<128x128xf32, #tpu.memory_space<vmem>>) target_semaphore(%dma_start3A_449 : memref<!tpu.dma_semaphore, #tpu.memory_space<semaphore_mem>>)
      } else {
      }
      %rem3A_429 = arith.constant 3 : i32
      %rem3A_430 = arith.remsi %add3A_420, %rem3A_429 : i32
      %lt3A_431 = arith.cmpi slt, %add3A_420, %add3A_18 : i32
      %convert_element_type3A_432 = arith.extui %lt3A_431 : i1 to i32
      %cond3A_433 = arith.constant 0 : i32
      %cond3A_434 = arith.cmpi ne, %convert_element_type3A_432, %cond3A_433 : i32
      scf.if %cond3A_434 {
        %dma_wait3A_435 = arith.constant 0 : i32
        %dma_wait3A_436 = arith.constant 0 : i32
        %dma_wait3A_437 = tpu.memref_slice %arg10[%rem3A_430, %dma_wait3A_435, %dma_wait3A_436] : memref<3x128x128xf32, #tpu.memory_space<vmem>> -> memref<1x128x128xf32, #tpu.memory_space<vmem>>
        %dma_wait3A_438 = tpu.memref_squeeze %dma_wait3A_437 : memref<1x128x128xf32, #tpu.memory_space<vmem>> -> memref<128x128xf32, #tpu.memory_space<vmem>>
        %dma_wait3A_439 = arith.constant 0 : i32
        %dma_wait3A_440 = arith.constant 0 : i32
        %dma_wait3A_441 = tpu.memref_slice %arg2[%dma_wait3A_439, %dma_wait3A_440] : memref<320000x128xf32, #tpu.memory_space<hbm>> -> memref<128x128xf32, #tpu.memory_space<hbm>>
        %dma_wait3A_442 = tpu.memref_slice %arg12[%rem3A_430] : memref<3x!tpu.dma_semaphore, #tpu.memory_space<semaphore_mem>> -> memref<1x!tpu.dma_semaphore, #tpu.memory_space<semaphore_mem>>
        %dma_wait3A_443 = tpu.memref_squeeze %dma_wait3A_442 : memref<1x!tpu.dma_semaphore, #tpu.memory_space<semaphore_mem>> -> memref<!tpu.dma_semaphore, #tpu.memory_space<semaphore_mem>>
        %dma_wait3A_444 = arith.constant 0 : i32
        %dma_wait3A_445 = arith.constant 0 : i32
        %dma_wait3A_446 = tpu.memref_slice %arg10[%rem3A_430, %dma_wait3A_444, %dma_wait3A_445] : memref<3x128x128xf32, #tpu.memory_space<vmem>> -> memref<1x128x128xf32, #tpu.memory_space<vmem>>
        %dma_wait3A_447 = tpu.memref_squeeze %dma_wait3A_446 : memref<1x128x128xf32, #tpu.memory_space<vmem>> -> memref<128x128xf32, #tpu.memory_space<vmem>>
        %dma_wait3A_448 = arith.constant 0 : i32
        %dma_wait3A_449 = arith.constant 0 : i32
        %dma_wait3A_450 = tpu.memref_slice %arg2[%dma_wait3A_448, %dma_wait3A_449] : memref<320000x128xf32, #tpu.memory_space<hbm>> -> memref<128x128xf32, #tpu.memory_space<hbm>>
        tpu.wait_dma2 semaphore(%dma_wait3A_443 : memref<!tpu.dma_semaphore, #tpu.memory_space<semaphore_mem>>) src(%dma_wait3A_450 : memref<128x128xf32, #tpu.memory_space<hbm>>) dst(%dma_wait3A_447 : memref<128x128xf32, #tpu.memory_space<vmem>>)
        %dma_start3A_451 = arith.constant 7 : i32
        %dma_start3A_452 = arith.constant 0 : i32
        %dma_start3A_453 = arith.constant 0 : i32
        %dma_start3A_454 = tpu.memref_slice %arg10[%rem3A_430, %dma_start3A_452, %dma_start3A_453] : memref<3x128x128xf32, #tpu.memory_space<vmem>> -> memref<1x128x128xf32, #tpu.memory_space<vmem>>
        %dma_start3A_455 = tpu.memref_squeeze %dma_start3A_454 : memref<1x128x128xf32, #tpu.memory_space<vmem>> -> memref<128x128xf32, #tpu.memory_space<vmem>>
        %dma_start3A_456 = arith.constant 0 : i32
        %dma_start3A_457 = tpu.memref_slice %arg11[%dma_start3A_451, %dma_start3A_456] : memref<8x128xi32, #tpu.memory_space<vmem>> -> memref<1x128xi32, #tpu.memory_space<vmem>>
        %dma_start3A_458 = tpu.memref_squeeze %dma_start3A_457 : memref<1x128xi32, #tpu.memory_space<vmem>> -> memref<128xi32, #tpu.memory_space<vmem>>
        %dma_start3A_459 = arith.constant 0 : i32
        %dma_start3A_460 = arith.constant 0 : i32
        %dma_start3A_461 = tpu.memref_slice %arg9[%dma_start3A_459, %dma_start3A_460] : memref<10000x128xf32, #tpu.memory_space<vmem_shared>> -> memref<10000x128xf32, #tpu.memory_space<vmem_shared>>
        %dma_start3A_462 = tpu.memref_slice %arg13[%rem3A_430] : memref<3x!tpu.dma_semaphore, #tpu.memory_space<semaphore_mem>> -> memref<1x!tpu.dma_semaphore, #tpu.memory_space<semaphore_mem>>
        %dma_start3A_463 = tpu.memref_squeeze %dma_start3A_462 : memref<1x!tpu.dma_semaphore, #tpu.memory_space<semaphore_mem>> -> memref<!tpu.dma_semaphore, #tpu.memory_space<semaphore_mem>>
        tpu.enqueue_indirect_dma source(%dma_start3A_455 : memref<128x128xf32, #tpu.memory_space<vmem>>) target(%dma_start3A_461 : memref<10000x128xf32, #tpu.memory_space<vmem_shared>>) offsets(%dma_start3A_458 : memref<128xi32, #tpu.memory_space<vmem>>) semaphore(%dma_start3A_463 : memref<!tpu.dma_semaphore, #tpu.memory_space<semaphore_mem>>) {add = true}
      } else {
      }
    }
    %while3A_90 = arith.constant 1 : i32
    scf.for %while3A_287 = %while3A_88 to %while3A_84 step %while3A_90  : i32 {
      %mul3A_288 = arith.constant 8 : i32
      %mul3A_289 = arith.muli %while3A_287, %mul3A_288 : i32
      %add3A_290 = arith.addi %mul3A_9, %mul3A_289 : i32
      %run_scoped3A = arith.constant 1 : i32
      "tpu.region"() ({
        %run_scoped3A_435 = tpu.sem_alloc : memref<!tpu.dma_semaphore, #tpu.memory_space<semaphore_mem>>
        %dma_start3A_436 = arith.constant 0 : i32
        %dma_start3A_437 = tpu.memref_slice %arg3[%run_scoped3A, %add3A_290, %dma_start3A_436] : memref<2x2504x128xi32, #tpu.memory_space<hbm>> -> memref<1x8x128xi32, #tpu.memory_space<hbm>>
        %dma_start3A_438 = tpu.memref_squeeze %dma_start3A_437 : memref<1x8x128xi32, #tpu.memory_space<hbm>> -> memref<8x128xi32, #tpu.memory_space<hbm>>
        %dma_start3A_439 = arith.constant 0 : i32
        %dma_start3A_440 = tpu.memref_slice %arg3[%run_scoped3A, %add3A_290, %dma_start3A_439] : memref<2x2504x128xi32, #tpu.memory_space<hbm>> -> memref<1x8x128xi32, #tpu.memory_space<hbm>>
        %dma_start3A_441 = tpu.memref_squeeze %dma_start3A_440 : memref<1x8x128xi32, #tpu.memory_space<hbm>> -> memref<8x128xi32, #tpu.memory_space<hbm>>
        tpu.enqueue_dma source(%dma_start3A_441 : memref<8x128xi32, #tpu.memory_space<hbm>>) target(%arg11 : memref<8x128xi32, #tpu.memory_space<vmem>>) target_semaphore(%run_scoped3A_435 : memref<!tpu.dma_semaphore, #tpu.memory_space<semaphore_mem>>)
        %dma_wait3A_442 = arith.constant 0 : i32
        %dma_wait3A_443 = tpu.memref_slice %arg3[%run_scoped3A, %add3A_290, %dma_wait3A_442] : memref<2x2504x128xi32, #tpu.memory_space<hbm>> -> memref<1x8x128xi32, #tpu.memory_space<hbm>>
        %dma_wait3A_444 = tpu.memref_squeeze %dma_wait3A_443 : memref<1x8x128xi32, #tpu.memory_space<hbm>> -> memref<8x128xi32, #tpu.memory_space<hbm>>
        %dma_wait3A_445 = arith.constant 0 : i32
        %dma_wait3A_446 = tpu.memref_slice %arg3[%run_scoped3A, %add3A_290, %dma_wait3A_445] : memref<2x2504x128xi32, #tpu.memory_space<hbm>> -> memref<1x8x128xi32, #tpu.memory_space<hbm>>
        %dma_wait3A_447 = tpu.memref_squeeze %dma_wait3A_446 : memref<1x8x128xi32, #tpu.memory_space<hbm>> -> memref<8x128xi32, #tpu.memory_space<hbm>>
        tpu.wait_dma2 semaphore(%run_scoped3A_435 : memref<!tpu.dma_semaphore, #tpu.memory_space<semaphore_mem>>) src(%dma_wait3A_447 : memref<8x128xi32, #tpu.memory_space<hbm>>) dst(%arg11 : memref<8x128xi32, #tpu.memory_space<vmem>>)
        tpu.yield
      }) : () -> ()
      %mul3A_291 = arith.constant 8 : i32
      %mul3A_292 = arith.muli %while3A_287, %mul3A_291 : i32
      %add3A_293 = arith.constant 0 : i32
      %add3A_294 = arith.addi %mul3A_292, %add3A_293 : i32
      %add3A_295 = arith.constant 2 : i32
      %add3A_296 = arith.addi %add3A_294, %add3A_295 : i32
      %rem3A_297 = arith.constant 3 : i32
      %rem3A_298 = arith.remsi %add3A_296, %rem3A_297 : i32
      %lt3A_299 = arith.cmpi slt, %add3A_296, %add3A_18 : i32
      %convert_element_type3A_300 = arith.extui %lt3A_299 : i1 to i32
      %cond3A_301 = arith.constant 0 : i32
      %cond3A_302 = arith.cmpi ne, %convert_element_type3A_300, %cond3A_301 : i32
      scf.if %cond3A_302 {
        %ge3A = arith.constant 3 : i32
        %ge3A_435 = arith.cmpi sge, %add3A_296, %ge3A : i32
        %convert_element_type3A_436 = arith.extui %ge3A_435 : i1 to i32
        %cond3A_437 = arith.constant 0 : i32
        %cond3A_438 = arith.cmpi ne, %convert_element_type3A_436, %cond3A_437 : i32
        scf.if %cond3A_438 {
          %dma_wait3A_456 = arith.constant 0 : i32
          %dma_wait3A_457 = arith.constant 0 : i32
          %dma_wait3A_458 = arith.constant 0 : i32
          %dma_wait3A_459 = tpu.memref_slice %arg10[%rem3A_298, %dma_wait3A_457, %dma_wait3A_458] : memref<3x128x128xf32, #tpu.memory_space<vmem>> -> memref<1x128x128xf32, #tpu.memory_space<vmem>>
          %dma_wait3A_460 = tpu.memref_squeeze %dma_wait3A_459 : memref<1x128x128xf32, #tpu.memory_space<vmem>> -> memref<128x128xf32, #tpu.memory_space<vmem>>
          %dma_wait3A_461 = arith.constant 0 : i32
          %dma_wait3A_462 = tpu.memref_slice %arg11[%dma_wait3A_456, %dma_wait3A_461] : memref<8x128xi32, #tpu.memory_space<vmem>> -> memref<1x128xi32, #tpu.memory_space<vmem>>
          %dma_wait3A_463 = tpu.memref_squeeze %dma_wait3A_462 : memref<1x128xi32, #tpu.memory_space<vmem>> -> memref<128xi32, #tpu.memory_space<vmem>>
          %dma_wait3A_464 = arith.constant 0 : i32
          %dma_wait3A_465 = arith.constant 0 : i32
          %dma_wait3A_466 = tpu.memref_slice %arg9[%dma_wait3A_464, %dma_wait3A_465] : memref<10000x128xf32, #tpu.memory_space<vmem_shared>> -> memref<10000x128xf32, #tpu.memory_space<vmem_shared>>
          %dma_wait3A_467 = tpu.memref_slice %arg13[%rem3A_298] : memref<3x!tpu.dma_semaphore, #tpu.memory_space<semaphore_mem>> -> memref<1x!tpu.dma_semaphore, #tpu.memory_space<semaphore_mem>>
          %dma_wait3A_468 = tpu.memref_squeeze %dma_wait3A_467 : memref<1x!tpu.dma_semaphore, #tpu.memory_space<semaphore_mem>> -> memref<!tpu.dma_semaphore, #tpu.memory_space<semaphore_mem>>
          tpu.wait_indirect_dma semaphore(%dma_wait3A_468 : memref<!tpu.dma_semaphore, #tpu.memory_space<semaphore_mem>>) src(%dma_wait3A_460 : memref<128x128xf32, #tpu.memory_space<vmem>>) dst(%dma_wait3A_466 : memref<10000x128xf32, #tpu.memory_space<vmem_shared>>)
        } else {
        }
        %add3A_439 = arith.addi %mul3A_9, %add3A_296 : i32
        %mul3A_440 = arith.constant 128 : i32
        %mul3A_441 = arith.muli %add3A_439, %mul3A_440 : i32
        %dma_start3A_442 = arith.constant 0 : i32
        %dma_start3A_443 = arith.constant 0 : i32
        %dma_start3A_444 = tpu.memref_slice %arg10[%rem3A_298, %dma_start3A_442, %dma_start3A_443] : memref<3x128x128xf32, #tpu.memory_space<vmem>> -> memref<1x128x128xf32, #tpu.memory_space<vmem>>
        %dma_start3A_445 = tpu.memref_squeeze %dma_start3A_444 : memref<1x128x128xf32, #tpu.memory_space<vmem>> -> memref<128x128xf32, #tpu.memory_space<vmem>>
        %dma_start3A_446 = arith.constant 0 : i32
        %dma_start3A_447 = tpu.memref_slice %arg2[%mul3A_441, %dma_start3A_446] : memref<320000x128xf32, #tpu.memory_space<hbm>> -> memref<128x128xf32, #tpu.memory_space<hbm>>
        %dma_start3A_448 = tpu.memref_slice %arg12[%rem3A_298] : memref<3x!tpu.dma_semaphore, #tpu.memory_space<semaphore_mem>> -> memref<1x!tpu.dma_semaphore, #tpu.memory_space<semaphore_mem>>
        %dma_start3A_449 = tpu.memref_squeeze %dma_start3A_448 : memref<1x!tpu.dma_semaphore, #tpu.memory_space<semaphore_mem>> -> memref<!tpu.dma_semaphore, #tpu.memory_space<semaphore_mem>>
        %dma_start3A_450 = arith.constant 0 : i32
        %dma_start3A_451 = arith.constant 0 : i32
        %dma_start3A_452 = tpu.memref_slice %arg10[%rem3A_298, %dma_start3A_450, %dma_start3A_451] : memref<3x128x128xf32, #tpu.memory_space<vmem>> -> memref<1x128x128xf32, #tpu.memory_space<vmem>>
        %dma_start3A_453 = tpu.memref_squeeze %dma_start3A_452 : memref<1x128x128xf32, #tpu.memory_space<vmem>> -> memref<128x128xf32, #tpu.memory_space<vmem>>
        %dma_start3A_454 = arith.constant 0 : i32
        %dma_start3A_455 = tpu.memref_slice %arg2[%mul3A_441, %dma_start3A_454] : memref<320000x128xf32, #tpu.memory_space<hbm>> -> memref<128x128xf32, #tpu.memory_space<hbm>>
        tpu.enqueue_dma source(%dma_start3A_455 : memref<128x128xf32, #tpu.memory_space<hbm>>) target(%dma_start3A_453 : memref<128x128xf32, #tpu.memory_space<vmem>>) target_semaphore(%dma_start3A_449 : memref<!tpu.dma_semaphore, #tpu.memory_space<semaphore_mem>>)
      } else {
      }
      %rem3A_303 = arith.constant 3 : i32
      %rem3A_304 = arith.remsi %add3A_294, %rem3A_303 : i32
      %lt3A_305 = arith.cmpi slt, %add3A_294, %add3A_18 : i32
      %convert_element_type3A_306 = arith.extui %lt3A_305 : i1 to i32
      %cond3A_307 = arith.constant 0 : i32
      %cond3A_308 = arith.cmpi ne, %convert_element_type3A_306, %cond3A_307 : i32
      scf.if %cond3A_308 {
        %dma_wait3A_435 = arith.constant 0 : i32
        %dma_wait3A_436 = arith.constant 0 : i32
        %dma_wait3A_437 = tpu.memref_slice %arg10[%rem3A_304, %dma_wait3A_435, %dma_wait3A_436] : memref<3x128x128xf32, #tpu.memory_space<vmem>> -> memref<1x128x128xf32, #tpu.memory_space<vmem>>
        %dma_wait3A_438 = tpu.memref_squeeze %dma_wait3A_437 : memref<1x128x128xf32, #tpu.memory_space<vmem>> -> memref<128x128xf32, #tpu.memory_space<vmem>>
        %dma_wait3A_439 = arith.constant 0 : i32
        %dma_wait3A_440 = arith.constant 0 : i32
        %dma_wait3A_441 = tpu.memref_slice %arg2[%dma_wait3A_439, %dma_wait3A_440] : memref<320000x128xf32, #tpu.memory_space<hbm>> -> memref<128x128xf32, #tpu.memory_space<hbm>>
        %dma_wait3A_442 = tpu.memref_slice %arg12[%rem3A_304] : memref<3x!tpu.dma_semaphore, #tpu.memory_space<semaphore_mem>> -> memref<1x!tpu.dma_semaphore, #tpu.memory_space<semaphore_mem>>
        %dma_wait3A_443 = tpu.memref_squeeze %dma_wait3A_442 : memref<1x!tpu.dma_semaphore, #tpu.memory_space<semaphore_mem>> -> memref<!tpu.dma_semaphore, #tpu.memory_space<semaphore_mem>>
        %dma_wait3A_444 = arith.constant 0 : i32
        %dma_wait3A_445 = arith.constant 0 : i32
        %dma_wait3A_446 = tpu.memref_slice %arg10[%rem3A_304, %dma_wait3A_444, %dma_wait3A_445] : memref<3x128x128xf32, #tpu.memory_space<vmem>> -> memref<1x128x128xf32, #tpu.memory_space<vmem>>
        %dma_wait3A_447 = tpu.memref_squeeze %dma_wait3A_446 : memref<1x128x128xf32, #tpu.memory_space<vmem>> -> memref<128x128xf32, #tpu.memory_space<vmem>>
        %dma_wait3A_448 = arith.constant 0 : i32
        %dma_wait3A_449 = arith.constant 0 : i32
        %dma_wait3A_450 = tpu.memref_slice %arg2[%dma_wait3A_448, %dma_wait3A_449] : memref<320000x128xf32, #tpu.memory_space<hbm>> -> memref<128x128xf32, #tpu.memory_space<hbm>>
        tpu.wait_dma2 semaphore(%dma_wait3A_443 : memref<!tpu.dma_semaphore, #tpu.memory_space<semaphore_mem>>) src(%dma_wait3A_450 : memref<128x128xf32, #tpu.memory_space<hbm>>) dst(%dma_wait3A_447 : memref<128x128xf32, #tpu.memory_space<vmem>>)
        %dma_start3A_451 = arith.constant 0 : i32
        %dma_start3A_452 = arith.constant 0 : i32
        %dma_start3A_453 = arith.constant 0 : i32
        %dma_start3A_454 = tpu.memref_slice %arg10[%rem3A_304, %dma_start3A_452, %dma_start3A_453] : memref<3x128x128xf32, #tpu.memory_space<vmem>> -> memref<1x128x128xf32, #tpu.memory_space<vmem>>
        %dma_start3A_455 = tpu.memref_squeeze %dma_start3A_454 : memref<1x128x128xf32, #tpu.memory_space<vmem>> -> memref<128x128xf32, #tpu.memory_space<vmem>>
        %dma_start3A_456 = arith.constant 0 : i32
        %dma_start3A_457 = tpu.memref_slice %arg11[%dma_start3A_451, %dma_start3A_456] : memref<8x128xi32, #tpu.memory_space<vmem>> -> memref<1x128xi32, #tpu.memory_space<vmem>>
        %dma_start3A_458 = tpu.memref_squeeze %dma_start3A_457 : memref<1x128xi32, #tpu.memory_space<vmem>> -> memref<128xi32, #tpu.memory_space<vmem>>
        %dma_start3A_459 = arith.constant 0 : i32
        %dma_start3A_460 = arith.constant 0 : i32
        %dma_start3A_461 = tpu.memref_slice %arg9[%dma_start3A_459, %dma_start3A_460] : memref<10000x128xf32, #tpu.memory_space<vmem_shared>> -> memref<10000x128xf32, #tpu.memory_space<vmem_shared>>
        %dma_start3A_462 = tpu.memref_slice %arg13[%rem3A_304] : memref<3x!tpu.dma_semaphore, #tpu.memory_space<semaphore_mem>> -> memref<1x!tpu.dma_semaphore, #tpu.memory_space<semaphore_mem>>
        %dma_start3A_463 = tpu.memref_squeeze %dma_start3A_462 : memref<1x!tpu.dma_semaphore, #tpu.memory_space<semaphore_mem>> -> memref<!tpu.dma_semaphore, #tpu.memory_space<semaphore_mem>>
        tpu.enqueue_indirect_dma source(%dma_start3A_455 : memref<128x128xf32, #tpu.memory_space<vmem>>) target(%dma_start3A_461 : memref<10000x128xf32, #tpu.memory_space<vmem_shared>>) offsets(%dma_start3A_458 : memref<128xi32, #tpu.memory_space<vmem>>) semaphore(%dma_start3A_463 : memref<!tpu.dma_semaphore, #tpu.memory_space<semaphore_mem>>) {add = true}
      } else {
      }
      %mul3A_309 = arith.constant 8 : i32
      %mul3A_310 = arith.muli %while3A_287, %mul3A_309 : i32
      %add3A_311 = arith.constant 1 : i32
      %add3A_312 = arith.addi %mul3A_310, %add3A_311 : i32
      %add3A_313 = arith.constant 2 : i32
      %add3A_314 = arith.addi %add3A_312, %add3A_313 : i32
      %rem3A_315 = arith.constant 3 : i32
      %rem3A_316 = arith.remsi %add3A_314, %rem3A_315 : i32
      %lt3A_317 = arith.cmpi slt, %add3A_314, %add3A_18 : i32
      %convert_element_type3A_318 = arith.extui %lt3A_317 : i1 to i32
      %cond3A_319 = arith.constant 0 : i32
      %cond3A_320 = arith.cmpi ne, %convert_element_type3A_318, %cond3A_319 : i32
      scf.if %cond3A_320 {
        %ge3A = arith.constant 3 : i32
        %ge3A_435 = arith.cmpi sge, %add3A_314, %ge3A : i32
        %convert_element_type3A_436 = arith.extui %ge3A_435 : i1 to i32
        %cond3A_437 = arith.constant 0 : i32
        %cond3A_438 = arith.cmpi ne, %convert_element_type3A_436, %cond3A_437 : i32
        scf.if %cond3A_438 {
          %dma_wait3A_456 = arith.constant 0 : i32
          %dma_wait3A_457 = arith.constant 0 : i32
          %dma_wait3A_458 = arith.constant 0 : i32
          %dma_wait3A_459 = tpu.memref_slice %arg10[%rem3A_316, %dma_wait3A_457, %dma_wait3A_458] : memref<3x128x128xf32, #tpu.memory_space<vmem>> -> memref<1x128x128xf32, #tpu.memory_space<vmem>>
          %dma_wait3A_460 = tpu.memref_squeeze %dma_wait3A_459 : memref<1x128x128xf32, #tpu.memory_space<vmem>> -> memref<128x128xf32, #tpu.memory_space<vmem>>
          %dma_wait3A_461 = arith.constant 0 : i32
          %dma_wait3A_462 = tpu.memref_slice %arg11[%dma_wait3A_456, %dma_wait3A_461] : memref<8x128xi32, #tpu.memory_space<vmem>> -> memref<1x128xi32, #tpu.memory_space<vmem>>
          %dma_wait3A_463 = tpu.memref_squeeze %dma_wait3A_462 : memref<1x128xi32, #tpu.memory_space<vmem>> -> memref<128xi32, #tpu.memory_space<vmem>>
          %dma_wait3A_464 = arith.constant 0 : i32
          %dma_wait3A_465 = arith.constant 0 : i32
          %dma_wait3A_466 = tpu.memref_slice %arg9[%dma_wait3A_464, %dma_wait3A_465] : memref<10000x128xf32, #tpu.memory_space<vmem_shared>> -> memref<10000x128xf32, #tpu.memory_space<vmem_shared>>
          %dma_wait3A_467 = tpu.memref_slice %arg13[%rem3A_316] : memref<3x!tpu.dma_semaphore, #tpu.memory_space<semaphore_mem>> -> memref<1x!tpu.dma_semaphore, #tpu.memory_space<semaphore_mem>>
          %dma_wait3A_468 = tpu.memref_squeeze %dma_wait3A_467 : memref<1x!tpu.dma_semaphore, #tpu.memory_space<semaphore_mem>> -> memref<!tpu.dma_semaphore, #tpu.memory_space<semaphore_mem>>
          tpu.wait_indirect_dma semaphore(%dma_wait3A_468 : memref<!tpu.dma_semaphore, #tpu.memory_space<semaphore_mem>>) src(%dma_wait3A_460 : memref<128x128xf32, #tpu.memory_space<vmem>>) dst(%dma_wait3A_466 : memref<10000x128xf32, #tpu.memory_space<vmem_shared>>)
        } else {
        }
        %add3A_439 = arith.addi %mul3A_9, %add3A_314 : i32
        %mul3A_440 = arith.constant 128 : i32
        %mul3A_441 = arith.muli %add3A_439, %mul3A_440 : i32
        %dma_start3A_442 = arith.constant 0 : i32
        %dma_start3A_443 = arith.constant 0 : i32
        %dma_start3A_444 = tpu.memref_slice %arg10[%rem3A_316, %dma_start3A_442, %dma_start3A_443] : memref<3x128x128xf32, #tpu.memory_space<vmem>> -> memref<1x128x128xf32, #tpu.memory_space<vmem>>
        %dma_start3A_445 = tpu.memref_squeeze %dma_start3A_444 : memref<1x128x128xf32, #tpu.memory_space<vmem>> -> memref<128x128xf32, #tpu.memory_space<vmem>>
        %dma_start3A_446 = arith.constant 0 : i32
        %dma_start3A_447 = tpu.memref_slice %arg2[%mul3A_441, %dma_start3A_446] : memref<320000x128xf32, #tpu.memory_space<hbm>> -> memref<128x128xf32, #tpu.memory_space<hbm>>
        %dma_start3A_448 = tpu.memref_slice %arg12[%rem3A_316] : memref<3x!tpu.dma_semaphore, #tpu.memory_space<semaphore_mem>> -> memref<1x!tpu.dma_semaphore, #tpu.memory_space<semaphore_mem>>
        %dma_start3A_449 = tpu.memref_squeeze %dma_start3A_448 : memref<1x!tpu.dma_semaphore, #tpu.memory_space<semaphore_mem>> -> memref<!tpu.dma_semaphore, #tpu.memory_space<semaphore_mem>>
        %dma_start3A_450 = arith.constant 0 : i32
        %dma_start3A_451 = arith.constant 0 : i32
        %dma_start3A_452 = tpu.memref_slice %arg10[%rem3A_316, %dma_start3A_450, %dma_start3A_451] : memref<3x128x128xf32, #tpu.memory_space<vmem>> -> memref<1x128x128xf32, #tpu.memory_space<vmem>>
        %dma_start3A_453 = tpu.memref_squeeze %dma_start3A_452 : memref<1x128x128xf32, #tpu.memory_space<vmem>> -> memref<128x128xf32, #tpu.memory_space<vmem>>
        %dma_start3A_454 = arith.constant 0 : i32
        %dma_start3A_455 = tpu.memref_slice %arg2[%mul3A_441, %dma_start3A_454] : memref<320000x128xf32, #tpu.memory_space<hbm>> -> memref<128x128xf32, #tpu.memory_space<hbm>>
        tpu.enqueue_dma source(%dma_start3A_455 : memref<128x128xf32, #tpu.memory_space<hbm>>) target(%dma_start3A_453 : memref<128x128xf32, #tpu.memory_space<vmem>>) target_semaphore(%dma_start3A_449 : memref<!tpu.dma_semaphore, #tpu.memory_space<semaphore_mem>>)
      } else {
      }
      %rem3A_321 = arith.constant 3 : i32
      %rem3A_322 = arith.remsi %add3A_312, %rem3A_321 : i32
      %lt3A_323 = arith.cmpi slt, %add3A_312, %add3A_18 : i32
      %convert_element_type3A_324 = arith.extui %lt3A_323 : i1 to i32
      %cond3A_325 = arith.constant 0 : i32
      %cond3A_326 = arith.cmpi ne, %convert_element_type3A_324, %cond3A_325 : i32
      scf.if %cond3A_326 {
        %dma_wait3A_435 = arith.constant 0 : i32
        %dma_wait3A_436 = arith.constant 0 : i32
        %dma_wait3A_437 = tpu.memref_slice %arg10[%rem3A_322, %dma_wait3A_435, %dma_wait3A_436] : memref<3x128x128xf32, #tpu.memory_space<vmem>> -> memref<1x128x128xf32, #tpu.memory_space<vmem>>
        %dma_wait3A_438 = tpu.memref_squeeze %dma_wait3A_437 : memref<1x128x128xf32, #tpu.memory_space<vmem>> -> memref<128x128xf32, #tpu.memory_space<vmem>>
        %dma_wait3A_439 = arith.constant 0 : i32
        %dma_wait3A_440 = arith.constant 0 : i32
        %dma_wait3A_441 = tpu.memref_slice %arg2[%dma_wait3A_439, %dma_wait3A_440] : memref<320000x128xf32, #tpu.memory_space<hbm>> -> memref<128x128xf32, #tpu.memory_space<hbm>>
        %dma_wait3A_442 = tpu.memref_slice %arg12[%rem3A_322] : memref<3x!tpu.dma_semaphore, #tpu.memory_space<semaphore_mem>> -> memref<1x!tpu.dma_semaphore, #tpu.memory_space<semaphore_mem>>
        %dma_wait3A_443 = tpu.memref_squeeze %dma_wait3A_442 : memref<1x!tpu.dma_semaphore, #tpu.memory_space<semaphore_mem>> -> memref<!tpu.dma_semaphore, #tpu.memory_space<semaphore_mem>>
        %dma_wait3A_444 = arith.constant 0 : i32
        %dma_wait3A_445 = arith.constant 0 : i32
        %dma_wait3A_446 = tpu.memref_slice %arg10[%rem3A_322, %dma_wait3A_444, %dma_wait3A_445] : memref<3x128x128xf32, #tpu.memory_space<vmem>> -> memref<1x128x128xf32, #tpu.memory_space<vmem>>
        %dma_wait3A_447 = tpu.memref_squeeze %dma_wait3A_446 : memref<1x128x128xf32, #tpu.memory_space<vmem>> -> memref<128x128xf32, #tpu.memory_space<vmem>>
        %dma_wait3A_448 = arith.constant 0 : i32
        %dma_wait3A_449 = arith.constant 0 : i32
        %dma_wait3A_450 = tpu.memref_slice %arg2[%dma_wait3A_448, %dma_wait3A_449] : memref<320000x128xf32, #tpu.memory_space<hbm>> -> memref<128x128xf32, #tpu.memory_space<hbm>>
        tpu.wait_dma2 semaphore(%dma_wait3A_443 : memref<!tpu.dma_semaphore, #tpu.memory_space<semaphore_mem>>) src(%dma_wait3A_450 : memref<128x128xf32, #tpu.memory_space<hbm>>) dst(%dma_wait3A_447 : memref<128x128xf32, #tpu.memory_space<vmem>>)
        %dma_start3A_451 = arith.constant 1 : i32
        %dma_start3A_452 = arith.constant 0 : i32
        %dma_start3A_453 = arith.constant 0 : i32
        %dma_start3A_454 = tpu.memref_slice %arg10[%rem3A_322, %dma_start3A_452, %dma_start3A_453] : memref<3x128x128xf32, #tpu.memory_space<vmem>> -> memref<1x128x128xf32, #tpu.memory_space<vmem>>
        %dma_start3A_455 = tpu.memref_squeeze %dma_start3A_454 : memref<1x128x128xf32, #tpu.memory_space<vmem>> -> memref<128x128xf32, #tpu.memory_space<vmem>>
        %dma_start3A_456 = arith.constant 0 : i32
        %dma_start3A_457 = tpu.memref_slice %arg11[%dma_start3A_451, %dma_start3A_456] : memref<8x128xi32, #tpu.memory_space<vmem>> -> memref<1x128xi32, #tpu.memory_space<vmem>>
        %dma_start3A_458 = tpu.memref_squeeze %dma_start3A_457 : memref<1x128xi32, #tpu.memory_space<vmem>> -> memref<128xi32, #tpu.memory_space<vmem>>
        %dma_start3A_459 = arith.constant 0 : i32
        %dma_start3A_460 = arith.constant 0 : i32
        %dma_start3A_461 = tpu.memref_slice %arg9[%dma_start3A_459, %dma_start3A_460] : memref<10000x128xf32, #tpu.memory_space<vmem_shared>> -> memref<10000x128xf32, #tpu.memory_space<vmem_shared>>
        %dma_start3A_462 = tpu.memref_slice %arg13[%rem3A_322] : memref<3x!tpu.dma_semaphore, #tpu.memory_space<semaphore_mem>> -> memref<1x!tpu.dma_semaphore, #tpu.memory_space<semaphore_mem>>
        %dma_start3A_463 = tpu.memref_squeeze %dma_start3A_462 : memref<1x!tpu.dma_semaphore, #tpu.memory_space<semaphore_mem>> -> memref<!tpu.dma_semaphore, #tpu.memory_space<semaphore_mem>>
        tpu.enqueue_indirect_dma source(%dma_start3A_455 : memref<128x128xf32, #tpu.memory_space<vmem>>) target(%dma_start3A_461 : memref<10000x128xf32, #tpu.memory_space<vmem_shared>>) offsets(%dma_start3A_458 : memref<128xi32, #tpu.memory_space<vmem>>) semaphore(%dma_start3A_463 : memref<!tpu.dma_semaphore, #tpu.memory_space<semaphore_mem>>) {add = true}
      } else {
      }
      %mul3A_327 = arith.constant 8 : i32
      %mul3A_328 = arith.muli %while3A_287, %mul3A_327 : i32
      %add3A_329 = arith.constant 2 : i32
      %add3A_330 = arith.addi %mul3A_328, %add3A_329 : i32
      %add3A_331 = arith.constant 2 : i32
      %add3A_332 = arith.addi %add3A_330, %add3A_331 : i32
      %rem3A_333 = arith.constant 3 : i32
      %rem3A_334 = arith.remsi %add3A_332, %rem3A_333 : i32
      %lt3A_335 = arith.cmpi slt, %add3A_332, %add3A_18 : i32
      %convert_element_type3A_336 = arith.extui %lt3A_335 : i1 to i32
      %cond3A_337 = arith.constant 0 : i32
      %cond3A_338 = arith.cmpi ne, %convert_element_type3A_336, %cond3A_337 : i32
      scf.if %cond3A_338 {
        %ge3A = arith.constant 3 : i32
        %ge3A_435 = arith.cmpi sge, %add3A_332, %ge3A : i32
        %convert_element_type3A_436 = arith.extui %ge3A_435 : i1 to i32
        %cond3A_437 = arith.constant 0 : i32
        %cond3A_438 = arith.cmpi ne, %convert_element_type3A_436, %cond3A_437 : i32
        scf.if %cond3A_438 {
          %dma_wait3A_456 = arith.constant 0 : i32
          %dma_wait3A_457 = arith.constant 0 : i32
          %dma_wait3A_458 = arith.constant 0 : i32
          %dma_wait3A_459 = tpu.memref_slice %arg10[%rem3A_334, %dma_wait3A_457, %dma_wait3A_458] : memref<3x128x128xf32, #tpu.memory_space<vmem>> -> memref<1x128x128xf32, #tpu.memory_space<vmem>>
          %dma_wait3A_460 = tpu.memref_squeeze %dma_wait3A_459 : memref<1x128x128xf32, #tpu.memory_space<vmem>> -> memref<128x128xf32, #tpu.memory_space<vmem>>
          %dma_wait3A_461 = arith.constant 0 : i32
          %dma_wait3A_462 = tpu.memref_slice %arg11[%dma_wait3A_456, %dma_wait3A_461] : memref<8x128xi32, #tpu.memory_space<vmem>> -> memref<1x128xi32, #tpu.memory_space<vmem>>
          %dma_wait3A_463 = tpu.memref_squeeze %dma_wait3A_462 : memref<1x128xi32, #tpu.memory_space<vmem>> -> memref<128xi32, #tpu.memory_space<vmem>>
          %dma_wait3A_464 = arith.constant 0 : i32
          %dma_wait3A_465 = arith.constant 0 : i32
          %dma_wait3A_466 = tpu.memref_slice %arg9[%dma_wait3A_464, %dma_wait3A_465] : memref<10000x128xf32, #tpu.memory_space<vmem_shared>> -> memref<10000x128xf32, #tpu.memory_space<vmem_shared>>
          %dma_wait3A_467 = tpu.memref_slice %arg13[%rem3A_334] : memref<3x!tpu.dma_semaphore, #tpu.memory_space<semaphore_mem>> -> memref<1x!tpu.dma_semaphore, #tpu.memory_space<semaphore_mem>>
          %dma_wait3A_468 = tpu.memref_squeeze %dma_wait3A_467 : memref<1x!tpu.dma_semaphore, #tpu.memory_space<semaphore_mem>> -> memref<!tpu.dma_semaphore, #tpu.memory_space<semaphore_mem>>
          tpu.wait_indirect_dma semaphore(%dma_wait3A_468 : memref<!tpu.dma_semaphore, #tpu.memory_space<semaphore_mem>>) src(%dma_wait3A_460 : memref<128x128xf32, #tpu.memory_space<vmem>>) dst(%dma_wait3A_466 : memref<10000x128xf32, #tpu.memory_space<vmem_shared>>)
        } else {
        }
        %add3A_439 = arith.addi %mul3A_9, %add3A_332 : i32
        %mul3A_440 = arith.constant 128 : i32
        %mul3A_441 = arith.muli %add3A_439, %mul3A_440 : i32
        %dma_start3A_442 = arith.constant 0 : i32
        %dma_start3A_443 = arith.constant 0 : i32
        %dma_start3A_444 = tpu.memref_slice %arg10[%rem3A_334, %dma_start3A_442, %dma_start3A_443] : memref<3x128x128xf32, #tpu.memory_space<vmem>> -> memref<1x128x128xf32, #tpu.memory_space<vmem>>
        %dma_start3A_445 = tpu.memref_squeeze %dma_start3A_444 : memref<1x128x128xf32, #tpu.memory_space<vmem>> -> memref<128x128xf32, #tpu.memory_space<vmem>>
        %dma_start3A_446 = arith.constant 0 : i32
        %dma_start3A_447 = tpu.memref_slice %arg2[%mul3A_441, %dma_start3A_446] : memref<320000x128xf32, #tpu.memory_space<hbm>> -> memref<128x128xf32, #tpu.memory_space<hbm>>
        %dma_start3A_448 = tpu.memref_slice %arg12[%rem3A_334] : memref<3x!tpu.dma_semaphore, #tpu.memory_space<semaphore_mem>> -> memref<1x!tpu.dma_semaphore, #tpu.memory_space<semaphore_mem>>
        %dma_start3A_449 = tpu.memref_squeeze %dma_start3A_448 : memref<1x!tpu.dma_semaphore, #tpu.memory_space<semaphore_mem>> -> memref<!tpu.dma_semaphore, #tpu.memory_space<semaphore_mem>>
        %dma_start3A_450 = arith.constant 0 : i32
        %dma_start3A_451 = arith.constant 0 : i32
        %dma_start3A_452 = tpu.memref_slice %arg10[%rem3A_334, %dma_start3A_450, %dma_start3A_451] : memref<3x128x128xf32, #tpu.memory_space<vmem>> -> memref<1x128x128xf32, #tpu.memory_space<vmem>>
        %dma_start3A_453 = tpu.memref_squeeze %dma_start3A_452 : memref<1x128x128xf32, #tpu.memory_space<vmem>> -> memref<128x128xf32, #tpu.memory_space<vmem>>
        %dma_start3A_454 = arith.constant 0 : i32
        %dma_start3A_455 = tpu.memref_slice %arg2[%mul3A_441, %dma_start3A_454] : memref<320000x128xf32, #tpu.memory_space<hbm>> -> memref<128x128xf32, #tpu.memory_space<hbm>>
        tpu.enqueue_dma source(%dma_start3A_455 : memref<128x128xf32, #tpu.memory_space<hbm>>) target(%dma_start3A_453 : memref<128x128xf32, #tpu.memory_space<vmem>>) target_semaphore(%dma_start3A_449 : memref<!tpu.dma_semaphore, #tpu.memory_space<semaphore_mem>>)
      } else {
      }
      %rem3A_339 = arith.constant 3 : i32
      %rem3A_340 = arith.remsi %add3A_330, %rem3A_339 : i32
      %lt3A_341 = arith.cmpi slt, %add3A_330, %add3A_18 : i32
      %convert_element_type3A_342 = arith.extui %lt3A_341 : i1 to i32
      %cond3A_343 = arith.constant 0 : i32
      %cond3A_344 = arith.cmpi ne, %convert_element_type3A_342, %cond3A_343 : i32
      scf.if %cond3A_344 {
        %dma_wait3A_435 = arith.constant 0 : i32
        %dma_wait3A_436 = arith.constant 0 : i32
        %dma_wait3A_437 = tpu.memref_slice %arg10[%rem3A_340, %dma_wait3A_435, %dma_wait3A_436] : memref<3x128x128xf32, #tpu.memory_space<vmem>> -> memref<1x128x128xf32, #tpu.memory_space<vmem>>
        %dma_wait3A_438 = tpu.memref_squeeze %dma_wait3A_437 : memref<1x128x128xf32, #tpu.memory_space<vmem>> -> memref<128x128xf32, #tpu.memory_space<vmem>>
        %dma_wait3A_439 = arith.constant 0 : i32
        %dma_wait3A_440 = arith.constant 0 : i32
        %dma_wait3A_441 = tpu.memref_slice %arg2[%dma_wait3A_439, %dma_wait3A_440] : memref<320000x128xf32, #tpu.memory_space<hbm>> -> memref<128x128xf32, #tpu.memory_space<hbm>>
        %dma_wait3A_442 = tpu.memref_slice %arg12[%rem3A_340] : memref<3x!tpu.dma_semaphore, #tpu.memory_space<semaphore_mem>> -> memref<1x!tpu.dma_semaphore, #tpu.memory_space<semaphore_mem>>
        %dma_wait3A_443 = tpu.memref_squeeze %dma_wait3A_442 : memref<1x!tpu.dma_semaphore, #tpu.memory_space<semaphore_mem>> -> memref<!tpu.dma_semaphore, #tpu.memory_space<semaphore_mem>>
        %dma_wait3A_444 = arith.constant 0 : i32
        %dma_wait3A_445 = arith.constant 0 : i32
        %dma_wait3A_446 = tpu.memref_slice %arg10[%rem3A_340, %dma_wait3A_444, %dma_wait3A_445] : memref<3x128x128xf32, #tpu.memory_space<vmem>> -> memref<1x128x128xf32, #tpu.memory_space<vmem>>
        %dma_wait3A_447 = tpu.memref_squeeze %dma_wait3A_446 : memref<1x128x128xf32, #tpu.memory_space<vmem>> -> memref<128x128xf32, #tpu.memory_space<vmem>>
        %dma_wait3A_448 = arith.constant 0 : i32
        %dma_wait3A_449 = arith.constant 0 : i32
        %dma_wait3A_450 = tpu.memref_slice %arg2[%dma_wait3A_448, %dma_wait3A_449] : memref<320000x128xf32, #tpu.memory_space<hbm>> -> memref<128x128xf32, #tpu.memory_space<hbm>>
        tpu.wait_dma2 semaphore(%dma_wait3A_443 : memref<!tpu.dma_semaphore, #tpu.memory_space<semaphore_mem>>) src(%dma_wait3A_450 : memref<128x128xf32, #tpu.memory_space<hbm>>) dst(%dma_wait3A_447 : memref<128x128xf32, #tpu.memory_space<vmem>>)
        %dma_start3A_451 = arith.constant 2 : i32
        %dma_start3A_452 = arith.constant 0 : i32
        %dma_start3A_453 = arith.constant 0 : i32
        %dma_start3A_454 = tpu.memref_slice %arg10[%rem3A_340, %dma_start3A_452, %dma_start3A_453] : memref<3x128x128xf32, #tpu.memory_space<vmem>> -> memref<1x128x128xf32, #tpu.memory_space<vmem>>
        %dma_start3A_455 = tpu.memref_squeeze %dma_start3A_454 : memref<1x128x128xf32, #tpu.memory_space<vmem>> -> memref<128x128xf32, #tpu.memory_space<vmem>>
        %dma_start3A_456 = arith.constant 0 : i32
        %dma_start3A_457 = tpu.memref_slice %arg11[%dma_start3A_451, %dma_start3A_456] : memref<8x128xi32, #tpu.memory_space<vmem>> -> memref<1x128xi32, #tpu.memory_space<vmem>>
        %dma_start3A_458 = tpu.memref_squeeze %dma_start3A_457 : memref<1x128xi32, #tpu.memory_space<vmem>> -> memref<128xi32, #tpu.memory_space<vmem>>
        %dma_start3A_459 = arith.constant 0 : i32
        %dma_start3A_460 = arith.constant 0 : i32
        %dma_start3A_461 = tpu.memref_slice %arg9[%dma_start3A_459, %dma_start3A_460] : memref<10000x128xf32, #tpu.memory_space<vmem_shared>> -> memref<10000x128xf32, #tpu.memory_space<vmem_shared>>
        %dma_start3A_462 = tpu.memref_slice %arg13[%rem3A_340] : memref<3x!tpu.dma_semaphore, #tpu.memory_space<semaphore_mem>> -> memref<1x!tpu.dma_semaphore, #tpu.memory_space<semaphore_mem>>
        %dma_start3A_463 = tpu.memref_squeeze %dma_start3A_462 : memref<1x!tpu.dma_semaphore, #tpu.memory_space<semaphore_mem>> -> memref<!tpu.dma_semaphore, #tpu.memory_space<semaphore_mem>>
        tpu.enqueue_indirect_dma source(%dma_start3A_455 : memref<128x128xf32, #tpu.memory_space<vmem>>) target(%dma_start3A_461 : memref<10000x128xf32, #tpu.memory_space<vmem_shared>>) offsets(%dma_start3A_458 : memref<128xi32, #tpu.memory_space<vmem>>) semaphore(%dma_start3A_463 : memref<!tpu.dma_semaphore, #tpu.memory_space<semaphore_mem>>) {add = true}
      } else {
      }
      %mul3A_345 = arith.constant 8 : i32
      %mul3A_346 = arith.muli %while3A_287, %mul3A_345 : i32
      %add3A_347 = arith.constant 3 : i32
      %add3A_348 = arith.addi %mul3A_346, %add3A_347 : i32
      %add3A_349 = arith.constant 2 : i32
      %add3A_350 = arith.addi %add3A_348, %add3A_349 : i32
      %rem3A_351 = arith.constant 3 : i32
      %rem3A_352 = arith.remsi %add3A_350, %rem3A_351 : i32
      %lt3A_353 = arith.cmpi slt, %add3A_350, %add3A_18 : i32
      %convert_element_type3A_354 = arith.extui %lt3A_353 : i1 to i32
      %cond3A_355 = arith.constant 0 : i32
      %cond3A_356 = arith.cmpi ne, %convert_element_type3A_354, %cond3A_355 : i32
      scf.if %cond3A_356 {
        %ge3A = arith.constant 3 : i32
        %ge3A_435 = arith.cmpi sge, %add3A_350, %ge3A : i32
        %convert_element_type3A_436 = arith.extui %ge3A_435 : i1 to i32
        %cond3A_437 = arith.constant 0 : i32
        %cond3A_438 = arith.cmpi ne, %convert_element_type3A_436, %cond3A_437 : i32
        scf.if %cond3A_438 {
          %dma_wait3A_456 = arith.constant 0 : i32
          %dma_wait3A_457 = arith.constant 0 : i32
          %dma_wait3A_458 = arith.constant 0 : i32
          %dma_wait3A_459 = tpu.memref_slice %arg10[%rem3A_352, %dma_wait3A_457, %dma_wait3A_458] : memref<3x128x128xf32, #tpu.memory_space<vmem>> -> memref<1x128x128xf32, #tpu.memory_space<vmem>>
          %dma_wait3A_460 = tpu.memref_squeeze %dma_wait3A_459 : memref<1x128x128xf32, #tpu.memory_space<vmem>> -> memref<128x128xf32, #tpu.memory_space<vmem>>
          %dma_wait3A_461 = arith.constant 0 : i32
          %dma_wait3A_462 = tpu.memref_slice %arg11[%dma_wait3A_456, %dma_wait3A_461] : memref<8x128xi32, #tpu.memory_space<vmem>> -> memref<1x128xi32, #tpu.memory_space<vmem>>
          %dma_wait3A_463 = tpu.memref_squeeze %dma_wait3A_462 : memref<1x128xi32, #tpu.memory_space<vmem>> -> memref<128xi32, #tpu.memory_space<vmem>>
          %dma_wait3A_464 = arith.constant 0 : i32
          %dma_wait3A_465 = arith.constant 0 : i32
          %dma_wait3A_466 = tpu.memref_slice %arg9[%dma_wait3A_464, %dma_wait3A_465] : memref<10000x128xf32, #tpu.memory_space<vmem_shared>> -> memref<10000x128xf32, #tpu.memory_space<vmem_shared>>
          %dma_wait3A_467 = tpu.memref_slice %arg13[%rem3A_352] : memref<3x!tpu.dma_semaphore, #tpu.memory_space<semaphore_mem>> -> memref<1x!tpu.dma_semaphore, #tpu.memory_space<semaphore_mem>>
          %dma_wait3A_468 = tpu.memref_squeeze %dma_wait3A_467 : memref<1x!tpu.dma_semaphore, #tpu.memory_space<semaphore_mem>> -> memref<!tpu.dma_semaphore, #tpu.memory_space<semaphore_mem>>
          tpu.wait_indirect_dma semaphore(%dma_wait3A_468 : memref<!tpu.dma_semaphore, #tpu.memory_space<semaphore_mem>>) src(%dma_wait3A_460 : memref<128x128xf32, #tpu.memory_space<vmem>>) dst(%dma_wait3A_466 : memref<10000x128xf32, #tpu.memory_space<vmem_shared>>)
        } else {
        }
        %add3A_439 = arith.addi %mul3A_9, %add3A_350 : i32
        %mul3A_440 = arith.constant 128 : i32
        %mul3A_441 = arith.muli %add3A_439, %mul3A_440 : i32
        %dma_start3A_442 = arith.constant 0 : i32
        %dma_start3A_443 = arith.constant 0 : i32
        %dma_start3A_444 = tpu.memref_slice %arg10[%rem3A_352, %dma_start3A_442, %dma_start3A_443] : memref<3x128x128xf32, #tpu.memory_space<vmem>> -> memref<1x128x128xf32, #tpu.memory_space<vmem>>
        %dma_start3A_445 = tpu.memref_squeeze %dma_start3A_444 : memref<1x128x128xf32, #tpu.memory_space<vmem>> -> memref<128x128xf32, #tpu.memory_space<vmem>>
        %dma_start3A_446 = arith.constant 0 : i32
        %dma_start3A_447 = tpu.memref_slice %arg2[%mul3A_441, %dma_start3A_446] : memref<320000x128xf32, #tpu.memory_space<hbm>> -> memref<128x128xf32, #tpu.memory_space<hbm>>
        %dma_start3A_448 = tpu.memref_slice %arg12[%rem3A_352] : memref<3x!tpu.dma_semaphore, #tpu.memory_space<semaphore_mem>> -> memref<1x!tpu.dma_semaphore, #tpu.memory_space<semaphore_mem>>
        %dma_start3A_449 = tpu.memref_squeeze %dma_start3A_448 : memref<1x!tpu.dma_semaphore, #tpu.memory_space<semaphore_mem>> -> memref<!tpu.dma_semaphore, #tpu.memory_space<semaphore_mem>>
        %dma_start3A_450 = arith.constant 0 : i32
        %dma_start3A_451 = arith.constant 0 : i32
        %dma_start3A_452 = tpu.memref_slice %arg10[%rem3A_352, %dma_start3A_450, %dma_start3A_451] : memref<3x128x128xf32, #tpu.memory_space<vmem>> -> memref<1x128x128xf32, #tpu.memory_space<vmem>>
        %dma_start3A_453 = tpu.memref_squeeze %dma_start3A_452 : memref<1x128x128xf32, #tpu.memory_space<vmem>> -> memref<128x128xf32, #tpu.memory_space<vmem>>
        %dma_start3A_454 = arith.constant 0 : i32
        %dma_start3A_455 = tpu.memref_slice %arg2[%mul3A_441, %dma_start3A_454] : memref<320000x128xf32, #tpu.memory_space<hbm>> -> memref<128x128xf32, #tpu.memory_space<hbm>>
        tpu.enqueue_dma source(%dma_start3A_455 : memref<128x128xf32, #tpu.memory_space<hbm>>) target(%dma_start3A_453 : memref<128x128xf32, #tpu.memory_space<vmem>>) target_semaphore(%dma_start3A_449 : memref<!tpu.dma_semaphore, #tpu.memory_space<semaphore_mem>>)
      } else {
      }
      %rem3A_357 = arith.constant 3 : i32
      %rem3A_358 = arith.remsi %add3A_348, %rem3A_357 : i32
      %lt3A_359 = arith.cmpi slt, %add3A_348, %add3A_18 : i32
      %convert_element_type3A_360 = arith.extui %lt3A_359 : i1 to i32
      %cond3A_361 = arith.constant 0 : i32
      %cond3A_362 = arith.cmpi ne, %convert_element_type3A_360, %cond3A_361 : i32
      scf.if %cond3A_362 {
        %dma_wait3A_435 = arith.constant 0 : i32
        %dma_wait3A_436 = arith.constant 0 : i32
        %dma_wait3A_437 = tpu.memref_slice %arg10[%rem3A_358, %dma_wait3A_435, %dma_wait3A_436] : memref<3x128x128xf32, #tpu.memory_space<vmem>> -> memref<1x128x128xf32, #tpu.memory_space<vmem>>
        %dma_wait3A_438 = tpu.memref_squeeze %dma_wait3A_437 : memref<1x128x128xf32, #tpu.memory_space<vmem>> -> memref<128x128xf32, #tpu.memory_space<vmem>>
        %dma_wait3A_439 = arith.constant 0 : i32
        %dma_wait3A_440 = arith.constant 0 : i32
        %dma_wait3A_441 = tpu.memref_slice %arg2[%dma_wait3A_439, %dma_wait3A_440] : memref<320000x128xf32, #tpu.memory_space<hbm>> -> memref<128x128xf32, #tpu.memory_space<hbm>>
        %dma_wait3A_442 = tpu.memref_slice %arg12[%rem3A_358] : memref<3x!tpu.dma_semaphore, #tpu.memory_space<semaphore_mem>> -> memref<1x!tpu.dma_semaphore, #tpu.memory_space<semaphore_mem>>
        %dma_wait3A_443 = tpu.memref_squeeze %dma_wait3A_442 : memref<1x!tpu.dma_semaphore, #tpu.memory_space<semaphore_mem>> -> memref<!tpu.dma_semaphore, #tpu.memory_space<semaphore_mem>>
        %dma_wait3A_444 = arith.constant 0 : i32
        %dma_wait3A_445 = arith.constant 0 : i32
        %dma_wait3A_446 = tpu.memref_slice %arg10[%rem3A_358, %dma_wait3A_444, %dma_wait3A_445] : memref<3x128x128xf32, #tpu.memory_space<vmem>> -> memref<1x128x128xf32, #tpu.memory_space<vmem>>
        %dma_wait3A_447 = tpu.memref_squeeze %dma_wait3A_446 : memref<1x128x128xf32, #tpu.memory_space<vmem>> -> memref<128x128xf32, #tpu.memory_space<vmem>>
        %dma_wait3A_448 = arith.constant 0 : i32
        %dma_wait3A_449 = arith.constant 0 : i32
        %dma_wait3A_450 = tpu.memref_slice %arg2[%dma_wait3A_448, %dma_wait3A_449] : memref<320000x128xf32, #tpu.memory_space<hbm>> -> memref<128x128xf32, #tpu.memory_space<hbm>>
        tpu.wait_dma2 semaphore(%dma_wait3A_443 : memref<!tpu.dma_semaphore, #tpu.memory_space<semaphore_mem>>) src(%dma_wait3A_450 : memref<128x128xf32, #tpu.memory_space<hbm>>) dst(%dma_wait3A_447 : memref<128x128xf32, #tpu.memory_space<vmem>>)
        %dma_start3A_451 = arith.constant 3 : i32
        %dma_start3A_452 = arith.constant 0 : i32
        %dma_start3A_453 = arith.constant 0 : i32
        %dma_start3A_454 = tpu.memref_slice %arg10[%rem3A_358, %dma_start3A_452, %dma_start3A_453] : memref<3x128x128xf32, #tpu.memory_space<vmem>> -> memref<1x128x128xf32, #tpu.memory_space<vmem>>
        %dma_start3A_455 = tpu.memref_squeeze %dma_start3A_454 : memref<1x128x128xf32, #tpu.memory_space<vmem>> -> memref<128x128xf32, #tpu.memory_space<vmem>>
        %dma_start3A_456 = arith.constant 0 : i32
        %dma_start3A_457 = tpu.memref_slice %arg11[%dma_start3A_451, %dma_start3A_456] : memref<8x128xi32, #tpu.memory_space<vmem>> -> memref<1x128xi32, #tpu.memory_space<vmem>>
        %dma_start3A_458 = tpu.memref_squeeze %dma_start3A_457 : memref<1x128xi32, #tpu.memory_space<vmem>> -> memref<128xi32, #tpu.memory_space<vmem>>
        %dma_start3A_459 = arith.constant 0 : i32
        %dma_start3A_460 = arith.constant 0 : i32
        %dma_start3A_461 = tpu.memref_slice %arg9[%dma_start3A_459, %dma_start3A_460] : memref<10000x128xf32, #tpu.memory_space<vmem_shared>> -> memref<10000x128xf32, #tpu.memory_space<vmem_shared>>
        %dma_start3A_462 = tpu.memref_slice %arg13[%rem3A_358] : memref<3x!tpu.dma_semaphore, #tpu.memory_space<semaphore_mem>> -> memref<1x!tpu.dma_semaphore, #tpu.memory_space<semaphore_mem>>
        %dma_start3A_463 = tpu.memref_squeeze %dma_start3A_462 : memref<1x!tpu.dma_semaphore, #tpu.memory_space<semaphore_mem>> -> memref<!tpu.dma_semaphore, #tpu.memory_space<semaphore_mem>>
        tpu.enqueue_indirect_dma source(%dma_start3A_455 : memref<128x128xf32, #tpu.memory_space<vmem>>) target(%dma_start3A_461 : memref<10000x128xf32, #tpu.memory_space<vmem_shared>>) offsets(%dma_start3A_458 : memref<128xi32, #tpu.memory_space<vmem>>) semaphore(%dma_start3A_463 : memref<!tpu.dma_semaphore, #tpu.memory_space<semaphore_mem>>) {add = true}
      } else {
      }
      %mul3A_363 = arith.constant 8 : i32
      %mul3A_364 = arith.muli %while3A_287, %mul3A_363 : i32
      %add3A_365 = arith.constant 4 : i32
      %add3A_366 = arith.addi %mul3A_364, %add3A_365 : i32
      %add3A_367 = arith.constant 2 : i32
      %add3A_368 = arith.addi %add3A_366, %add3A_367 : i32
      %rem3A_369 = arith.constant 3 : i32
      %rem3A_370 = arith.remsi %add3A_368, %rem3A_369 : i32
      %lt3A_371 = arith.cmpi slt, %add3A_368, %add3A_18 : i32
      %convert_element_type3A_372 = arith.extui %lt3A_371 : i1 to i32
      %cond3A_373 = arith.constant 0 : i32
      %cond3A_374 = arith.cmpi ne, %convert_element_type3A_372, %cond3A_373 : i32
      scf.if %cond3A_374 {
        %ge3A = arith.constant 3 : i32
        %ge3A_435 = arith.cmpi sge, %add3A_368, %ge3A : i32
        %convert_element_type3A_436 = arith.extui %ge3A_435 : i1 to i32
        %cond3A_437 = arith.constant 0 : i32
        %cond3A_438 = arith.cmpi ne, %convert_element_type3A_436, %cond3A_437 : i32
        scf.if %cond3A_438 {
          %dma_wait3A_456 = arith.constant 0 : i32
          %dma_wait3A_457 = arith.constant 0 : i32
          %dma_wait3A_458 = arith.constant 0 : i32
          %dma_wait3A_459 = tpu.memref_slice %arg10[%rem3A_370, %dma_wait3A_457, %dma_wait3A_458] : memref<3x128x128xf32, #tpu.memory_space<vmem>> -> memref<1x128x128xf32, #tpu.memory_space<vmem>>
          %dma_wait3A_460 = tpu.memref_squeeze %dma_wait3A_459 : memref<1x128x128xf32, #tpu.memory_space<vmem>> -> memref<128x128xf32, #tpu.memory_space<vmem>>
          %dma_wait3A_461 = arith.constant 0 : i32
          %dma_wait3A_462 = tpu.memref_slice %arg11[%dma_wait3A_456, %dma_wait3A_461] : memref<8x128xi32, #tpu.memory_space<vmem>> -> memref<1x128xi32, #tpu.memory_space<vmem>>
          %dma_wait3A_463 = tpu.memref_squeeze %dma_wait3A_462 : memref<1x128xi32, #tpu.memory_space<vmem>> -> memref<128xi32, #tpu.memory_space<vmem>>
          %dma_wait3A_464 = arith.constant 0 : i32
          %dma_wait3A_465 = arith.constant 0 : i32
          %dma_wait3A_466 = tpu.memref_slice %arg9[%dma_wait3A_464, %dma_wait3A_465] : memref<10000x128xf32, #tpu.memory_space<vmem_shared>> -> memref<10000x128xf32, #tpu.memory_space<vmem_shared>>
          %dma_wait3A_467 = tpu.memref_slice %arg13[%rem3A_370] : memref<3x!tpu.dma_semaphore, #tpu.memory_space<semaphore_mem>> -> memref<1x!tpu.dma_semaphore, #tpu.memory_space<semaphore_mem>>
          %dma_wait3A_468 = tpu.memref_squeeze %dma_wait3A_467 : memref<1x!tpu.dma_semaphore, #tpu.memory_space<semaphore_mem>> -> memref<!tpu.dma_semaphore, #tpu.memory_space<semaphore_mem>>
          tpu.wait_indirect_dma semaphore(%dma_wait3A_468 : memref<!tpu.dma_semaphore, #tpu.memory_space<semaphore_mem>>) src(%dma_wait3A_460 : memref<128x128xf32, #tpu.memory_space<vmem>>) dst(%dma_wait3A_466 : memref<10000x128xf32, #tpu.memory_space<vmem_shared>>)
        } else {
        }
        %add3A_439 = arith.addi %mul3A_9, %add3A_368 : i32
        %mul3A_440 = arith.constant 128 : i32
        %mul3A_441 = arith.muli %add3A_439, %mul3A_440 : i32
        %dma_start3A_442 = arith.constant 0 : i32
        %dma_start3A_443 = arith.constant 0 : i32
        %dma_start3A_444 = tpu.memref_slice %arg10[%rem3A_370, %dma_start3A_442, %dma_start3A_443] : memref<3x128x128xf32, #tpu.memory_space<vmem>> -> memref<1x128x128xf32, #tpu.memory_space<vmem>>
        %dma_start3A_445 = tpu.memref_squeeze %dma_start3A_444 : memref<1x128x128xf32, #tpu.memory_space<vmem>> -> memref<128x128xf32, #tpu.memory_space<vmem>>
        %dma_start3A_446 = arith.constant 0 : i32
        %dma_start3A_447 = tpu.memref_slice %arg2[%mul3A_441, %dma_start3A_446] : memref<320000x128xf32, #tpu.memory_space<hbm>> -> memref<128x128xf32, #tpu.memory_space<hbm>>
        %dma_start3A_448 = tpu.memref_slice %arg12[%rem3A_370] : memref<3x!tpu.dma_semaphore, #tpu.memory_space<semaphore_mem>> -> memref<1x!tpu.dma_semaphore, #tpu.memory_space<semaphore_mem>>
        %dma_start3A_449 = tpu.memref_squeeze %dma_start3A_448 : memref<1x!tpu.dma_semaphore, #tpu.memory_space<semaphore_mem>> -> memref<!tpu.dma_semaphore, #tpu.memory_space<semaphore_mem>>
        %dma_start3A_450 = arith.constant 0 : i32
        %dma_start3A_451 = arith.constant 0 : i32
        %dma_start3A_452 = tpu.memref_slice %arg10[%rem3A_370, %dma_start3A_450, %dma_start3A_451] : memref<3x128x128xf32, #tpu.memory_space<vmem>> -> memref<1x128x128xf32, #tpu.memory_space<vmem>>
        %dma_start3A_453 = tpu.memref_squeeze %dma_start3A_452 : memref<1x128x128xf32, #tpu.memory_space<vmem>> -> memref<128x128xf32, #tpu.memory_space<vmem>>
        %dma_start3A_454 = arith.constant 0 : i32
        %dma_start3A_455 = tpu.memref_slice %arg2[%mul3A_441, %dma_start3A_454] : memref<320000x128xf32, #tpu.memory_space<hbm>> -> memref<128x128xf32, #tpu.memory_space<hbm>>
        tpu.enqueue_dma source(%dma_start3A_455 : memref<128x128xf32, #tpu.memory_space<hbm>>) target(%dma_start3A_453 : memref<128x128xf32, #tpu.memory_space<vmem>>) target_semaphore(%dma_start3A_449 : memref<!tpu.dma_semaphore, #tpu.memory_space<semaphore_mem>>)
      } else {
      }
      %rem3A_375 = arith.constant 3 : i32
      %rem3A_376 = arith.remsi %add3A_366, %rem3A_375 : i32
      %lt3A_377 = arith.cmpi slt, %add3A_366, %add3A_18 : i32
      %convert_element_type3A_378 = arith.extui %lt3A_377 : i1 to i32
      %cond3A_379 = arith.constant 0 : i32
      %cond3A_380 = arith.cmpi ne, %convert_element_type3A_378, %cond3A_379 : i32
      scf.if %cond3A_380 {
        %dma_wait3A_435 = arith.constant 0 : i32
        %dma_wait3A_436 = arith.constant 0 : i32
        %dma_wait3A_437 = tpu.memref_slice %arg10[%rem3A_376, %dma_wait3A_435, %dma_wait3A_436] : memref<3x128x128xf32, #tpu.memory_space<vmem>> -> memref<1x128x128xf32, #tpu.memory_space<vmem>>
        %dma_wait3A_438 = tpu.memref_squeeze %dma_wait3A_437 : memref<1x128x128xf32, #tpu.memory_space<vmem>> -> memref<128x128xf32, #tpu.memory_space<vmem>>
        %dma_wait3A_439 = arith.constant 0 : i32
        %dma_wait3A_440 = arith.constant 0 : i32
        %dma_wait3A_441 = tpu.memref_slice %arg2[%dma_wait3A_439, %dma_wait3A_440] : memref<320000x128xf32, #tpu.memory_space<hbm>> -> memref<128x128xf32, #tpu.memory_space<hbm>>
        %dma_wait3A_442 = tpu.memref_slice %arg12[%rem3A_376] : memref<3x!tpu.dma_semaphore, #tpu.memory_space<semaphore_mem>> -> memref<1x!tpu.dma_semaphore, #tpu.memory_space<semaphore_mem>>
        %dma_wait3A_443 = tpu.memref_squeeze %dma_wait3A_442 : memref<1x!tpu.dma_semaphore, #tpu.memory_space<semaphore_mem>> -> memref<!tpu.dma_semaphore, #tpu.memory_space<semaphore_mem>>
        %dma_wait3A_444 = arith.constant 0 : i32
        %dma_wait3A_445 = arith.constant 0 : i32
        %dma_wait3A_446 = tpu.memref_slice %arg10[%rem3A_376, %dma_wait3A_444, %dma_wait3A_445] : memref<3x128x128xf32, #tpu.memory_space<vmem>> -> memref<1x128x128xf32, #tpu.memory_space<vmem>>
        %dma_wait3A_447 = tpu.memref_squeeze %dma_wait3A_446 : memref<1x128x128xf32, #tpu.memory_space<vmem>> -> memref<128x128xf32, #tpu.memory_space<vmem>>
        %dma_wait3A_448 = arith.constant 0 : i32
        %dma_wait3A_449 = arith.constant 0 : i32
        %dma_wait3A_450 = tpu.memref_slice %arg2[%dma_wait3A_448, %dma_wait3A_449] : memref<320000x128xf32, #tpu.memory_space<hbm>> -> memref<128x128xf32, #tpu.memory_space<hbm>>
        tpu.wait_dma2 semaphore(%dma_wait3A_443 : memref<!tpu.dma_semaphore, #tpu.memory_space<semaphore_mem>>) src(%dma_wait3A_450 : memref<128x128xf32, #tpu.memory_space<hbm>>) dst(%dma_wait3A_447 : memref<128x128xf32, #tpu.memory_space<vmem>>)
        %dma_start3A_451 = arith.constant 4 : i32
        %dma_start3A_452 = arith.constant 0 : i32
        %dma_start3A_453 = arith.constant 0 : i32
        %dma_start3A_454 = tpu.memref_slice %arg10[%rem3A_376, %dma_start3A_452, %dma_start3A_453] : memref<3x128x128xf32, #tpu.memory_space<vmem>> -> memref<1x128x128xf32, #tpu.memory_space<vmem>>
        %dma_start3A_455 = tpu.memref_squeeze %dma_start3A_454 : memref<1x128x128xf32, #tpu.memory_space<vmem>> -> memref<128x128xf32, #tpu.memory_space<vmem>>
        %dma_start3A_456 = arith.constant 0 : i32
        %dma_start3A_457 = tpu.memref_slice %arg11[%dma_start3A_451, %dma_start3A_456] : memref<8x128xi32, #tpu.memory_space<vmem>> -> memref<1x128xi32, #tpu.memory_space<vmem>>
        %dma_start3A_458 = tpu.memref_squeeze %dma_start3A_457 : memref<1x128xi32, #tpu.memory_space<vmem>> -> memref<128xi32, #tpu.memory_space<vmem>>
        %dma_start3A_459 = arith.constant 0 : i32
        %dma_start3A_460 = arith.constant 0 : i32
        %dma_start3A_461 = tpu.memref_slice %arg9[%dma_start3A_459, %dma_start3A_460] : memref<10000x128xf32, #tpu.memory_space<vmem_shared>> -> memref<10000x128xf32, #tpu.memory_space<vmem_shared>>
        %dma_start3A_462 = tpu.memref_slice %arg13[%rem3A_376] : memref<3x!tpu.dma_semaphore, #tpu.memory_space<semaphore_mem>> -> memref<1x!tpu.dma_semaphore, #tpu.memory_space<semaphore_mem>>
        %dma_start3A_463 = tpu.memref_squeeze %dma_start3A_462 : memref<1x!tpu.dma_semaphore, #tpu.memory_space<semaphore_mem>> -> memref<!tpu.dma_semaphore, #tpu.memory_space<semaphore_mem>>
        tpu.enqueue_indirect_dma source(%dma_start3A_455 : memref<128x128xf32, #tpu.memory_space<vmem>>) target(%dma_start3A_461 : memref<10000x128xf32, #tpu.memory_space<vmem_shared>>) offsets(%dma_start3A_458 : memref<128xi32, #tpu.memory_space<vmem>>) semaphore(%dma_start3A_463 : memref<!tpu.dma_semaphore, #tpu.memory_space<semaphore_mem>>) {add = true}
      } else {
      }
      %mul3A_381 = arith.constant 8 : i32
      %mul3A_382 = arith.muli %while3A_287, %mul3A_381 : i32
      %add3A_383 = arith.constant 5 : i32
      %add3A_384 = arith.addi %mul3A_382, %add3A_383 : i32
      %add3A_385 = arith.constant 2 : i32
      %add3A_386 = arith.addi %add3A_384, %add3A_385 : i32
      %rem3A_387 = arith.constant 3 : i32
      %rem3A_388 = arith.remsi %add3A_386, %rem3A_387 : i32
      %lt3A_389 = arith.cmpi slt, %add3A_386, %add3A_18 : i32
      %convert_element_type3A_390 = arith.extui %lt3A_389 : i1 to i32
      %cond3A_391 = arith.constant 0 : i32
      %cond3A_392 = arith.cmpi ne, %convert_element_type3A_390, %cond3A_391 : i32
      scf.if %cond3A_392 {
        %ge3A = arith.constant 3 : i32
        %ge3A_435 = arith.cmpi sge, %add3A_386, %ge3A : i32
        %convert_element_type3A_436 = arith.extui %ge3A_435 : i1 to i32
        %cond3A_437 = arith.constant 0 : i32
        %cond3A_438 = arith.cmpi ne, %convert_element_type3A_436, %cond3A_437 : i32
        scf.if %cond3A_438 {
          %dma_wait3A_456 = arith.constant 0 : i32
          %dma_wait3A_457 = arith.constant 0 : i32
          %dma_wait3A_458 = arith.constant 0 : i32
          %dma_wait3A_459 = tpu.memref_slice %arg10[%rem3A_388, %dma_wait3A_457, %dma_wait3A_458] : memref<3x128x128xf32, #tpu.memory_space<vmem>> -> memref<1x128x128xf32, #tpu.memory_space<vmem>>
          %dma_wait3A_460 = tpu.memref_squeeze %dma_wait3A_459 : memref<1x128x128xf32, #tpu.memory_space<vmem>> -> memref<128x128xf32, #tpu.memory_space<vmem>>
          %dma_wait3A_461 = arith.constant 0 : i32
          %dma_wait3A_462 = tpu.memref_slice %arg11[%dma_wait3A_456, %dma_wait3A_461] : memref<8x128xi32, #tpu.memory_space<vmem>> -> memref<1x128xi32, #tpu.memory_space<vmem>>
          %dma_wait3A_463 = tpu.memref_squeeze %dma_wait3A_462 : memref<1x128xi32, #tpu.memory_space<vmem>> -> memref<128xi32, #tpu.memory_space<vmem>>
          %dma_wait3A_464 = arith.constant 0 : i32
          %dma_wait3A_465 = arith.constant 0 : i32
          %dma_wait3A_466 = tpu.memref_slice %arg9[%dma_wait3A_464, %dma_wait3A_465] : memref<10000x128xf32, #tpu.memory_space<vmem_shared>> -> memref<10000x128xf32, #tpu.memory_space<vmem_shared>>
          %dma_wait3A_467 = tpu.memref_slice %arg13[%rem3A_388] : memref<3x!tpu.dma_semaphore, #tpu.memory_space<semaphore_mem>> -> memref<1x!tpu.dma_semaphore, #tpu.memory_space<semaphore_mem>>
          %dma_wait3A_468 = tpu.memref_squeeze %dma_wait3A_467 : memref<1x!tpu.dma_semaphore, #tpu.memory_space<semaphore_mem>> -> memref<!tpu.dma_semaphore, #tpu.memory_space<semaphore_mem>>
          tpu.wait_indirect_dma semaphore(%dma_wait3A_468 : memref<!tpu.dma_semaphore, #tpu.memory_space<semaphore_mem>>) src(%dma_wait3A_460 : memref<128x128xf32, #tpu.memory_space<vmem>>) dst(%dma_wait3A_466 : memref<10000x128xf32, #tpu.memory_space<vmem_shared>>)
        } else {
        }
        %add3A_439 = arith.addi %mul3A_9, %add3A_386 : i32
        %mul3A_440 = arith.constant 128 : i32
        %mul3A_441 = arith.muli %add3A_439, %mul3A_440 : i32
        %dma_start3A_442 = arith.constant 0 : i32
        %dma_start3A_443 = arith.constant 0 : i32
        %dma_start3A_444 = tpu.memref_slice %arg10[%rem3A_388, %dma_start3A_442, %dma_start3A_443] : memref<3x128x128xf32, #tpu.memory_space<vmem>> -> memref<1x128x128xf32, #tpu.memory_space<vmem>>
        %dma_start3A_445 = tpu.memref_squeeze %dma_start3A_444 : memref<1x128x128xf32, #tpu.memory_space<vmem>> -> memref<128x128xf32, #tpu.memory_space<vmem>>
        %dma_start3A_446 = arith.constant 0 : i32
        %dma_start3A_447 = tpu.memref_slice %arg2[%mul3A_441, %dma_start3A_446] : memref<320000x128xf32, #tpu.memory_space<hbm>> -> memref<128x128xf32, #tpu.memory_space<hbm>>
        %dma_start3A_448 = tpu.memref_slice %arg12[%rem3A_388] : memref<3x!tpu.dma_semaphore, #tpu.memory_space<semaphore_mem>> -> memref<1x!tpu.dma_semaphore, #tpu.memory_space<semaphore_mem>>
        %dma_start3A_449 = tpu.memref_squeeze %dma_start3A_448 : memref<1x!tpu.dma_semaphore, #tpu.memory_space<semaphore_mem>> -> memref<!tpu.dma_semaphore, #tpu.memory_space<semaphore_mem>>
        %dma_start3A_450 = arith.constant 0 : i32
        %dma_start3A_451 = arith.constant 0 : i32
        %dma_start3A_452 = tpu.memref_slice %arg10[%rem3A_388, %dma_start3A_450, %dma_start3A_451] : memref<3x128x128xf32, #tpu.memory_space<vmem>> -> memref<1x128x128xf32, #tpu.memory_space<vmem>>
        %dma_start3A_453 = tpu.memref_squeeze %dma_start3A_452 : memref<1x128x128xf32, #tpu.memory_space<vmem>> -> memref<128x128xf32, #tpu.memory_space<vmem>>
        %dma_start3A_454 = arith.constant 0 : i32
        %dma_start3A_455 = tpu.memref_slice %arg2[%mul3A_441, %dma_start3A_454] : memref<320000x128xf32, #tpu.memory_space<hbm>> -> memref<128x128xf32, #tpu.memory_space<hbm>>
        tpu.enqueue_dma source(%dma_start3A_455 : memref<128x128xf32, #tpu.memory_space<hbm>>) target(%dma_start3A_453 : memref<128x128xf32, #tpu.memory_space<vmem>>) target_semaphore(%dma_start3A_449 : memref<!tpu.dma_semaphore, #tpu.memory_space<semaphore_mem>>)
      } else {
      }
      %rem3A_393 = arith.constant 3 : i32
      %rem3A_394 = arith.remsi %add3A_384, %rem3A_393 : i32
      %lt3A_395 = arith.cmpi slt, %add3A_384, %add3A_18 : i32
      %convert_element_type3A_396 = arith.extui %lt3A_395 : i1 to i32
      %cond3A_397 = arith.constant 0 : i32
      %cond3A_398 = arith.cmpi ne, %convert_element_type3A_396, %cond3A_397 : i32
      scf.if %cond3A_398 {
        %dma_wait3A_435 = arith.constant 0 : i32
        %dma_wait3A_436 = arith.constant 0 : i32
        %dma_wait3A_437 = tpu.memref_slice %arg10[%rem3A_394, %dma_wait3A_435, %dma_wait3A_436] : memref<3x128x128xf32, #tpu.memory_space<vmem>> -> memref<1x128x128xf32, #tpu.memory_space<vmem>>
        %dma_wait3A_438 = tpu.memref_squeeze %dma_wait3A_437 : memref<1x128x128xf32, #tpu.memory_space<vmem>> -> memref<128x128xf32, #tpu.memory_space<vmem>>
        %dma_wait3A_439 = arith.constant 0 : i32
        %dma_wait3A_440 = arith.constant 0 : i32
        %dma_wait3A_441 = tpu.memref_slice %arg2[%dma_wait3A_439, %dma_wait3A_440] : memref<320000x128xf32, #tpu.memory_space<hbm>> -> memref<128x128xf32, #tpu.memory_space<hbm>>
        %dma_wait3A_442 = tpu.memref_slice %arg12[%rem3A_394] : memref<3x!tpu.dma_semaphore, #tpu.memory_space<semaphore_mem>> -> memref<1x!tpu.dma_semaphore, #tpu.memory_space<semaphore_mem>>
        %dma_wait3A_443 = tpu.memref_squeeze %dma_wait3A_442 : memref<1x!tpu.dma_semaphore, #tpu.memory_space<semaphore_mem>> -> memref<!tpu.dma_semaphore, #tpu.memory_space<semaphore_mem>>
        %dma_wait3A_444 = arith.constant 0 : i32
        %dma_wait3A_445 = arith.constant 0 : i32
        %dma_wait3A_446 = tpu.memref_slice %arg10[%rem3A_394, %dma_wait3A_444, %dma_wait3A_445] : memref<3x128x128xf32, #tpu.memory_space<vmem>> -> memref<1x128x128xf32, #tpu.memory_space<vmem>>
        %dma_wait3A_447 = tpu.memref_squeeze %dma_wait3A_446 : memref<1x128x128xf32, #tpu.memory_space<vmem>> -> memref<128x128xf32, #tpu.memory_space<vmem>>
        %dma_wait3A_448 = arith.constant 0 : i32
        %dma_wait3A_449 = arith.constant 0 : i32
        %dma_wait3A_450 = tpu.memref_slice %arg2[%dma_wait3A_448, %dma_wait3A_449] : memref<320000x128xf32, #tpu.memory_space<hbm>> -> memref<128x128xf32, #tpu.memory_space<hbm>>
        tpu.wait_dma2 semaphore(%dma_wait3A_443 : memref<!tpu.dma_semaphore, #tpu.memory_space<semaphore_mem>>) src(%dma_wait3A_450 : memref<128x128xf32, #tpu.memory_space<hbm>>) dst(%dma_wait3A_447 : memref<128x128xf32, #tpu.memory_space<vmem>>)
        %dma_start3A_451 = arith.constant 5 : i32
        %dma_start3A_452 = arith.constant 0 : i32
        %dma_start3A_453 = arith.constant 0 : i32
        %dma_start3A_454 = tpu.memref_slice %arg10[%rem3A_394, %dma_start3A_452, %dma_start3A_453] : memref<3x128x128xf32, #tpu.memory_space<vmem>> -> memref<1x128x128xf32, #tpu.memory_space<vmem>>
        %dma_start3A_455 = tpu.memref_squeeze %dma_start3A_454 : memref<1x128x128xf32, #tpu.memory_space<vmem>> -> memref<128x128xf32, #tpu.memory_space<vmem>>
        %dma_start3A_456 = arith.constant 0 : i32
        %dma_start3A_457 = tpu.memref_slice %arg11[%dma_start3A_451, %dma_start3A_456] : memref<8x128xi32, #tpu.memory_space<vmem>> -> memref<1x128xi32, #tpu.memory_space<vmem>>
        %dma_start3A_458 = tpu.memref_squeeze %dma_start3A_457 : memref<1x128xi32, #tpu.memory_space<vmem>> -> memref<128xi32, #tpu.memory_space<vmem>>
        %dma_start3A_459 = arith.constant 0 : i32
        %dma_start3A_460 = arith.constant 0 : i32
        %dma_start3A_461 = tpu.memref_slice %arg9[%dma_start3A_459, %dma_start3A_460] : memref<10000x128xf32, #tpu.memory_space<vmem_shared>> -> memref<10000x128xf32, #tpu.memory_space<vmem_shared>>
        %dma_start3A_462 = tpu.memref_slice %arg13[%rem3A_394] : memref<3x!tpu.dma_semaphore, #tpu.memory_space<semaphore_mem>> -> memref<1x!tpu.dma_semaphore, #tpu.memory_space<semaphore_mem>>
        %dma_start3A_463 = tpu.memref_squeeze %dma_start3A_462 : memref<1x!tpu.dma_semaphore, #tpu.memory_space<semaphore_mem>> -> memref<!tpu.dma_semaphore, #tpu.memory_space<semaphore_mem>>
        tpu.enqueue_indirect_dma source(%dma_start3A_455 : memref<128x128xf32, #tpu.memory_space<vmem>>) target(%dma_start3A_461 : memref<10000x128xf32, #tpu.memory_space<vmem_shared>>) offsets(%dma_start3A_458 : memref<128xi32, #tpu.memory_space<vmem>>) semaphore(%dma_start3A_463 : memref<!tpu.dma_semaphore, #tpu.memory_space<semaphore_mem>>) {add = true}
      } else {
      }
      %mul3A_399 = arith.constant 8 : i32
      %mul3A_400 = arith.muli %while3A_287, %mul3A_399 : i32
      %add3A_401 = arith.constant 6 : i32
      %add3A_402 = arith.addi %mul3A_400, %add3A_401 : i32
      %add3A_403 = arith.constant 2 : i32
      %add3A_404 = arith.addi %add3A_402, %add3A_403 : i32
      %rem3A_405 = arith.constant 3 : i32
      %rem3A_406 = arith.remsi %add3A_404, %rem3A_405 : i32
      %lt3A_407 = arith.cmpi slt, %add3A_404, %add3A_18 : i32
      %convert_element_type3A_408 = arith.extui %lt3A_407 : i1 to i32
      %cond3A_409 = arith.constant 0 : i32
      %cond3A_410 = arith.cmpi ne, %convert_element_type3A_408, %cond3A_409 : i32
      scf.if %cond3A_410 {
        %ge3A = arith.constant 3 : i32
        %ge3A_435 = arith.cmpi sge, %add3A_404, %ge3A : i32
        %convert_element_type3A_436 = arith.extui %ge3A_435 : i1 to i32
        %cond3A_437 = arith.constant 0 : i32
        %cond3A_438 = arith.cmpi ne, %convert_element_type3A_436, %cond3A_437 : i32
        scf.if %cond3A_438 {
          %dma_wait3A_456 = arith.constant 0 : i32
          %dma_wait3A_457 = arith.constant 0 : i32
          %dma_wait3A_458 = arith.constant 0 : i32
          %dma_wait3A_459 = tpu.memref_slice %arg10[%rem3A_406, %dma_wait3A_457, %dma_wait3A_458] : memref<3x128x128xf32, #tpu.memory_space<vmem>> -> memref<1x128x128xf32, #tpu.memory_space<vmem>>
          %dma_wait3A_460 = tpu.memref_squeeze %dma_wait3A_459 : memref<1x128x128xf32, #tpu.memory_space<vmem>> -> memref<128x128xf32, #tpu.memory_space<vmem>>
          %dma_wait3A_461 = arith.constant 0 : i32
          %dma_wait3A_462 = tpu.memref_slice %arg11[%dma_wait3A_456, %dma_wait3A_461] : memref<8x128xi32, #tpu.memory_space<vmem>> -> memref<1x128xi32, #tpu.memory_space<vmem>>
          %dma_wait3A_463 = tpu.memref_squeeze %dma_wait3A_462 : memref<1x128xi32, #tpu.memory_space<vmem>> -> memref<128xi32, #tpu.memory_space<vmem>>
          %dma_wait3A_464 = arith.constant 0 : i32
          %dma_wait3A_465 = arith.constant 0 : i32
          %dma_wait3A_466 = tpu.memref_slice %arg9[%dma_wait3A_464, %dma_wait3A_465] : memref<10000x128xf32, #tpu.memory_space<vmem_shared>> -> memref<10000x128xf32, #tpu.memory_space<vmem_shared>>
          %dma_wait3A_467 = tpu.memref_slice %arg13[%rem3A_406] : memref<3x!tpu.dma_semaphore, #tpu.memory_space<semaphore_mem>> -> memref<1x!tpu.dma_semaphore, #tpu.memory_space<semaphore_mem>>
          %dma_wait3A_468 = tpu.memref_squeeze %dma_wait3A_467 : memref<1x!tpu.dma_semaphore, #tpu.memory_space<semaphore_mem>> -> memref<!tpu.dma_semaphore, #tpu.memory_space<semaphore_mem>>
          tpu.wait_indirect_dma semaphore(%dma_wait3A_468 : memref<!tpu.dma_semaphore, #tpu.memory_space<semaphore_mem>>) src(%dma_wait3A_460 : memref<128x128xf32, #tpu.memory_space<vmem>>) dst(%dma_wait3A_466 : memref<10000x128xf32, #tpu.memory_space<vmem_shared>>)
        } else {
        }
        %add3A_439 = arith.addi %mul3A_9, %add3A_404 : i32
        %mul3A_440 = arith.constant 128 : i32
        %mul3A_441 = arith.muli %add3A_439, %mul3A_440 : i32
        %dma_start3A_442 = arith.constant 0 : i32
        %dma_start3A_443 = arith.constant 0 : i32
        %dma_start3A_444 = tpu.memref_slice %arg10[%rem3A_406, %dma_start3A_442, %dma_start3A_443] : memref<3x128x128xf32, #tpu.memory_space<vmem>> -> memref<1x128x128xf32, #tpu.memory_space<vmem>>
        %dma_start3A_445 = tpu.memref_squeeze %dma_start3A_444 : memref<1x128x128xf32, #tpu.memory_space<vmem>> -> memref<128x128xf32, #tpu.memory_space<vmem>>
        %dma_start3A_446 = arith.constant 0 : i32
        %dma_start3A_447 = tpu.memref_slice %arg2[%mul3A_441, %dma_start3A_446] : memref<320000x128xf32, #tpu.memory_space<hbm>> -> memref<128x128xf32, #tpu.memory_space<hbm>>
        %dma_start3A_448 = tpu.memref_slice %arg12[%rem3A_406] : memref<3x!tpu.dma_semaphore, #tpu.memory_space<semaphore_mem>> -> memref<1x!tpu.dma_semaphore, #tpu.memory_space<semaphore_mem>>
        %dma_start3A_449 = tpu.memref_squeeze %dma_start3A_448 : memref<1x!tpu.dma_semaphore, #tpu.memory_space<semaphore_mem>> -> memref<!tpu.dma_semaphore, #tpu.memory_space<semaphore_mem>>
        %dma_start3A_450 = arith.constant 0 : i32
        %dma_start3A_451 = arith.constant 0 : i32
        %dma_start3A_452 = tpu.memref_slice %arg10[%rem3A_406, %dma_start3A_450, %dma_start3A_451] : memref<3x128x128xf32, #tpu.memory_space<vmem>> -> memref<1x128x128xf32, #tpu.memory_space<vmem>>
        %dma_start3A_453 = tpu.memref_squeeze %dma_start3A_452 : memref<1x128x128xf32, #tpu.memory_space<vmem>> -> memref<128x128xf32, #tpu.memory_space<vmem>>
        %dma_start3A_454 = arith.constant 0 : i32
        %dma_start3A_455 = tpu.memref_slice %arg2[%mul3A_441, %dma_start3A_454] : memref<320000x128xf32, #tpu.memory_space<hbm>> -> memref<128x128xf32, #tpu.memory_space<hbm>>
        tpu.enqueue_dma source(%dma_start3A_455 : memref<128x128xf32, #tpu.memory_space<hbm>>) target(%dma_start3A_453 : memref<128x128xf32, #tpu.memory_space<vmem>>) target_semaphore(%dma_start3A_449 : memref<!tpu.dma_semaphore, #tpu.memory_space<semaphore_mem>>)
      } else {
      }
      %rem3A_411 = arith.constant 3 : i32
      %rem3A_412 = arith.remsi %add3A_402, %rem3A_411 : i32
      %lt3A_413 = arith.cmpi slt, %add3A_402, %add3A_18 : i32
      %convert_element_type3A_414 = arith.extui %lt3A_413 : i1 to i32
      %cond3A_415 = arith.constant 0 : i32
      %cond3A_416 = arith.cmpi ne, %convert_element_type3A_414, %cond3A_415 : i32
      scf.if %cond3A_416 {
        %dma_wait3A_435 = arith.constant 0 : i32
        %dma_wait3A_436 = arith.constant 0 : i32
        %dma_wait3A_437 = tpu.memref_slice %arg10[%rem3A_412, %dma_wait3A_435, %dma_wait3A_436] : memref<3x128x128xf32, #tpu.memory_space<vmem>> -> memref<1x128x128xf32, #tpu.memory_space<vmem>>
        %dma_wait3A_438 = tpu.memref_squeeze %dma_wait3A_437 : memref<1x128x128xf32, #tpu.memory_space<vmem>> -> memref<128x128xf32, #tpu.memory_space<vmem>>
        %dma_wait3A_439 = arith.constant 0 : i32
        %dma_wait3A_440 = arith.constant 0 : i32
        %dma_wait3A_441 = tpu.memref_slice %arg2[%dma_wait3A_439, %dma_wait3A_440] : memref<320000x128xf32, #tpu.memory_space<hbm>> -> memref<128x128xf32, #tpu.memory_space<hbm>>
        %dma_wait3A_442 = tpu.memref_slice %arg12[%rem3A_412] : memref<3x!tpu.dma_semaphore, #tpu.memory_space<semaphore_mem>> -> memref<1x!tpu.dma_semaphore, #tpu.memory_space<semaphore_mem>>
        %dma_wait3A_443 = tpu.memref_squeeze %dma_wait3A_442 : memref<1x!tpu.dma_semaphore, #tpu.memory_space<semaphore_mem>> -> memref<!tpu.dma_semaphore, #tpu.memory_space<semaphore_mem>>
        %dma_wait3A_444 = arith.constant 0 : i32
        %dma_wait3A_445 = arith.constant 0 : i32
        %dma_wait3A_446 = tpu.memref_slice %arg10[%rem3A_412, %dma_wait3A_444, %dma_wait3A_445] : memref<3x128x128xf32, #tpu.memory_space<vmem>> -> memref<1x128x128xf32, #tpu.memory_space<vmem>>
        %dma_wait3A_447 = tpu.memref_squeeze %dma_wait3A_446 : memref<1x128x128xf32, #tpu.memory_space<vmem>> -> memref<128x128xf32, #tpu.memory_space<vmem>>
        %dma_wait3A_448 = arith.constant 0 : i32
        %dma_wait3A_449 = arith.constant 0 : i32
        %dma_wait3A_450 = tpu.memref_slice %arg2[%dma_wait3A_448, %dma_wait3A_449] : memref<320000x128xf32, #tpu.memory_space<hbm>> -> memref<128x128xf32, #tpu.memory_space<hbm>>
        tpu.wait_dma2 semaphore(%dma_wait3A_443 : memref<!tpu.dma_semaphore, #tpu.memory_space<semaphore_mem>>) src(%dma_wait3A_450 : memref<128x128xf32, #tpu.memory_space<hbm>>) dst(%dma_wait3A_447 : memref<128x128xf32, #tpu.memory_space<vmem>>)
        %dma_start3A_451 = arith.constant 6 : i32
        %dma_start3A_452 = arith.constant 0 : i32
        %dma_start3A_453 = arith.constant 0 : i32
        %dma_start3A_454 = tpu.memref_slice %arg10[%rem3A_412, %dma_start3A_452, %dma_start3A_453] : memref<3x128x128xf32, #tpu.memory_space<vmem>> -> memref<1x128x128xf32, #tpu.memory_space<vmem>>
        %dma_start3A_455 = tpu.memref_squeeze %dma_start3A_454 : memref<1x128x128xf32, #tpu.memory_space<vmem>> -> memref<128x128xf32, #tpu.memory_space<vmem>>
        %dma_start3A_456 = arith.constant 0 : i32
        %dma_start3A_457 = tpu.memref_slice %arg11[%dma_start3A_451, %dma_start3A_456] : memref<8x128xi32, #tpu.memory_space<vmem>> -> memref<1x128xi32, #tpu.memory_space<vmem>>
        %dma_start3A_458 = tpu.memref_squeeze %dma_start3A_457 : memref<1x128xi32, #tpu.memory_space<vmem>> -> memref<128xi32, #tpu.memory_space<vmem>>
        %dma_start3A_459 = arith.constant 0 : i32
        %dma_start3A_460 = arith.constant 0 : i32
        %dma_start3A_461 = tpu.memref_slice %arg9[%dma_start3A_459, %dma_start3A_460] : memref<10000x128xf32, #tpu.memory_space<vmem_shared>> -> memref<10000x128xf32, #tpu.memory_space<vmem_shared>>
        %dma_start3A_462 = tpu.memref_slice %arg13[%rem3A_412] : memref<3x!tpu.dma_semaphore, #tpu.memory_space<semaphore_mem>> -> memref<1x!tpu.dma_semaphore, #tpu.memory_space<semaphore_mem>>
        %dma_start3A_463 = tpu.memref_squeeze %dma_start3A_462 : memref<1x!tpu.dma_semaphore, #tpu.memory_space<semaphore_mem>> -> memref<!tpu.dma_semaphore, #tpu.memory_space<semaphore_mem>>
        tpu.enqueue_indirect_dma source(%dma_start3A_455 : memref<128x128xf32, #tpu.memory_space<vmem>>) target(%dma_start3A_461 : memref<10000x128xf32, #tpu.memory_space<vmem_shared>>) offsets(%dma_start3A_458 : memref<128xi32, #tpu.memory_space<vmem>>) semaphore(%dma_start3A_463 : memref<!tpu.dma_semaphore, #tpu.memory_space<semaphore_mem>>) {add = true}
      } else {
      }
      %mul3A_417 = arith.constant 8 : i32
      %mul3A_418 = arith.muli %while3A_287, %mul3A_417 : i32
      %add3A_419 = arith.constant 7 : i32
      %add3A_420 = arith.addi %mul3A_418, %add3A_419 : i32
      %add3A_421 = arith.constant 2 : i32
      %add3A_422 = arith.addi %add3A_420, %add3A_421 : i32
      %rem3A_423 = arith.constant 3 : i32
      %rem3A_424 = arith.remsi %add3A_422, %rem3A_423 : i32
      %lt3A_425 = arith.cmpi slt, %add3A_422, %add3A_18 : i32
      %convert_element_type3A_426 = arith.extui %lt3A_425 : i1 to i32
      %cond3A_427 = arith.constant 0 : i32
      %cond3A_428 = arith.cmpi ne, %convert_element_type3A_426, %cond3A_427 : i32
      scf.if %cond3A_428 {
        %ge3A = arith.constant 3 : i32
        %ge3A_435 = arith.cmpi sge, %add3A_422, %ge3A : i32
        %convert_element_type3A_436 = arith.extui %ge3A_435 : i1 to i32
        %cond3A_437 = arith.constant 0 : i32
        %cond3A_438 = arith.cmpi ne, %convert_element_type3A_436, %cond3A_437 : i32
        scf.if %cond3A_438 {
          %dma_wait3A_456 = arith.constant 0 : i32
          %dma_wait3A_457 = arith.constant 0 : i32
          %dma_wait3A_458 = arith.constant 0 : i32
          %dma_wait3A_459 = tpu.memref_slice %arg10[%rem3A_424, %dma_wait3A_457, %dma_wait3A_458] : memref<3x128x128xf32, #tpu.memory_space<vmem>> -> memref<1x128x128xf32, #tpu.memory_space<vmem>>
          %dma_wait3A_460 = tpu.memref_squeeze %dma_wait3A_459 : memref<1x128x128xf32, #tpu.memory_space<vmem>> -> memref<128x128xf32, #tpu.memory_space<vmem>>
          %dma_wait3A_461 = arith.constant 0 : i32
          %dma_wait3A_462 = tpu.memref_slice %arg11[%dma_wait3A_456, %dma_wait3A_461] : memref<8x128xi32, #tpu.memory_space<vmem>> -> memref<1x128xi32, #tpu.memory_space<vmem>>
          %dma_wait3A_463 = tpu.memref_squeeze %dma_wait3A_462 : memref<1x128xi32, #tpu.memory_space<vmem>> -> memref<128xi32, #tpu.memory_space<vmem>>
          %dma_wait3A_464 = arith.constant 0 : i32
          %dma_wait3A_465 = arith.constant 0 : i32
          %dma_wait3A_466 = tpu.memref_slice %arg9[%dma_wait3A_464, %dma_wait3A_465] : memref<10000x128xf32, #tpu.memory_space<vmem_shared>> -> memref<10000x128xf32, #tpu.memory_space<vmem_shared>>
          %dma_wait3A_467 = tpu.memref_slice %arg13[%rem3A_424] : memref<3x!tpu.dma_semaphore, #tpu.memory_space<semaphore_mem>> -> memref<1x!tpu.dma_semaphore, #tpu.memory_space<semaphore_mem>>
          %dma_wait3A_468 = tpu.memref_squeeze %dma_wait3A_467 : memref<1x!tpu.dma_semaphore, #tpu.memory_space<semaphore_mem>> -> memref<!tpu.dma_semaphore, #tpu.memory_space<semaphore_mem>>
          tpu.wait_indirect_dma semaphore(%dma_wait3A_468 : memref<!tpu.dma_semaphore, #tpu.memory_space<semaphore_mem>>) src(%dma_wait3A_460 : memref<128x128xf32, #tpu.memory_space<vmem>>) dst(%dma_wait3A_466 : memref<10000x128xf32, #tpu.memory_space<vmem_shared>>)
        } else {
        }
        %add3A_439 = arith.addi %mul3A_9, %add3A_422 : i32
        %mul3A_440 = arith.constant 128 : i32
        %mul3A_441 = arith.muli %add3A_439, %mul3A_440 : i32
        %dma_start3A_442 = arith.constant 0 : i32
        %dma_start3A_443 = arith.constant 0 : i32
        %dma_start3A_444 = tpu.memref_slice %arg10[%rem3A_424, %dma_start3A_442, %dma_start3A_443] : memref<3x128x128xf32, #tpu.memory_space<vmem>> -> memref<1x128x128xf32, #tpu.memory_space<vmem>>
        %dma_start3A_445 = tpu.memref_squeeze %dma_start3A_444 : memref<1x128x128xf32, #tpu.memory_space<vmem>> -> memref<128x128xf32, #tpu.memory_space<vmem>>
        %dma_start3A_446 = arith.constant 0 : i32
        %dma_start3A_447 = tpu.memref_slice %arg2[%mul3A_441, %dma_start3A_446] : memref<320000x128xf32, #tpu.memory_space<hbm>> -> memref<128x128xf32, #tpu.memory_space<hbm>>
        %dma_start3A_448 = tpu.memref_slice %arg12[%rem3A_424] : memref<3x!tpu.dma_semaphore, #tpu.memory_space<semaphore_mem>> -> memref<1x!tpu.dma_semaphore, #tpu.memory_space<semaphore_mem>>
        %dma_start3A_449 = tpu.memref_squeeze %dma_start3A_448 : memref<1x!tpu.dma_semaphore, #tpu.memory_space<semaphore_mem>> -> memref<!tpu.dma_semaphore, #tpu.memory_space<semaphore_mem>>
        %dma_start3A_450 = arith.constant 0 : i32
        %dma_start3A_451 = arith.constant 0 : i32
        %dma_start3A_452 = tpu.memref_slice %arg10[%rem3A_424, %dma_start3A_450, %dma_start3A_451] : memref<3x128x128xf32, #tpu.memory_space<vmem>> -> memref<1x128x128xf32, #tpu.memory_space<vmem>>
        %dma_start3A_453 = tpu.memref_squeeze %dma_start3A_452 : memref<1x128x128xf32, #tpu.memory_space<vmem>> -> memref<128x128xf32, #tpu.memory_space<vmem>>
        %dma_start3A_454 = arith.constant 0 : i32
        %dma_start3A_455 = tpu.memref_slice %arg2[%mul3A_441, %dma_start3A_454] : memref<320000x128xf32, #tpu.memory_space<hbm>> -> memref<128x128xf32, #tpu.memory_space<hbm>>
        tpu.enqueue_dma source(%dma_start3A_455 : memref<128x128xf32, #tpu.memory_space<hbm>>) target(%dma_start3A_453 : memref<128x128xf32, #tpu.memory_space<vmem>>) target_semaphore(%dma_start3A_449 : memref<!tpu.dma_semaphore, #tpu.memory_space<semaphore_mem>>)
      } else {
      }
      %rem3A_429 = arith.constant 3 : i32
      %rem3A_430 = arith.remsi %add3A_420, %rem3A_429 : i32
      %lt3A_431 = arith.cmpi slt, %add3A_420, %add3A_18 : i32
      %convert_element_type3A_432 = arith.extui %lt3A_431 : i1 to i32
      %cond3A_433 = arith.constant 0 : i32
      %cond3A_434 = arith.cmpi ne, %convert_element_type3A_432, %cond3A_433 : i32
      scf.if %cond3A_434 {
        %dma_wait3A_435 = arith.constant 0 : i32
        %dma_wait3A_436 = arith.constant 0 : i32
        %dma_wait3A_437 = tpu.memref_slice %arg10[%rem3A_430, %dma_wait3A_435, %dma_wait3A_436] : memref<3x128x128xf32, #tpu.memory_space<vmem>> -> memref<1x128x128xf32, #tpu.memory_space<vmem>>
        %dma_wait3A_438 = tpu.memref_squeeze %dma_wait3A_437 : memref<1x128x128xf32, #tpu.memory_space<vmem>> -> memref<128x128xf32, #tpu.memory_space<vmem>>
        %dma_wait3A_439 = arith.constant 0 : i32
        %dma_wait3A_440 = arith.constant 0 : i32
        %dma_wait3A_441 = tpu.memref_slice %arg2[%dma_wait3A_439, %dma_wait3A_440] : memref<320000x128xf32, #tpu.memory_space<hbm>> -> memref<128x128xf32, #tpu.memory_space<hbm>>
        %dma_wait3A_442 = tpu.memref_slice %arg12[%rem3A_430] : memref<3x!tpu.dma_semaphore, #tpu.memory_space<semaphore_mem>> -> memref<1x!tpu.dma_semaphore, #tpu.memory_space<semaphore_mem>>
        %dma_wait3A_443 = tpu.memref_squeeze %dma_wait3A_442 : memref<1x!tpu.dma_semaphore, #tpu.memory_space<semaphore_mem>> -> memref<!tpu.dma_semaphore, #tpu.memory_space<semaphore_mem>>
        %dma_wait3A_444 = arith.constant 0 : i32
        %dma_wait3A_445 = arith.constant 0 : i32
        %dma_wait3A_446 = tpu.memref_slice %arg10[%rem3A_430, %dma_wait3A_444, %dma_wait3A_445] : memref<3x128x128xf32, #tpu.memory_space<vmem>> -> memref<1x128x128xf32, #tpu.memory_space<vmem>>
        %dma_wait3A_447 = tpu.memref_squeeze %dma_wait3A_446 : memref<1x128x128xf32, #tpu.memory_space<vmem>> -> memref<128x128xf32, #tpu.memory_space<vmem>>
        %dma_wait3A_448 = arith.constant 0 : i32
        %dma_wait3A_449 = arith.constant 0 : i32
        %dma_wait3A_450 = tpu.memref_slice %arg2[%dma_wait3A_448, %dma_wait3A_449] : memref<320000x128xf32, #tpu.memory_space<hbm>> -> memref<128x128xf32, #tpu.memory_space<hbm>>
        tpu.wait_dma2 semaphore(%dma_wait3A_443 : memref<!tpu.dma_semaphore, #tpu.memory_space<semaphore_mem>>) src(%dma_wait3A_450 : memref<128x128xf32, #tpu.memory_space<hbm>>) dst(%dma_wait3A_447 : memref<128x128xf32, #tpu.memory_space<vmem>>)
        %dma_start3A_451 = arith.constant 7 : i32
        %dma_start3A_452 = arith.constant 0 : i32
        %dma_start3A_453 = arith.constant 0 : i32
        %dma_start3A_454 = tpu.memref_slice %arg10[%rem3A_430, %dma_start3A_452, %dma_start3A_453] : memref<3x128x128xf32, #tpu.memory_space<vmem>> -> memref<1x128x128xf32, #tpu.memory_space<vmem>>
        %dma_start3A_455 = tpu.memref_squeeze %dma_start3A_454 : memref<1x128x128xf32, #tpu.memory_space<vmem>> -> memref<128x128xf32, #tpu.memory_space<vmem>>
        %dma_start3A_456 = arith.constant 0 : i32
        %dma_start3A_457 = tpu.memref_slice %arg11[%dma_start3A_451, %dma_start3A_456] : memref<8x128xi32, #tpu.memory_space<vmem>> -> memref<1x128xi32, #tpu.memory_space<vmem>>
        %dma_start3A_458 = tpu.memref_squeeze %dma_start3A_457 : memref<1x128xi32, #tpu.memory_space<vmem>> -> memref<128xi32, #tpu.memory_space<vmem>>
        %dma_start3A_459 = arith.constant 0 : i32
        %dma_start3A_460 = arith.constant 0 : i32
        %dma_start3A_461 = tpu.memref_slice %arg9[%dma_start3A_459, %dma_start3A_460] : memref<10000x128xf32, #tpu.memory_space<vmem_shared>> -> memref<10000x128xf32, #tpu.memory_space<vmem_shared>>
        %dma_start3A_462 = tpu.memref_slice %arg13[%rem3A_430] : memref<3x!tpu.dma_semaphore, #tpu.memory_space<semaphore_mem>> -> memref<1x!tpu.dma_semaphore, #tpu.memory_space<semaphore_mem>>
        %dma_start3A_463 = tpu.memref_squeeze %dma_start3A_462 : memref<1x!tpu.dma_semaphore, #tpu.memory_space<semaphore_mem>> -> memref<!tpu.dma_semaphore, #tpu.memory_space<semaphore_mem>>
        tpu.enqueue_indirect_dma source(%dma_start3A_455 : memref<128x128xf32, #tpu.memory_space<vmem>>) target(%dma_start3A_461 : memref<10000x128xf32, #tpu.memory_space<vmem_shared>>) offsets(%dma_start3A_458 : memref<128xi32, #tpu.memory_space<vmem>>) semaphore(%dma_start3A_463 : memref<!tpu.dma_semaphore, #tpu.memory_space<semaphore_mem>>) {add = true}
      } else {
      }
    }
    %dma_wait3A = arith.constant 0 : i32
    %dma_wait3A_91 = arith.constant 0 : i32
    %dma_wait3A_92 = arith.constant 0 : i32
    %dma_wait3A_93 = arith.constant 0 : i32
    %dma_wait3A_94 = arith.constant 0 : i32
    %dma_wait3A_95 = tpu.memref_slice %arg10[%dma_wait3A, %dma_wait3A_93, %dma_wait3A_94] : memref<3x128x128xf32, #tpu.memory_space<vmem>> -> memref<1x128x128xf32, #tpu.memory_space<vmem>>
    %dma_wait3A_96 = tpu.memref_squeeze %dma_wait3A_95 : memref<1x128x128xf32, #tpu.memory_space<vmem>> -> memref<128x128xf32, #tpu.memory_space<vmem>>
    %dma_wait3A_97 = arith.constant 0 : i32
    %dma_wait3A_98 = tpu.memref_slice %arg11[%dma_wait3A_91, %dma_wait3A_97] : memref<8x128xi32, #tpu.memory_space<vmem>> -> memref<1x128xi32, #tpu.memory_space<vmem>>
    %dma_wait3A_99 = tpu.memref_squeeze %dma_wait3A_98 : memref<1x128xi32, #tpu.memory_space<vmem>> -> memref<128xi32, #tpu.memory_space<vmem>>
    %dma_wait3A_100 = arith.constant 0 : i32
    %dma_wait3A_101 = arith.constant 0 : i32
    %dma_wait3A_102 = tpu.memref_slice %arg9[%dma_wait3A_100, %dma_wait3A_101] : memref<10000x128xf32, #tpu.memory_space<vmem_shared>> -> memref<10000x128xf32, #tpu.memory_space<vmem_shared>>
    %dma_wait3A_103 = tpu.memref_slice %arg13[%dma_wait3A_92] : memref<3x!tpu.dma_semaphore, #tpu.memory_space<semaphore_mem>> -> memref<1x!tpu.dma_semaphore, #tpu.memory_space<semaphore_mem>>
    %dma_wait3A_104 = tpu.memref_squeeze %dma_wait3A_103 : memref<1x!tpu.dma_semaphore, #tpu.memory_space<semaphore_mem>> -> memref<!tpu.dma_semaphore, #tpu.memory_space<semaphore_mem>>
    tpu.wait_indirect_dma semaphore(%dma_wait3A_104 : memref<!tpu.dma_semaphore, #tpu.memory_space<semaphore_mem>>) src(%dma_wait3A_96 : memref<128x128xf32, #tpu.memory_space<vmem>>) dst(%dma_wait3A_102 : memref<10000x128xf32, #tpu.memory_space<vmem_shared>>)
    %dma_wait3A_105 = arith.constant 1 : i32
    %dma_wait3A_106 = arith.constant 0 : i32
    %dma_wait3A_107 = arith.constant 1 : i32
    %dma_wait3A_108 = arith.constant 0 : i32
    %dma_wait3A_109 = arith.constant 0 : i32
    %dma_wait3A_110 = tpu.memref_slice %arg10[%dma_wait3A_105, %dma_wait3A_108, %dma_wait3A_109] : memref<3x128x128xf32, #tpu.memory_space<vmem>> -> memref<1x128x128xf32, #tpu.memory_space<vmem>>
    %dma_wait3A_111 = tpu.memref_squeeze %dma_wait3A_110 : memref<1x128x128xf32, #tpu.memory_space<vmem>> -> memref<128x128xf32, #tpu.memory_space<vmem>>
    %dma_wait3A_112 = arith.constant 0 : i32
    %dma_wait3A_113 = tpu.memref_slice %arg11[%dma_wait3A_106, %dma_wait3A_112] : memref<8x128xi32, #tpu.memory_space<vmem>> -> memref<1x128xi32, #tpu.memory_space<vmem>>
    %dma_wait3A_114 = tpu.memref_squeeze %dma_wait3A_113 : memref<1x128xi32, #tpu.memory_space<vmem>> -> memref<128xi32, #tpu.memory_space<vmem>>
    %dma_wait3A_115 = arith.constant 0 : i32
    %dma_wait3A_116 = arith.constant 0 : i32
    %dma_wait3A_117 = tpu.memref_slice %arg9[%dma_wait3A_115, %dma_wait3A_116] : memref<10000x128xf32, #tpu.memory_space<vmem_shared>> -> memref<10000x128xf32, #tpu.memory_space<vmem_shared>>
    %dma_wait3A_118 = tpu.memref_slice %arg13[%dma_wait3A_107] : memref<3x!tpu.dma_semaphore, #tpu.memory_space<semaphore_mem>> -> memref<1x!tpu.dma_semaphore, #tpu.memory_space<semaphore_mem>>
    %dma_wait3A_119 = tpu.memref_squeeze %dma_wait3A_118 : memref<1x!tpu.dma_semaphore, #tpu.memory_space<semaphore_mem>> -> memref<!tpu.dma_semaphore, #tpu.memory_space<semaphore_mem>>
    tpu.wait_indirect_dma semaphore(%dma_wait3A_119 : memref<!tpu.dma_semaphore, #tpu.memory_space<semaphore_mem>>) src(%dma_wait3A_111 : memref<128x128xf32, #tpu.memory_space<vmem>>) dst(%dma_wait3A_117 : memref<10000x128xf32, #tpu.memory_space<vmem_shared>>)
    %dma_wait3A_120 = arith.constant 2 : i32
    %dma_wait3A_121 = arith.constant 0 : i32
    %dma_wait3A_122 = arith.constant 2 : i32
    %dma_wait3A_123 = arith.constant 0 : i32
    %dma_wait3A_124 = arith.constant 0 : i32
    %dma_wait3A_125 = tpu.memref_slice %arg10[%dma_wait3A_120, %dma_wait3A_123, %dma_wait3A_124] : memref<3x128x128xf32, #tpu.memory_space<vmem>> -> memref<1x128x128xf32, #tpu.memory_space<vmem>>
    %dma_wait3A_126 = tpu.memref_squeeze %dma_wait3A_125 : memref<1x128x128xf32, #tpu.memory_space<vmem>> -> memref<128x128xf32, #tpu.memory_space<vmem>>
    %dma_wait3A_127 = arith.constant 0 : i32
    %dma_wait3A_128 = tpu.memref_slice %arg11[%dma_wait3A_121, %dma_wait3A_127] : memref<8x128xi32, #tpu.memory_space<vmem>> -> memref<1x128xi32, #tpu.memory_space<vmem>>
    %dma_wait3A_129 = tpu.memref_squeeze %dma_wait3A_128 : memref<1x128xi32, #tpu.memory_space<vmem>> -> memref<128xi32, #tpu.memory_space<vmem>>
    %dma_wait3A_130 = arith.constant 0 : i32
    %dma_wait3A_131 = arith.constant 0 : i32
    %dma_wait3A_132 = tpu.memref_slice %arg9[%dma_wait3A_130, %dma_wait3A_131] : memref<10000x128xf32, #tpu.memory_space<vmem_shared>> -> memref<10000x128xf32, #tpu.memory_space<vmem_shared>>
    %dma_wait3A_133 = tpu.memref_slice %arg13[%dma_wait3A_122] : memref<3x!tpu.dma_semaphore, #tpu.memory_space<semaphore_mem>> -> memref<1x!tpu.dma_semaphore, #tpu.memory_space<semaphore_mem>>
    %dma_wait3A_134 = tpu.memref_squeeze %dma_wait3A_133 : memref<1x!tpu.dma_semaphore, #tpu.memory_space<semaphore_mem>> -> memref<!tpu.dma_semaphore, #tpu.memory_space<semaphore_mem>>
    tpu.wait_indirect_dma semaphore(%dma_wait3A_134 : memref<!tpu.dma_semaphore, #tpu.memory_space<semaphore_mem>>) src(%dma_wait3A_126 : memref<128x128xf32, #tpu.memory_space<vmem>>) dst(%dma_wait3A_132 : memref<10000x128xf32, #tpu.memory_space<vmem_shared>>)
    %barrier3A_135 = arith.constant 0 : index
    tpu.barrier barrier_id(%barrier3A_135)
    "tpu.region"() ({
      %run_scoped3A = tpu.sem_alloc : memref<!tpu.dma_semaphore, #tpu.memory_space<semaphore_mem>>
      %dma_start3A_287 = arith.constant 0 : i32
      %dma_start3A_288 = tpu.memref_slice %arg7[%arg0, %mul3A_2, %dma_start3A_287] : memref<2x10000x128xf32, #tpu.memory_space<hbm>> -> memref<1x624x128xf32, #tpu.memory_space<hbm>>
      %dma_start3A_289 = tpu.memref_squeeze %dma_start3A_288 : memref<1x624x128xf32, #tpu.memory_space<hbm>> -> memref<624x128xf32, #tpu.memory_space<hbm>>
      %dma_start3A_290 = arith.constant 0 : i32
      %dma_start3A_291 = tpu.memref_slice %arg9[%mul3A_2, %dma_start3A_290] : memref<10000x128xf32, #tpu.memory_space<vmem_shared>> -> memref<624x128xf32, #tpu.memory_space<vmem_shared>>
      tpu.enqueue_dma source(%dma_start3A_291 : memref<624x128xf32, #tpu.memory_space<vmem_shared>>) target(%dma_start3A_289 : memref<624x128xf32, #tpu.memory_space<hbm>>) target_semaphore(%run_scoped3A : memref<!tpu.dma_semaphore, #tpu.memory_space<semaphore_mem>>)
      %dma_wait3A_292 = arith.constant 0 : i32
      %dma_wait3A_293 = tpu.memref_slice %arg7[%arg0, %mul3A_2, %dma_wait3A_292] : memref<2x10000x128xf32, #tpu.memory_space<hbm>> -> memref<1x624x128xf32, #tpu.memory_space<hbm>>
      %dma_wait3A_294 = tpu.memref_squeeze %dma_wait3A_293 : memref<1x624x128xf32, #tpu.memory_space<hbm>> -> memref<624x128xf32, #tpu.memory_space<hbm>>
      %dma_wait3A_295 = arith.constant 0 : i32
      %dma_wait3A_296 = tpu.memref_slice %arg9[%mul3A_2, %dma_wait3A_295] : memref<10000x128xf32, #tpu.memory_space<vmem_shared>> -> memref<624x128xf32, #tpu.memory_space<vmem_shared>>
      tpu.wait_dma2 semaphore(%run_scoped3A : memref<!tpu.dma_semaphore, #tpu.memory_space<semaphore_mem>>) src(%dma_wait3A_296 : memref<624x128xf32, #tpu.memory_space<vmem_shared>>) dst(%dma_wait3A_294 : memref<624x128xf32, #tpu.memory_space<hbm>>)
      tpu.yield
    }) : () -> ()
    %convert_element_type3A_136 = arith.extui %eq3A_3 : i1 to i32
    %cond3A_137 = arith.constant 0 : i32
    %cond3A_138 = arith.cmpi ne, %convert_element_type3A_136, %cond3A_137 : i32
    scf.if %cond3A_138 {
      "tpu.region"() ({
        %run_scoped3A = tpu.sem_alloc : memref<!tpu.dma_semaphore, #tpu.memory_space<semaphore_mem>>
        %dma_start3A_287 = arith.constant 9984 : i32
        %dma_start3A_288 = arith.constant 0 : i32
        %dma_start3A_289 = tpu.memref_slice %arg7[%arg0, %dma_start3A_287, %dma_start3A_288] : memref<2x10000x128xf32, #tpu.memory_space<hbm>> -> memref<1x16x128xf32, #tpu.memory_space<hbm>>
        %dma_start3A_290 = tpu.memref_squeeze %dma_start3A_289 : memref<1x16x128xf32, #tpu.memory_space<hbm>> -> memref<16x128xf32, #tpu.memory_space<hbm>>
        %dma_start3A_291 = arith.constant 9984 : i32
        %dma_start3A_292 = arith.constant 0 : i32
        %dma_start3A_293 = tpu.memref_slice %arg9[%dma_start3A_291, %dma_start3A_292] : memref<10000x128xf32, #tpu.memory_space<vmem_shared>> -> memref<16x128xf32, #tpu.memory_space<vmem_shared>>
        tpu.enqueue_dma source(%dma_start3A_293 : memref<16x128xf32, #tpu.memory_space<vmem_shared>>) target(%dma_start3A_290 : memref<16x128xf32, #tpu.memory_space<hbm>>) target_semaphore(%run_scoped3A : memref<!tpu.dma_semaphore, #tpu.memory_space<semaphore_mem>>)
        %dma_wait3A_294 = arith.constant 9984 : i32
        %dma_wait3A_295 = arith.constant 0 : i32
        %dma_wait3A_296 = tpu.memref_slice %arg7[%arg0, %dma_wait3A_294, %dma_wait3A_295] : memref<2x10000x128xf32, #tpu.memory_space<hbm>> -> memref<1x16x128xf32, #tpu.memory_space<hbm>>
        %dma_wait3A_297 = tpu.memref_squeeze %dma_wait3A_296 : memref<1x16x128xf32, #tpu.memory_space<hbm>> -> memref<16x128xf32, #tpu.memory_space<hbm>>
        %dma_wait3A_298 = arith.constant 9984 : i32
        %dma_wait3A_299 = arith.constant 0 : i32
        %dma_wait3A_300 = tpu.memref_slice %arg9[%dma_wait3A_298, %dma_wait3A_299] : memref<10000x128xf32, #tpu.memory_space<vmem_shared>> -> memref<16x128xf32, #tpu.memory_space<vmem_shared>>
        tpu.wait_dma2 semaphore(%run_scoped3A : memref<!tpu.dma_semaphore, #tpu.memory_space<semaphore_mem>>) src(%dma_wait3A_300 : memref<16x128xf32, #tpu.memory_space<vmem_shared>>) dst(%dma_wait3A_297 : memref<16x128xf32, #tpu.memory_space<hbm>>)
        tpu.yield
      }) : () -> ()
    } else {
    }
    %mul3A_139 = arith.constant 4 : i32
    %mul3A_140 = arith.muli %add3A, %mul3A_139 : i32
    %min3A_141 = arith.constant 28 : i32
    %min3A_142 = arith.minsi %add3A, %min3A_141 : i32
    %add3A_143 = arith.addi %mul3A_140, %min3A_142 : i32
    %mul3A_144 = arith.constant 8 : i32
    %mul3A_145 = arith.muli %add3A_143, %mul3A_144 : i32
    %lt3A_146 = arith.constant 28 : i32
    %lt3A_147 = arith.cmpi slt, %add3A, %lt3A_146 : i32
    %convert_element_type3A_148 = arith.extui %lt3A_147 : i1 to i32
    %add3A_149 = arith.constant 4 : i32
    %add3A_150 = arith.addi %add3A_149, %convert_element_type3A_148 : i32
    %mul3A_151 = arith.constant 8 : i32
    %mul3A_152 = arith.muli %add3A_150, %mul3A_151 : i32
    %eq3A_153 = arith.constant 31 : i32
    %eq3A_154 = arith.cmpi eq, %add3A, %eq3A_153 : i32
    %jit3A_155 = arith.constant 2 : i32
    %jit3A_156 = arith.constant 0 : i32
    %select_n3A_157 = arith.select %eq3A_154, %jit3A_155, %jit3A_156 : i32
    %add3A_158 = arith.addi %mul3A_152, %select_n3A_157 : i32
    %add3A_159 = arith.constant 0 : i32
    %add3A_160 = arith.addi %mul3A_145, %add3A_159 : i32
    %mul3A_161 = arith.constant 128 : i32
    %mul3A_162 = arith.muli %add3A_160, %mul3A_161 : i32
    %dma_start3A_163 = arith.constant 0 : i32
    %dma_start3A_164 = arith.constant 0 : i32
    %dma_start3A_165 = arith.constant 0 : i32
    %dma_start3A_166 = arith.constant 0 : i32
    %dma_start3A_167 = tpu.memref_slice %arg10[%dma_start3A_163, %dma_start3A_165, %dma_start3A_166] : memref<3x128x128xf32, #tpu.memory_space<vmem>> -> memref<1x128x128xf32, #tpu.memory_space<vmem>>
    %dma_start3A_168 = tpu.memref_squeeze %dma_start3A_167 : memref<1x128x128xf32, #tpu.memory_space<vmem>> -> memref<128x128xf32, #tpu.memory_space<vmem>>
    %dma_start3A_169 = arith.constant 0 : i32
    %dma_start3A_170 = tpu.memref_slice %arg4[%mul3A_162, %dma_start3A_169] : memref<160000x128xf32, #tpu.memory_space<hbm>> -> memref<128x128xf32, #tpu.memory_space<hbm>>
    %dma_start3A_171 = tpu.memref_slice %arg12[%dma_start3A_164] : memref<3x!tpu.dma_semaphore, #tpu.memory_space<semaphore_mem>> -> memref<1x!tpu.dma_semaphore, #tpu.memory_space<semaphore_mem>>
    %dma_start3A_172 = tpu.memref_squeeze %dma_start3A_171 : memref<1x!tpu.dma_semaphore, #tpu.memory_space<semaphore_mem>> -> memref<!tpu.dma_semaphore, #tpu.memory_space<semaphore_mem>>
    %dma_start3A_173 = arith.constant 0 : i32
    %dma_start3A_174 = arith.constant 0 : i32
    %dma_start3A_175 = tpu.memref_slice %arg10[%dma_start3A_163, %dma_start3A_173, %dma_start3A_174] : memref<3x128x128xf32, #tpu.memory_space<vmem>> -> memref<1x128x128xf32, #tpu.memory_space<vmem>>
    %dma_start3A_176 = tpu.memref_squeeze %dma_start3A_175 : memref<1x128x128xf32, #tpu.memory_space<vmem>> -> memref<128x128xf32, #tpu.memory_space<vmem>>
    %dma_start3A_177 = arith.constant 0 : i32
    %dma_start3A_178 = tpu.memref_slice %arg4[%mul3A_162, %dma_start3A_177] : memref<160000x128xf32, #tpu.memory_space<hbm>> -> memref<128x128xf32, #tpu.memory_space<hbm>>
    tpu.enqueue_dma source(%dma_start3A_178 : memref<128x128xf32, #tpu.memory_space<hbm>>) target(%dma_start3A_176 : memref<128x128xf32, #tpu.memory_space<vmem>>) target_semaphore(%dma_start3A_172 : memref<!tpu.dma_semaphore, #tpu.memory_space<semaphore_mem>>)
    %add3A_179 = arith.constant 1 : i32
    %add3A_180 = arith.addi %mul3A_145, %add3A_179 : i32
    %mul3A_181 = arith.constant 128 : i32
    %mul3A_182 = arith.muli %add3A_180, %mul3A_181 : i32
    %dma_start3A_183 = arith.constant 1 : i32
    %dma_start3A_184 = arith.constant 1 : i32
    %dma_start3A_185 = arith.constant 0 : i32
    %dma_start3A_186 = arith.constant 0 : i32
    %dma_start3A_187 = tpu.memref_slice %arg10[%dma_start3A_183, %dma_start3A_185, %dma_start3A_186] : memref<3x128x128xf32, #tpu.memory_space<vmem>> -> memref<1x128x128xf32, #tpu.memory_space<vmem>>
    %dma_start3A_188 = tpu.memref_squeeze %dma_start3A_187 : memref<1x128x128xf32, #tpu.memory_space<vmem>> -> memref<128x128xf32, #tpu.memory_space<vmem>>
    %dma_start3A_189 = arith.constant 0 : i32
    %dma_start3A_190 = tpu.memref_slice %arg4[%mul3A_182, %dma_start3A_189] : memref<160000x128xf32, #tpu.memory_space<hbm>> -> memref<128x128xf32, #tpu.memory_space<hbm>>
    %dma_start3A_191 = tpu.memref_slice %arg12[%dma_start3A_184] : memref<3x!tpu.dma_semaphore, #tpu.memory_space<semaphore_mem>> -> memref<1x!tpu.dma_semaphore, #tpu.memory_space<semaphore_mem>>
    %dma_start3A_192 = tpu.memref_squeeze %dma_start3A_191 : memref<1x!tpu.dma_semaphore, #tpu.memory_space<semaphore_mem>> -> memref<!tpu.dma_semaphore, #tpu.memory_space<semaphore_mem>>
    %dma_start3A_193 = arith.constant 0 : i32
    %dma_start3A_194 = arith.constant 0 : i32
    %dma_start3A_195 = tpu.memref_slice %arg10[%dma_start3A_183, %dma_start3A_193, %dma_start3A_194] : memref<3x128x128xf32, #tpu.memory_space<vmem>> -> memref<1x128x128xf32, #tpu.memory_space<vmem>>
    %dma_start3A_196 = tpu.memref_squeeze %dma_start3A_195 : memref<1x128x128xf32, #tpu.memory_space<vmem>> -> memref<128x128xf32, #tpu.memory_space<vmem>>
    %dma_start3A_197 = arith.constant 0 : i32
    %dma_start3A_198 = tpu.memref_slice %arg4[%mul3A_182, %dma_start3A_197] : memref<160000x128xf32, #tpu.memory_space<hbm>> -> memref<128x128xf32, #tpu.memory_space<hbm>>
    tpu.enqueue_dma source(%dma_start3A_198 : memref<128x128xf32, #tpu.memory_space<hbm>>) target(%dma_start3A_196 : memref<128x128xf32, #tpu.memory_space<vmem>>) target_semaphore(%dma_start3A_192 : memref<!tpu.dma_semaphore, #tpu.memory_space<semaphore_mem>>)
    %barrier3A_199 = arith.constant 0 : index
    tpu.barrier barrier_id(%barrier3A_199)
    %add3A_200 = arith.constant 8 : i32
    %add3A_201 = arith.addi %add3A_158, %add3A_200 : i32
    %sub3A_202 = arith.constant 1 : i32
    %sub3A_203 = arith.subi %add3A_201, %sub3A_202 : i32
    %jit3A_204 = arith.constant 8 : i32
    %div3A_205 = arith.divsi %sub3A_203, %jit3A_204 : i32
    %sign3A_206 = arith.constant 0 : i32
    %sign3A_207 = arith.cmpi sgt, %sub3A_203, %sign3A_206 : i32
    %sign3A_208 = arith.extui %sign3A_207 : i1 to i32
    %sign3A_209 = arith.constant 0 : i32
    %sign3A_210 = arith.cmpi slt, %sub3A_203, %sign3A_209 : i32
    %sign3A_211 = arith.extui %sign3A_210 : i1 to i32
    %sign3A_212 = arith.subi %sign3A_208, %sign3A_211 : i32
    %sign3A_213 = arith.constant 0 : i32
    %sign3A_214 = arith.cmpi sgt, %jit3A_204, %sign3A_213 : i32
    %sign3A_215 = arith.extui %sign3A_214 : i1 to i32
    %sign3A_216 = arith.constant 0 : i32
    %sign3A_217 = arith.cmpi slt, %jit3A_204, %sign3A_216 : i32
    %sign3A_218 = arith.extui %sign3A_217 : i1 to i32
    %sign3A_219 = arith.subi %sign3A_215, %sign3A_218 : i32
    %ne3A_220 = arith.cmpi ne, %sign3A_212, %sign3A_219 : i32
    %rem3A_221 = arith.remsi %sub3A_203, %jit3A_204 : i32
    %ne3A_222 = arith.constant 0 : i32
    %ne3A_223 = arith.cmpi ne, %rem3A_221, %ne3A_222 : i32
    %and3A_224 = arith.andi %ne3A_220, %ne3A_223 : i1
    %sub3A_225 = arith.constant 1 : i32
    %sub3A_226 = arith.subi %div3A_205, %sub3A_225 : i32
    %select_n3A_227 = arith.select %and3A_224, %sub3A_226, %div3A_205 : i32
    %while3A_228 = arith.constant 0 : i32
    %while3A_229 = arith.constant 0 : i32
    %while3A_230 = arith.subi %select_n3A_227, %while3A_229 : i32
    %while3A_231 = arith.addi %while3A_229, %while3A_230 : i32
    %while3A_232 = arith.constant 1 : i32
    %while3A_233 = arith.divsi %while3A_230, %while3A_232 : i32
    %while3A_234 = arith.muli %while3A_233, %while3A_232 : i32
    %while3A_235 = arith.addi %while3A_229, %while3A_234 : i32
    %while3A_236 = arith.constant 1 : i32
    scf.for %while3A_287 = %while3A_229 to %while3A_235 step %while3A_236  : i32 {
      %mul3A_288 = arith.constant 8 : i32
      %mul3A_289 = arith.muli %while3A_287, %mul3A_288 : i32
      %add3A_290 = arith.addi %mul3A_145, %mul3A_289 : i32
      %run_scoped3A = arith.constant 1 : i32
      "tpu.region"() ({
        %run_scoped3A_435 = tpu.sem_alloc : memref<!tpu.dma_semaphore, #tpu.memory_space<semaphore_mem>>
        %dma_start3A_436 = arith.constant 0 : i32
        %dma_start3A_437 = tpu.memref_slice %arg5[%run_scoped3A, %add3A_290, %dma_start3A_436] : memref<2x1256x128xi32, #tpu.memory_space<hbm>> -> memref<1x8x128xi32, #tpu.memory_space<hbm>>
        %dma_start3A_438 = tpu.memref_squeeze %dma_start3A_437 : memref<1x8x128xi32, #tpu.memory_space<hbm>> -> memref<8x128xi32, #tpu.memory_space<hbm>>
        %dma_start3A_439 = arith.constant 0 : i32
        %dma_start3A_440 = tpu.memref_slice %arg5[%run_scoped3A, %add3A_290, %dma_start3A_439] : memref<2x1256x128xi32, #tpu.memory_space<hbm>> -> memref<1x8x128xi32, #tpu.memory_space<hbm>>
        %dma_start3A_441 = tpu.memref_squeeze %dma_start3A_440 : memref<1x8x128xi32, #tpu.memory_space<hbm>> -> memref<8x128xi32, #tpu.memory_space<hbm>>
        tpu.enqueue_dma source(%dma_start3A_441 : memref<8x128xi32, #tpu.memory_space<hbm>>) target(%arg11 : memref<8x128xi32, #tpu.memory_space<vmem>>) target_semaphore(%run_scoped3A_435 : memref<!tpu.dma_semaphore, #tpu.memory_space<semaphore_mem>>)
        %dma_wait3A_442 = arith.constant 0 : i32
        %dma_wait3A_443 = tpu.memref_slice %arg5[%run_scoped3A, %add3A_290, %dma_wait3A_442] : memref<2x1256x128xi32, #tpu.memory_space<hbm>> -> memref<1x8x128xi32, #tpu.memory_space<hbm>>
        %dma_wait3A_444 = tpu.memref_squeeze %dma_wait3A_443 : memref<1x8x128xi32, #tpu.memory_space<hbm>> -> memref<8x128xi32, #tpu.memory_space<hbm>>
        %dma_wait3A_445 = arith.constant 0 : i32
        %dma_wait3A_446 = tpu.memref_slice %arg5[%run_scoped3A, %add3A_290, %dma_wait3A_445] : memref<2x1256x128xi32, #tpu.memory_space<hbm>> -> memref<1x8x128xi32, #tpu.memory_space<hbm>>
        %dma_wait3A_447 = tpu.memref_squeeze %dma_wait3A_446 : memref<1x8x128xi32, #tpu.memory_space<hbm>> -> memref<8x128xi32, #tpu.memory_space<hbm>>
        tpu.wait_dma2 semaphore(%run_scoped3A_435 : memref<!tpu.dma_semaphore, #tpu.memory_space<semaphore_mem>>) src(%dma_wait3A_447 : memref<8x128xi32, #tpu.memory_space<hbm>>) dst(%arg11 : memref<8x128xi32, #tpu.memory_space<vmem>>)
        tpu.yield
      }) : () -> ()
      %mul3A_291 = arith.constant 8 : i32
      %mul3A_292 = arith.muli %while3A_287, %mul3A_291 : i32
      %add3A_293 = arith.constant 0 : i32
      %add3A_294 = arith.addi %mul3A_292, %add3A_293 : i32
      %add3A_295 = arith.constant 2 : i32
      %add3A_296 = arith.addi %add3A_294, %add3A_295 : i32
      %rem3A_297 = arith.constant 3 : i32
      %rem3A_298 = arith.remsi %add3A_296, %rem3A_297 : i32
      %lt3A_299 = arith.cmpi slt, %add3A_296, %add3A_158 : i32
      %convert_element_type3A_300 = arith.extui %lt3A_299 : i1 to i32
      %cond3A_301 = arith.constant 0 : i32
      %cond3A_302 = arith.cmpi ne, %convert_element_type3A_300, %cond3A_301 : i32
      scf.if %cond3A_302 {
        %ge3A = arith.constant 3 : i32
        %ge3A_435 = arith.cmpi sge, %add3A_296, %ge3A : i32
        %convert_element_type3A_436 = arith.extui %ge3A_435 : i1 to i32
        %cond3A_437 = arith.constant 0 : i32
        %cond3A_438 = arith.cmpi ne, %convert_element_type3A_436, %cond3A_437 : i32
        scf.if %cond3A_438 {
          %dma_wait3A_456 = arith.constant 0 : i32
          %dma_wait3A_457 = arith.constant 0 : i32
          %dma_wait3A_458 = arith.constant 0 : i32
          %dma_wait3A_459 = tpu.memref_slice %arg10[%rem3A_298, %dma_wait3A_457, %dma_wait3A_458] : memref<3x128x128xf32, #tpu.memory_space<vmem>> -> memref<1x128x128xf32, #tpu.memory_space<vmem>>
          %dma_wait3A_460 = tpu.memref_squeeze %dma_wait3A_459 : memref<1x128x128xf32, #tpu.memory_space<vmem>> -> memref<128x128xf32, #tpu.memory_space<vmem>>
          %dma_wait3A_461 = arith.constant 0 : i32
          %dma_wait3A_462 = tpu.memref_slice %arg11[%dma_wait3A_456, %dma_wait3A_461] : memref<8x128xi32, #tpu.memory_space<vmem>> -> memref<1x128xi32, #tpu.memory_space<vmem>>
          %dma_wait3A_463 = tpu.memref_squeeze %dma_wait3A_462 : memref<1x128xi32, #tpu.memory_space<vmem>> -> memref<128xi32, #tpu.memory_space<vmem>>
          %dma_wait3A_464 = arith.constant 0 : i32
          %dma_wait3A_465 = arith.constant 0 : i32
          %dma_wait3A_466 = tpu.memref_slice %arg9[%dma_wait3A_464, %dma_wait3A_465] : memref<10000x128xf32, #tpu.memory_space<vmem_shared>> -> memref<10000x128xf32, #tpu.memory_space<vmem_shared>>
          %dma_wait3A_467 = tpu.memref_slice %arg13[%rem3A_298] : memref<3x!tpu.dma_semaphore, #tpu.memory_space<semaphore_mem>> -> memref<1x!tpu.dma_semaphore, #tpu.memory_space<semaphore_mem>>
          %dma_wait3A_468 = tpu.memref_squeeze %dma_wait3A_467 : memref<1x!tpu.dma_semaphore, #tpu.memory_space<semaphore_mem>> -> memref<!tpu.dma_semaphore, #tpu.memory_space<semaphore_mem>>
          tpu.wait_indirect_dma semaphore(%dma_wait3A_468 : memref<!tpu.dma_semaphore, #tpu.memory_space<semaphore_mem>>) src(%dma_wait3A_460 : memref<128x128xf32, #tpu.memory_space<vmem>>) dst(%dma_wait3A_466 : memref<10000x128xf32, #tpu.memory_space<vmem_shared>>)
        } else {
        }
        %add3A_439 = arith.addi %mul3A_145, %add3A_296 : i32
        %mul3A_440 = arith.constant 128 : i32
        %mul3A_441 = arith.muli %add3A_439, %mul3A_440 : i32
        %dma_start3A_442 = arith.constant 0 : i32
        %dma_start3A_443 = arith.constant 0 : i32
        %dma_start3A_444 = tpu.memref_slice %arg10[%rem3A_298, %dma_start3A_442, %dma_start3A_443] : memref<3x128x128xf32, #tpu.memory_space<vmem>> -> memref<1x128x128xf32, #tpu.memory_space<vmem>>
        %dma_start3A_445 = tpu.memref_squeeze %dma_start3A_444 : memref<1x128x128xf32, #tpu.memory_space<vmem>> -> memref<128x128xf32, #tpu.memory_space<vmem>>
        %dma_start3A_446 = arith.constant 0 : i32
        %dma_start3A_447 = tpu.memref_slice %arg4[%mul3A_441, %dma_start3A_446] : memref<160000x128xf32, #tpu.memory_space<hbm>> -> memref<128x128xf32, #tpu.memory_space<hbm>>
        %dma_start3A_448 = tpu.memref_slice %arg12[%rem3A_298] : memref<3x!tpu.dma_semaphore, #tpu.memory_space<semaphore_mem>> -> memref<1x!tpu.dma_semaphore, #tpu.memory_space<semaphore_mem>>
        %dma_start3A_449 = tpu.memref_squeeze %dma_start3A_448 : memref<1x!tpu.dma_semaphore, #tpu.memory_space<semaphore_mem>> -> memref<!tpu.dma_semaphore, #tpu.memory_space<semaphore_mem>>
        %dma_start3A_450 = arith.constant 0 : i32
        %dma_start3A_451 = arith.constant 0 : i32
        %dma_start3A_452 = tpu.memref_slice %arg10[%rem3A_298, %dma_start3A_450, %dma_start3A_451] : memref<3x128x128xf32, #tpu.memory_space<vmem>> -> memref<1x128x128xf32, #tpu.memory_space<vmem>>
        %dma_start3A_453 = tpu.memref_squeeze %dma_start3A_452 : memref<1x128x128xf32, #tpu.memory_space<vmem>> -> memref<128x128xf32, #tpu.memory_space<vmem>>
        %dma_start3A_454 = arith.constant 0 : i32
        %dma_start3A_455 = tpu.memref_slice %arg4[%mul3A_441, %dma_start3A_454] : memref<160000x128xf32, #tpu.memory_space<hbm>> -> memref<128x128xf32, #tpu.memory_space<hbm>>
        tpu.enqueue_dma source(%dma_start3A_455 : memref<128x128xf32, #tpu.memory_space<hbm>>) target(%dma_start3A_453 : memref<128x128xf32, #tpu.memory_space<vmem>>) target_semaphore(%dma_start3A_449 : memref<!tpu.dma_semaphore, #tpu.memory_space<semaphore_mem>>)
      } else {
      }
      %rem3A_303 = arith.constant 3 : i32
      %rem3A_304 = arith.remsi %add3A_294, %rem3A_303 : i32
      %lt3A_305 = arith.cmpi slt, %add3A_294, %add3A_158 : i32
      %convert_element_type3A_306 = arith.extui %lt3A_305 : i1 to i32
      %cond3A_307 = arith.constant 0 : i32
      %cond3A_308 = arith.cmpi ne, %convert_element_type3A_306, %cond3A_307 : i32
      scf.if %cond3A_308 {
        %dma_wait3A_435 = arith.constant 0 : i32
        %dma_wait3A_436 = arith.constant 0 : i32
        %dma_wait3A_437 = tpu.memref_slice %arg10[%rem3A_304, %dma_wait3A_435, %dma_wait3A_436] : memref<3x128x128xf32, #tpu.memory_space<vmem>> -> memref<1x128x128xf32, #tpu.memory_space<vmem>>
        %dma_wait3A_438 = tpu.memref_squeeze %dma_wait3A_437 : memref<1x128x128xf32, #tpu.memory_space<vmem>> -> memref<128x128xf32, #tpu.memory_space<vmem>>
        %dma_wait3A_439 = arith.constant 0 : i32
        %dma_wait3A_440 = arith.constant 0 : i32
        %dma_wait3A_441 = tpu.memref_slice %arg4[%dma_wait3A_439, %dma_wait3A_440] : memref<160000x128xf32, #tpu.memory_space<hbm>> -> memref<128x128xf32, #tpu.memory_space<hbm>>
        %dma_wait3A_442 = tpu.memref_slice %arg12[%rem3A_304] : memref<3x!tpu.dma_semaphore, #tpu.memory_space<semaphore_mem>> -> memref<1x!tpu.dma_semaphore, #tpu.memory_space<semaphore_mem>>
        %dma_wait3A_443 = tpu.memref_squeeze %dma_wait3A_442 : memref<1x!tpu.dma_semaphore, #tpu.memory_space<semaphore_mem>> -> memref<!tpu.dma_semaphore, #tpu.memory_space<semaphore_mem>>
        %dma_wait3A_444 = arith.constant 0 : i32
        %dma_wait3A_445 = arith.constant 0 : i32
        %dma_wait3A_446 = tpu.memref_slice %arg10[%rem3A_304, %dma_wait3A_444, %dma_wait3A_445] : memref<3x128x128xf32, #tpu.memory_space<vmem>> -> memref<1x128x128xf32, #tpu.memory_space<vmem>>
        %dma_wait3A_447 = tpu.memref_squeeze %dma_wait3A_446 : memref<1x128x128xf32, #tpu.memory_space<vmem>> -> memref<128x128xf32, #tpu.memory_space<vmem>>
        %dma_wait3A_448 = arith.constant 0 : i32
        %dma_wait3A_449 = arith.constant 0 : i32
        %dma_wait3A_450 = tpu.memref_slice %arg4[%dma_wait3A_448, %dma_wait3A_449] : memref<160000x128xf32, #tpu.memory_space<hbm>> -> memref<128x128xf32, #tpu.memory_space<hbm>>
        tpu.wait_dma2 semaphore(%dma_wait3A_443 : memref<!tpu.dma_semaphore, #tpu.memory_space<semaphore_mem>>) src(%dma_wait3A_450 : memref<128x128xf32, #tpu.memory_space<hbm>>) dst(%dma_wait3A_447 : memref<128x128xf32, #tpu.memory_space<vmem>>)
        %dma_start3A_451 = arith.constant 0 : i32
        %dma_start3A_452 = arith.constant 0 : i32
        %dma_start3A_453 = arith.constant 0 : i32
        %dma_start3A_454 = tpu.memref_slice %arg10[%rem3A_304, %dma_start3A_452, %dma_start3A_453] : memref<3x128x128xf32, #tpu.memory_space<vmem>> -> memref<1x128x128xf32, #tpu.memory_space<vmem>>
        %dma_start3A_455 = tpu.memref_squeeze %dma_start3A_454 : memref<1x128x128xf32, #tpu.memory_space<vmem>> -> memref<128x128xf32, #tpu.memory_space<vmem>>
        %dma_start3A_456 = arith.constant 0 : i32
        %dma_start3A_457 = tpu.memref_slice %arg11[%dma_start3A_451, %dma_start3A_456] : memref<8x128xi32, #tpu.memory_space<vmem>> -> memref<1x128xi32, #tpu.memory_space<vmem>>
        %dma_start3A_458 = tpu.memref_squeeze %dma_start3A_457 : memref<1x128xi32, #tpu.memory_space<vmem>> -> memref<128xi32, #tpu.memory_space<vmem>>
        %dma_start3A_459 = arith.constant 0 : i32
        %dma_start3A_460 = arith.constant 0 : i32
        %dma_start3A_461 = tpu.memref_slice %arg9[%dma_start3A_459, %dma_start3A_460] : memref<10000x128xf32, #tpu.memory_space<vmem_shared>> -> memref<10000x128xf32, #tpu.memory_space<vmem_shared>>
        %dma_start3A_462 = tpu.memref_slice %arg13[%rem3A_304] : memref<3x!tpu.dma_semaphore, #tpu.memory_space<semaphore_mem>> -> memref<1x!tpu.dma_semaphore, #tpu.memory_space<semaphore_mem>>
        %dma_start3A_463 = tpu.memref_squeeze %dma_start3A_462 : memref<1x!tpu.dma_semaphore, #tpu.memory_space<semaphore_mem>> -> memref<!tpu.dma_semaphore, #tpu.memory_space<semaphore_mem>>
        tpu.enqueue_indirect_dma source(%dma_start3A_455 : memref<128x128xf32, #tpu.memory_space<vmem>>) target(%dma_start3A_461 : memref<10000x128xf32, #tpu.memory_space<vmem_shared>>) offsets(%dma_start3A_458 : memref<128xi32, #tpu.memory_space<vmem>>) semaphore(%dma_start3A_463 : memref<!tpu.dma_semaphore, #tpu.memory_space<semaphore_mem>>) {add = true}
      } else {
      }
      %mul3A_309 = arith.constant 8 : i32
      %mul3A_310 = arith.muli %while3A_287, %mul3A_309 : i32
      %add3A_311 = arith.constant 1 : i32
      %add3A_312 = arith.addi %mul3A_310, %add3A_311 : i32
      %add3A_313 = arith.constant 2 : i32
      %add3A_314 = arith.addi %add3A_312, %add3A_313 : i32
      %rem3A_315 = arith.constant 3 : i32
      %rem3A_316 = arith.remsi %add3A_314, %rem3A_315 : i32
      %lt3A_317 = arith.cmpi slt, %add3A_314, %add3A_158 : i32
      %convert_element_type3A_318 = arith.extui %lt3A_317 : i1 to i32
      %cond3A_319 = arith.constant 0 : i32
      %cond3A_320 = arith.cmpi ne, %convert_element_type3A_318, %cond3A_319 : i32
      scf.if %cond3A_320 {
        %ge3A = arith.constant 3 : i32
        %ge3A_435 = arith.cmpi sge, %add3A_314, %ge3A : i32
        %convert_element_type3A_436 = arith.extui %ge3A_435 : i1 to i32
        %cond3A_437 = arith.constant 0 : i32
        %cond3A_438 = arith.cmpi ne, %convert_element_type3A_436, %cond3A_437 : i32
        scf.if %cond3A_438 {
          %dma_wait3A_456 = arith.constant 0 : i32
          %dma_wait3A_457 = arith.constant 0 : i32
          %dma_wait3A_458 = arith.constant 0 : i32
          %dma_wait3A_459 = tpu.memref_slice %arg10[%rem3A_316, %dma_wait3A_457, %dma_wait3A_458] : memref<3x128x128xf32, #tpu.memory_space<vmem>> -> memref<1x128x128xf32, #tpu.memory_space<vmem>>
          %dma_wait3A_460 = tpu.memref_squeeze %dma_wait3A_459 : memref<1x128x128xf32, #tpu.memory_space<vmem>> -> memref<128x128xf32, #tpu.memory_space<vmem>>
          %dma_wait3A_461 = arith.constant 0 : i32
          %dma_wait3A_462 = tpu.memref_slice %arg11[%dma_wait3A_456, %dma_wait3A_461] : memref<8x128xi32, #tpu.memory_space<vmem>> -> memref<1x128xi32, #tpu.memory_space<vmem>>
          %dma_wait3A_463 = tpu.memref_squeeze %dma_wait3A_462 : memref<1x128xi32, #tpu.memory_space<vmem>> -> memref<128xi32, #tpu.memory_space<vmem>>
          %dma_wait3A_464 = arith.constant 0 : i32
          %dma_wait3A_465 = arith.constant 0 : i32
          %dma_wait3A_466 = tpu.memref_slice %arg9[%dma_wait3A_464, %dma_wait3A_465] : memref<10000x128xf32, #tpu.memory_space<vmem_shared>> -> memref<10000x128xf32, #tpu.memory_space<vmem_shared>>
          %dma_wait3A_467 = tpu.memref_slice %arg13[%rem3A_316] : memref<3x!tpu.dma_semaphore, #tpu.memory_space<semaphore_mem>> -> memref<1x!tpu.dma_semaphore, #tpu.memory_space<semaphore_mem>>
          %dma_wait3A_468 = tpu.memref_squeeze %dma_wait3A_467 : memref<1x!tpu.dma_semaphore, #tpu.memory_space<semaphore_mem>> -> memref<!tpu.dma_semaphore, #tpu.memory_space<semaphore_mem>>
          tpu.wait_indirect_dma semaphore(%dma_wait3A_468 : memref<!tpu.dma_semaphore, #tpu.memory_space<semaphore_mem>>) src(%dma_wait3A_460 : memref<128x128xf32, #tpu.memory_space<vmem>>) dst(%dma_wait3A_466 : memref<10000x128xf32, #tpu.memory_space<vmem_shared>>)
        } else {
        }
        %add3A_439 = arith.addi %mul3A_145, %add3A_314 : i32
        %mul3A_440 = arith.constant 128 : i32
        %mul3A_441 = arith.muli %add3A_439, %mul3A_440 : i32
        %dma_start3A_442 = arith.constant 0 : i32
        %dma_start3A_443 = arith.constant 0 : i32
        %dma_start3A_444 = tpu.memref_slice %arg10[%rem3A_316, %dma_start3A_442, %dma_start3A_443] : memref<3x128x128xf32, #tpu.memory_space<vmem>> -> memref<1x128x128xf32, #tpu.memory_space<vmem>>
        %dma_start3A_445 = tpu.memref_squeeze %dma_start3A_444 : memref<1x128x128xf32, #tpu.memory_space<vmem>> -> memref<128x128xf32, #tpu.memory_space<vmem>>
        %dma_start3A_446 = arith.constant 0 : i32
        %dma_start3A_447 = tpu.memref_slice %arg4[%mul3A_441, %dma_start3A_446] : memref<160000x128xf32, #tpu.memory_space<hbm>> -> memref<128x128xf32, #tpu.memory_space<hbm>>
        %dma_start3A_448 = tpu.memref_slice %arg12[%rem3A_316] : memref<3x!tpu.dma_semaphore, #tpu.memory_space<semaphore_mem>> -> memref<1x!tpu.dma_semaphore, #tpu.memory_space<semaphore_mem>>
        %dma_start3A_449 = tpu.memref_squeeze %dma_start3A_448 : memref<1x!tpu.dma_semaphore, #tpu.memory_space<semaphore_mem>> -> memref<!tpu.dma_semaphore, #tpu.memory_space<semaphore_mem>>
        %dma_start3A_450 = arith.constant 0 : i32
        %dma_start3A_451 = arith.constant 0 : i32
        %dma_start3A_452 = tpu.memref_slice %arg10[%rem3A_316, %dma_start3A_450, %dma_start3A_451] : memref<3x128x128xf32, #tpu.memory_space<vmem>> -> memref<1x128x128xf32, #tpu.memory_space<vmem>>
        %dma_start3A_453 = tpu.memref_squeeze %dma_start3A_452 : memref<1x128x128xf32, #tpu.memory_space<vmem>> -> memref<128x128xf32, #tpu.memory_space<vmem>>
        %dma_start3A_454 = arith.constant 0 : i32
        %dma_start3A_455 = tpu.memref_slice %arg4[%mul3A_441, %dma_start3A_454] : memref<160000x128xf32, #tpu.memory_space<hbm>> -> memref<128x128xf32, #tpu.memory_space<hbm>>
        tpu.enqueue_dma source(%dma_start3A_455 : memref<128x128xf32, #tpu.memory_space<hbm>>) target(%dma_start3A_453 : memref<128x128xf32, #tpu.memory_space<vmem>>) target_semaphore(%dma_start3A_449 : memref<!tpu.dma_semaphore, #tpu.memory_space<semaphore_mem>>)
      } else {
      }
      %rem3A_321 = arith.constant 3 : i32
      %rem3A_322 = arith.remsi %add3A_312, %rem3A_321 : i32
      %lt3A_323 = arith.cmpi slt, %add3A_312, %add3A_158 : i32
      %convert_element_type3A_324 = arith.extui %lt3A_323 : i1 to i32
      %cond3A_325 = arith.constant 0 : i32
      %cond3A_326 = arith.cmpi ne, %convert_element_type3A_324, %cond3A_325 : i32
      scf.if %cond3A_326 {
        %dma_wait3A_435 = arith.constant 0 : i32
        %dma_wait3A_436 = arith.constant 0 : i32
        %dma_wait3A_437 = tpu.memref_slice %arg10[%rem3A_322, %dma_wait3A_435, %dma_wait3A_436] : memref<3x128x128xf32, #tpu.memory_space<vmem>> -> memref<1x128x128xf32, #tpu.memory_space<vmem>>
        %dma_wait3A_438 = tpu.memref_squeeze %dma_wait3A_437 : memref<1x128x128xf32, #tpu.memory_space<vmem>> -> memref<128x128xf32, #tpu.memory_space<vmem>>
        %dma_wait3A_439 = arith.constant 0 : i32
        %dma_wait3A_440 = arith.constant 0 : i32
        %dma_wait3A_441 = tpu.memref_slice %arg4[%dma_wait3A_439, %dma_wait3A_440] : memref<160000x128xf32, #tpu.memory_space<hbm>> -> memref<128x128xf32, #tpu.memory_space<hbm>>
        %dma_wait3A_442 = tpu.memref_slice %arg12[%rem3A_322] : memref<3x!tpu.dma_semaphore, #tpu.memory_space<semaphore_mem>> -> memref<1x!tpu.dma_semaphore, #tpu.memory_space<semaphore_mem>>
        %dma_wait3A_443 = tpu.memref_squeeze %dma_wait3A_442 : memref<1x!tpu.dma_semaphore, #tpu.memory_space<semaphore_mem>> -> memref<!tpu.dma_semaphore, #tpu.memory_space<semaphore_mem>>
        %dma_wait3A_444 = arith.constant 0 : i32
        %dma_wait3A_445 = arith.constant 0 : i32
        %dma_wait3A_446 = tpu.memref_slice %arg10[%rem3A_322, %dma_wait3A_444, %dma_wait3A_445] : memref<3x128x128xf32, #tpu.memory_space<vmem>> -> memref<1x128x128xf32, #tpu.memory_space<vmem>>
        %dma_wait3A_447 = tpu.memref_squeeze %dma_wait3A_446 : memref<1x128x128xf32, #tpu.memory_space<vmem>> -> memref<128x128xf32, #tpu.memory_space<vmem>>
        %dma_wait3A_448 = arith.constant 0 : i32
        %dma_wait3A_449 = arith.constant 0 : i32
        %dma_wait3A_450 = tpu.memref_slice %arg4[%dma_wait3A_448, %dma_wait3A_449] : memref<160000x128xf32, #tpu.memory_space<hbm>> -> memref<128x128xf32, #tpu.memory_space<hbm>>
        tpu.wait_dma2 semaphore(%dma_wait3A_443 : memref<!tpu.dma_semaphore, #tpu.memory_space<semaphore_mem>>) src(%dma_wait3A_450 : memref<128x128xf32, #tpu.memory_space<hbm>>) dst(%dma_wait3A_447 : memref<128x128xf32, #tpu.memory_space<vmem>>)
        %dma_start3A_451 = arith.constant 1 : i32
        %dma_start3A_452 = arith.constant 0 : i32
        %dma_start3A_453 = arith.constant 0 : i32
        %dma_start3A_454 = tpu.memref_slice %arg10[%rem3A_322, %dma_start3A_452, %dma_start3A_453] : memref<3x128x128xf32, #tpu.memory_space<vmem>> -> memref<1x128x128xf32, #tpu.memory_space<vmem>>
        %dma_start3A_455 = tpu.memref_squeeze %dma_start3A_454 : memref<1x128x128xf32, #tpu.memory_space<vmem>> -> memref<128x128xf32, #tpu.memory_space<vmem>>
        %dma_start3A_456 = arith.constant 0 : i32
        %dma_start3A_457 = tpu.memref_slice %arg11[%dma_start3A_451, %dma_start3A_456] : memref<8x128xi32, #tpu.memory_space<vmem>> -> memref<1x128xi32, #tpu.memory_space<vmem>>
        %dma_start3A_458 = tpu.memref_squeeze %dma_start3A_457 : memref<1x128xi32, #tpu.memory_space<vmem>> -> memref<128xi32, #tpu.memory_space<vmem>>
        %dma_start3A_459 = arith.constant 0 : i32
        %dma_start3A_460 = arith.constant 0 : i32
        %dma_start3A_461 = tpu.memref_slice %arg9[%dma_start3A_459, %dma_start3A_460] : memref<10000x128xf32, #tpu.memory_space<vmem_shared>> -> memref<10000x128xf32, #tpu.memory_space<vmem_shared>>
        %dma_start3A_462 = tpu.memref_slice %arg13[%rem3A_322] : memref<3x!tpu.dma_semaphore, #tpu.memory_space<semaphore_mem>> -> memref<1x!tpu.dma_semaphore, #tpu.memory_space<semaphore_mem>>
        %dma_start3A_463 = tpu.memref_squeeze %dma_start3A_462 : memref<1x!tpu.dma_semaphore, #tpu.memory_space<semaphore_mem>> -> memref<!tpu.dma_semaphore, #tpu.memory_space<semaphore_mem>>
        tpu.enqueue_indirect_dma source(%dma_start3A_455 : memref<128x128xf32, #tpu.memory_space<vmem>>) target(%dma_start3A_461 : memref<10000x128xf32, #tpu.memory_space<vmem_shared>>) offsets(%dma_start3A_458 : memref<128xi32, #tpu.memory_space<vmem>>) semaphore(%dma_start3A_463 : memref<!tpu.dma_semaphore, #tpu.memory_space<semaphore_mem>>) {add = true}
      } else {
      }
      %mul3A_327 = arith.constant 8 : i32
      %mul3A_328 = arith.muli %while3A_287, %mul3A_327 : i32
      %add3A_329 = arith.constant 2 : i32
      %add3A_330 = arith.addi %mul3A_328, %add3A_329 : i32
      %add3A_331 = arith.constant 2 : i32
      %add3A_332 = arith.addi %add3A_330, %add3A_331 : i32
      %rem3A_333 = arith.constant 3 : i32
      %rem3A_334 = arith.remsi %add3A_332, %rem3A_333 : i32
      %lt3A_335 = arith.cmpi slt, %add3A_332, %add3A_158 : i32
      %convert_element_type3A_336 = arith.extui %lt3A_335 : i1 to i32
      %cond3A_337 = arith.constant 0 : i32
      %cond3A_338 = arith.cmpi ne, %convert_element_type3A_336, %cond3A_337 : i32
      scf.if %cond3A_338 {
        %ge3A = arith.constant 3 : i32
        %ge3A_435 = arith.cmpi sge, %add3A_332, %ge3A : i32
        %convert_element_type3A_436 = arith.extui %ge3A_435 : i1 to i32
        %cond3A_437 = arith.constant 0 : i32
        %cond3A_438 = arith.cmpi ne, %convert_element_type3A_436, %cond3A_437 : i32
        scf.if %cond3A_438 {
          %dma_wait3A_456 = arith.constant 0 : i32
          %dma_wait3A_457 = arith.constant 0 : i32
          %dma_wait3A_458 = arith.constant 0 : i32
          %dma_wait3A_459 = tpu.memref_slice %arg10[%rem3A_334, %dma_wait3A_457, %dma_wait3A_458] : memref<3x128x128xf32, #tpu.memory_space<vmem>> -> memref<1x128x128xf32, #tpu.memory_space<vmem>>
          %dma_wait3A_460 = tpu.memref_squeeze %dma_wait3A_459 : memref<1x128x128xf32, #tpu.memory_space<vmem>> -> memref<128x128xf32, #tpu.memory_space<vmem>>
          %dma_wait3A_461 = arith.constant 0 : i32
          %dma_wait3A_462 = tpu.memref_slice %arg11[%dma_wait3A_456, %dma_wait3A_461] : memref<8x128xi32, #tpu.memory_space<vmem>> -> memref<1x128xi32, #tpu.memory_space<vmem>>
          %dma_wait3A_463 = tpu.memref_squeeze %dma_wait3A_462 : memref<1x128xi32, #tpu.memory_space<vmem>> -> memref<128xi32, #tpu.memory_space<vmem>>
          %dma_wait3A_464 = arith.constant 0 : i32
          %dma_wait3A_465 = arith.constant 0 : i32
          %dma_wait3A_466 = tpu.memref_slice %arg9[%dma_wait3A_464, %dma_wait3A_465] : memref<10000x128xf32, #tpu.memory_space<vmem_shared>> -> memref<10000x128xf32, #tpu.memory_space<vmem_shared>>
          %dma_wait3A_467 = tpu.memref_slice %arg13[%rem3A_334] : memref<3x!tpu.dma_semaphore, #tpu.memory_space<semaphore_mem>> -> memref<1x!tpu.dma_semaphore, #tpu.memory_space<semaphore_mem>>
          %dma_wait3A_468 = tpu.memref_squeeze %dma_wait3A_467 : memref<1x!tpu.dma_semaphore, #tpu.memory_space<semaphore_mem>> -> memref<!tpu.dma_semaphore, #tpu.memory_space<semaphore_mem>>
          tpu.wait_indirect_dma semaphore(%dma_wait3A_468 : memref<!tpu.dma_semaphore, #tpu.memory_space<semaphore_mem>>) src(%dma_wait3A_460 : memref<128x128xf32, #tpu.memory_space<vmem>>) dst(%dma_wait3A_466 : memref<10000x128xf32, #tpu.memory_space<vmem_shared>>)
        } else {
        }
        %add3A_439 = arith.addi %mul3A_145, %add3A_332 : i32
        %mul3A_440 = arith.constant 128 : i32
        %mul3A_441 = arith.muli %add3A_439, %mul3A_440 : i32
        %dma_start3A_442 = arith.constant 0 : i32
        %dma_start3A_443 = arith.constant 0 : i32
        %dma_start3A_444 = tpu.memref_slice %arg10[%rem3A_334, %dma_start3A_442, %dma_start3A_443] : memref<3x128x128xf32, #tpu.memory_space<vmem>> -> memref<1x128x128xf32, #tpu.memory_space<vmem>>
        %dma_start3A_445 = tpu.memref_squeeze %dma_start3A_444 : memref<1x128x128xf32, #tpu.memory_space<vmem>> -> memref<128x128xf32, #tpu.memory_space<vmem>>
        %dma_start3A_446 = arith.constant 0 : i32
        %dma_start3A_447 = tpu.memref_slice %arg4[%mul3A_441, %dma_start3A_446] : memref<160000x128xf32, #tpu.memory_space<hbm>> -> memref<128x128xf32, #tpu.memory_space<hbm>>
        %dma_start3A_448 = tpu.memref_slice %arg12[%rem3A_334] : memref<3x!tpu.dma_semaphore, #tpu.memory_space<semaphore_mem>> -> memref<1x!tpu.dma_semaphore, #tpu.memory_space<semaphore_mem>>
        %dma_start3A_449 = tpu.memref_squeeze %dma_start3A_448 : memref<1x!tpu.dma_semaphore, #tpu.memory_space<semaphore_mem>> -> memref<!tpu.dma_semaphore, #tpu.memory_space<semaphore_mem>>
        %dma_start3A_450 = arith.constant 0 : i32
        %dma_start3A_451 = arith.constant 0 : i32
        %dma_start3A_452 = tpu.memref_slice %arg10[%rem3A_334, %dma_start3A_450, %dma_start3A_451] : memref<3x128x128xf32, #tpu.memory_space<vmem>> -> memref<1x128x128xf32, #tpu.memory_space<vmem>>
        %dma_start3A_453 = tpu.memref_squeeze %dma_start3A_452 : memref<1x128x128xf32, #tpu.memory_space<vmem>> -> memref<128x128xf32, #tpu.memory_space<vmem>>
        %dma_start3A_454 = arith.constant 0 : i32
        %dma_start3A_455 = tpu.memref_slice %arg4[%mul3A_441, %dma_start3A_454] : memref<160000x128xf32, #tpu.memory_space<hbm>> -> memref<128x128xf32, #tpu.memory_space<hbm>>
        tpu.enqueue_dma source(%dma_start3A_455 : memref<128x128xf32, #tpu.memory_space<hbm>>) target(%dma_start3A_453 : memref<128x128xf32, #tpu.memory_space<vmem>>) target_semaphore(%dma_start3A_449 : memref<!tpu.dma_semaphore, #tpu.memory_space<semaphore_mem>>)
      } else {
      }
      %rem3A_339 = arith.constant 3 : i32
      %rem3A_340 = arith.remsi %add3A_330, %rem3A_339 : i32
      %lt3A_341 = arith.cmpi slt, %add3A_330, %add3A_158 : i32
      %convert_element_type3A_342 = arith.extui %lt3A_341 : i1 to i32
      %cond3A_343 = arith.constant 0 : i32
      %cond3A_344 = arith.cmpi ne, %convert_element_type3A_342, %cond3A_343 : i32
      scf.if %cond3A_344 {
        %dma_wait3A_435 = arith.constant 0 : i32
        %dma_wait3A_436 = arith.constant 0 : i32
        %dma_wait3A_437 = tpu.memref_slice %arg10[%rem3A_340, %dma_wait3A_435, %dma_wait3A_436] : memref<3x128x128xf32, #tpu.memory_space<vmem>> -> memref<1x128x128xf32, #tpu.memory_space<vmem>>
        %dma_wait3A_438 = tpu.memref_squeeze %dma_wait3A_437 : memref<1x128x128xf32, #tpu.memory_space<vmem>> -> memref<128x128xf32, #tpu.memory_space<vmem>>
        %dma_wait3A_439 = arith.constant 0 : i32
        %dma_wait3A_440 = arith.constant 0 : i32
        %dma_wait3A_441 = tpu.memref_slice %arg4[%dma_wait3A_439, %dma_wait3A_440] : memref<160000x128xf32, #tpu.memory_space<hbm>> -> memref<128x128xf32, #tpu.memory_space<hbm>>
        %dma_wait3A_442 = tpu.memref_slice %arg12[%rem3A_340] : memref<3x!tpu.dma_semaphore, #tpu.memory_space<semaphore_mem>> -> memref<1x!tpu.dma_semaphore, #tpu.memory_space<semaphore_mem>>
        %dma_wait3A_443 = tpu.memref_squeeze %dma_wait3A_442 : memref<1x!tpu.dma_semaphore, #tpu.memory_space<semaphore_mem>> -> memref<!tpu.dma_semaphore, #tpu.memory_space<semaphore_mem>>
        %dma_wait3A_444 = arith.constant 0 : i32
        %dma_wait3A_445 = arith.constant 0 : i32
        %dma_wait3A_446 = tpu.memref_slice %arg10[%rem3A_340, %dma_wait3A_444, %dma_wait3A_445] : memref<3x128x128xf32, #tpu.memory_space<vmem>> -> memref<1x128x128xf32, #tpu.memory_space<vmem>>
        %dma_wait3A_447 = tpu.memref_squeeze %dma_wait3A_446 : memref<1x128x128xf32, #tpu.memory_space<vmem>> -> memref<128x128xf32, #tpu.memory_space<vmem>>
        %dma_wait3A_448 = arith.constant 0 : i32
        %dma_wait3A_449 = arith.constant 0 : i32
        %dma_wait3A_450 = tpu.memref_slice %arg4[%dma_wait3A_448, %dma_wait3A_449] : memref<160000x128xf32, #tpu.memory_space<hbm>> -> memref<128x128xf32, #tpu.memory_space<hbm>>
        tpu.wait_dma2 semaphore(%dma_wait3A_443 : memref<!tpu.dma_semaphore, #tpu.memory_space<semaphore_mem>>) src(%dma_wait3A_450 : memref<128x128xf32, #tpu.memory_space<hbm>>) dst(%dma_wait3A_447 : memref<128x128xf32, #tpu.memory_space<vmem>>)
        %dma_start3A_451 = arith.constant 2 : i32
        %dma_start3A_452 = arith.constant 0 : i32
        %dma_start3A_453 = arith.constant 0 : i32
        %dma_start3A_454 = tpu.memref_slice %arg10[%rem3A_340, %dma_start3A_452, %dma_start3A_453] : memref<3x128x128xf32, #tpu.memory_space<vmem>> -> memref<1x128x128xf32, #tpu.memory_space<vmem>>
        %dma_start3A_455 = tpu.memref_squeeze %dma_start3A_454 : memref<1x128x128xf32, #tpu.memory_space<vmem>> -> memref<128x128xf32, #tpu.memory_space<vmem>>
        %dma_start3A_456 = arith.constant 0 : i32
        %dma_start3A_457 = tpu.memref_slice %arg11[%dma_start3A_451, %dma_start3A_456] : memref<8x128xi32, #tpu.memory_space<vmem>> -> memref<1x128xi32, #tpu.memory_space<vmem>>
        %dma_start3A_458 = tpu.memref_squeeze %dma_start3A_457 : memref<1x128xi32, #tpu.memory_space<vmem>> -> memref<128xi32, #tpu.memory_space<vmem>>
        %dma_start3A_459 = arith.constant 0 : i32
        %dma_start3A_460 = arith.constant 0 : i32
        %dma_start3A_461 = tpu.memref_slice %arg9[%dma_start3A_459, %dma_start3A_460] : memref<10000x128xf32, #tpu.memory_space<vmem_shared>> -> memref<10000x128xf32, #tpu.memory_space<vmem_shared>>
        %dma_start3A_462 = tpu.memref_slice %arg13[%rem3A_340] : memref<3x!tpu.dma_semaphore, #tpu.memory_space<semaphore_mem>> -> memref<1x!tpu.dma_semaphore, #tpu.memory_space<semaphore_mem>>
        %dma_start3A_463 = tpu.memref_squeeze %dma_start3A_462 : memref<1x!tpu.dma_semaphore, #tpu.memory_space<semaphore_mem>> -> memref<!tpu.dma_semaphore, #tpu.memory_space<semaphore_mem>>
        tpu.enqueue_indirect_dma source(%dma_start3A_455 : memref<128x128xf32, #tpu.memory_space<vmem>>) target(%dma_start3A_461 : memref<10000x128xf32, #tpu.memory_space<vmem_shared>>) offsets(%dma_start3A_458 : memref<128xi32, #tpu.memory_space<vmem>>) semaphore(%dma_start3A_463 : memref<!tpu.dma_semaphore, #tpu.memory_space<semaphore_mem>>) {add = true}
      } else {
      }
      %mul3A_345 = arith.constant 8 : i32
      %mul3A_346 = arith.muli %while3A_287, %mul3A_345 : i32
      %add3A_347 = arith.constant 3 : i32
      %add3A_348 = arith.addi %mul3A_346, %add3A_347 : i32
      %add3A_349 = arith.constant 2 : i32
      %add3A_350 = arith.addi %add3A_348, %add3A_349 : i32
      %rem3A_351 = arith.constant 3 : i32
      %rem3A_352 = arith.remsi %add3A_350, %rem3A_351 : i32
      %lt3A_353 = arith.cmpi slt, %add3A_350, %add3A_158 : i32
      %convert_element_type3A_354 = arith.extui %lt3A_353 : i1 to i32
      %cond3A_355 = arith.constant 0 : i32
      %cond3A_356 = arith.cmpi ne, %convert_element_type3A_354, %cond3A_355 : i32
      scf.if %cond3A_356 {
        %ge3A = arith.constant 3 : i32
        %ge3A_435 = arith.cmpi sge, %add3A_350, %ge3A : i32
        %convert_element_type3A_436 = arith.extui %ge3A_435 : i1 to i32
        %cond3A_437 = arith.constant 0 : i32
        %cond3A_438 = arith.cmpi ne, %convert_element_type3A_436, %cond3A_437 : i32
        scf.if %cond3A_438 {
          %dma_wait3A_456 = arith.constant 0 : i32
          %dma_wait3A_457 = arith.constant 0 : i32
          %dma_wait3A_458 = arith.constant 0 : i32
          %dma_wait3A_459 = tpu.memref_slice %arg10[%rem3A_352, %dma_wait3A_457, %dma_wait3A_458] : memref<3x128x128xf32, #tpu.memory_space<vmem>> -> memref<1x128x128xf32, #tpu.memory_space<vmem>>
          %dma_wait3A_460 = tpu.memref_squeeze %dma_wait3A_459 : memref<1x128x128xf32, #tpu.memory_space<vmem>> -> memref<128x128xf32, #tpu.memory_space<vmem>>
          %dma_wait3A_461 = arith.constant 0 : i32
          %dma_wait3A_462 = tpu.memref_slice %arg11[%dma_wait3A_456, %dma_wait3A_461] : memref<8x128xi32, #tpu.memory_space<vmem>> -> memref<1x128xi32, #tpu.memory_space<vmem>>
          %dma_wait3A_463 = tpu.memref_squeeze %dma_wait3A_462 : memref<1x128xi32, #tpu.memory_space<vmem>> -> memref<128xi32, #tpu.memory_space<vmem>>
          %dma_wait3A_464 = arith.constant 0 : i32
          %dma_wait3A_465 = arith.constant 0 : i32
          %dma_wait3A_466 = tpu.memref_slice %arg9[%dma_wait3A_464, %dma_wait3A_465] : memref<10000x128xf32, #tpu.memory_space<vmem_shared>> -> memref<10000x128xf32, #tpu.memory_space<vmem_shared>>
          %dma_wait3A_467 = tpu.memref_slice %arg13[%rem3A_352] : memref<3x!tpu.dma_semaphore, #tpu.memory_space<semaphore_mem>> -> memref<1x!tpu.dma_semaphore, #tpu.memory_space<semaphore_mem>>
          %dma_wait3A_468 = tpu.memref_squeeze %dma_wait3A_467 : memref<1x!tpu.dma_semaphore, #tpu.memory_space<semaphore_mem>> -> memref<!tpu.dma_semaphore, #tpu.memory_space<semaphore_mem>>
          tpu.wait_indirect_dma semaphore(%dma_wait3A_468 : memref<!tpu.dma_semaphore, #tpu.memory_space<semaphore_mem>>) src(%dma_wait3A_460 : memref<128x128xf32, #tpu.memory_space<vmem>>) dst(%dma_wait3A_466 : memref<10000x128xf32, #tpu.memory_space<vmem_shared>>)
        } else {
        }
        %add3A_439 = arith.addi %mul3A_145, %add3A_350 : i32
        %mul3A_440 = arith.constant 128 : i32
        %mul3A_441 = arith.muli %add3A_439, %mul3A_440 : i32
        %dma_start3A_442 = arith.constant 0 : i32
        %dma_start3A_443 = arith.constant 0 : i32
        %dma_start3A_444 = tpu.memref_slice %arg10[%rem3A_352, %dma_start3A_442, %dma_start3A_443] : memref<3x128x128xf32, #tpu.memory_space<vmem>> -> memref<1x128x128xf32, #tpu.memory_space<vmem>>
        %dma_start3A_445 = tpu.memref_squeeze %dma_start3A_444 : memref<1x128x128xf32, #tpu.memory_space<vmem>> -> memref<128x128xf32, #tpu.memory_space<vmem>>
        %dma_start3A_446 = arith.constant 0 : i32
        %dma_start3A_447 = tpu.memref_slice %arg4[%mul3A_441, %dma_start3A_446] : memref<160000x128xf32, #tpu.memory_space<hbm>> -> memref<128x128xf32, #tpu.memory_space<hbm>>
        %dma_start3A_448 = tpu.memref_slice %arg12[%rem3A_352] : memref<3x!tpu.dma_semaphore, #tpu.memory_space<semaphore_mem>> -> memref<1x!tpu.dma_semaphore, #tpu.memory_space<semaphore_mem>>
        %dma_start3A_449 = tpu.memref_squeeze %dma_start3A_448 : memref<1x!tpu.dma_semaphore, #tpu.memory_space<semaphore_mem>> -> memref<!tpu.dma_semaphore, #tpu.memory_space<semaphore_mem>>
        %dma_start3A_450 = arith.constant 0 : i32
        %dma_start3A_451 = arith.constant 0 : i32
        %dma_start3A_452 = tpu.memref_slice %arg10[%rem3A_352, %dma_start3A_450, %dma_start3A_451] : memref<3x128x128xf32, #tpu.memory_space<vmem>> -> memref<1x128x128xf32, #tpu.memory_space<vmem>>
        %dma_start3A_453 = tpu.memref_squeeze %dma_start3A_452 : memref<1x128x128xf32, #tpu.memory_space<vmem>> -> memref<128x128xf32, #tpu.memory_space<vmem>>
        %dma_start3A_454 = arith.constant 0 : i32
        %dma_start3A_455 = tpu.memref_slice %arg4[%mul3A_441, %dma_start3A_454] : memref<160000x128xf32, #tpu.memory_space<hbm>> -> memref<128x128xf32, #tpu.memory_space<hbm>>
        tpu.enqueue_dma source(%dma_start3A_455 : memref<128x128xf32, #tpu.memory_space<hbm>>) target(%dma_start3A_453 : memref<128x128xf32, #tpu.memory_space<vmem>>) target_semaphore(%dma_start3A_449 : memref<!tpu.dma_semaphore, #tpu.memory_space<semaphore_mem>>)
      } else {
      }
      %rem3A_357 = arith.constant 3 : i32
      %rem3A_358 = arith.remsi %add3A_348, %rem3A_357 : i32
      %lt3A_359 = arith.cmpi slt, %add3A_348, %add3A_158 : i32
      %convert_element_type3A_360 = arith.extui %lt3A_359 : i1 to i32
      %cond3A_361 = arith.constant 0 : i32
      %cond3A_362 = arith.cmpi ne, %convert_element_type3A_360, %cond3A_361 : i32
      scf.if %cond3A_362 {
        %dma_wait3A_435 = arith.constant 0 : i32
        %dma_wait3A_436 = arith.constant 0 : i32
        %dma_wait3A_437 = tpu.memref_slice %arg10[%rem3A_358, %dma_wait3A_435, %dma_wait3A_436] : memref<3x128x128xf32, #tpu.memory_space<vmem>> -> memref<1x128x128xf32, #tpu.memory_space<vmem>>
        %dma_wait3A_438 = tpu.memref_squeeze %dma_wait3A_437 : memref<1x128x128xf32, #tpu.memory_space<vmem>> -> memref<128x128xf32, #tpu.memory_space<vmem>>
        %dma_wait3A_439 = arith.constant 0 : i32
        %dma_wait3A_440 = arith.constant 0 : i32
        %dma_wait3A_441 = tpu.memref_slice %arg4[%dma_wait3A_439, %dma_wait3A_440] : memref<160000x128xf32, #tpu.memory_space<hbm>> -> memref<128x128xf32, #tpu.memory_space<hbm>>
        %dma_wait3A_442 = tpu.memref_slice %arg12[%rem3A_358] : memref<3x!tpu.dma_semaphore, #tpu.memory_space<semaphore_mem>> -> memref<1x!tpu.dma_semaphore, #tpu.memory_space<semaphore_mem>>
        %dma_wait3A_443 = tpu.memref_squeeze %dma_wait3A_442 : memref<1x!tpu.dma_semaphore, #tpu.memory_space<semaphore_mem>> -> memref<!tpu.dma_semaphore, #tpu.memory_space<semaphore_mem>>
        %dma_wait3A_444 = arith.constant 0 : i32
        %dma_wait3A_445 = arith.constant 0 : i32
        %dma_wait3A_446 = tpu.memref_slice %arg10[%rem3A_358, %dma_wait3A_444, %dma_wait3A_445] : memref<3x128x128xf32, #tpu.memory_space<vmem>> -> memref<1x128x128xf32, #tpu.memory_space<vmem>>
        %dma_wait3A_447 = tpu.memref_squeeze %dma_wait3A_446 : memref<1x128x128xf32, #tpu.memory_space<vmem>> -> memref<128x128xf32, #tpu.memory_space<vmem>>
        %dma_wait3A_448 = arith.constant 0 : i32
        %dma_wait3A_449 = arith.constant 0 : i32
        %dma_wait3A_450 = tpu.memref_slice %arg4[%dma_wait3A_448, %dma_wait3A_449] : memref<160000x128xf32, #tpu.memory_space<hbm>> -> memref<128x128xf32, #tpu.memory_space<hbm>>
        tpu.wait_dma2 semaphore(%dma_wait3A_443 : memref<!tpu.dma_semaphore, #tpu.memory_space<semaphore_mem>>) src(%dma_wait3A_450 : memref<128x128xf32, #tpu.memory_space<hbm>>) dst(%dma_wait3A_447 : memref<128x128xf32, #tpu.memory_space<vmem>>)
        %dma_start3A_451 = arith.constant 3 : i32
        %dma_start3A_452 = arith.constant 0 : i32
        %dma_start3A_453 = arith.constant 0 : i32
        %dma_start3A_454 = tpu.memref_slice %arg10[%rem3A_358, %dma_start3A_452, %dma_start3A_453] : memref<3x128x128xf32, #tpu.memory_space<vmem>> -> memref<1x128x128xf32, #tpu.memory_space<vmem>>
        %dma_start3A_455 = tpu.memref_squeeze %dma_start3A_454 : memref<1x128x128xf32, #tpu.memory_space<vmem>> -> memref<128x128xf32, #tpu.memory_space<vmem>>
        %dma_start3A_456 = arith.constant 0 : i32
        %dma_start3A_457 = tpu.memref_slice %arg11[%dma_start3A_451, %dma_start3A_456] : memref<8x128xi32, #tpu.memory_space<vmem>> -> memref<1x128xi32, #tpu.memory_space<vmem>>
        %dma_start3A_458 = tpu.memref_squeeze %dma_start3A_457 : memref<1x128xi32, #tpu.memory_space<vmem>> -> memref<128xi32, #tpu.memory_space<vmem>>
        %dma_start3A_459 = arith.constant 0 : i32
        %dma_start3A_460 = arith.constant 0 : i32
        %dma_start3A_461 = tpu.memref_slice %arg9[%dma_start3A_459, %dma_start3A_460] : memref<10000x128xf32, #tpu.memory_space<vmem_shared>> -> memref<10000x128xf32, #tpu.memory_space<vmem_shared>>
        %dma_start3A_462 = tpu.memref_slice %arg13[%rem3A_358] : memref<3x!tpu.dma_semaphore, #tpu.memory_space<semaphore_mem>> -> memref<1x!tpu.dma_semaphore, #tpu.memory_space<semaphore_mem>>
        %dma_start3A_463 = tpu.memref_squeeze %dma_start3A_462 : memref<1x!tpu.dma_semaphore, #tpu.memory_space<semaphore_mem>> -> memref<!tpu.dma_semaphore, #tpu.memory_space<semaphore_mem>>
        tpu.enqueue_indirect_dma source(%dma_start3A_455 : memref<128x128xf32, #tpu.memory_space<vmem>>) target(%dma_start3A_461 : memref<10000x128xf32, #tpu.memory_space<vmem_shared>>) offsets(%dma_start3A_458 : memref<128xi32, #tpu.memory_space<vmem>>) semaphore(%dma_start3A_463 : memref<!tpu.dma_semaphore, #tpu.memory_space<semaphore_mem>>) {add = true}
      } else {
      }
      %mul3A_363 = arith.constant 8 : i32
      %mul3A_364 = arith.muli %while3A_287, %mul3A_363 : i32
      %add3A_365 = arith.constant 4 : i32
      %add3A_366 = arith.addi %mul3A_364, %add3A_365 : i32
      %add3A_367 = arith.constant 2 : i32
      %add3A_368 = arith.addi %add3A_366, %add3A_367 : i32
      %rem3A_369 = arith.constant 3 : i32
      %rem3A_370 = arith.remsi %add3A_368, %rem3A_369 : i32
      %lt3A_371 = arith.cmpi slt, %add3A_368, %add3A_158 : i32
      %convert_element_type3A_372 = arith.extui %lt3A_371 : i1 to i32
      %cond3A_373 = arith.constant 0 : i32
      %cond3A_374 = arith.cmpi ne, %convert_element_type3A_372, %cond3A_373 : i32
      scf.if %cond3A_374 {
        %ge3A = arith.constant 3 : i32
        %ge3A_435 = arith.cmpi sge, %add3A_368, %ge3A : i32
        %convert_element_type3A_436 = arith.extui %ge3A_435 : i1 to i32
        %cond3A_437 = arith.constant 0 : i32
        %cond3A_438 = arith.cmpi ne, %convert_element_type3A_436, %cond3A_437 : i32
        scf.if %cond3A_438 {
          %dma_wait3A_456 = arith.constant 0 : i32
          %dma_wait3A_457 = arith.constant 0 : i32
          %dma_wait3A_458 = arith.constant 0 : i32
          %dma_wait3A_459 = tpu.memref_slice %arg10[%rem3A_370, %dma_wait3A_457, %dma_wait3A_458] : memref<3x128x128xf32, #tpu.memory_space<vmem>> -> memref<1x128x128xf32, #tpu.memory_space<vmem>>
          %dma_wait3A_460 = tpu.memref_squeeze %dma_wait3A_459 : memref<1x128x128xf32, #tpu.memory_space<vmem>> -> memref<128x128xf32, #tpu.memory_space<vmem>>
          %dma_wait3A_461 = arith.constant 0 : i32
          %dma_wait3A_462 = tpu.memref_slice %arg11[%dma_wait3A_456, %dma_wait3A_461] : memref<8x128xi32, #tpu.memory_space<vmem>> -> memref<1x128xi32, #tpu.memory_space<vmem>>
          %dma_wait3A_463 = tpu.memref_squeeze %dma_wait3A_462 : memref<1x128xi32, #tpu.memory_space<vmem>> -> memref<128xi32, #tpu.memory_space<vmem>>
          %dma_wait3A_464 = arith.constant 0 : i32
          %dma_wait3A_465 = arith.constant 0 : i32
          %dma_wait3A_466 = tpu.memref_slice %arg9[%dma_wait3A_464, %dma_wait3A_465] : memref<10000x128xf32, #tpu.memory_space<vmem_shared>> -> memref<10000x128xf32, #tpu.memory_space<vmem_shared>>
          %dma_wait3A_467 = tpu.memref_slice %arg13[%rem3A_370] : memref<3x!tpu.dma_semaphore, #tpu.memory_space<semaphore_mem>> -> memref<1x!tpu.dma_semaphore, #tpu.memory_space<semaphore_mem>>
          %dma_wait3A_468 = tpu.memref_squeeze %dma_wait3A_467 : memref<1x!tpu.dma_semaphore, #tpu.memory_space<semaphore_mem>> -> memref<!tpu.dma_semaphore, #tpu.memory_space<semaphore_mem>>
          tpu.wait_indirect_dma semaphore(%dma_wait3A_468 : memref<!tpu.dma_semaphore, #tpu.memory_space<semaphore_mem>>) src(%dma_wait3A_460 : memref<128x128xf32, #tpu.memory_space<vmem>>) dst(%dma_wait3A_466 : memref<10000x128xf32, #tpu.memory_space<vmem_shared>>)
        } else {
        }
        %add3A_439 = arith.addi %mul3A_145, %add3A_368 : i32
        %mul3A_440 = arith.constant 128 : i32
        %mul3A_441 = arith.muli %add3A_439, %mul3A_440 : i32
        %dma_start3A_442 = arith.constant 0 : i32
        %dma_start3A_443 = arith.constant 0 : i32
        %dma_start3A_444 = tpu.memref_slice %arg10[%rem3A_370, %dma_start3A_442, %dma_start3A_443] : memref<3x128x128xf32, #tpu.memory_space<vmem>> -> memref<1x128x128xf32, #tpu.memory_space<vmem>>
        %dma_start3A_445 = tpu.memref_squeeze %dma_start3A_444 : memref<1x128x128xf32, #tpu.memory_space<vmem>> -> memref<128x128xf32, #tpu.memory_space<vmem>>
        %dma_start3A_446 = arith.constant 0 : i32
        %dma_start3A_447 = tpu.memref_slice %arg4[%mul3A_441, %dma_start3A_446] : memref<160000x128xf32, #tpu.memory_space<hbm>> -> memref<128x128xf32, #tpu.memory_space<hbm>>
        %dma_start3A_448 = tpu.memref_slice %arg12[%rem3A_370] : memref<3x!tpu.dma_semaphore, #tpu.memory_space<semaphore_mem>> -> memref<1x!tpu.dma_semaphore, #tpu.memory_space<semaphore_mem>>
        %dma_start3A_449 = tpu.memref_squeeze %dma_start3A_448 : memref<1x!tpu.dma_semaphore, #tpu.memory_space<semaphore_mem>> -> memref<!tpu.dma_semaphore, #tpu.memory_space<semaphore_mem>>
        %dma_start3A_450 = arith.constant 0 : i32
        %dma_start3A_451 = arith.constant 0 : i32
        %dma_start3A_452 = tpu.memref_slice %arg10[%rem3A_370, %dma_start3A_450, %dma_start3A_451] : memref<3x128x128xf32, #tpu.memory_space<vmem>> -> memref<1x128x128xf32, #tpu.memory_space<vmem>>
        %dma_start3A_453 = tpu.memref_squeeze %dma_start3A_452 : memref<1x128x128xf32, #tpu.memory_space<vmem>> -> memref<128x128xf32, #tpu.memory_space<vmem>>
        %dma_start3A_454 = arith.constant 0 : i32
        %dma_start3A_455 = tpu.memref_slice %arg4[%mul3A_441, %dma_start3A_454] : memref<160000x128xf32, #tpu.memory_space<hbm>> -> memref<128x128xf32, #tpu.memory_space<hbm>>
        tpu.enqueue_dma source(%dma_start3A_455 : memref<128x128xf32, #tpu.memory_space<hbm>>) target(%dma_start3A_453 : memref<128x128xf32, #tpu.memory_space<vmem>>) target_semaphore(%dma_start3A_449 : memref<!tpu.dma_semaphore, #tpu.memory_space<semaphore_mem>>)
      } else {
      }
      %rem3A_375 = arith.constant 3 : i32
      %rem3A_376 = arith.remsi %add3A_366, %rem3A_375 : i32
      %lt3A_377 = arith.cmpi slt, %add3A_366, %add3A_158 : i32
      %convert_element_type3A_378 = arith.extui %lt3A_377 : i1 to i32
      %cond3A_379 = arith.constant 0 : i32
      %cond3A_380 = arith.cmpi ne, %convert_element_type3A_378, %cond3A_379 : i32
      scf.if %cond3A_380 {
        %dma_wait3A_435 = arith.constant 0 : i32
        %dma_wait3A_436 = arith.constant 0 : i32
        %dma_wait3A_437 = tpu.memref_slice %arg10[%rem3A_376, %dma_wait3A_435, %dma_wait3A_436] : memref<3x128x128xf32, #tpu.memory_space<vmem>> -> memref<1x128x128xf32, #tpu.memory_space<vmem>>
        %dma_wait3A_438 = tpu.memref_squeeze %dma_wait3A_437 : memref<1x128x128xf32, #tpu.memory_space<vmem>> -> memref<128x128xf32, #tpu.memory_space<vmem>>
        %dma_wait3A_439 = arith.constant 0 : i32
        %dma_wait3A_440 = arith.constant 0 : i32
        %dma_wait3A_441 = tpu.memref_slice %arg4[%dma_wait3A_439, %dma_wait3A_440] : memref<160000x128xf32, #tpu.memory_space<hbm>> -> memref<128x128xf32, #tpu.memory_space<hbm>>
        %dma_wait3A_442 = tpu.memref_slice %arg12[%rem3A_376] : memref<3x!tpu.dma_semaphore, #tpu.memory_space<semaphore_mem>> -> memref<1x!tpu.dma_semaphore, #tpu.memory_space<semaphore_mem>>
        %dma_wait3A_443 = tpu.memref_squeeze %dma_wait3A_442 : memref<1x!tpu.dma_semaphore, #tpu.memory_space<semaphore_mem>> -> memref<!tpu.dma_semaphore, #tpu.memory_space<semaphore_mem>>
        %dma_wait3A_444 = arith.constant 0 : i32
        %dma_wait3A_445 = arith.constant 0 : i32
        %dma_wait3A_446 = tpu.memref_slice %arg10[%rem3A_376, %dma_wait3A_444, %dma_wait3A_445] : memref<3x128x128xf32, #tpu.memory_space<vmem>> -> memref<1x128x128xf32, #tpu.memory_space<vmem>>
        %dma_wait3A_447 = tpu.memref_squeeze %dma_wait3A_446 : memref<1x128x128xf32, #tpu.memory_space<vmem>> -> memref<128x128xf32, #tpu.memory_space<vmem>>
        %dma_wait3A_448 = arith.constant 0 : i32
        %dma_wait3A_449 = arith.constant 0 : i32
        %dma_wait3A_450 = tpu.memref_slice %arg4[%dma_wait3A_448, %dma_wait3A_449] : memref<160000x128xf32, #tpu.memory_space<hbm>> -> memref<128x128xf32, #tpu.memory_space<hbm>>
        tpu.wait_dma2 semaphore(%dma_wait3A_443 : memref<!tpu.dma_semaphore, #tpu.memory_space<semaphore_mem>>) src(%dma_wait3A_450 : memref<128x128xf32, #tpu.memory_space<hbm>>) dst(%dma_wait3A_447 : memref<128x128xf32, #tpu.memory_space<vmem>>)
        %dma_start3A_451 = arith.constant 4 : i32
        %dma_start3A_452 = arith.constant 0 : i32
        %dma_start3A_453 = arith.constant 0 : i32
        %dma_start3A_454 = tpu.memref_slice %arg10[%rem3A_376, %dma_start3A_452, %dma_start3A_453] : memref<3x128x128xf32, #tpu.memory_space<vmem>> -> memref<1x128x128xf32, #tpu.memory_space<vmem>>
        %dma_start3A_455 = tpu.memref_squeeze %dma_start3A_454 : memref<1x128x128xf32, #tpu.memory_space<vmem>> -> memref<128x128xf32, #tpu.memory_space<vmem>>
        %dma_start3A_456 = arith.constant 0 : i32
        %dma_start3A_457 = tpu.memref_slice %arg11[%dma_start3A_451, %dma_start3A_456] : memref<8x128xi32, #tpu.memory_space<vmem>> -> memref<1x128xi32, #tpu.memory_space<vmem>>
        %dma_start3A_458 = tpu.memref_squeeze %dma_start3A_457 : memref<1x128xi32, #tpu.memory_space<vmem>> -> memref<128xi32, #tpu.memory_space<vmem>>
        %dma_start3A_459 = arith.constant 0 : i32
        %dma_start3A_460 = arith.constant 0 : i32
        %dma_start3A_461 = tpu.memref_slice %arg9[%dma_start3A_459, %dma_start3A_460] : memref<10000x128xf32, #tpu.memory_space<vmem_shared>> -> memref<10000x128xf32, #tpu.memory_space<vmem_shared>>
        %dma_start3A_462 = tpu.memref_slice %arg13[%rem3A_376] : memref<3x!tpu.dma_semaphore, #tpu.memory_space<semaphore_mem>> -> memref<1x!tpu.dma_semaphore, #tpu.memory_space<semaphore_mem>>
        %dma_start3A_463 = tpu.memref_squeeze %dma_start3A_462 : memref<1x!tpu.dma_semaphore, #tpu.memory_space<semaphore_mem>> -> memref<!tpu.dma_semaphore, #tpu.memory_space<semaphore_mem>>
        tpu.enqueue_indirect_dma source(%dma_start3A_455 : memref<128x128xf32, #tpu.memory_space<vmem>>) target(%dma_start3A_461 : memref<10000x128xf32, #tpu.memory_space<vmem_shared>>) offsets(%dma_start3A_458 : memref<128xi32, #tpu.memory_space<vmem>>) semaphore(%dma_start3A_463 : memref<!tpu.dma_semaphore, #tpu.memory_space<semaphore_mem>>) {add = true}
      } else {
      }
      %mul3A_381 = arith.constant 8 : i32
      %mul3A_382 = arith.muli %while3A_287, %mul3A_381 : i32
      %add3A_383 = arith.constant 5 : i32
      %add3A_384 = arith.addi %mul3A_382, %add3A_383 : i32
      %add3A_385 = arith.constant 2 : i32
      %add3A_386 = arith.addi %add3A_384, %add3A_385 : i32
      %rem3A_387 = arith.constant 3 : i32
      %rem3A_388 = arith.remsi %add3A_386, %rem3A_387 : i32
      %lt3A_389 = arith.cmpi slt, %add3A_386, %add3A_158 : i32
      %convert_element_type3A_390 = arith.extui %lt3A_389 : i1 to i32
      %cond3A_391 = arith.constant 0 : i32
      %cond3A_392 = arith.cmpi ne, %convert_element_type3A_390, %cond3A_391 : i32
      scf.if %cond3A_392 {
        %ge3A = arith.constant 3 : i32
        %ge3A_435 = arith.cmpi sge, %add3A_386, %ge3A : i32
        %convert_element_type3A_436 = arith.extui %ge3A_435 : i1 to i32
        %cond3A_437 = arith.constant 0 : i32
        %cond3A_438 = arith.cmpi ne, %convert_element_type3A_436, %cond3A_437 : i32
        scf.if %cond3A_438 {
          %dma_wait3A_456 = arith.constant 0 : i32
          %dma_wait3A_457 = arith.constant 0 : i32
          %dma_wait3A_458 = arith.constant 0 : i32
          %dma_wait3A_459 = tpu.memref_slice %arg10[%rem3A_388, %dma_wait3A_457, %dma_wait3A_458] : memref<3x128x128xf32, #tpu.memory_space<vmem>> -> memref<1x128x128xf32, #tpu.memory_space<vmem>>
          %dma_wait3A_460 = tpu.memref_squeeze %dma_wait3A_459 : memref<1x128x128xf32, #tpu.memory_space<vmem>> -> memref<128x128xf32, #tpu.memory_space<vmem>>
          %dma_wait3A_461 = arith.constant 0 : i32
          %dma_wait3A_462 = tpu.memref_slice %arg11[%dma_wait3A_456, %dma_wait3A_461] : memref<8x128xi32, #tpu.memory_space<vmem>> -> memref<1x128xi32, #tpu.memory_space<vmem>>
          %dma_wait3A_463 = tpu.memref_squeeze %dma_wait3A_462 : memref<1x128xi32, #tpu.memory_space<vmem>> -> memref<128xi32, #tpu.memory_space<vmem>>
          %dma_wait3A_464 = arith.constant 0 : i32
          %dma_wait3A_465 = arith.constant 0 : i32
          %dma_wait3A_466 = tpu.memref_slice %arg9[%dma_wait3A_464, %dma_wait3A_465] : memref<10000x128xf32, #tpu.memory_space<vmem_shared>> -> memref<10000x128xf32, #tpu.memory_space<vmem_shared>>
          %dma_wait3A_467 = tpu.memref_slice %arg13[%rem3A_388] : memref<3x!tpu.dma_semaphore, #tpu.memory_space<semaphore_mem>> -> memref<1x!tpu.dma_semaphore, #tpu.memory_space<semaphore_mem>>
          %dma_wait3A_468 = tpu.memref_squeeze %dma_wait3A_467 : memref<1x!tpu.dma_semaphore, #tpu.memory_space<semaphore_mem>> -> memref<!tpu.dma_semaphore, #tpu.memory_space<semaphore_mem>>
          tpu.wait_indirect_dma semaphore(%dma_wait3A_468 : memref<!tpu.dma_semaphore, #tpu.memory_space<semaphore_mem>>) src(%dma_wait3A_460 : memref<128x128xf32, #tpu.memory_space<vmem>>) dst(%dma_wait3A_466 : memref<10000x128xf32, #tpu.memory_space<vmem_shared>>)
        } else {
        }
        %add3A_439 = arith.addi %mul3A_145, %add3A_386 : i32
        %mul3A_440 = arith.constant 128 : i32
        %mul3A_441 = arith.muli %add3A_439, %mul3A_440 : i32
        %dma_start3A_442 = arith.constant 0 : i32
        %dma_start3A_443 = arith.constant 0 : i32
        %dma_start3A_444 = tpu.memref_slice %arg10[%rem3A_388, %dma_start3A_442, %dma_start3A_443] : memref<3x128x128xf32, #tpu.memory_space<vmem>> -> memref<1x128x128xf32, #tpu.memory_space<vmem>>
        %dma_start3A_445 = tpu.memref_squeeze %dma_start3A_444 : memref<1x128x128xf32, #tpu.memory_space<vmem>> -> memref<128x128xf32, #tpu.memory_space<vmem>>
        %dma_start3A_446 = arith.constant 0 : i32
        %dma_start3A_447 = tpu.memref_slice %arg4[%mul3A_441, %dma_start3A_446] : memref<160000x128xf32, #tpu.memory_space<hbm>> -> memref<128x128xf32, #tpu.memory_space<hbm>>
        %dma_start3A_448 = tpu.memref_slice %arg12[%rem3A_388] : memref<3x!tpu.dma_semaphore, #tpu.memory_space<semaphore_mem>> -> memref<1x!tpu.dma_semaphore, #tpu.memory_space<semaphore_mem>>
        %dma_start3A_449 = tpu.memref_squeeze %dma_start3A_448 : memref<1x!tpu.dma_semaphore, #tpu.memory_space<semaphore_mem>> -> memref<!tpu.dma_semaphore, #tpu.memory_space<semaphore_mem>>
        %dma_start3A_450 = arith.constant 0 : i32
        %dma_start3A_451 = arith.constant 0 : i32
        %dma_start3A_452 = tpu.memref_slice %arg10[%rem3A_388, %dma_start3A_450, %dma_start3A_451] : memref<3x128x128xf32, #tpu.memory_space<vmem>> -> memref<1x128x128xf32, #tpu.memory_space<vmem>>
        %dma_start3A_453 = tpu.memref_squeeze %dma_start3A_452 : memref<1x128x128xf32, #tpu.memory_space<vmem>> -> memref<128x128xf32, #tpu.memory_space<vmem>>
        %dma_start3A_454 = arith.constant 0 : i32
        %dma_start3A_455 = tpu.memref_slice %arg4[%mul3A_441, %dma_start3A_454] : memref<160000x128xf32, #tpu.memory_space<hbm>> -> memref<128x128xf32, #tpu.memory_space<hbm>>
        tpu.enqueue_dma source(%dma_start3A_455 : memref<128x128xf32, #tpu.memory_space<hbm>>) target(%dma_start3A_453 : memref<128x128xf32, #tpu.memory_space<vmem>>) target_semaphore(%dma_start3A_449 : memref<!tpu.dma_semaphore, #tpu.memory_space<semaphore_mem>>)
      } else {
      }
      %rem3A_393 = arith.constant 3 : i32
      %rem3A_394 = arith.remsi %add3A_384, %rem3A_393 : i32
      %lt3A_395 = arith.cmpi slt, %add3A_384, %add3A_158 : i32
      %convert_element_type3A_396 = arith.extui %lt3A_395 : i1 to i32
      %cond3A_397 = arith.constant 0 : i32
      %cond3A_398 = arith.cmpi ne, %convert_element_type3A_396, %cond3A_397 : i32
      scf.if %cond3A_398 {
        %dma_wait3A_435 = arith.constant 0 : i32
        %dma_wait3A_436 = arith.constant 0 : i32
        %dma_wait3A_437 = tpu.memref_slice %arg10[%rem3A_394, %dma_wait3A_435, %dma_wait3A_436] : memref<3x128x128xf32, #tpu.memory_space<vmem>> -> memref<1x128x128xf32, #tpu.memory_space<vmem>>
        %dma_wait3A_438 = tpu.memref_squeeze %dma_wait3A_437 : memref<1x128x128xf32, #tpu.memory_space<vmem>> -> memref<128x128xf32, #tpu.memory_space<vmem>>
        %dma_wait3A_439 = arith.constant 0 : i32
        %dma_wait3A_440 = arith.constant 0 : i32
        %dma_wait3A_441 = tpu.memref_slice %arg4[%dma_wait3A_439, %dma_wait3A_440] : memref<160000x128xf32, #tpu.memory_space<hbm>> -> memref<128x128xf32, #tpu.memory_space<hbm>>
        %dma_wait3A_442 = tpu.memref_slice %arg12[%rem3A_394] : memref<3x!tpu.dma_semaphore, #tpu.memory_space<semaphore_mem>> -> memref<1x!tpu.dma_semaphore, #tpu.memory_space<semaphore_mem>>
        %dma_wait3A_443 = tpu.memref_squeeze %dma_wait3A_442 : memref<1x!tpu.dma_semaphore, #tpu.memory_space<semaphore_mem>> -> memref<!tpu.dma_semaphore, #tpu.memory_space<semaphore_mem>>
        %dma_wait3A_444 = arith.constant 0 : i32
        %dma_wait3A_445 = arith.constant 0 : i32
        %dma_wait3A_446 = tpu.memref_slice %arg10[%rem3A_394, %dma_wait3A_444, %dma_wait3A_445] : memref<3x128x128xf32, #tpu.memory_space<vmem>> -> memref<1x128x128xf32, #tpu.memory_space<vmem>>
        %dma_wait3A_447 = tpu.memref_squeeze %dma_wait3A_446 : memref<1x128x128xf32, #tpu.memory_space<vmem>> -> memref<128x128xf32, #tpu.memory_space<vmem>>
        %dma_wait3A_448 = arith.constant 0 : i32
        %dma_wait3A_449 = arith.constant 0 : i32
        %dma_wait3A_450 = tpu.memref_slice %arg4[%dma_wait3A_448, %dma_wait3A_449] : memref<160000x128xf32, #tpu.memory_space<hbm>> -> memref<128x128xf32, #tpu.memory_space<hbm>>
        tpu.wait_dma2 semaphore(%dma_wait3A_443 : memref<!tpu.dma_semaphore, #tpu.memory_space<semaphore_mem>>) src(%dma_wait3A_450 : memref<128x128xf32, #tpu.memory_space<hbm>>) dst(%dma_wait3A_447 : memref<128x128xf32, #tpu.memory_space<vmem>>)
        %dma_start3A_451 = arith.constant 5 : i32
        %dma_start3A_452 = arith.constant 0 : i32
        %dma_start3A_453 = arith.constant 0 : i32
        %dma_start3A_454 = tpu.memref_slice %arg10[%rem3A_394, %dma_start3A_452, %dma_start3A_453] : memref<3x128x128xf32, #tpu.memory_space<vmem>> -> memref<1x128x128xf32, #tpu.memory_space<vmem>>
        %dma_start3A_455 = tpu.memref_squeeze %dma_start3A_454 : memref<1x128x128xf32, #tpu.memory_space<vmem>> -> memref<128x128xf32, #tpu.memory_space<vmem>>
        %dma_start3A_456 = arith.constant 0 : i32
        %dma_start3A_457 = tpu.memref_slice %arg11[%dma_start3A_451, %dma_start3A_456] : memref<8x128xi32, #tpu.memory_space<vmem>> -> memref<1x128xi32, #tpu.memory_space<vmem>>
        %dma_start3A_458 = tpu.memref_squeeze %dma_start3A_457 : memref<1x128xi32, #tpu.memory_space<vmem>> -> memref<128xi32, #tpu.memory_space<vmem>>
        %dma_start3A_459 = arith.constant 0 : i32
        %dma_start3A_460 = arith.constant 0 : i32
        %dma_start3A_461 = tpu.memref_slice %arg9[%dma_start3A_459, %dma_start3A_460] : memref<10000x128xf32, #tpu.memory_space<vmem_shared>> -> memref<10000x128xf32, #tpu.memory_space<vmem_shared>>
        %dma_start3A_462 = tpu.memref_slice %arg13[%rem3A_394] : memref<3x!tpu.dma_semaphore, #tpu.memory_space<semaphore_mem>> -> memref<1x!tpu.dma_semaphore, #tpu.memory_space<semaphore_mem>>
        %dma_start3A_463 = tpu.memref_squeeze %dma_start3A_462 : memref<1x!tpu.dma_semaphore, #tpu.memory_space<semaphore_mem>> -> memref<!tpu.dma_semaphore, #tpu.memory_space<semaphore_mem>>
        tpu.enqueue_indirect_dma source(%dma_start3A_455 : memref<128x128xf32, #tpu.memory_space<vmem>>) target(%dma_start3A_461 : memref<10000x128xf32, #tpu.memory_space<vmem_shared>>) offsets(%dma_start3A_458 : memref<128xi32, #tpu.memory_space<vmem>>) semaphore(%dma_start3A_463 : memref<!tpu.dma_semaphore, #tpu.memory_space<semaphore_mem>>) {add = true}
      } else {
      }
      %mul3A_399 = arith.constant 8 : i32
      %mul3A_400 = arith.muli %while3A_287, %mul3A_399 : i32
      %add3A_401 = arith.constant 6 : i32
      %add3A_402 = arith.addi %mul3A_400, %add3A_401 : i32
      %add3A_403 = arith.constant 2 : i32
      %add3A_404 = arith.addi %add3A_402, %add3A_403 : i32
      %rem3A_405 = arith.constant 3 : i32
      %rem3A_406 = arith.remsi %add3A_404, %rem3A_405 : i32
      %lt3A_407 = arith.cmpi slt, %add3A_404, %add3A_158 : i32
      %convert_element_type3A_408 = arith.extui %lt3A_407 : i1 to i32
      %cond3A_409 = arith.constant 0 : i32
      %cond3A_410 = arith.cmpi ne, %convert_element_type3A_408, %cond3A_409 : i32
      scf.if %cond3A_410 {
        %ge3A = arith.constant 3 : i32
        %ge3A_435 = arith.cmpi sge, %add3A_404, %ge3A : i32
        %convert_element_type3A_436 = arith.extui %ge3A_435 : i1 to i32
        %cond3A_437 = arith.constant 0 : i32
        %cond3A_438 = arith.cmpi ne, %convert_element_type3A_436, %cond3A_437 : i32
        scf.if %cond3A_438 {
          %dma_wait3A_456 = arith.constant 0 : i32
          %dma_wait3A_457 = arith.constant 0 : i32
          %dma_wait3A_458 = arith.constant 0 : i32
          %dma_wait3A_459 = tpu.memref_slice %arg10[%rem3A_406, %dma_wait3A_457, %dma_wait3A_458] : memref<3x128x128xf32, #tpu.memory_space<vmem>> -> memref<1x128x128xf32, #tpu.memory_space<vmem>>
          %dma_wait3A_460 = tpu.memref_squeeze %dma_wait3A_459 : memref<1x128x128xf32, #tpu.memory_space<vmem>> -> memref<128x128xf32, #tpu.memory_space<vmem>>
          %dma_wait3A_461 = arith.constant 0 : i32
          %dma_wait3A_462 = tpu.memref_slice %arg11[%dma_wait3A_456, %dma_wait3A_461] : memref<8x128xi32, #tpu.memory_space<vmem>> -> memref<1x128xi32, #tpu.memory_space<vmem>>
          %dma_wait3A_463 = tpu.memref_squeeze %dma_wait3A_462 : memref<1x128xi32, #tpu.memory_space<vmem>> -> memref<128xi32, #tpu.memory_space<vmem>>
          %dma_wait3A_464 = arith.constant 0 : i32
          %dma_wait3A_465 = arith.constant 0 : i32
          %dma_wait3A_466 = tpu.memref_slice %arg9[%dma_wait3A_464, %dma_wait3A_465] : memref<10000x128xf32, #tpu.memory_space<vmem_shared>> -> memref<10000x128xf32, #tpu.memory_space<vmem_shared>>
          %dma_wait3A_467 = tpu.memref_slice %arg13[%rem3A_406] : memref<3x!tpu.dma_semaphore, #tpu.memory_space<semaphore_mem>> -> memref<1x!tpu.dma_semaphore, #tpu.memory_space<semaphore_mem>>
          %dma_wait3A_468 = tpu.memref_squeeze %dma_wait3A_467 : memref<1x!tpu.dma_semaphore, #tpu.memory_space<semaphore_mem>> -> memref<!tpu.dma_semaphore, #tpu.memory_space<semaphore_mem>>
          tpu.wait_indirect_dma semaphore(%dma_wait3A_468 : memref<!tpu.dma_semaphore, #tpu.memory_space<semaphore_mem>>) src(%dma_wait3A_460 : memref<128x128xf32, #tpu.memory_space<vmem>>) dst(%dma_wait3A_466 : memref<10000x128xf32, #tpu.memory_space<vmem_shared>>)
        } else {
        }
        %add3A_439 = arith.addi %mul3A_145, %add3A_404 : i32
        %mul3A_440 = arith.constant 128 : i32
        %mul3A_441 = arith.muli %add3A_439, %mul3A_440 : i32
        %dma_start3A_442 = arith.constant 0 : i32
        %dma_start3A_443 = arith.constant 0 : i32
        %dma_start3A_444 = tpu.memref_slice %arg10[%rem3A_406, %dma_start3A_442, %dma_start3A_443] : memref<3x128x128xf32, #tpu.memory_space<vmem>> -> memref<1x128x128xf32, #tpu.memory_space<vmem>>
        %dma_start3A_445 = tpu.memref_squeeze %dma_start3A_444 : memref<1x128x128xf32, #tpu.memory_space<vmem>> -> memref<128x128xf32, #tpu.memory_space<vmem>>
        %dma_start3A_446 = arith.constant 0 : i32
        %dma_start3A_447 = tpu.memref_slice %arg4[%mul3A_441, %dma_start3A_446] : memref<160000x128xf32, #tpu.memory_space<hbm>> -> memref<128x128xf32, #tpu.memory_space<hbm>>
        %dma_start3A_448 = tpu.memref_slice %arg12[%rem3A_406] : memref<3x!tpu.dma_semaphore, #tpu.memory_space<semaphore_mem>> -> memref<1x!tpu.dma_semaphore, #tpu.memory_space<semaphore_mem>>
        %dma_start3A_449 = tpu.memref_squeeze %dma_start3A_448 : memref<1x!tpu.dma_semaphore, #tpu.memory_space<semaphore_mem>> -> memref<!tpu.dma_semaphore, #tpu.memory_space<semaphore_mem>>
        %dma_start3A_450 = arith.constant 0 : i32
        %dma_start3A_451 = arith.constant 0 : i32
        %dma_start3A_452 = tpu.memref_slice %arg10[%rem3A_406, %dma_start3A_450, %dma_start3A_451] : memref<3x128x128xf32, #tpu.memory_space<vmem>> -> memref<1x128x128xf32, #tpu.memory_space<vmem>>
        %dma_start3A_453 = tpu.memref_squeeze %dma_start3A_452 : memref<1x128x128xf32, #tpu.memory_space<vmem>> -> memref<128x128xf32, #tpu.memory_space<vmem>>
        %dma_start3A_454 = arith.constant 0 : i32
        %dma_start3A_455 = tpu.memref_slice %arg4[%mul3A_441, %dma_start3A_454] : memref<160000x128xf32, #tpu.memory_space<hbm>> -> memref<128x128xf32, #tpu.memory_space<hbm>>
        tpu.enqueue_dma source(%dma_start3A_455 : memref<128x128xf32, #tpu.memory_space<hbm>>) target(%dma_start3A_453 : memref<128x128xf32, #tpu.memory_space<vmem>>) target_semaphore(%dma_start3A_449 : memref<!tpu.dma_semaphore, #tpu.memory_space<semaphore_mem>>)
      } else {
      }
      %rem3A_411 = arith.constant 3 : i32
      %rem3A_412 = arith.remsi %add3A_402, %rem3A_411 : i32
      %lt3A_413 = arith.cmpi slt, %add3A_402, %add3A_158 : i32
      %convert_element_type3A_414 = arith.extui %lt3A_413 : i1 to i32
      %cond3A_415 = arith.constant 0 : i32
      %cond3A_416 = arith.cmpi ne, %convert_element_type3A_414, %cond3A_415 : i32
      scf.if %cond3A_416 {
        %dma_wait3A_435 = arith.constant 0 : i32
        %dma_wait3A_436 = arith.constant 0 : i32
        %dma_wait3A_437 = tpu.memref_slice %arg10[%rem3A_412, %dma_wait3A_435, %dma_wait3A_436] : memref<3x128x128xf32, #tpu.memory_space<vmem>> -> memref<1x128x128xf32, #tpu.memory_space<vmem>>
        %dma_wait3A_438 = tpu.memref_squeeze %dma_wait3A_437 : memref<1x128x128xf32, #tpu.memory_space<vmem>> -> memref<128x128xf32, #tpu.memory_space<vmem>>
        %dma_wait3A_439 = arith.constant 0 : i32
        %dma_wait3A_440 = arith.constant 0 : i32
        %dma_wait3A_441 = tpu.memref_slice %arg4[%dma_wait3A_439, %dma_wait3A_440] : memref<160000x128xf32, #tpu.memory_space<hbm>> -> memref<128x128xf32, #tpu.memory_space<hbm>>
        %dma_wait3A_442 = tpu.memref_slice %arg12[%rem3A_412] : memref<3x!tpu.dma_semaphore, #tpu.memory_space<semaphore_mem>> -> memref<1x!tpu.dma_semaphore, #tpu.memory_space<semaphore_mem>>
        %dma_wait3A_443 = tpu.memref_squeeze %dma_wait3A_442 : memref<1x!tpu.dma_semaphore, #tpu.memory_space<semaphore_mem>> -> memref<!tpu.dma_semaphore, #tpu.memory_space<semaphore_mem>>
        %dma_wait3A_444 = arith.constant 0 : i32
        %dma_wait3A_445 = arith.constant 0 : i32
        %dma_wait3A_446 = tpu.memref_slice %arg10[%rem3A_412, %dma_wait3A_444, %dma_wait3A_445] : memref<3x128x128xf32, #tpu.memory_space<vmem>> -> memref<1x128x128xf32, #tpu.memory_space<vmem>>
        %dma_wait3A_447 = tpu.memref_squeeze %dma_wait3A_446 : memref<1x128x128xf32, #tpu.memory_space<vmem>> -> memref<128x128xf32, #tpu.memory_space<vmem>>
        %dma_wait3A_448 = arith.constant 0 : i32
        %dma_wait3A_449 = arith.constant 0 : i32
        %dma_wait3A_450 = tpu.memref_slice %arg4[%dma_wait3A_448, %dma_wait3A_449] : memref<160000x128xf32, #tpu.memory_space<hbm>> -> memref<128x128xf32, #tpu.memory_space<hbm>>
        tpu.wait_dma2 semaphore(%dma_wait3A_443 : memref<!tpu.dma_semaphore, #tpu.memory_space<semaphore_mem>>) src(%dma_wait3A_450 : memref<128x128xf32, #tpu.memory_space<hbm>>) dst(%dma_wait3A_447 : memref<128x128xf32, #tpu.memory_space<vmem>>)
        %dma_start3A_451 = arith.constant 6 : i32
        %dma_start3A_452 = arith.constant 0 : i32
        %dma_start3A_453 = arith.constant 0 : i32
        %dma_start3A_454 = tpu.memref_slice %arg10[%rem3A_412, %dma_start3A_452, %dma_start3A_453] : memref<3x128x128xf32, #tpu.memory_space<vmem>> -> memref<1x128x128xf32, #tpu.memory_space<vmem>>
        %dma_start3A_455 = tpu.memref_squeeze %dma_start3A_454 : memref<1x128x128xf32, #tpu.memory_space<vmem>> -> memref<128x128xf32, #tpu.memory_space<vmem>>
        %dma_start3A_456 = arith.constant 0 : i32
        %dma_start3A_457 = tpu.memref_slice %arg11[%dma_start3A_451, %dma_start3A_456] : memref<8x128xi32, #tpu.memory_space<vmem>> -> memref<1x128xi32, #tpu.memory_space<vmem>>
        %dma_start3A_458 = tpu.memref_squeeze %dma_start3A_457 : memref<1x128xi32, #tpu.memory_space<vmem>> -> memref<128xi32, #tpu.memory_space<vmem>>
        %dma_start3A_459 = arith.constant 0 : i32
        %dma_start3A_460 = arith.constant 0 : i32
        %dma_start3A_461 = tpu.memref_slice %arg9[%dma_start3A_459, %dma_start3A_460] : memref<10000x128xf32, #tpu.memory_space<vmem_shared>> -> memref<10000x128xf32, #tpu.memory_space<vmem_shared>>
        %dma_start3A_462 = tpu.memref_slice %arg13[%rem3A_412] : memref<3x!tpu.dma_semaphore, #tpu.memory_space<semaphore_mem>> -> memref<1x!tpu.dma_semaphore, #tpu.memory_space<semaphore_mem>>
        %dma_start3A_463 = tpu.memref_squeeze %dma_start3A_462 : memref<1x!tpu.dma_semaphore, #tpu.memory_space<semaphore_mem>> -> memref<!tpu.dma_semaphore, #tpu.memory_space<semaphore_mem>>
        tpu.enqueue_indirect_dma source(%dma_start3A_455 : memref<128x128xf32, #tpu.memory_space<vmem>>) target(%dma_start3A_461 : memref<10000x128xf32, #tpu.memory_space<vmem_shared>>) offsets(%dma_start3A_458 : memref<128xi32, #tpu.memory_space<vmem>>) semaphore(%dma_start3A_463 : memref<!tpu.dma_semaphore, #tpu.memory_space<semaphore_mem>>) {add = true}
      } else {
      }
      %mul3A_417 = arith.constant 8 : i32
      %mul3A_418 = arith.muli %while3A_287, %mul3A_417 : i32
      %add3A_419 = arith.constant 7 : i32
      %add3A_420 = arith.addi %mul3A_418, %add3A_419 : i32
      %add3A_421 = arith.constant 2 : i32
      %add3A_422 = arith.addi %add3A_420, %add3A_421 : i32
      %rem3A_423 = arith.constant 3 : i32
      %rem3A_424 = arith.remsi %add3A_422, %rem3A_423 : i32
      %lt3A_425 = arith.cmpi slt, %add3A_422, %add3A_158 : i32
      %convert_element_type3A_426 = arith.extui %lt3A_425 : i1 to i32
      %cond3A_427 = arith.constant 0 : i32
      %cond3A_428 = arith.cmpi ne, %convert_element_type3A_426, %cond3A_427 : i32
      scf.if %cond3A_428 {
        %ge3A = arith.constant 3 : i32
        %ge3A_435 = arith.cmpi sge, %add3A_422, %ge3A : i32
        %convert_element_type3A_436 = arith.extui %ge3A_435 : i1 to i32
        %cond3A_437 = arith.constant 0 : i32
        %cond3A_438 = arith.cmpi ne, %convert_element_type3A_436, %cond3A_437 : i32
        scf.if %cond3A_438 {
          %dma_wait3A_456 = arith.constant 0 : i32
          %dma_wait3A_457 = arith.constant 0 : i32
          %dma_wait3A_458 = arith.constant 0 : i32
          %dma_wait3A_459 = tpu.memref_slice %arg10[%rem3A_424, %dma_wait3A_457, %dma_wait3A_458] : memref<3x128x128xf32, #tpu.memory_space<vmem>> -> memref<1x128x128xf32, #tpu.memory_space<vmem>>
          %dma_wait3A_460 = tpu.memref_squeeze %dma_wait3A_459 : memref<1x128x128xf32, #tpu.memory_space<vmem>> -> memref<128x128xf32, #tpu.memory_space<vmem>>
          %dma_wait3A_461 = arith.constant 0 : i32
          %dma_wait3A_462 = tpu.memref_slice %arg11[%dma_wait3A_456, %dma_wait3A_461] : memref<8x128xi32, #tpu.memory_space<vmem>> -> memref<1x128xi32, #tpu.memory_space<vmem>>
          %dma_wait3A_463 = tpu.memref_squeeze %dma_wait3A_462 : memref<1x128xi32, #tpu.memory_space<vmem>> -> memref<128xi32, #tpu.memory_space<vmem>>
          %dma_wait3A_464 = arith.constant 0 : i32
          %dma_wait3A_465 = arith.constant 0 : i32
          %dma_wait3A_466 = tpu.memref_slice %arg9[%dma_wait3A_464, %dma_wait3A_465] : memref<10000x128xf32, #tpu.memory_space<vmem_shared>> -> memref<10000x128xf32, #tpu.memory_space<vmem_shared>>
          %dma_wait3A_467 = tpu.memref_slice %arg13[%rem3A_424] : memref<3x!tpu.dma_semaphore, #tpu.memory_space<semaphore_mem>> -> memref<1x!tpu.dma_semaphore, #tpu.memory_space<semaphore_mem>>
          %dma_wait3A_468 = tpu.memref_squeeze %dma_wait3A_467 : memref<1x!tpu.dma_semaphore, #tpu.memory_space<semaphore_mem>> -> memref<!tpu.dma_semaphore, #tpu.memory_space<semaphore_mem>>
          tpu.wait_indirect_dma semaphore(%dma_wait3A_468 : memref<!tpu.dma_semaphore, #tpu.memory_space<semaphore_mem>>) src(%dma_wait3A_460 : memref<128x128xf32, #tpu.memory_space<vmem>>) dst(%dma_wait3A_466 : memref<10000x128xf32, #tpu.memory_space<vmem_shared>>)
        } else {
        }
        %add3A_439 = arith.addi %mul3A_145, %add3A_422 : i32
        %mul3A_440 = arith.constant 128 : i32
        %mul3A_441 = arith.muli %add3A_439, %mul3A_440 : i32
        %dma_start3A_442 = arith.constant 0 : i32
        %dma_start3A_443 = arith.constant 0 : i32
        %dma_start3A_444 = tpu.memref_slice %arg10[%rem3A_424, %dma_start3A_442, %dma_start3A_443] : memref<3x128x128xf32, #tpu.memory_space<vmem>> -> memref<1x128x128xf32, #tpu.memory_space<vmem>>
        %dma_start3A_445 = tpu.memref_squeeze %dma_start3A_444 : memref<1x128x128xf32, #tpu.memory_space<vmem>> -> memref<128x128xf32, #tpu.memory_space<vmem>>
        %dma_start3A_446 = arith.constant 0 : i32
        %dma_start3A_447 = tpu.memref_slice %arg4[%mul3A_441, %dma_start3A_446] : memref<160000x128xf32, #tpu.memory_space<hbm>> -> memref<128x128xf32, #tpu.memory_space<hbm>>
        %dma_start3A_448 = tpu.memref_slice %arg12[%rem3A_424] : memref<3x!tpu.dma_semaphore, #tpu.memory_space<semaphore_mem>> -> memref<1x!tpu.dma_semaphore, #tpu.memory_space<semaphore_mem>>
        %dma_start3A_449 = tpu.memref_squeeze %dma_start3A_448 : memref<1x!tpu.dma_semaphore, #tpu.memory_space<semaphore_mem>> -> memref<!tpu.dma_semaphore, #tpu.memory_space<semaphore_mem>>
        %dma_start3A_450 = arith.constant 0 : i32
        %dma_start3A_451 = arith.constant 0 : i32
        %dma_start3A_452 = tpu.memref_slice %arg10[%rem3A_424, %dma_start3A_450, %dma_start3A_451] : memref<3x128x128xf32, #tpu.memory_space<vmem>> -> memref<1x128x128xf32, #tpu.memory_space<vmem>>
        %dma_start3A_453 = tpu.memref_squeeze %dma_start3A_452 : memref<1x128x128xf32, #tpu.memory_space<vmem>> -> memref<128x128xf32, #tpu.memory_space<vmem>>
        %dma_start3A_454 = arith.constant 0 : i32
        %dma_start3A_455 = tpu.memref_slice %arg4[%mul3A_441, %dma_start3A_454] : memref<160000x128xf32, #tpu.memory_space<hbm>> -> memref<128x128xf32, #tpu.memory_space<hbm>>
        tpu.enqueue_dma source(%dma_start3A_455 : memref<128x128xf32, #tpu.memory_space<hbm>>) target(%dma_start3A_453 : memref<128x128xf32, #tpu.memory_space<vmem>>) target_semaphore(%dma_start3A_449 : memref<!tpu.dma_semaphore, #tpu.memory_space<semaphore_mem>>)
      } else {
      }
      %rem3A_429 = arith.constant 3 : i32
      %rem3A_430 = arith.remsi %add3A_420, %rem3A_429 : i32
      %lt3A_431 = arith.cmpi slt, %add3A_420, %add3A_158 : i32
      %convert_element_type3A_432 = arith.extui %lt3A_431 : i1 to i32
      %cond3A_433 = arith.constant 0 : i32
      %cond3A_434 = arith.cmpi ne, %convert_element_type3A_432, %cond3A_433 : i32
      scf.if %cond3A_434 {
        %dma_wait3A_435 = arith.constant 0 : i32
        %dma_wait3A_436 = arith.constant 0 : i32
        %dma_wait3A_437 = tpu.memref_slice %arg10[%rem3A_430, %dma_wait3A_435, %dma_wait3A_436] : memref<3x128x128xf32, #tpu.memory_space<vmem>> -> memref<1x128x128xf32, #tpu.memory_space<vmem>>
        %dma_wait3A_438 = tpu.memref_squeeze %dma_wait3A_437 : memref<1x128x128xf32, #tpu.memory_space<vmem>> -> memref<128x128xf32, #tpu.memory_space<vmem>>
        %dma_wait3A_439 = arith.constant 0 : i32
        %dma_wait3A_440 = arith.constant 0 : i32
        %dma_wait3A_441 = tpu.memref_slice %arg4[%dma_wait3A_439, %dma_wait3A_440] : memref<160000x128xf32, #tpu.memory_space<hbm>> -> memref<128x128xf32, #tpu.memory_space<hbm>>
        %dma_wait3A_442 = tpu.memref_slice %arg12[%rem3A_430] : memref<3x!tpu.dma_semaphore, #tpu.memory_space<semaphore_mem>> -> memref<1x!tpu.dma_semaphore, #tpu.memory_space<semaphore_mem>>
        %dma_wait3A_443 = tpu.memref_squeeze %dma_wait3A_442 : memref<1x!tpu.dma_semaphore, #tpu.memory_space<semaphore_mem>> -> memref<!tpu.dma_semaphore, #tpu.memory_space<semaphore_mem>>
        %dma_wait3A_444 = arith.constant 0 : i32
        %dma_wait3A_445 = arith.constant 0 : i32
        %dma_wait3A_446 = tpu.memref_slice %arg10[%rem3A_430, %dma_wait3A_444, %dma_wait3A_445] : memref<3x128x128xf32, #tpu.memory_space<vmem>> -> memref<1x128x128xf32, #tpu.memory_space<vmem>>
        %dma_wait3A_447 = tpu.memref_squeeze %dma_wait3A_446 : memref<1x128x128xf32, #tpu.memory_space<vmem>> -> memref<128x128xf32, #tpu.memory_space<vmem>>
        %dma_wait3A_448 = arith.constant 0 : i32
        %dma_wait3A_449 = arith.constant 0 : i32
        %dma_wait3A_450 = tpu.memref_slice %arg4[%dma_wait3A_448, %dma_wait3A_449] : memref<160000x128xf32, #tpu.memory_space<hbm>> -> memref<128x128xf32, #tpu.memory_space<hbm>>
        tpu.wait_dma2 semaphore(%dma_wait3A_443 : memref<!tpu.dma_semaphore, #tpu.memory_space<semaphore_mem>>) src(%dma_wait3A_450 : memref<128x128xf32, #tpu.memory_space<hbm>>) dst(%dma_wait3A_447 : memref<128x128xf32, #tpu.memory_space<vmem>>)
        %dma_start3A_451 = arith.constant 7 : i32
        %dma_start3A_452 = arith.constant 0 : i32
        %dma_start3A_453 = arith.constant 0 : i32
        %dma_start3A_454 = tpu.memref_slice %arg10[%rem3A_430, %dma_start3A_452, %dma_start3A_453] : memref<3x128x128xf32, #tpu.memory_space<vmem>> -> memref<1x128x128xf32, #tpu.memory_space<vmem>>
        %dma_start3A_455 = tpu.memref_squeeze %dma_start3A_454 : memref<1x128x128xf32, #tpu.memory_space<vmem>> -> memref<128x128xf32, #tpu.memory_space<vmem>>
        %dma_start3A_456 = arith.constant 0 : i32
        %dma_start3A_457 = tpu.memref_slice %arg11[%dma_start3A_451, %dma_start3A_456] : memref<8x128xi32, #tpu.memory_space<vmem>> -> memref<1x128xi32, #tpu.memory_space<vmem>>
        %dma_start3A_458 = tpu.memref_squeeze %dma_start3A_457 : memref<1x128xi32, #tpu.memory_space<vmem>> -> memref<128xi32, #tpu.memory_space<vmem>>
        %dma_start3A_459 = arith.constant 0 : i32
        %dma_start3A_460 = arith.constant 0 : i32
        %dma_start3A_461 = tpu.memref_slice %arg9[%dma_start3A_459, %dma_start3A_460] : memref<10000x128xf32, #tpu.memory_space<vmem_shared>> -> memref<10000x128xf32, #tpu.memory_space<vmem_shared>>
        %dma_start3A_462 = tpu.memref_slice %arg13[%rem3A_430] : memref<3x!tpu.dma_semaphore, #tpu.memory_space<semaphore_mem>> -> memref<1x!tpu.dma_semaphore, #tpu.memory_space<semaphore_mem>>
        %dma_start3A_463 = tpu.memref_squeeze %dma_start3A_462 : memref<1x!tpu.dma_semaphore, #tpu.memory_space<semaphore_mem>> -> memref<!tpu.dma_semaphore, #tpu.memory_space<semaphore_mem>>
        tpu.enqueue_indirect_dma source(%dma_start3A_455 : memref<128x128xf32, #tpu.memory_space<vmem>>) target(%dma_start3A_461 : memref<10000x128xf32, #tpu.memory_space<vmem_shared>>) offsets(%dma_start3A_458 : memref<128xi32, #tpu.memory_space<vmem>>) semaphore(%dma_start3A_463 : memref<!tpu.dma_semaphore, #tpu.memory_space<semaphore_mem>>) {add = true}
      } else {
      }
    }
    %while3A_237 = arith.constant 1 : i32
    scf.for %while3A_287 = %while3A_235 to %while3A_231 step %while3A_237  : i32 {
      %mul3A_288 = arith.constant 8 : i32
      %mul3A_289 = arith.muli %while3A_287, %mul3A_288 : i32
      %add3A_290 = arith.addi %mul3A_145, %mul3A_289 : i32
      %run_scoped3A = arith.constant 1 : i32
      "tpu.region"() ({
        %run_scoped3A_435 = tpu.sem_alloc : memref<!tpu.dma_semaphore, #tpu.memory_space<semaphore_mem>>
        %dma_start3A_436 = arith.constant 0 : i32
        %dma_start3A_437 = tpu.memref_slice %arg5[%run_scoped3A, %add3A_290, %dma_start3A_436] : memref<2x1256x128xi32, #tpu.memory_space<hbm>> -> memref<1x8x128xi32, #tpu.memory_space<hbm>>
        %dma_start3A_438 = tpu.memref_squeeze %dma_start3A_437 : memref<1x8x128xi32, #tpu.memory_space<hbm>> -> memref<8x128xi32, #tpu.memory_space<hbm>>
        %dma_start3A_439 = arith.constant 0 : i32
        %dma_start3A_440 = tpu.memref_slice %arg5[%run_scoped3A, %add3A_290, %dma_start3A_439] : memref<2x1256x128xi32, #tpu.memory_space<hbm>> -> memref<1x8x128xi32, #tpu.memory_space<hbm>>
        %dma_start3A_441 = tpu.memref_squeeze %dma_start3A_440 : memref<1x8x128xi32, #tpu.memory_space<hbm>> -> memref<8x128xi32, #tpu.memory_space<hbm>>
        tpu.enqueue_dma source(%dma_start3A_441 : memref<8x128xi32, #tpu.memory_space<hbm>>) target(%arg11 : memref<8x128xi32, #tpu.memory_space<vmem>>) target_semaphore(%run_scoped3A_435 : memref<!tpu.dma_semaphore, #tpu.memory_space<semaphore_mem>>)
        %dma_wait3A_442 = arith.constant 0 : i32
        %dma_wait3A_443 = tpu.memref_slice %arg5[%run_scoped3A, %add3A_290, %dma_wait3A_442] : memref<2x1256x128xi32, #tpu.memory_space<hbm>> -> memref<1x8x128xi32, #tpu.memory_space<hbm>>
        %dma_wait3A_444 = tpu.memref_squeeze %dma_wait3A_443 : memref<1x8x128xi32, #tpu.memory_space<hbm>> -> memref<8x128xi32, #tpu.memory_space<hbm>>
        %dma_wait3A_445 = arith.constant 0 : i32
        %dma_wait3A_446 = tpu.memref_slice %arg5[%run_scoped3A, %add3A_290, %dma_wait3A_445] : memref<2x1256x128xi32, #tpu.memory_space<hbm>> -> memref<1x8x128xi32, #tpu.memory_space<hbm>>
        %dma_wait3A_447 = tpu.memref_squeeze %dma_wait3A_446 : memref<1x8x128xi32, #tpu.memory_space<hbm>> -> memref<8x128xi32, #tpu.memory_space<hbm>>
        tpu.wait_dma2 semaphore(%run_scoped3A_435 : memref<!tpu.dma_semaphore, #tpu.memory_space<semaphore_mem>>) src(%dma_wait3A_447 : memref<8x128xi32, #tpu.memory_space<hbm>>) dst(%arg11 : memref<8x128xi32, #tpu.memory_space<vmem>>)
        tpu.yield
      }) : () -> ()
      %mul3A_291 = arith.constant 8 : i32
      %mul3A_292 = arith.muli %while3A_287, %mul3A_291 : i32
      %add3A_293 = arith.constant 0 : i32
      %add3A_294 = arith.addi %mul3A_292, %add3A_293 : i32
      %add3A_295 = arith.constant 2 : i32
      %add3A_296 = arith.addi %add3A_294, %add3A_295 : i32
      %rem3A_297 = arith.constant 3 : i32
      %rem3A_298 = arith.remsi %add3A_296, %rem3A_297 : i32
      %lt3A_299 = arith.cmpi slt, %add3A_296, %add3A_158 : i32
      %convert_element_type3A_300 = arith.extui %lt3A_299 : i1 to i32
      %cond3A_301 = arith.constant 0 : i32
      %cond3A_302 = arith.cmpi ne, %convert_element_type3A_300, %cond3A_301 : i32
      scf.if %cond3A_302 {
        %ge3A = arith.constant 3 : i32
        %ge3A_435 = arith.cmpi sge, %add3A_296, %ge3A : i32
        %convert_element_type3A_436 = arith.extui %ge3A_435 : i1 to i32
        %cond3A_437 = arith.constant 0 : i32
        %cond3A_438 = arith.cmpi ne, %convert_element_type3A_436, %cond3A_437 : i32
        scf.if %cond3A_438 {
          %dma_wait3A_456 = arith.constant 0 : i32
          %dma_wait3A_457 = arith.constant 0 : i32
          %dma_wait3A_458 = arith.constant 0 : i32
          %dma_wait3A_459 = tpu.memref_slice %arg10[%rem3A_298, %dma_wait3A_457, %dma_wait3A_458] : memref<3x128x128xf32, #tpu.memory_space<vmem>> -> memref<1x128x128xf32, #tpu.memory_space<vmem>>
          %dma_wait3A_460 = tpu.memref_squeeze %dma_wait3A_459 : memref<1x128x128xf32, #tpu.memory_space<vmem>> -> memref<128x128xf32, #tpu.memory_space<vmem>>
          %dma_wait3A_461 = arith.constant 0 : i32
          %dma_wait3A_462 = tpu.memref_slice %arg11[%dma_wait3A_456, %dma_wait3A_461] : memref<8x128xi32, #tpu.memory_space<vmem>> -> memref<1x128xi32, #tpu.memory_space<vmem>>
          %dma_wait3A_463 = tpu.memref_squeeze %dma_wait3A_462 : memref<1x128xi32, #tpu.memory_space<vmem>> -> memref<128xi32, #tpu.memory_space<vmem>>
          %dma_wait3A_464 = arith.constant 0 : i32
          %dma_wait3A_465 = arith.constant 0 : i32
          %dma_wait3A_466 = tpu.memref_slice %arg9[%dma_wait3A_464, %dma_wait3A_465] : memref<10000x128xf32, #tpu.memory_space<vmem_shared>> -> memref<10000x128xf32, #tpu.memory_space<vmem_shared>>
          %dma_wait3A_467 = tpu.memref_slice %arg13[%rem3A_298] : memref<3x!tpu.dma_semaphore, #tpu.memory_space<semaphore_mem>> -> memref<1x!tpu.dma_semaphore, #tpu.memory_space<semaphore_mem>>
          %dma_wait3A_468 = tpu.memref_squeeze %dma_wait3A_467 : memref<1x!tpu.dma_semaphore, #tpu.memory_space<semaphore_mem>> -> memref<!tpu.dma_semaphore, #tpu.memory_space<semaphore_mem>>
          tpu.wait_indirect_dma semaphore(%dma_wait3A_468 : memref<!tpu.dma_semaphore, #tpu.memory_space<semaphore_mem>>) src(%dma_wait3A_460 : memref<128x128xf32, #tpu.memory_space<vmem>>) dst(%dma_wait3A_466 : memref<10000x128xf32, #tpu.memory_space<vmem_shared>>)
        } else {
        }
        %add3A_439 = arith.addi %mul3A_145, %add3A_296 : i32
        %mul3A_440 = arith.constant 128 : i32
        %mul3A_441 = arith.muli %add3A_439, %mul3A_440 : i32
        %dma_start3A_442 = arith.constant 0 : i32
        %dma_start3A_443 = arith.constant 0 : i32
        %dma_start3A_444 = tpu.memref_slice %arg10[%rem3A_298, %dma_start3A_442, %dma_start3A_443] : memref<3x128x128xf32, #tpu.memory_space<vmem>> -> memref<1x128x128xf32, #tpu.memory_space<vmem>>
        %dma_start3A_445 = tpu.memref_squeeze %dma_start3A_444 : memref<1x128x128xf32, #tpu.memory_space<vmem>> -> memref<128x128xf32, #tpu.memory_space<vmem>>
        %dma_start3A_446 = arith.constant 0 : i32
        %dma_start3A_447 = tpu.memref_slice %arg4[%mul3A_441, %dma_start3A_446] : memref<160000x128xf32, #tpu.memory_space<hbm>> -> memref<128x128xf32, #tpu.memory_space<hbm>>
        %dma_start3A_448 = tpu.memref_slice %arg12[%rem3A_298] : memref<3x!tpu.dma_semaphore, #tpu.memory_space<semaphore_mem>> -> memref<1x!tpu.dma_semaphore, #tpu.memory_space<semaphore_mem>>
        %dma_start3A_449 = tpu.memref_squeeze %dma_start3A_448 : memref<1x!tpu.dma_semaphore, #tpu.memory_space<semaphore_mem>> -> memref<!tpu.dma_semaphore, #tpu.memory_space<semaphore_mem>>
        %dma_start3A_450 = arith.constant 0 : i32
        %dma_start3A_451 = arith.constant 0 : i32
        %dma_start3A_452 = tpu.memref_slice %arg10[%rem3A_298, %dma_start3A_450, %dma_start3A_451] : memref<3x128x128xf32, #tpu.memory_space<vmem>> -> memref<1x128x128xf32, #tpu.memory_space<vmem>>
        %dma_start3A_453 = tpu.memref_squeeze %dma_start3A_452 : memref<1x128x128xf32, #tpu.memory_space<vmem>> -> memref<128x128xf32, #tpu.memory_space<vmem>>
        %dma_start3A_454 = arith.constant 0 : i32
        %dma_start3A_455 = tpu.memref_slice %arg4[%mul3A_441, %dma_start3A_454] : memref<160000x128xf32, #tpu.memory_space<hbm>> -> memref<128x128xf32, #tpu.memory_space<hbm>>
        tpu.enqueue_dma source(%dma_start3A_455 : memref<128x128xf32, #tpu.memory_space<hbm>>) target(%dma_start3A_453 : memref<128x128xf32, #tpu.memory_space<vmem>>) target_semaphore(%dma_start3A_449 : memref<!tpu.dma_semaphore, #tpu.memory_space<semaphore_mem>>)
      } else {
      }
      %rem3A_303 = arith.constant 3 : i32
      %rem3A_304 = arith.remsi %add3A_294, %rem3A_303 : i32
      %lt3A_305 = arith.cmpi slt, %add3A_294, %add3A_158 : i32
      %convert_element_type3A_306 = arith.extui %lt3A_305 : i1 to i32
      %cond3A_307 = arith.constant 0 : i32
      %cond3A_308 = arith.cmpi ne, %convert_element_type3A_306, %cond3A_307 : i32
      scf.if %cond3A_308 {
        %dma_wait3A_435 = arith.constant 0 : i32
        %dma_wait3A_436 = arith.constant 0 : i32
        %dma_wait3A_437 = tpu.memref_slice %arg10[%rem3A_304, %dma_wait3A_435, %dma_wait3A_436] : memref<3x128x128xf32, #tpu.memory_space<vmem>> -> memref<1x128x128xf32, #tpu.memory_space<vmem>>
        %dma_wait3A_438 = tpu.memref_squeeze %dma_wait3A_437 : memref<1x128x128xf32, #tpu.memory_space<vmem>> -> memref<128x128xf32, #tpu.memory_space<vmem>>
        %dma_wait3A_439 = arith.constant 0 : i32
        %dma_wait3A_440 = arith.constant 0 : i32
        %dma_wait3A_441 = tpu.memref_slice %arg4[%dma_wait3A_439, %dma_wait3A_440] : memref<160000x128xf32, #tpu.memory_space<hbm>> -> memref<128x128xf32, #tpu.memory_space<hbm>>
        %dma_wait3A_442 = tpu.memref_slice %arg12[%rem3A_304] : memref<3x!tpu.dma_semaphore, #tpu.memory_space<semaphore_mem>> -> memref<1x!tpu.dma_semaphore, #tpu.memory_space<semaphore_mem>>
        %dma_wait3A_443 = tpu.memref_squeeze %dma_wait3A_442 : memref<1x!tpu.dma_semaphore, #tpu.memory_space<semaphore_mem>> -> memref<!tpu.dma_semaphore, #tpu.memory_space<semaphore_mem>>
        %dma_wait3A_444 = arith.constant 0 : i32
        %dma_wait3A_445 = arith.constant 0 : i32
        %dma_wait3A_446 = tpu.memref_slice %arg10[%rem3A_304, %dma_wait3A_444, %dma_wait3A_445] : memref<3x128x128xf32, #tpu.memory_space<vmem>> -> memref<1x128x128xf32, #tpu.memory_space<vmem>>
        %dma_wait3A_447 = tpu.memref_squeeze %dma_wait3A_446 : memref<1x128x128xf32, #tpu.memory_space<vmem>> -> memref<128x128xf32, #tpu.memory_space<vmem>>
        %dma_wait3A_448 = arith.constant 0 : i32
        %dma_wait3A_449 = arith.constant 0 : i32
        %dma_wait3A_450 = tpu.memref_slice %arg4[%dma_wait3A_448, %dma_wait3A_449] : memref<160000x128xf32, #tpu.memory_space<hbm>> -> memref<128x128xf32, #tpu.memory_space<hbm>>
        tpu.wait_dma2 semaphore(%dma_wait3A_443 : memref<!tpu.dma_semaphore, #tpu.memory_space<semaphore_mem>>) src(%dma_wait3A_450 : memref<128x128xf32, #tpu.memory_space<hbm>>) dst(%dma_wait3A_447 : memref<128x128xf32, #tpu.memory_space<vmem>>)
        %dma_start3A_451 = arith.constant 0 : i32
        %dma_start3A_452 = arith.constant 0 : i32
        %dma_start3A_453 = arith.constant 0 : i32
        %dma_start3A_454 = tpu.memref_slice %arg10[%rem3A_304, %dma_start3A_452, %dma_start3A_453] : memref<3x128x128xf32, #tpu.memory_space<vmem>> -> memref<1x128x128xf32, #tpu.memory_space<vmem>>
        %dma_start3A_455 = tpu.memref_squeeze %dma_start3A_454 : memref<1x128x128xf32, #tpu.memory_space<vmem>> -> memref<128x128xf32, #tpu.memory_space<vmem>>
        %dma_start3A_456 = arith.constant 0 : i32
        %dma_start3A_457 = tpu.memref_slice %arg11[%dma_start3A_451, %dma_start3A_456] : memref<8x128xi32, #tpu.memory_space<vmem>> -> memref<1x128xi32, #tpu.memory_space<vmem>>
        %dma_start3A_458 = tpu.memref_squeeze %dma_start3A_457 : memref<1x128xi32, #tpu.memory_space<vmem>> -> memref<128xi32, #tpu.memory_space<vmem>>
        %dma_start3A_459 = arith.constant 0 : i32
        %dma_start3A_460 = arith.constant 0 : i32
        %dma_start3A_461 = tpu.memref_slice %arg9[%dma_start3A_459, %dma_start3A_460] : memref<10000x128xf32, #tpu.memory_space<vmem_shared>> -> memref<10000x128xf32, #tpu.memory_space<vmem_shared>>
        %dma_start3A_462 = tpu.memref_slice %arg13[%rem3A_304] : memref<3x!tpu.dma_semaphore, #tpu.memory_space<semaphore_mem>> -> memref<1x!tpu.dma_semaphore, #tpu.memory_space<semaphore_mem>>
        %dma_start3A_463 = tpu.memref_squeeze %dma_start3A_462 : memref<1x!tpu.dma_semaphore, #tpu.memory_space<semaphore_mem>> -> memref<!tpu.dma_semaphore, #tpu.memory_space<semaphore_mem>>
        tpu.enqueue_indirect_dma source(%dma_start3A_455 : memref<128x128xf32, #tpu.memory_space<vmem>>) target(%dma_start3A_461 : memref<10000x128xf32, #tpu.memory_space<vmem_shared>>) offsets(%dma_start3A_458 : memref<128xi32, #tpu.memory_space<vmem>>) semaphore(%dma_start3A_463 : memref<!tpu.dma_semaphore, #tpu.memory_space<semaphore_mem>>) {add = true}
      } else {
      }
      %mul3A_309 = arith.constant 8 : i32
      %mul3A_310 = arith.muli %while3A_287, %mul3A_309 : i32
      %add3A_311 = arith.constant 1 : i32
      %add3A_312 = arith.addi %mul3A_310, %add3A_311 : i32
      %add3A_313 = arith.constant 2 : i32
      %add3A_314 = arith.addi %add3A_312, %add3A_313 : i32
      %rem3A_315 = arith.constant 3 : i32
      %rem3A_316 = arith.remsi %add3A_314, %rem3A_315 : i32
      %lt3A_317 = arith.cmpi slt, %add3A_314, %add3A_158 : i32
      %convert_element_type3A_318 = arith.extui %lt3A_317 : i1 to i32
      %cond3A_319 = arith.constant 0 : i32
      %cond3A_320 = arith.cmpi ne, %convert_element_type3A_318, %cond3A_319 : i32
      scf.if %cond3A_320 {
        %ge3A = arith.constant 3 : i32
        %ge3A_435 = arith.cmpi sge, %add3A_314, %ge3A : i32
        %convert_element_type3A_436 = arith.extui %ge3A_435 : i1 to i32
        %cond3A_437 = arith.constant 0 : i32
        %cond3A_438 = arith.cmpi ne, %convert_element_type3A_436, %cond3A_437 : i32
        scf.if %cond3A_438 {
          %dma_wait3A_456 = arith.constant 0 : i32
          %dma_wait3A_457 = arith.constant 0 : i32
          %dma_wait3A_458 = arith.constant 0 : i32
          %dma_wait3A_459 = tpu.memref_slice %arg10[%rem3A_316, %dma_wait3A_457, %dma_wait3A_458] : memref<3x128x128xf32, #tpu.memory_space<vmem>> -> memref<1x128x128xf32, #tpu.memory_space<vmem>>
          %dma_wait3A_460 = tpu.memref_squeeze %dma_wait3A_459 : memref<1x128x128xf32, #tpu.memory_space<vmem>> -> memref<128x128xf32, #tpu.memory_space<vmem>>
          %dma_wait3A_461 = arith.constant 0 : i32
          %dma_wait3A_462 = tpu.memref_slice %arg11[%dma_wait3A_456, %dma_wait3A_461] : memref<8x128xi32, #tpu.memory_space<vmem>> -> memref<1x128xi32, #tpu.memory_space<vmem>>
          %dma_wait3A_463 = tpu.memref_squeeze %dma_wait3A_462 : memref<1x128xi32, #tpu.memory_space<vmem>> -> memref<128xi32, #tpu.memory_space<vmem>>
          %dma_wait3A_464 = arith.constant 0 : i32
          %dma_wait3A_465 = arith.constant 0 : i32
          %dma_wait3A_466 = tpu.memref_slice %arg9[%dma_wait3A_464, %dma_wait3A_465] : memref<10000x128xf32, #tpu.memory_space<vmem_shared>> -> memref<10000x128xf32, #tpu.memory_space<vmem_shared>>
          %dma_wait3A_467 = tpu.memref_slice %arg13[%rem3A_316] : memref<3x!tpu.dma_semaphore, #tpu.memory_space<semaphore_mem>> -> memref<1x!tpu.dma_semaphore, #tpu.memory_space<semaphore_mem>>
          %dma_wait3A_468 = tpu.memref_squeeze %dma_wait3A_467 : memref<1x!tpu.dma_semaphore, #tpu.memory_space<semaphore_mem>> -> memref<!tpu.dma_semaphore, #tpu.memory_space<semaphore_mem>>
          tpu.wait_indirect_dma semaphore(%dma_wait3A_468 : memref<!tpu.dma_semaphore, #tpu.memory_space<semaphore_mem>>) src(%dma_wait3A_460 : memref<128x128xf32, #tpu.memory_space<vmem>>) dst(%dma_wait3A_466 : memref<10000x128xf32, #tpu.memory_space<vmem_shared>>)
        } else {
        }
        %add3A_439 = arith.addi %mul3A_145, %add3A_314 : i32
        %mul3A_440 = arith.constant 128 : i32
        %mul3A_441 = arith.muli %add3A_439, %mul3A_440 : i32
        %dma_start3A_442 = arith.constant 0 : i32
        %dma_start3A_443 = arith.constant 0 : i32
        %dma_start3A_444 = tpu.memref_slice %arg10[%rem3A_316, %dma_start3A_442, %dma_start3A_443] : memref<3x128x128xf32, #tpu.memory_space<vmem>> -> memref<1x128x128xf32, #tpu.memory_space<vmem>>
        %dma_start3A_445 = tpu.memref_squeeze %dma_start3A_444 : memref<1x128x128xf32, #tpu.memory_space<vmem>> -> memref<128x128xf32, #tpu.memory_space<vmem>>
        %dma_start3A_446 = arith.constant 0 : i32
        %dma_start3A_447 = tpu.memref_slice %arg4[%mul3A_441, %dma_start3A_446] : memref<160000x128xf32, #tpu.memory_space<hbm>> -> memref<128x128xf32, #tpu.memory_space<hbm>>
        %dma_start3A_448 = tpu.memref_slice %arg12[%rem3A_316] : memref<3x!tpu.dma_semaphore, #tpu.memory_space<semaphore_mem>> -> memref<1x!tpu.dma_semaphore, #tpu.memory_space<semaphore_mem>>
        %dma_start3A_449 = tpu.memref_squeeze %dma_start3A_448 : memref<1x!tpu.dma_semaphore, #tpu.memory_space<semaphore_mem>> -> memref<!tpu.dma_semaphore, #tpu.memory_space<semaphore_mem>>
        %dma_start3A_450 = arith.constant 0 : i32
        %dma_start3A_451 = arith.constant 0 : i32
        %dma_start3A_452 = tpu.memref_slice %arg10[%rem3A_316, %dma_start3A_450, %dma_start3A_451] : memref<3x128x128xf32, #tpu.memory_space<vmem>> -> memref<1x128x128xf32, #tpu.memory_space<vmem>>
        %dma_start3A_453 = tpu.memref_squeeze %dma_start3A_452 : memref<1x128x128xf32, #tpu.memory_space<vmem>> -> memref<128x128xf32, #tpu.memory_space<vmem>>
        %dma_start3A_454 = arith.constant 0 : i32
        %dma_start3A_455 = tpu.memref_slice %arg4[%mul3A_441, %dma_start3A_454] : memref<160000x128xf32, #tpu.memory_space<hbm>> -> memref<128x128xf32, #tpu.memory_space<hbm>>
        tpu.enqueue_dma source(%dma_start3A_455 : memref<128x128xf32, #tpu.memory_space<hbm>>) target(%dma_start3A_453 : memref<128x128xf32, #tpu.memory_space<vmem>>) target_semaphore(%dma_start3A_449 : memref<!tpu.dma_semaphore, #tpu.memory_space<semaphore_mem>>)
      } else {
      }
      %rem3A_321 = arith.constant 3 : i32
      %rem3A_322 = arith.remsi %add3A_312, %rem3A_321 : i32
      %lt3A_323 = arith.cmpi slt, %add3A_312, %add3A_158 : i32
      %convert_element_type3A_324 = arith.extui %lt3A_323 : i1 to i32
      %cond3A_325 = arith.constant 0 : i32
      %cond3A_326 = arith.cmpi ne, %convert_element_type3A_324, %cond3A_325 : i32
      scf.if %cond3A_326 {
        %dma_wait3A_435 = arith.constant 0 : i32
        %dma_wait3A_436 = arith.constant 0 : i32
        %dma_wait3A_437 = tpu.memref_slice %arg10[%rem3A_322, %dma_wait3A_435, %dma_wait3A_436] : memref<3x128x128xf32, #tpu.memory_space<vmem>> -> memref<1x128x128xf32, #tpu.memory_space<vmem>>
        %dma_wait3A_438 = tpu.memref_squeeze %dma_wait3A_437 : memref<1x128x128xf32, #tpu.memory_space<vmem>> -> memref<128x128xf32, #tpu.memory_space<vmem>>
        %dma_wait3A_439 = arith.constant 0 : i32
        %dma_wait3A_440 = arith.constant 0 : i32
        %dma_wait3A_441 = tpu.memref_slice %arg4[%dma_wait3A_439, %dma_wait3A_440] : memref<160000x128xf32, #tpu.memory_space<hbm>> -> memref<128x128xf32, #tpu.memory_space<hbm>>
        %dma_wait3A_442 = tpu.memref_slice %arg12[%rem3A_322] : memref<3x!tpu.dma_semaphore, #tpu.memory_space<semaphore_mem>> -> memref<1x!tpu.dma_semaphore, #tpu.memory_space<semaphore_mem>>
        %dma_wait3A_443 = tpu.memref_squeeze %dma_wait3A_442 : memref<1x!tpu.dma_semaphore, #tpu.memory_space<semaphore_mem>> -> memref<!tpu.dma_semaphore, #tpu.memory_space<semaphore_mem>>
        %dma_wait3A_444 = arith.constant 0 : i32
        %dma_wait3A_445 = arith.constant 0 : i32
        %dma_wait3A_446 = tpu.memref_slice %arg10[%rem3A_322, %dma_wait3A_444, %dma_wait3A_445] : memref<3x128x128xf32, #tpu.memory_space<vmem>> -> memref<1x128x128xf32, #tpu.memory_space<vmem>>
        %dma_wait3A_447 = tpu.memref_squeeze %dma_wait3A_446 : memref<1x128x128xf32, #tpu.memory_space<vmem>> -> memref<128x128xf32, #tpu.memory_space<vmem>>
        %dma_wait3A_448 = arith.constant 0 : i32
        %dma_wait3A_449 = arith.constant 0 : i32
        %dma_wait3A_450 = tpu.memref_slice %arg4[%dma_wait3A_448, %dma_wait3A_449] : memref<160000x128xf32, #tpu.memory_space<hbm>> -> memref<128x128xf32, #tpu.memory_space<hbm>>
        tpu.wait_dma2 semaphore(%dma_wait3A_443 : memref<!tpu.dma_semaphore, #tpu.memory_space<semaphore_mem>>) src(%dma_wait3A_450 : memref<128x128xf32, #tpu.memory_space<hbm>>) dst(%dma_wait3A_447 : memref<128x128xf32, #tpu.memory_space<vmem>>)
        %dma_start3A_451 = arith.constant 1 : i32
        %dma_start3A_452 = arith.constant 0 : i32
        %dma_start3A_453 = arith.constant 0 : i32
        %dma_start3A_454 = tpu.memref_slice %arg10[%rem3A_322, %dma_start3A_452, %dma_start3A_453] : memref<3x128x128xf32, #tpu.memory_space<vmem>> -> memref<1x128x128xf32, #tpu.memory_space<vmem>>
        %dma_start3A_455 = tpu.memref_squeeze %dma_start3A_454 : memref<1x128x128xf32, #tpu.memory_space<vmem>> -> memref<128x128xf32, #tpu.memory_space<vmem>>
        %dma_start3A_456 = arith.constant 0 : i32
        %dma_start3A_457 = tpu.memref_slice %arg11[%dma_start3A_451, %dma_start3A_456] : memref<8x128xi32, #tpu.memory_space<vmem>> -> memref<1x128xi32, #tpu.memory_space<vmem>>
        %dma_start3A_458 = tpu.memref_squeeze %dma_start3A_457 : memref<1x128xi32, #tpu.memory_space<vmem>> -> memref<128xi32, #tpu.memory_space<vmem>>
        %dma_start3A_459 = arith.constant 0 : i32
        %dma_start3A_460 = arith.constant 0 : i32
        %dma_start3A_461 = tpu.memref_slice %arg9[%dma_start3A_459, %dma_start3A_460] : memref<10000x128xf32, #tpu.memory_space<vmem_shared>> -> memref<10000x128xf32, #tpu.memory_space<vmem_shared>>
        %dma_start3A_462 = tpu.memref_slice %arg13[%rem3A_322] : memref<3x!tpu.dma_semaphore, #tpu.memory_space<semaphore_mem>> -> memref<1x!tpu.dma_semaphore, #tpu.memory_space<semaphore_mem>>
        %dma_start3A_463 = tpu.memref_squeeze %dma_start3A_462 : memref<1x!tpu.dma_semaphore, #tpu.memory_space<semaphore_mem>> -> memref<!tpu.dma_semaphore, #tpu.memory_space<semaphore_mem>>
        tpu.enqueue_indirect_dma source(%dma_start3A_455 : memref<128x128xf32, #tpu.memory_space<vmem>>) target(%dma_start3A_461 : memref<10000x128xf32, #tpu.memory_space<vmem_shared>>) offsets(%dma_start3A_458 : memref<128xi32, #tpu.memory_space<vmem>>) semaphore(%dma_start3A_463 : memref<!tpu.dma_semaphore, #tpu.memory_space<semaphore_mem>>) {add = true}
      } else {
      }
      %mul3A_327 = arith.constant 8 : i32
      %mul3A_328 = arith.muli %while3A_287, %mul3A_327 : i32
      %add3A_329 = arith.constant 2 : i32
      %add3A_330 = arith.addi %mul3A_328, %add3A_329 : i32
      %add3A_331 = arith.constant 2 : i32
      %add3A_332 = arith.addi %add3A_330, %add3A_331 : i32
      %rem3A_333 = arith.constant 3 : i32
      %rem3A_334 = arith.remsi %add3A_332, %rem3A_333 : i32
      %lt3A_335 = arith.cmpi slt, %add3A_332, %add3A_158 : i32
      %convert_element_type3A_336 = arith.extui %lt3A_335 : i1 to i32
      %cond3A_337 = arith.constant 0 : i32
      %cond3A_338 = arith.cmpi ne, %convert_element_type3A_336, %cond3A_337 : i32
      scf.if %cond3A_338 {
        %ge3A = arith.constant 3 : i32
        %ge3A_435 = arith.cmpi sge, %add3A_332, %ge3A : i32
        %convert_element_type3A_436 = arith.extui %ge3A_435 : i1 to i32
        %cond3A_437 = arith.constant 0 : i32
        %cond3A_438 = arith.cmpi ne, %convert_element_type3A_436, %cond3A_437 : i32
        scf.if %cond3A_438 {
          %dma_wait3A_456 = arith.constant 0 : i32
          %dma_wait3A_457 = arith.constant 0 : i32
          %dma_wait3A_458 = arith.constant 0 : i32
          %dma_wait3A_459 = tpu.memref_slice %arg10[%rem3A_334, %dma_wait3A_457, %dma_wait3A_458] : memref<3x128x128xf32, #tpu.memory_space<vmem>> -> memref<1x128x128xf32, #tpu.memory_space<vmem>>
          %dma_wait3A_460 = tpu.memref_squeeze %dma_wait3A_459 : memref<1x128x128xf32, #tpu.memory_space<vmem>> -> memref<128x128xf32, #tpu.memory_space<vmem>>
          %dma_wait3A_461 = arith.constant 0 : i32
          %dma_wait3A_462 = tpu.memref_slice %arg11[%dma_wait3A_456, %dma_wait3A_461] : memref<8x128xi32, #tpu.memory_space<vmem>> -> memref<1x128xi32, #tpu.memory_space<vmem>>
          %dma_wait3A_463 = tpu.memref_squeeze %dma_wait3A_462 : memref<1x128xi32, #tpu.memory_space<vmem>> -> memref<128xi32, #tpu.memory_space<vmem>>
          %dma_wait3A_464 = arith.constant 0 : i32
          %dma_wait3A_465 = arith.constant 0 : i32
          %dma_wait3A_466 = tpu.memref_slice %arg9[%dma_wait3A_464, %dma_wait3A_465] : memref<10000x128xf32, #tpu.memory_space<vmem_shared>> -> memref<10000x128xf32, #tpu.memory_space<vmem_shared>>
          %dma_wait3A_467 = tpu.memref_slice %arg13[%rem3A_334] : memref<3x!tpu.dma_semaphore, #tpu.memory_space<semaphore_mem>> -> memref<1x!tpu.dma_semaphore, #tpu.memory_space<semaphore_mem>>
          %dma_wait3A_468 = tpu.memref_squeeze %dma_wait3A_467 : memref<1x!tpu.dma_semaphore, #tpu.memory_space<semaphore_mem>> -> memref<!tpu.dma_semaphore, #tpu.memory_space<semaphore_mem>>
          tpu.wait_indirect_dma semaphore(%dma_wait3A_468 : memref<!tpu.dma_semaphore, #tpu.memory_space<semaphore_mem>>) src(%dma_wait3A_460 : memref<128x128xf32, #tpu.memory_space<vmem>>) dst(%dma_wait3A_466 : memref<10000x128xf32, #tpu.memory_space<vmem_shared>>)
        } else {
        }
        %add3A_439 = arith.addi %mul3A_145, %add3A_332 : i32
        %mul3A_440 = arith.constant 128 : i32
        %mul3A_441 = arith.muli %add3A_439, %mul3A_440 : i32
        %dma_start3A_442 = arith.constant 0 : i32
        %dma_start3A_443 = arith.constant 0 : i32
        %dma_start3A_444 = tpu.memref_slice %arg10[%rem3A_334, %dma_start3A_442, %dma_start3A_443] : memref<3x128x128xf32, #tpu.memory_space<vmem>> -> memref<1x128x128xf32, #tpu.memory_space<vmem>>
        %dma_start3A_445 = tpu.memref_squeeze %dma_start3A_444 : memref<1x128x128xf32, #tpu.memory_space<vmem>> -> memref<128x128xf32, #tpu.memory_space<vmem>>
        %dma_start3A_446 = arith.constant 0 : i32
        %dma_start3A_447 = tpu.memref_slice %arg4[%mul3A_441, %dma_start3A_446] : memref<160000x128xf32, #tpu.memory_space<hbm>> -> memref<128x128xf32, #tpu.memory_space<hbm>>
        %dma_start3A_448 = tpu.memref_slice %arg12[%rem3A_334] : memref<3x!tpu.dma_semaphore, #tpu.memory_space<semaphore_mem>> -> memref<1x!tpu.dma_semaphore, #tpu.memory_space<semaphore_mem>>
        %dma_start3A_449 = tpu.memref_squeeze %dma_start3A_448 : memref<1x!tpu.dma_semaphore, #tpu.memory_space<semaphore_mem>> -> memref<!tpu.dma_semaphore, #tpu.memory_space<semaphore_mem>>
        %dma_start3A_450 = arith.constant 0 : i32
        %dma_start3A_451 = arith.constant 0 : i32
        %dma_start3A_452 = tpu.memref_slice %arg10[%rem3A_334, %dma_start3A_450, %dma_start3A_451] : memref<3x128x128xf32, #tpu.memory_space<vmem>> -> memref<1x128x128xf32, #tpu.memory_space<vmem>>
        %dma_start3A_453 = tpu.memref_squeeze %dma_start3A_452 : memref<1x128x128xf32, #tpu.memory_space<vmem>> -> memref<128x128xf32, #tpu.memory_space<vmem>>
        %dma_start3A_454 = arith.constant 0 : i32
        %dma_start3A_455 = tpu.memref_slice %arg4[%mul3A_441, %dma_start3A_454] : memref<160000x128xf32, #tpu.memory_space<hbm>> -> memref<128x128xf32, #tpu.memory_space<hbm>>
        tpu.enqueue_dma source(%dma_start3A_455 : memref<128x128xf32, #tpu.memory_space<hbm>>) target(%dma_start3A_453 : memref<128x128xf32, #tpu.memory_space<vmem>>) target_semaphore(%dma_start3A_449 : memref<!tpu.dma_semaphore, #tpu.memory_space<semaphore_mem>>)
      } else {
      }
      %rem3A_339 = arith.constant 3 : i32
      %rem3A_340 = arith.remsi %add3A_330, %rem3A_339 : i32
      %lt3A_341 = arith.cmpi slt, %add3A_330, %add3A_158 : i32
      %convert_element_type3A_342 = arith.extui %lt3A_341 : i1 to i32
      %cond3A_343 = arith.constant 0 : i32
      %cond3A_344 = arith.cmpi ne, %convert_element_type3A_342, %cond3A_343 : i32
      scf.if %cond3A_344 {
        %dma_wait3A_435 = arith.constant 0 : i32
        %dma_wait3A_436 = arith.constant 0 : i32
        %dma_wait3A_437 = tpu.memref_slice %arg10[%rem3A_340, %dma_wait3A_435, %dma_wait3A_436] : memref<3x128x128xf32, #tpu.memory_space<vmem>> -> memref<1x128x128xf32, #tpu.memory_space<vmem>>
        %dma_wait3A_438 = tpu.memref_squeeze %dma_wait3A_437 : memref<1x128x128xf32, #tpu.memory_space<vmem>> -> memref<128x128xf32, #tpu.memory_space<vmem>>
        %dma_wait3A_439 = arith.constant 0 : i32
        %dma_wait3A_440 = arith.constant 0 : i32
        %dma_wait3A_441 = tpu.memref_slice %arg4[%dma_wait3A_439, %dma_wait3A_440] : memref<160000x128xf32, #tpu.memory_space<hbm>> -> memref<128x128xf32, #tpu.memory_space<hbm>>
        %dma_wait3A_442 = tpu.memref_slice %arg12[%rem3A_340] : memref<3x!tpu.dma_semaphore, #tpu.memory_space<semaphore_mem>> -> memref<1x!tpu.dma_semaphore, #tpu.memory_space<semaphore_mem>>
        %dma_wait3A_443 = tpu.memref_squeeze %dma_wait3A_442 : memref<1x!tpu.dma_semaphore, #tpu.memory_space<semaphore_mem>> -> memref<!tpu.dma_semaphore, #tpu.memory_space<semaphore_mem>>
        %dma_wait3A_444 = arith.constant 0 : i32
        %dma_wait3A_445 = arith.constant 0 : i32
        %dma_wait3A_446 = tpu.memref_slice %arg10[%rem3A_340, %dma_wait3A_444, %dma_wait3A_445] : memref<3x128x128xf32, #tpu.memory_space<vmem>> -> memref<1x128x128xf32, #tpu.memory_space<vmem>>
        %dma_wait3A_447 = tpu.memref_squeeze %dma_wait3A_446 : memref<1x128x128xf32, #tpu.memory_space<vmem>> -> memref<128x128xf32, #tpu.memory_space<vmem>>
        %dma_wait3A_448 = arith.constant 0 : i32
        %dma_wait3A_449 = arith.constant 0 : i32
        %dma_wait3A_450 = tpu.memref_slice %arg4[%dma_wait3A_448, %dma_wait3A_449] : memref<160000x128xf32, #tpu.memory_space<hbm>> -> memref<128x128xf32, #tpu.memory_space<hbm>>
        tpu.wait_dma2 semaphore(%dma_wait3A_443 : memref<!tpu.dma_semaphore, #tpu.memory_space<semaphore_mem>>) src(%dma_wait3A_450 : memref<128x128xf32, #tpu.memory_space<hbm>>) dst(%dma_wait3A_447 : memref<128x128xf32, #tpu.memory_space<vmem>>)
        %dma_start3A_451 = arith.constant 2 : i32
        %dma_start3A_452 = arith.constant 0 : i32
        %dma_start3A_453 = arith.constant 0 : i32
        %dma_start3A_454 = tpu.memref_slice %arg10[%rem3A_340, %dma_start3A_452, %dma_start3A_453] : memref<3x128x128xf32, #tpu.memory_space<vmem>> -> memref<1x128x128xf32, #tpu.memory_space<vmem>>
        %dma_start3A_455 = tpu.memref_squeeze %dma_start3A_454 : memref<1x128x128xf32, #tpu.memory_space<vmem>> -> memref<128x128xf32, #tpu.memory_space<vmem>>
        %dma_start3A_456 = arith.constant 0 : i32
        %dma_start3A_457 = tpu.memref_slice %arg11[%dma_start3A_451, %dma_start3A_456] : memref<8x128xi32, #tpu.memory_space<vmem>> -> memref<1x128xi32, #tpu.memory_space<vmem>>
        %dma_start3A_458 = tpu.memref_squeeze %dma_start3A_457 : memref<1x128xi32, #tpu.memory_space<vmem>> -> memref<128xi32, #tpu.memory_space<vmem>>
        %dma_start3A_459 = arith.constant 0 : i32
        %dma_start3A_460 = arith.constant 0 : i32
        %dma_start3A_461 = tpu.memref_slice %arg9[%dma_start3A_459, %dma_start3A_460] : memref<10000x128xf32, #tpu.memory_space<vmem_shared>> -> memref<10000x128xf32, #tpu.memory_space<vmem_shared>>
        %dma_start3A_462 = tpu.memref_slice %arg13[%rem3A_340] : memref<3x!tpu.dma_semaphore, #tpu.memory_space<semaphore_mem>> -> memref<1x!tpu.dma_semaphore, #tpu.memory_space<semaphore_mem>>
        %dma_start3A_463 = tpu.memref_squeeze %dma_start3A_462 : memref<1x!tpu.dma_semaphore, #tpu.memory_space<semaphore_mem>> -> memref<!tpu.dma_semaphore, #tpu.memory_space<semaphore_mem>>
        tpu.enqueue_indirect_dma source(%dma_start3A_455 : memref<128x128xf32, #tpu.memory_space<vmem>>) target(%dma_start3A_461 : memref<10000x128xf32, #tpu.memory_space<vmem_shared>>) offsets(%dma_start3A_458 : memref<128xi32, #tpu.memory_space<vmem>>) semaphore(%dma_start3A_463 : memref<!tpu.dma_semaphore, #tpu.memory_space<semaphore_mem>>) {add = true}
      } else {
      }
      %mul3A_345 = arith.constant 8 : i32
      %mul3A_346 = arith.muli %while3A_287, %mul3A_345 : i32
      %add3A_347 = arith.constant 3 : i32
      %add3A_348 = arith.addi %mul3A_346, %add3A_347 : i32
      %add3A_349 = arith.constant 2 : i32
      %add3A_350 = arith.addi %add3A_348, %add3A_349 : i32
      %rem3A_351 = arith.constant 3 : i32
      %rem3A_352 = arith.remsi %add3A_350, %rem3A_351 : i32
      %lt3A_353 = arith.cmpi slt, %add3A_350, %add3A_158 : i32
      %convert_element_type3A_354 = arith.extui %lt3A_353 : i1 to i32
      %cond3A_355 = arith.constant 0 : i32
      %cond3A_356 = arith.cmpi ne, %convert_element_type3A_354, %cond3A_355 : i32
      scf.if %cond3A_356 {
        %ge3A = arith.constant 3 : i32
        %ge3A_435 = arith.cmpi sge, %add3A_350, %ge3A : i32
        %convert_element_type3A_436 = arith.extui %ge3A_435 : i1 to i32
        %cond3A_437 = arith.constant 0 : i32
        %cond3A_438 = arith.cmpi ne, %convert_element_type3A_436, %cond3A_437 : i32
        scf.if %cond3A_438 {
          %dma_wait3A_456 = arith.constant 0 : i32
          %dma_wait3A_457 = arith.constant 0 : i32
          %dma_wait3A_458 = arith.constant 0 : i32
          %dma_wait3A_459 = tpu.memref_slice %arg10[%rem3A_352, %dma_wait3A_457, %dma_wait3A_458] : memref<3x128x128xf32, #tpu.memory_space<vmem>> -> memref<1x128x128xf32, #tpu.memory_space<vmem>>
          %dma_wait3A_460 = tpu.memref_squeeze %dma_wait3A_459 : memref<1x128x128xf32, #tpu.memory_space<vmem>> -> memref<128x128xf32, #tpu.memory_space<vmem>>
          %dma_wait3A_461 = arith.constant 0 : i32
          %dma_wait3A_462 = tpu.memref_slice %arg11[%dma_wait3A_456, %dma_wait3A_461] : memref<8x128xi32, #tpu.memory_space<vmem>> -> memref<1x128xi32, #tpu.memory_space<vmem>>
          %dma_wait3A_463 = tpu.memref_squeeze %dma_wait3A_462 : memref<1x128xi32, #tpu.memory_space<vmem>> -> memref<128xi32, #tpu.memory_space<vmem>>
          %dma_wait3A_464 = arith.constant 0 : i32
          %dma_wait3A_465 = arith.constant 0 : i32
          %dma_wait3A_466 = tpu.memref_slice %arg9[%dma_wait3A_464, %dma_wait3A_465] : memref<10000x128xf32, #tpu.memory_space<vmem_shared>> -> memref<10000x128xf32, #tpu.memory_space<vmem_shared>>
          %dma_wait3A_467 = tpu.memref_slice %arg13[%rem3A_352] : memref<3x!tpu.dma_semaphore, #tpu.memory_space<semaphore_mem>> -> memref<1x!tpu.dma_semaphore, #tpu.memory_space<semaphore_mem>>
          %dma_wait3A_468 = tpu.memref_squeeze %dma_wait3A_467 : memref<1x!tpu.dma_semaphore, #tpu.memory_space<semaphore_mem>> -> memref<!tpu.dma_semaphore, #tpu.memory_space<semaphore_mem>>
          tpu.wait_indirect_dma semaphore(%dma_wait3A_468 : memref<!tpu.dma_semaphore, #tpu.memory_space<semaphore_mem>>) src(%dma_wait3A_460 : memref<128x128xf32, #tpu.memory_space<vmem>>) dst(%dma_wait3A_466 : memref<10000x128xf32, #tpu.memory_space<vmem_shared>>)
        } else {
        }
        %add3A_439 = arith.addi %mul3A_145, %add3A_350 : i32
        %mul3A_440 = arith.constant 128 : i32
        %mul3A_441 = arith.muli %add3A_439, %mul3A_440 : i32
        %dma_start3A_442 = arith.constant 0 : i32
        %dma_start3A_443 = arith.constant 0 : i32
        %dma_start3A_444 = tpu.memref_slice %arg10[%rem3A_352, %dma_start3A_442, %dma_start3A_443] : memref<3x128x128xf32, #tpu.memory_space<vmem>> -> memref<1x128x128xf32, #tpu.memory_space<vmem>>
        %dma_start3A_445 = tpu.memref_squeeze %dma_start3A_444 : memref<1x128x128xf32, #tpu.memory_space<vmem>> -> memref<128x128xf32, #tpu.memory_space<vmem>>
        %dma_start3A_446 = arith.constant 0 : i32
        %dma_start3A_447 = tpu.memref_slice %arg4[%mul3A_441, %dma_start3A_446] : memref<160000x128xf32, #tpu.memory_space<hbm>> -> memref<128x128xf32, #tpu.memory_space<hbm>>
        %dma_start3A_448 = tpu.memref_slice %arg12[%rem3A_352] : memref<3x!tpu.dma_semaphore, #tpu.memory_space<semaphore_mem>> -> memref<1x!tpu.dma_semaphore, #tpu.memory_space<semaphore_mem>>
        %dma_start3A_449 = tpu.memref_squeeze %dma_start3A_448 : memref<1x!tpu.dma_semaphore, #tpu.memory_space<semaphore_mem>> -> memref<!tpu.dma_semaphore, #tpu.memory_space<semaphore_mem>>
        %dma_start3A_450 = arith.constant 0 : i32
        %dma_start3A_451 = arith.constant 0 : i32
        %dma_start3A_452 = tpu.memref_slice %arg10[%rem3A_352, %dma_start3A_450, %dma_start3A_451] : memref<3x128x128xf32, #tpu.memory_space<vmem>> -> memref<1x128x128xf32, #tpu.memory_space<vmem>>
        %dma_start3A_453 = tpu.memref_squeeze %dma_start3A_452 : memref<1x128x128xf32, #tpu.memory_space<vmem>> -> memref<128x128xf32, #tpu.memory_space<vmem>>
        %dma_start3A_454 = arith.constant 0 : i32
        %dma_start3A_455 = tpu.memref_slice %arg4[%mul3A_441, %dma_start3A_454] : memref<160000x128xf32, #tpu.memory_space<hbm>> -> memref<128x128xf32, #tpu.memory_space<hbm>>
        tpu.enqueue_dma source(%dma_start3A_455 : memref<128x128xf32, #tpu.memory_space<hbm>>) target(%dma_start3A_453 : memref<128x128xf32, #tpu.memory_space<vmem>>) target_semaphore(%dma_start3A_449 : memref<!tpu.dma_semaphore, #tpu.memory_space<semaphore_mem>>)
      } else {
      }
      %rem3A_357 = arith.constant 3 : i32
      %rem3A_358 = arith.remsi %add3A_348, %rem3A_357 : i32
      %lt3A_359 = arith.cmpi slt, %add3A_348, %add3A_158 : i32
      %convert_element_type3A_360 = arith.extui %lt3A_359 : i1 to i32
      %cond3A_361 = arith.constant 0 : i32
      %cond3A_362 = arith.cmpi ne, %convert_element_type3A_360, %cond3A_361 : i32
      scf.if %cond3A_362 {
        %dma_wait3A_435 = arith.constant 0 : i32
        %dma_wait3A_436 = arith.constant 0 : i32
        %dma_wait3A_437 = tpu.memref_slice %arg10[%rem3A_358, %dma_wait3A_435, %dma_wait3A_436] : memref<3x128x128xf32, #tpu.memory_space<vmem>> -> memref<1x128x128xf32, #tpu.memory_space<vmem>>
        %dma_wait3A_438 = tpu.memref_squeeze %dma_wait3A_437 : memref<1x128x128xf32, #tpu.memory_space<vmem>> -> memref<128x128xf32, #tpu.memory_space<vmem>>
        %dma_wait3A_439 = arith.constant 0 : i32
        %dma_wait3A_440 = arith.constant 0 : i32
        %dma_wait3A_441 = tpu.memref_slice %arg4[%dma_wait3A_439, %dma_wait3A_440] : memref<160000x128xf32, #tpu.memory_space<hbm>> -> memref<128x128xf32, #tpu.memory_space<hbm>>
        %dma_wait3A_442 = tpu.memref_slice %arg12[%rem3A_358] : memref<3x!tpu.dma_semaphore, #tpu.memory_space<semaphore_mem>> -> memref<1x!tpu.dma_semaphore, #tpu.memory_space<semaphore_mem>>
        %dma_wait3A_443 = tpu.memref_squeeze %dma_wait3A_442 : memref<1x!tpu.dma_semaphore, #tpu.memory_space<semaphore_mem>> -> memref<!tpu.dma_semaphore, #tpu.memory_space<semaphore_mem>>
        %dma_wait3A_444 = arith.constant 0 : i32
        %dma_wait3A_445 = arith.constant 0 : i32
        %dma_wait3A_446 = tpu.memref_slice %arg10[%rem3A_358, %dma_wait3A_444, %dma_wait3A_445] : memref<3x128x128xf32, #tpu.memory_space<vmem>> -> memref<1x128x128xf32, #tpu.memory_space<vmem>>
        %dma_wait3A_447 = tpu.memref_squeeze %dma_wait3A_446 : memref<1x128x128xf32, #tpu.memory_space<vmem>> -> memref<128x128xf32, #tpu.memory_space<vmem>>
        %dma_wait3A_448 = arith.constant 0 : i32
        %dma_wait3A_449 = arith.constant 0 : i32
        %dma_wait3A_450 = tpu.memref_slice %arg4[%dma_wait3A_448, %dma_wait3A_449] : memref<160000x128xf32, #tpu.memory_space<hbm>> -> memref<128x128xf32, #tpu.memory_space<hbm>>
        tpu.wait_dma2 semaphore(%dma_wait3A_443 : memref<!tpu.dma_semaphore, #tpu.memory_space<semaphore_mem>>) src(%dma_wait3A_450 : memref<128x128xf32, #tpu.memory_space<hbm>>) dst(%dma_wait3A_447 : memref<128x128xf32, #tpu.memory_space<vmem>>)
        %dma_start3A_451 = arith.constant 3 : i32
        %dma_start3A_452 = arith.constant 0 : i32
        %dma_start3A_453 = arith.constant 0 : i32
        %dma_start3A_454 = tpu.memref_slice %arg10[%rem3A_358, %dma_start3A_452, %dma_start3A_453] : memref<3x128x128xf32, #tpu.memory_space<vmem>> -> memref<1x128x128xf32, #tpu.memory_space<vmem>>
        %dma_start3A_455 = tpu.memref_squeeze %dma_start3A_454 : memref<1x128x128xf32, #tpu.memory_space<vmem>> -> memref<128x128xf32, #tpu.memory_space<vmem>>
        %dma_start3A_456 = arith.constant 0 : i32
        %dma_start3A_457 = tpu.memref_slice %arg11[%dma_start3A_451, %dma_start3A_456] : memref<8x128xi32, #tpu.memory_space<vmem>> -> memref<1x128xi32, #tpu.memory_space<vmem>>
        %dma_start3A_458 = tpu.memref_squeeze %dma_start3A_457 : memref<1x128xi32, #tpu.memory_space<vmem>> -> memref<128xi32, #tpu.memory_space<vmem>>
        %dma_start3A_459 = arith.constant 0 : i32
        %dma_start3A_460 = arith.constant 0 : i32
        %dma_start3A_461 = tpu.memref_slice %arg9[%dma_start3A_459, %dma_start3A_460] : memref<10000x128xf32, #tpu.memory_space<vmem_shared>> -> memref<10000x128xf32, #tpu.memory_space<vmem_shared>>
        %dma_start3A_462 = tpu.memref_slice %arg13[%rem3A_358] : memref<3x!tpu.dma_semaphore, #tpu.memory_space<semaphore_mem>> -> memref<1x!tpu.dma_semaphore, #tpu.memory_space<semaphore_mem>>
        %dma_start3A_463 = tpu.memref_squeeze %dma_start3A_462 : memref<1x!tpu.dma_semaphore, #tpu.memory_space<semaphore_mem>> -> memref<!tpu.dma_semaphore, #tpu.memory_space<semaphore_mem>>
        tpu.enqueue_indirect_dma source(%dma_start3A_455 : memref<128x128xf32, #tpu.memory_space<vmem>>) target(%dma_start3A_461 : memref<10000x128xf32, #tpu.memory_space<vmem_shared>>) offsets(%dma_start3A_458 : memref<128xi32, #tpu.memory_space<vmem>>) semaphore(%dma_start3A_463 : memref<!tpu.dma_semaphore, #tpu.memory_space<semaphore_mem>>) {add = true}
      } else {
      }
      %mul3A_363 = arith.constant 8 : i32
      %mul3A_364 = arith.muli %while3A_287, %mul3A_363 : i32
      %add3A_365 = arith.constant 4 : i32
      %add3A_366 = arith.addi %mul3A_364, %add3A_365 : i32
      %add3A_367 = arith.constant 2 : i32
      %add3A_368 = arith.addi %add3A_366, %add3A_367 : i32
      %rem3A_369 = arith.constant 3 : i32
      %rem3A_370 = arith.remsi %add3A_368, %rem3A_369 : i32
      %lt3A_371 = arith.cmpi slt, %add3A_368, %add3A_158 : i32
      %convert_element_type3A_372 = arith.extui %lt3A_371 : i1 to i32
      %cond3A_373 = arith.constant 0 : i32
      %cond3A_374 = arith.cmpi ne, %convert_element_type3A_372, %cond3A_373 : i32
      scf.if %cond3A_374 {
        %ge3A = arith.constant 3 : i32
        %ge3A_435 = arith.cmpi sge, %add3A_368, %ge3A : i32
        %convert_element_type3A_436 = arith.extui %ge3A_435 : i1 to i32
        %cond3A_437 = arith.constant 0 : i32
        %cond3A_438 = arith.cmpi ne, %convert_element_type3A_436, %cond3A_437 : i32
        scf.if %cond3A_438 {
          %dma_wait3A_456 = arith.constant 0 : i32
          %dma_wait3A_457 = arith.constant 0 : i32
          %dma_wait3A_458 = arith.constant 0 : i32
          %dma_wait3A_459 = tpu.memref_slice %arg10[%rem3A_370, %dma_wait3A_457, %dma_wait3A_458] : memref<3x128x128xf32, #tpu.memory_space<vmem>> -> memref<1x128x128xf32, #tpu.memory_space<vmem>>
          %dma_wait3A_460 = tpu.memref_squeeze %dma_wait3A_459 : memref<1x128x128xf32, #tpu.memory_space<vmem>> -> memref<128x128xf32, #tpu.memory_space<vmem>>
          %dma_wait3A_461 = arith.constant 0 : i32
          %dma_wait3A_462 = tpu.memref_slice %arg11[%dma_wait3A_456, %dma_wait3A_461] : memref<8x128xi32, #tpu.memory_space<vmem>> -> memref<1x128xi32, #tpu.memory_space<vmem>>
          %dma_wait3A_463 = tpu.memref_squeeze %dma_wait3A_462 : memref<1x128xi32, #tpu.memory_space<vmem>> -> memref<128xi32, #tpu.memory_space<vmem>>
          %dma_wait3A_464 = arith.constant 0 : i32
          %dma_wait3A_465 = arith.constant 0 : i32
          %dma_wait3A_466 = tpu.memref_slice %arg9[%dma_wait3A_464, %dma_wait3A_465] : memref<10000x128xf32, #tpu.memory_space<vmem_shared>> -> memref<10000x128xf32, #tpu.memory_space<vmem_shared>>
          %dma_wait3A_467 = tpu.memref_slice %arg13[%rem3A_370] : memref<3x!tpu.dma_semaphore, #tpu.memory_space<semaphore_mem>> -> memref<1x!tpu.dma_semaphore, #tpu.memory_space<semaphore_mem>>
          %dma_wait3A_468 = tpu.memref_squeeze %dma_wait3A_467 : memref<1x!tpu.dma_semaphore, #tpu.memory_space<semaphore_mem>> -> memref<!tpu.dma_semaphore, #tpu.memory_space<semaphore_mem>>
          tpu.wait_indirect_dma semaphore(%dma_wait3A_468 : memref<!tpu.dma_semaphore, #tpu.memory_space<semaphore_mem>>) src(%dma_wait3A_460 : memref<128x128xf32, #tpu.memory_space<vmem>>) dst(%dma_wait3A_466 : memref<10000x128xf32, #tpu.memory_space<vmem_shared>>)
        } else {
        }
        %add3A_439 = arith.addi %mul3A_145, %add3A_368 : i32
        %mul3A_440 = arith.constant 128 : i32
        %mul3A_441 = arith.muli %add3A_439, %mul3A_440 : i32
        %dma_start3A_442 = arith.constant 0 : i32
        %dma_start3A_443 = arith.constant 0 : i32
        %dma_start3A_444 = tpu.memref_slice %arg10[%rem3A_370, %dma_start3A_442, %dma_start3A_443] : memref<3x128x128xf32, #tpu.memory_space<vmem>> -> memref<1x128x128xf32, #tpu.memory_space<vmem>>
        %dma_start3A_445 = tpu.memref_squeeze %dma_start3A_444 : memref<1x128x128xf32, #tpu.memory_space<vmem>> -> memref<128x128xf32, #tpu.memory_space<vmem>>
        %dma_start3A_446 = arith.constant 0 : i32
        %dma_start3A_447 = tpu.memref_slice %arg4[%mul3A_441, %dma_start3A_446] : memref<160000x128xf32, #tpu.memory_space<hbm>> -> memref<128x128xf32, #tpu.memory_space<hbm>>
        %dma_start3A_448 = tpu.memref_slice %arg12[%rem3A_370] : memref<3x!tpu.dma_semaphore, #tpu.memory_space<semaphore_mem>> -> memref<1x!tpu.dma_semaphore, #tpu.memory_space<semaphore_mem>>
        %dma_start3A_449 = tpu.memref_squeeze %dma_start3A_448 : memref<1x!tpu.dma_semaphore, #tpu.memory_space<semaphore_mem>> -> memref<!tpu.dma_semaphore, #tpu.memory_space<semaphore_mem>>
        %dma_start3A_450 = arith.constant 0 : i32
        %dma_start3A_451 = arith.constant 0 : i32
        %dma_start3A_452 = tpu.memref_slice %arg10[%rem3A_370, %dma_start3A_450, %dma_start3A_451] : memref<3x128x128xf32, #tpu.memory_space<vmem>> -> memref<1x128x128xf32, #tpu.memory_space<vmem>>
        %dma_start3A_453 = tpu.memref_squeeze %dma_start3A_452 : memref<1x128x128xf32, #tpu.memory_space<vmem>> -> memref<128x128xf32, #tpu.memory_space<vmem>>
        %dma_start3A_454 = arith.constant 0 : i32
        %dma_start3A_455 = tpu.memref_slice %arg4[%mul3A_441, %dma_start3A_454] : memref<160000x128xf32, #tpu.memory_space<hbm>> -> memref<128x128xf32, #tpu.memory_space<hbm>>
        tpu.enqueue_dma source(%dma_start3A_455 : memref<128x128xf32, #tpu.memory_space<hbm>>) target(%dma_start3A_453 : memref<128x128xf32, #tpu.memory_space<vmem>>) target_semaphore(%dma_start3A_449 : memref<!tpu.dma_semaphore, #tpu.memory_space<semaphore_mem>>)
      } else {
      }
      %rem3A_375 = arith.constant 3 : i32
      %rem3A_376 = arith.remsi %add3A_366, %rem3A_375 : i32
      %lt3A_377 = arith.cmpi slt, %add3A_366, %add3A_158 : i32
      %convert_element_type3A_378 = arith.extui %lt3A_377 : i1 to i32
      %cond3A_379 = arith.constant 0 : i32
      %cond3A_380 = arith.cmpi ne, %convert_element_type3A_378, %cond3A_379 : i32
      scf.if %cond3A_380 {
        %dma_wait3A_435 = arith.constant 0 : i32
        %dma_wait3A_436 = arith.constant 0 : i32
        %dma_wait3A_437 = tpu.memref_slice %arg10[%rem3A_376, %dma_wait3A_435, %dma_wait3A_436] : memref<3x128x128xf32, #tpu.memory_space<vmem>> -> memref<1x128x128xf32, #tpu.memory_space<vmem>>
        %dma_wait3A_438 = tpu.memref_squeeze %dma_wait3A_437 : memref<1x128x128xf32, #tpu.memory_space<vmem>> -> memref<128x128xf32, #tpu.memory_space<vmem>>
        %dma_wait3A_439 = arith.constant 0 : i32
        %dma_wait3A_440 = arith.constant 0 : i32
        %dma_wait3A_441 = tpu.memref_slice %arg4[%dma_wait3A_439, %dma_wait3A_440] : memref<160000x128xf32, #tpu.memory_space<hbm>> -> memref<128x128xf32, #tpu.memory_space<hbm>>
        %dma_wait3A_442 = tpu.memref_slice %arg12[%rem3A_376] : memref<3x!tpu.dma_semaphore, #tpu.memory_space<semaphore_mem>> -> memref<1x!tpu.dma_semaphore, #tpu.memory_space<semaphore_mem>>
        %dma_wait3A_443 = tpu.memref_squeeze %dma_wait3A_442 : memref<1x!tpu.dma_semaphore, #tpu.memory_space<semaphore_mem>> -> memref<!tpu.dma_semaphore, #tpu.memory_space<semaphore_mem>>
        %dma_wait3A_444 = arith.constant 0 : i32
        %dma_wait3A_445 = arith.constant 0 : i32
        %dma_wait3A_446 = tpu.memref_slice %arg10[%rem3A_376, %dma_wait3A_444, %dma_wait3A_445] : memref<3x128x128xf32, #tpu.memory_space<vmem>> -> memref<1x128x128xf32, #tpu.memory_space<vmem>>
        %dma_wait3A_447 = tpu.memref_squeeze %dma_wait3A_446 : memref<1x128x128xf32, #tpu.memory_space<vmem>> -> memref<128x128xf32, #tpu.memory_space<vmem>>
        %dma_wait3A_448 = arith.constant 0 : i32
        %dma_wait3A_449 = arith.constant 0 : i32
        %dma_wait3A_450 = tpu.memref_slice %arg4[%dma_wait3A_448, %dma_wait3A_449] : memref<160000x128xf32, #tpu.memory_space<hbm>> -> memref<128x128xf32, #tpu.memory_space<hbm>>
        tpu.wait_dma2 semaphore(%dma_wait3A_443 : memref<!tpu.dma_semaphore, #tpu.memory_space<semaphore_mem>>) src(%dma_wait3A_450 : memref<128x128xf32, #tpu.memory_space<hbm>>) dst(%dma_wait3A_447 : memref<128x128xf32, #tpu.memory_space<vmem>>)
        %dma_start3A_451 = arith.constant 4 : i32
        %dma_start3A_452 = arith.constant 0 : i32
        %dma_start3A_453 = arith.constant 0 : i32
        %dma_start3A_454 = tpu.memref_slice %arg10[%rem3A_376, %dma_start3A_452, %dma_start3A_453] : memref<3x128x128xf32, #tpu.memory_space<vmem>> -> memref<1x128x128xf32, #tpu.memory_space<vmem>>
        %dma_start3A_455 = tpu.memref_squeeze %dma_start3A_454 : memref<1x128x128xf32, #tpu.memory_space<vmem>> -> memref<128x128xf32, #tpu.memory_space<vmem>>
        %dma_start3A_456 = arith.constant 0 : i32
        %dma_start3A_457 = tpu.memref_slice %arg11[%dma_start3A_451, %dma_start3A_456] : memref<8x128xi32, #tpu.memory_space<vmem>> -> memref<1x128xi32, #tpu.memory_space<vmem>>
        %dma_start3A_458 = tpu.memref_squeeze %dma_start3A_457 : memref<1x128xi32, #tpu.memory_space<vmem>> -> memref<128xi32, #tpu.memory_space<vmem>>
        %dma_start3A_459 = arith.constant 0 : i32
        %dma_start3A_460 = arith.constant 0 : i32
        %dma_start3A_461 = tpu.memref_slice %arg9[%dma_start3A_459, %dma_start3A_460] : memref<10000x128xf32, #tpu.memory_space<vmem_shared>> -> memref<10000x128xf32, #tpu.memory_space<vmem_shared>>
        %dma_start3A_462 = tpu.memref_slice %arg13[%rem3A_376] : memref<3x!tpu.dma_semaphore, #tpu.memory_space<semaphore_mem>> -> memref<1x!tpu.dma_semaphore, #tpu.memory_space<semaphore_mem>>
        %dma_start3A_463 = tpu.memref_squeeze %dma_start3A_462 : memref<1x!tpu.dma_semaphore, #tpu.memory_space<semaphore_mem>> -> memref<!tpu.dma_semaphore, #tpu.memory_space<semaphore_mem>>
        tpu.enqueue_indirect_dma source(%dma_start3A_455 : memref<128x128xf32, #tpu.memory_space<vmem>>) target(%dma_start3A_461 : memref<10000x128xf32, #tpu.memory_space<vmem_shared>>) offsets(%dma_start3A_458 : memref<128xi32, #tpu.memory_space<vmem>>) semaphore(%dma_start3A_463 : memref<!tpu.dma_semaphore, #tpu.memory_space<semaphore_mem>>) {add = true}
      } else {
      }
      %mul3A_381 = arith.constant 8 : i32
      %mul3A_382 = arith.muli %while3A_287, %mul3A_381 : i32
      %add3A_383 = arith.constant 5 : i32
      %add3A_384 = arith.addi %mul3A_382, %add3A_383 : i32
      %add3A_385 = arith.constant 2 : i32
      %add3A_386 = arith.addi %add3A_384, %add3A_385 : i32
      %rem3A_387 = arith.constant 3 : i32
      %rem3A_388 = arith.remsi %add3A_386, %rem3A_387 : i32
      %lt3A_389 = arith.cmpi slt, %add3A_386, %add3A_158 : i32
      %convert_element_type3A_390 = arith.extui %lt3A_389 : i1 to i32
      %cond3A_391 = arith.constant 0 : i32
      %cond3A_392 = arith.cmpi ne, %convert_element_type3A_390, %cond3A_391 : i32
      scf.if %cond3A_392 {
        %ge3A = arith.constant 3 : i32
        %ge3A_435 = arith.cmpi sge, %add3A_386, %ge3A : i32
        %convert_element_type3A_436 = arith.extui %ge3A_435 : i1 to i32
        %cond3A_437 = arith.constant 0 : i32
        %cond3A_438 = arith.cmpi ne, %convert_element_type3A_436, %cond3A_437 : i32
        scf.if %cond3A_438 {
          %dma_wait3A_456 = arith.constant 0 : i32
          %dma_wait3A_457 = arith.constant 0 : i32
          %dma_wait3A_458 = arith.constant 0 : i32
          %dma_wait3A_459 = tpu.memref_slice %arg10[%rem3A_388, %dma_wait3A_457, %dma_wait3A_458] : memref<3x128x128xf32, #tpu.memory_space<vmem>> -> memref<1x128x128xf32, #tpu.memory_space<vmem>>
          %dma_wait3A_460 = tpu.memref_squeeze %dma_wait3A_459 : memref<1x128x128xf32, #tpu.memory_space<vmem>> -> memref<128x128xf32, #tpu.memory_space<vmem>>
          %dma_wait3A_461 = arith.constant 0 : i32
          %dma_wait3A_462 = tpu.memref_slice %arg11[%dma_wait3A_456, %dma_wait3A_461] : memref<8x128xi32, #tpu.memory_space<vmem>> -> memref<1x128xi32, #tpu.memory_space<vmem>>
          %dma_wait3A_463 = tpu.memref_squeeze %dma_wait3A_462 : memref<1x128xi32, #tpu.memory_space<vmem>> -> memref<128xi32, #tpu.memory_space<vmem>>
          %dma_wait3A_464 = arith.constant 0 : i32
          %dma_wait3A_465 = arith.constant 0 : i32
          %dma_wait3A_466 = tpu.memref_slice %arg9[%dma_wait3A_464, %dma_wait3A_465] : memref<10000x128xf32, #tpu.memory_space<vmem_shared>> -> memref<10000x128xf32, #tpu.memory_space<vmem_shared>>
          %dma_wait3A_467 = tpu.memref_slice %arg13[%rem3A_388] : memref<3x!tpu.dma_semaphore, #tpu.memory_space<semaphore_mem>> -> memref<1x!tpu.dma_semaphore, #tpu.memory_space<semaphore_mem>>
          %dma_wait3A_468 = tpu.memref_squeeze %dma_wait3A_467 : memref<1x!tpu.dma_semaphore, #tpu.memory_space<semaphore_mem>> -> memref<!tpu.dma_semaphore, #tpu.memory_space<semaphore_mem>>
          tpu.wait_indirect_dma semaphore(%dma_wait3A_468 : memref<!tpu.dma_semaphore, #tpu.memory_space<semaphore_mem>>) src(%dma_wait3A_460 : memref<128x128xf32, #tpu.memory_space<vmem>>) dst(%dma_wait3A_466 : memref<10000x128xf32, #tpu.memory_space<vmem_shared>>)
        } else {
        }
        %add3A_439 = arith.addi %mul3A_145, %add3A_386 : i32
        %mul3A_440 = arith.constant 128 : i32
        %mul3A_441 = arith.muli %add3A_439, %mul3A_440 : i32
        %dma_start3A_442 = arith.constant 0 : i32
        %dma_start3A_443 = arith.constant 0 : i32
        %dma_start3A_444 = tpu.memref_slice %arg10[%rem3A_388, %dma_start3A_442, %dma_start3A_443] : memref<3x128x128xf32, #tpu.memory_space<vmem>> -> memref<1x128x128xf32, #tpu.memory_space<vmem>>
        %dma_start3A_445 = tpu.memref_squeeze %dma_start3A_444 : memref<1x128x128xf32, #tpu.memory_space<vmem>> -> memref<128x128xf32, #tpu.memory_space<vmem>>
        %dma_start3A_446 = arith.constant 0 : i32
        %dma_start3A_447 = tpu.memref_slice %arg4[%mul3A_441, %dma_start3A_446] : memref<160000x128xf32, #tpu.memory_space<hbm>> -> memref<128x128xf32, #tpu.memory_space<hbm>>
        %dma_start3A_448 = tpu.memref_slice %arg12[%rem3A_388] : memref<3x!tpu.dma_semaphore, #tpu.memory_space<semaphore_mem>> -> memref<1x!tpu.dma_semaphore, #tpu.memory_space<semaphore_mem>>
        %dma_start3A_449 = tpu.memref_squeeze %dma_start3A_448 : memref<1x!tpu.dma_semaphore, #tpu.memory_space<semaphore_mem>> -> memref<!tpu.dma_semaphore, #tpu.memory_space<semaphore_mem>>
        %dma_start3A_450 = arith.constant 0 : i32
        %dma_start3A_451 = arith.constant 0 : i32
        %dma_start3A_452 = tpu.memref_slice %arg10[%rem3A_388, %dma_start3A_450, %dma_start3A_451] : memref<3x128x128xf32, #tpu.memory_space<vmem>> -> memref<1x128x128xf32, #tpu.memory_space<vmem>>
        %dma_start3A_453 = tpu.memref_squeeze %dma_start3A_452 : memref<1x128x128xf32, #tpu.memory_space<vmem>> -> memref<128x128xf32, #tpu.memory_space<vmem>>
        %dma_start3A_454 = arith.constant 0 : i32
        %dma_start3A_455 = tpu.memref_slice %arg4[%mul3A_441, %dma_start3A_454] : memref<160000x128xf32, #tpu.memory_space<hbm>> -> memref<128x128xf32, #tpu.memory_space<hbm>>
        tpu.enqueue_dma source(%dma_start3A_455 : memref<128x128xf32, #tpu.memory_space<hbm>>) target(%dma_start3A_453 : memref<128x128xf32, #tpu.memory_space<vmem>>) target_semaphore(%dma_start3A_449 : memref<!tpu.dma_semaphore, #tpu.memory_space<semaphore_mem>>)
      } else {
      }
      %rem3A_393 = arith.constant 3 : i32
      %rem3A_394 = arith.remsi %add3A_384, %rem3A_393 : i32
      %lt3A_395 = arith.cmpi slt, %add3A_384, %add3A_158 : i32
      %convert_element_type3A_396 = arith.extui %lt3A_395 : i1 to i32
      %cond3A_397 = arith.constant 0 : i32
      %cond3A_398 = arith.cmpi ne, %convert_element_type3A_396, %cond3A_397 : i32
      scf.if %cond3A_398 {
        %dma_wait3A_435 = arith.constant 0 : i32
        %dma_wait3A_436 = arith.constant 0 : i32
        %dma_wait3A_437 = tpu.memref_slice %arg10[%rem3A_394, %dma_wait3A_435, %dma_wait3A_436] : memref<3x128x128xf32, #tpu.memory_space<vmem>> -> memref<1x128x128xf32, #tpu.memory_space<vmem>>
        %dma_wait3A_438 = tpu.memref_squeeze %dma_wait3A_437 : memref<1x128x128xf32, #tpu.memory_space<vmem>> -> memref<128x128xf32, #tpu.memory_space<vmem>>
        %dma_wait3A_439 = arith.constant 0 : i32
        %dma_wait3A_440 = arith.constant 0 : i32
        %dma_wait3A_441 = tpu.memref_slice %arg4[%dma_wait3A_439, %dma_wait3A_440] : memref<160000x128xf32, #tpu.memory_space<hbm>> -> memref<128x128xf32, #tpu.memory_space<hbm>>
        %dma_wait3A_442 = tpu.memref_slice %arg12[%rem3A_394] : memref<3x!tpu.dma_semaphore, #tpu.memory_space<semaphore_mem>> -> memref<1x!tpu.dma_semaphore, #tpu.memory_space<semaphore_mem>>
        %dma_wait3A_443 = tpu.memref_squeeze %dma_wait3A_442 : memref<1x!tpu.dma_semaphore, #tpu.memory_space<semaphore_mem>> -> memref<!tpu.dma_semaphore, #tpu.memory_space<semaphore_mem>>
        %dma_wait3A_444 = arith.constant 0 : i32
        %dma_wait3A_445 = arith.constant 0 : i32
        %dma_wait3A_446 = tpu.memref_slice %arg10[%rem3A_394, %dma_wait3A_444, %dma_wait3A_445] : memref<3x128x128xf32, #tpu.memory_space<vmem>> -> memref<1x128x128xf32, #tpu.memory_space<vmem>>
        %dma_wait3A_447 = tpu.memref_squeeze %dma_wait3A_446 : memref<1x128x128xf32, #tpu.memory_space<vmem>> -> memref<128x128xf32, #tpu.memory_space<vmem>>
        %dma_wait3A_448 = arith.constant 0 : i32
        %dma_wait3A_449 = arith.constant 0 : i32
        %dma_wait3A_450 = tpu.memref_slice %arg4[%dma_wait3A_448, %dma_wait3A_449] : memref<160000x128xf32, #tpu.memory_space<hbm>> -> memref<128x128xf32, #tpu.memory_space<hbm>>
        tpu.wait_dma2 semaphore(%dma_wait3A_443 : memref<!tpu.dma_semaphore, #tpu.memory_space<semaphore_mem>>) src(%dma_wait3A_450 : memref<128x128xf32, #tpu.memory_space<hbm>>) dst(%dma_wait3A_447 : memref<128x128xf32, #tpu.memory_space<vmem>>)
        %dma_start3A_451 = arith.constant 5 : i32
        %dma_start3A_452 = arith.constant 0 : i32
        %dma_start3A_453 = arith.constant 0 : i32
        %dma_start3A_454 = tpu.memref_slice %arg10[%rem3A_394, %dma_start3A_452, %dma_start3A_453] : memref<3x128x128xf32, #tpu.memory_space<vmem>> -> memref<1x128x128xf32, #tpu.memory_space<vmem>>
        %dma_start3A_455 = tpu.memref_squeeze %dma_start3A_454 : memref<1x128x128xf32, #tpu.memory_space<vmem>> -> memref<128x128xf32, #tpu.memory_space<vmem>>
        %dma_start3A_456 = arith.constant 0 : i32
        %dma_start3A_457 = tpu.memref_slice %arg11[%dma_start3A_451, %dma_start3A_456] : memref<8x128xi32, #tpu.memory_space<vmem>> -> memref<1x128xi32, #tpu.memory_space<vmem>>
        %dma_start3A_458 = tpu.memref_squeeze %dma_start3A_457 : memref<1x128xi32, #tpu.memory_space<vmem>> -> memref<128xi32, #tpu.memory_space<vmem>>
        %dma_start3A_459 = arith.constant 0 : i32
        %dma_start3A_460 = arith.constant 0 : i32
        %dma_start3A_461 = tpu.memref_slice %arg9[%dma_start3A_459, %dma_start3A_460] : memref<10000x128xf32, #tpu.memory_space<vmem_shared>> -> memref<10000x128xf32, #tpu.memory_space<vmem_shared>>
        %dma_start3A_462 = tpu.memref_slice %arg13[%rem3A_394] : memref<3x!tpu.dma_semaphore, #tpu.memory_space<semaphore_mem>> -> memref<1x!tpu.dma_semaphore, #tpu.memory_space<semaphore_mem>>
        %dma_start3A_463 = tpu.memref_squeeze %dma_start3A_462 : memref<1x!tpu.dma_semaphore, #tpu.memory_space<semaphore_mem>> -> memref<!tpu.dma_semaphore, #tpu.memory_space<semaphore_mem>>
        tpu.enqueue_indirect_dma source(%dma_start3A_455 : memref<128x128xf32, #tpu.memory_space<vmem>>) target(%dma_start3A_461 : memref<10000x128xf32, #tpu.memory_space<vmem_shared>>) offsets(%dma_start3A_458 : memref<128xi32, #tpu.memory_space<vmem>>) semaphore(%dma_start3A_463 : memref<!tpu.dma_semaphore, #tpu.memory_space<semaphore_mem>>) {add = true}
      } else {
      }
      %mul3A_399 = arith.constant 8 : i32
      %mul3A_400 = arith.muli %while3A_287, %mul3A_399 : i32
      %add3A_401 = arith.constant 6 : i32
      %add3A_402 = arith.addi %mul3A_400, %add3A_401 : i32
      %add3A_403 = arith.constant 2 : i32
      %add3A_404 = arith.addi %add3A_402, %add3A_403 : i32
      %rem3A_405 = arith.constant 3 : i32
      %rem3A_406 = arith.remsi %add3A_404, %rem3A_405 : i32
      %lt3A_407 = arith.cmpi slt, %add3A_404, %add3A_158 : i32
      %convert_element_type3A_408 = arith.extui %lt3A_407 : i1 to i32
      %cond3A_409 = arith.constant 0 : i32
      %cond3A_410 = arith.cmpi ne, %convert_element_type3A_408, %cond3A_409 : i32
      scf.if %cond3A_410 {
        %ge3A = arith.constant 3 : i32
        %ge3A_435 = arith.cmpi sge, %add3A_404, %ge3A : i32
        %convert_element_type3A_436 = arith.extui %ge3A_435 : i1 to i32
        %cond3A_437 = arith.constant 0 : i32
        %cond3A_438 = arith.cmpi ne, %convert_element_type3A_436, %cond3A_437 : i32
        scf.if %cond3A_438 {
          %dma_wait3A_456 = arith.constant 0 : i32
          %dma_wait3A_457 = arith.constant 0 : i32
          %dma_wait3A_458 = arith.constant 0 : i32
          %dma_wait3A_459 = tpu.memref_slice %arg10[%rem3A_406, %dma_wait3A_457, %dma_wait3A_458] : memref<3x128x128xf32, #tpu.memory_space<vmem>> -> memref<1x128x128xf32, #tpu.memory_space<vmem>>
          %dma_wait3A_460 = tpu.memref_squeeze %dma_wait3A_459 : memref<1x128x128xf32, #tpu.memory_space<vmem>> -> memref<128x128xf32, #tpu.memory_space<vmem>>
          %dma_wait3A_461 = arith.constant 0 : i32
          %dma_wait3A_462 = tpu.memref_slice %arg11[%dma_wait3A_456, %dma_wait3A_461] : memref<8x128xi32, #tpu.memory_space<vmem>> -> memref<1x128xi32, #tpu.memory_space<vmem>>
          %dma_wait3A_463 = tpu.memref_squeeze %dma_wait3A_462 : memref<1x128xi32, #tpu.memory_space<vmem>> -> memref<128xi32, #tpu.memory_space<vmem>>
          %dma_wait3A_464 = arith.constant 0 : i32
          %dma_wait3A_465 = arith.constant 0 : i32
          %dma_wait3A_466 = tpu.memref_slice %arg9[%dma_wait3A_464, %dma_wait3A_465] : memref<10000x128xf32, #tpu.memory_space<vmem_shared>> -> memref<10000x128xf32, #tpu.memory_space<vmem_shared>>
          %dma_wait3A_467 = tpu.memref_slice %arg13[%rem3A_406] : memref<3x!tpu.dma_semaphore, #tpu.memory_space<semaphore_mem>> -> memref<1x!tpu.dma_semaphore, #tpu.memory_space<semaphore_mem>>
          %dma_wait3A_468 = tpu.memref_squeeze %dma_wait3A_467 : memref<1x!tpu.dma_semaphore, #tpu.memory_space<semaphore_mem>> -> memref<!tpu.dma_semaphore, #tpu.memory_space<semaphore_mem>>
          tpu.wait_indirect_dma semaphore(%dma_wait3A_468 : memref<!tpu.dma_semaphore, #tpu.memory_space<semaphore_mem>>) src(%dma_wait3A_460 : memref<128x128xf32, #tpu.memory_space<vmem>>) dst(%dma_wait3A_466 : memref<10000x128xf32, #tpu.memory_space<vmem_shared>>)
        } else {
        }
        %add3A_439 = arith.addi %mul3A_145, %add3A_404 : i32
        %mul3A_440 = arith.constant 128 : i32
        %mul3A_441 = arith.muli %add3A_439, %mul3A_440 : i32
        %dma_start3A_442 = arith.constant 0 : i32
        %dma_start3A_443 = arith.constant 0 : i32
        %dma_start3A_444 = tpu.memref_slice %arg10[%rem3A_406, %dma_start3A_442, %dma_start3A_443] : memref<3x128x128xf32, #tpu.memory_space<vmem>> -> memref<1x128x128xf32, #tpu.memory_space<vmem>>
        %dma_start3A_445 = tpu.memref_squeeze %dma_start3A_444 : memref<1x128x128xf32, #tpu.memory_space<vmem>> -> memref<128x128xf32, #tpu.memory_space<vmem>>
        %dma_start3A_446 = arith.constant 0 : i32
        %dma_start3A_447 = tpu.memref_slice %arg4[%mul3A_441, %dma_start3A_446] : memref<160000x128xf32, #tpu.memory_space<hbm>> -> memref<128x128xf32, #tpu.memory_space<hbm>>
        %dma_start3A_448 = tpu.memref_slice %arg12[%rem3A_406] : memref<3x!tpu.dma_semaphore, #tpu.memory_space<semaphore_mem>> -> memref<1x!tpu.dma_semaphore, #tpu.memory_space<semaphore_mem>>
        %dma_start3A_449 = tpu.memref_squeeze %dma_start3A_448 : memref<1x!tpu.dma_semaphore, #tpu.memory_space<semaphore_mem>> -> memref<!tpu.dma_semaphore, #tpu.memory_space<semaphore_mem>>
        %dma_start3A_450 = arith.constant 0 : i32
        %dma_start3A_451 = arith.constant 0 : i32
        %dma_start3A_452 = tpu.memref_slice %arg10[%rem3A_406, %dma_start3A_450, %dma_start3A_451] : memref<3x128x128xf32, #tpu.memory_space<vmem>> -> memref<1x128x128xf32, #tpu.memory_space<vmem>>
        %dma_start3A_453 = tpu.memref_squeeze %dma_start3A_452 : memref<1x128x128xf32, #tpu.memory_space<vmem>> -> memref<128x128xf32, #tpu.memory_space<vmem>>
        %dma_start3A_454 = arith.constant 0 : i32
        %dma_start3A_455 = tpu.memref_slice %arg4[%mul3A_441, %dma_start3A_454] : memref<160000x128xf32, #tpu.memory_space<hbm>> -> memref<128x128xf32, #tpu.memory_space<hbm>>
        tpu.enqueue_dma source(%dma_start3A_455 : memref<128x128xf32, #tpu.memory_space<hbm>>) target(%dma_start3A_453 : memref<128x128xf32, #tpu.memory_space<vmem>>) target_semaphore(%dma_start3A_449 : memref<!tpu.dma_semaphore, #tpu.memory_space<semaphore_mem>>)
      } else {
      }
      %rem3A_411 = arith.constant 3 : i32
      %rem3A_412 = arith.remsi %add3A_402, %rem3A_411 : i32
      %lt3A_413 = arith.cmpi slt, %add3A_402, %add3A_158 : i32
      %convert_element_type3A_414 = arith.extui %lt3A_413 : i1 to i32
      %cond3A_415 = arith.constant 0 : i32
      %cond3A_416 = arith.cmpi ne, %convert_element_type3A_414, %cond3A_415 : i32
      scf.if %cond3A_416 {
        %dma_wait3A_435 = arith.constant 0 : i32
        %dma_wait3A_436 = arith.constant 0 : i32
        %dma_wait3A_437 = tpu.memref_slice %arg10[%rem3A_412, %dma_wait3A_435, %dma_wait3A_436] : memref<3x128x128xf32, #tpu.memory_space<vmem>> -> memref<1x128x128xf32, #tpu.memory_space<vmem>>
        %dma_wait3A_438 = tpu.memref_squeeze %dma_wait3A_437 : memref<1x128x128xf32, #tpu.memory_space<vmem>> -> memref<128x128xf32, #tpu.memory_space<vmem>>
        %dma_wait3A_439 = arith.constant 0 : i32
        %dma_wait3A_440 = arith.constant 0 : i32
        %dma_wait3A_441 = tpu.memref_slice %arg4[%dma_wait3A_439, %dma_wait3A_440] : memref<160000x128xf32, #tpu.memory_space<hbm>> -> memref<128x128xf32, #tpu.memory_space<hbm>>
        %dma_wait3A_442 = tpu.memref_slice %arg12[%rem3A_412] : memref<3x!tpu.dma_semaphore, #tpu.memory_space<semaphore_mem>> -> memref<1x!tpu.dma_semaphore, #tpu.memory_space<semaphore_mem>>
        %dma_wait3A_443 = tpu.memref_squeeze %dma_wait3A_442 : memref<1x!tpu.dma_semaphore, #tpu.memory_space<semaphore_mem>> -> memref<!tpu.dma_semaphore, #tpu.memory_space<semaphore_mem>>
        %dma_wait3A_444 = arith.constant 0 : i32
        %dma_wait3A_445 = arith.constant 0 : i32
        %dma_wait3A_446 = tpu.memref_slice %arg10[%rem3A_412, %dma_wait3A_444, %dma_wait3A_445] : memref<3x128x128xf32, #tpu.memory_space<vmem>> -> memref<1x128x128xf32, #tpu.memory_space<vmem>>
        %dma_wait3A_447 = tpu.memref_squeeze %dma_wait3A_446 : memref<1x128x128xf32, #tpu.memory_space<vmem>> -> memref<128x128xf32, #tpu.memory_space<vmem>>
        %dma_wait3A_448 = arith.constant 0 : i32
        %dma_wait3A_449 = arith.constant 0 : i32
        %dma_wait3A_450 = tpu.memref_slice %arg4[%dma_wait3A_448, %dma_wait3A_449] : memref<160000x128xf32, #tpu.memory_space<hbm>> -> memref<128x128xf32, #tpu.memory_space<hbm>>
        tpu.wait_dma2 semaphore(%dma_wait3A_443 : memref<!tpu.dma_semaphore, #tpu.memory_space<semaphore_mem>>) src(%dma_wait3A_450 : memref<128x128xf32, #tpu.memory_space<hbm>>) dst(%dma_wait3A_447 : memref<128x128xf32, #tpu.memory_space<vmem>>)
        %dma_start3A_451 = arith.constant 6 : i32
        %dma_start3A_452 = arith.constant 0 : i32
        %dma_start3A_453 = arith.constant 0 : i32
        %dma_start3A_454 = tpu.memref_slice %arg10[%rem3A_412, %dma_start3A_452, %dma_start3A_453] : memref<3x128x128xf32, #tpu.memory_space<vmem>> -> memref<1x128x128xf32, #tpu.memory_space<vmem>>
        %dma_start3A_455 = tpu.memref_squeeze %dma_start3A_454 : memref<1x128x128xf32, #tpu.memory_space<vmem>> -> memref<128x128xf32, #tpu.memory_space<vmem>>
        %dma_start3A_456 = arith.constant 0 : i32
        %dma_start3A_457 = tpu.memref_slice %arg11[%dma_start3A_451, %dma_start3A_456] : memref<8x128xi32, #tpu.memory_space<vmem>> -> memref<1x128xi32, #tpu.memory_space<vmem>>
        %dma_start3A_458 = tpu.memref_squeeze %dma_start3A_457 : memref<1x128xi32, #tpu.memory_space<vmem>> -> memref<128xi32, #tpu.memory_space<vmem>>
        %dma_start3A_459 = arith.constant 0 : i32
        %dma_start3A_460 = arith.constant 0 : i32
        %dma_start3A_461 = tpu.memref_slice %arg9[%dma_start3A_459, %dma_start3A_460] : memref<10000x128xf32, #tpu.memory_space<vmem_shared>> -> memref<10000x128xf32, #tpu.memory_space<vmem_shared>>
        %dma_start3A_462 = tpu.memref_slice %arg13[%rem3A_412] : memref<3x!tpu.dma_semaphore, #tpu.memory_space<semaphore_mem>> -> memref<1x!tpu.dma_semaphore, #tpu.memory_space<semaphore_mem>>
        %dma_start3A_463 = tpu.memref_squeeze %dma_start3A_462 : memref<1x!tpu.dma_semaphore, #tpu.memory_space<semaphore_mem>> -> memref<!tpu.dma_semaphore, #tpu.memory_space<semaphore_mem>>
        tpu.enqueue_indirect_dma source(%dma_start3A_455 : memref<128x128xf32, #tpu.memory_space<vmem>>) target(%dma_start3A_461 : memref<10000x128xf32, #tpu.memory_space<vmem_shared>>) offsets(%dma_start3A_458 : memref<128xi32, #tpu.memory_space<vmem>>) semaphore(%dma_start3A_463 : memref<!tpu.dma_semaphore, #tpu.memory_space<semaphore_mem>>) {add = true}
      } else {
      }
      %mul3A_417 = arith.constant 8 : i32
      %mul3A_418 = arith.muli %while3A_287, %mul3A_417 : i32
      %add3A_419 = arith.constant 7 : i32
      %add3A_420 = arith.addi %mul3A_418, %add3A_419 : i32
      %add3A_421 = arith.constant 2 : i32
      %add3A_422 = arith.addi %add3A_420, %add3A_421 : i32
      %rem3A_423 = arith.constant 3 : i32
      %rem3A_424 = arith.remsi %add3A_422, %rem3A_423 : i32
      %lt3A_425 = arith.cmpi slt, %add3A_422, %add3A_158 : i32
      %convert_element_type3A_426 = arith.extui %lt3A_425 : i1 to i32
      %cond3A_427 = arith.constant 0 : i32
      %cond3A_428 = arith.cmpi ne, %convert_element_type3A_426, %cond3A_427 : i32
      scf.if %cond3A_428 {
        %ge3A = arith.constant 3 : i32
        %ge3A_435 = arith.cmpi sge, %add3A_422, %ge3A : i32
        %convert_element_type3A_436 = arith.extui %ge3A_435 : i1 to i32
        %cond3A_437 = arith.constant 0 : i32
        %cond3A_438 = arith.cmpi ne, %convert_element_type3A_436, %cond3A_437 : i32
        scf.if %cond3A_438 {
          %dma_wait3A_456 = arith.constant 0 : i32
          %dma_wait3A_457 = arith.constant 0 : i32
          %dma_wait3A_458 = arith.constant 0 : i32
          %dma_wait3A_459 = tpu.memref_slice %arg10[%rem3A_424, %dma_wait3A_457, %dma_wait3A_458] : memref<3x128x128xf32, #tpu.memory_space<vmem>> -> memref<1x128x128xf32, #tpu.memory_space<vmem>>
          %dma_wait3A_460 = tpu.memref_squeeze %dma_wait3A_459 : memref<1x128x128xf32, #tpu.memory_space<vmem>> -> memref<128x128xf32, #tpu.memory_space<vmem>>
          %dma_wait3A_461 = arith.constant 0 : i32
          %dma_wait3A_462 = tpu.memref_slice %arg11[%dma_wait3A_456, %dma_wait3A_461] : memref<8x128xi32, #tpu.memory_space<vmem>> -> memref<1x128xi32, #tpu.memory_space<vmem>>
          %dma_wait3A_463 = tpu.memref_squeeze %dma_wait3A_462 : memref<1x128xi32, #tpu.memory_space<vmem>> -> memref<128xi32, #tpu.memory_space<vmem>>
          %dma_wait3A_464 = arith.constant 0 : i32
          %dma_wait3A_465 = arith.constant 0 : i32
          %dma_wait3A_466 = tpu.memref_slice %arg9[%dma_wait3A_464, %dma_wait3A_465] : memref<10000x128xf32, #tpu.memory_space<vmem_shared>> -> memref<10000x128xf32, #tpu.memory_space<vmem_shared>>
          %dma_wait3A_467 = tpu.memref_slice %arg13[%rem3A_424] : memref<3x!tpu.dma_semaphore, #tpu.memory_space<semaphore_mem>> -> memref<1x!tpu.dma_semaphore, #tpu.memory_space<semaphore_mem>>
          %dma_wait3A_468 = tpu.memref_squeeze %dma_wait3A_467 : memref<1x!tpu.dma_semaphore, #tpu.memory_space<semaphore_mem>> -> memref<!tpu.dma_semaphore, #tpu.memory_space<semaphore_mem>>
          tpu.wait_indirect_dma semaphore(%dma_wait3A_468 : memref<!tpu.dma_semaphore, #tpu.memory_space<semaphore_mem>>) src(%dma_wait3A_460 : memref<128x128xf32, #tpu.memory_space<vmem>>) dst(%dma_wait3A_466 : memref<10000x128xf32, #tpu.memory_space<vmem_shared>>)
        } else {
        }
        %add3A_439 = arith.addi %mul3A_145, %add3A_422 : i32
        %mul3A_440 = arith.constant 128 : i32
        %mul3A_441 = arith.muli %add3A_439, %mul3A_440 : i32
        %dma_start3A_442 = arith.constant 0 : i32
        %dma_start3A_443 = arith.constant 0 : i32
        %dma_start3A_444 = tpu.memref_slice %arg10[%rem3A_424, %dma_start3A_442, %dma_start3A_443] : memref<3x128x128xf32, #tpu.memory_space<vmem>> -> memref<1x128x128xf32, #tpu.memory_space<vmem>>
        %dma_start3A_445 = tpu.memref_squeeze %dma_start3A_444 : memref<1x128x128xf32, #tpu.memory_space<vmem>> -> memref<128x128xf32, #tpu.memory_space<vmem>>
        %dma_start3A_446 = arith.constant 0 : i32
        %dma_start3A_447 = tpu.memref_slice %arg4[%mul3A_441, %dma_start3A_446] : memref<160000x128xf32, #tpu.memory_space<hbm>> -> memref<128x128xf32, #tpu.memory_space<hbm>>
        %dma_start3A_448 = tpu.memref_slice %arg12[%rem3A_424] : memref<3x!tpu.dma_semaphore, #tpu.memory_space<semaphore_mem>> -> memref<1x!tpu.dma_semaphore, #tpu.memory_space<semaphore_mem>>
        %dma_start3A_449 = tpu.memref_squeeze %dma_start3A_448 : memref<1x!tpu.dma_semaphore, #tpu.memory_space<semaphore_mem>> -> memref<!tpu.dma_semaphore, #tpu.memory_space<semaphore_mem>>
        %dma_start3A_450 = arith.constant 0 : i32
        %dma_start3A_451 = arith.constant 0 : i32
        %dma_start3A_452 = tpu.memref_slice %arg10[%rem3A_424, %dma_start3A_450, %dma_start3A_451] : memref<3x128x128xf32, #tpu.memory_space<vmem>> -> memref<1x128x128xf32, #tpu.memory_space<vmem>>
        %dma_start3A_453 = tpu.memref_squeeze %dma_start3A_452 : memref<1x128x128xf32, #tpu.memory_space<vmem>> -> memref<128x128xf32, #tpu.memory_space<vmem>>
        %dma_start3A_454 = arith.constant 0 : i32
        %dma_start3A_455 = tpu.memref_slice %arg4[%mul3A_441, %dma_start3A_454] : memref<160000x128xf32, #tpu.memory_space<hbm>> -> memref<128x128xf32, #tpu.memory_space<hbm>>
        tpu.enqueue_dma source(%dma_start3A_455 : memref<128x128xf32, #tpu.memory_space<hbm>>) target(%dma_start3A_453 : memref<128x128xf32, #tpu.memory_space<vmem>>) target_semaphore(%dma_start3A_449 : memref<!tpu.dma_semaphore, #tpu.memory_space<semaphore_mem>>)
      } else {
      }
      %rem3A_429 = arith.constant 3 : i32
      %rem3A_430 = arith.remsi %add3A_420, %rem3A_429 : i32
      %lt3A_431 = arith.cmpi slt, %add3A_420, %add3A_158 : i32
      %convert_element_type3A_432 = arith.extui %lt3A_431 : i1 to i32
      %cond3A_433 = arith.constant 0 : i32
      %cond3A_434 = arith.cmpi ne, %convert_element_type3A_432, %cond3A_433 : i32
      scf.if %cond3A_434 {
        %dma_wait3A_435 = arith.constant 0 : i32
        %dma_wait3A_436 = arith.constant 0 : i32
        %dma_wait3A_437 = tpu.memref_slice %arg10[%rem3A_430, %dma_wait3A_435, %dma_wait3A_436] : memref<3x128x128xf32, #tpu.memory_space<vmem>> -> memref<1x128x128xf32, #tpu.memory_space<vmem>>
        %dma_wait3A_438 = tpu.memref_squeeze %dma_wait3A_437 : memref<1x128x128xf32, #tpu.memory_space<vmem>> -> memref<128x128xf32, #tpu.memory_space<vmem>>
        %dma_wait3A_439 = arith.constant 0 : i32
        %dma_wait3A_440 = arith.constant 0 : i32
        %dma_wait3A_441 = tpu.memref_slice %arg4[%dma_wait3A_439, %dma_wait3A_440] : memref<160000x128xf32, #tpu.memory_space<hbm>> -> memref<128x128xf32, #tpu.memory_space<hbm>>
        %dma_wait3A_442 = tpu.memref_slice %arg12[%rem3A_430] : memref<3x!tpu.dma_semaphore, #tpu.memory_space<semaphore_mem>> -> memref<1x!tpu.dma_semaphore, #tpu.memory_space<semaphore_mem>>
        %dma_wait3A_443 = tpu.memref_squeeze %dma_wait3A_442 : memref<1x!tpu.dma_semaphore, #tpu.memory_space<semaphore_mem>> -> memref<!tpu.dma_semaphore, #tpu.memory_space<semaphore_mem>>
        %dma_wait3A_444 = arith.constant 0 : i32
        %dma_wait3A_445 = arith.constant 0 : i32
        %dma_wait3A_446 = tpu.memref_slice %arg10[%rem3A_430, %dma_wait3A_444, %dma_wait3A_445] : memref<3x128x128xf32, #tpu.memory_space<vmem>> -> memref<1x128x128xf32, #tpu.memory_space<vmem>>
        %dma_wait3A_447 = tpu.memref_squeeze %dma_wait3A_446 : memref<1x128x128xf32, #tpu.memory_space<vmem>> -> memref<128x128xf32, #tpu.memory_space<vmem>>
        %dma_wait3A_448 = arith.constant 0 : i32
        %dma_wait3A_449 = arith.constant 0 : i32
        %dma_wait3A_450 = tpu.memref_slice %arg4[%dma_wait3A_448, %dma_wait3A_449] : memref<160000x128xf32, #tpu.memory_space<hbm>> -> memref<128x128xf32, #tpu.memory_space<hbm>>
        tpu.wait_dma2 semaphore(%dma_wait3A_443 : memref<!tpu.dma_semaphore, #tpu.memory_space<semaphore_mem>>) src(%dma_wait3A_450 : memref<128x128xf32, #tpu.memory_space<hbm>>) dst(%dma_wait3A_447 : memref<128x128xf32, #tpu.memory_space<vmem>>)
        %dma_start3A_451 = arith.constant 7 : i32
        %dma_start3A_452 = arith.constant 0 : i32
        %dma_start3A_453 = arith.constant 0 : i32
        %dma_start3A_454 = tpu.memref_slice %arg10[%rem3A_430, %dma_start3A_452, %dma_start3A_453] : memref<3x128x128xf32, #tpu.memory_space<vmem>> -> memref<1x128x128xf32, #tpu.memory_space<vmem>>
        %dma_start3A_455 = tpu.memref_squeeze %dma_start3A_454 : memref<1x128x128xf32, #tpu.memory_space<vmem>> -> memref<128x128xf32, #tpu.memory_space<vmem>>
        %dma_start3A_456 = arith.constant 0 : i32
        %dma_start3A_457 = tpu.memref_slice %arg11[%dma_start3A_451, %dma_start3A_456] : memref<8x128xi32, #tpu.memory_space<vmem>> -> memref<1x128xi32, #tpu.memory_space<vmem>>
        %dma_start3A_458 = tpu.memref_squeeze %dma_start3A_457 : memref<1x128xi32, #tpu.memory_space<vmem>> -> memref<128xi32, #tpu.memory_space<vmem>>
        %dma_start3A_459 = arith.constant 0 : i32
        %dma_start3A_460 = arith.constant 0 : i32
        %dma_start3A_461 = tpu.memref_slice %arg9[%dma_start3A_459, %dma_start3A_460] : memref<10000x128xf32, #tpu.memory_space<vmem_shared>> -> memref<10000x128xf32, #tpu.memory_space<vmem_shared>>
        %dma_start3A_462 = tpu.memref_slice %arg13[%rem3A_430] : memref<3x!tpu.dma_semaphore, #tpu.memory_space<semaphore_mem>> -> memref<1x!tpu.dma_semaphore, #tpu.memory_space<semaphore_mem>>
        %dma_start3A_463 = tpu.memref_squeeze %dma_start3A_462 : memref<1x!tpu.dma_semaphore, #tpu.memory_space<semaphore_mem>> -> memref<!tpu.dma_semaphore, #tpu.memory_space<semaphore_mem>>
        tpu.enqueue_indirect_dma source(%dma_start3A_455 : memref<128x128xf32, #tpu.memory_space<vmem>>) target(%dma_start3A_461 : memref<10000x128xf32, #tpu.memory_space<vmem_shared>>) offsets(%dma_start3A_458 : memref<128xi32, #tpu.memory_space<vmem>>) semaphore(%dma_start3A_463 : memref<!tpu.dma_semaphore, #tpu.memory_space<semaphore_mem>>) {add = true}
      } else {
      }
    }
    %dma_wait3A_238 = arith.constant 0 : i32
    %dma_wait3A_239 = arith.constant 0 : i32
    %dma_wait3A_240 = arith.constant 0 : i32
    %dma_wait3A_241 = arith.constant 0 : i32
    %dma_wait3A_242 = arith.constant 0 : i32
    %dma_wait3A_243 = tpu.memref_slice %arg10[%dma_wait3A_238, %dma_wait3A_241, %dma_wait3A_242] : memref<3x128x128xf32, #tpu.memory_space<vmem>> -> memref<1x128x128xf32, #tpu.memory_space<vmem>>
    %dma_wait3A_244 = tpu.memref_squeeze %dma_wait3A_243 : memref<1x128x128xf32, #tpu.memory_space<vmem>> -> memref<128x128xf32, #tpu.memory_space<vmem>>
    %dma_wait3A_245 = arith.constant 0 : i32
    %dma_wait3A_246 = tpu.memref_slice %arg11[%dma_wait3A_239, %dma_wait3A_245] : memref<8x128xi32, #tpu.memory_space<vmem>> -> memref<1x128xi32, #tpu.memory_space<vmem>>
    %dma_wait3A_247 = tpu.memref_squeeze %dma_wait3A_246 : memref<1x128xi32, #tpu.memory_space<vmem>> -> memref<128xi32, #tpu.memory_space<vmem>>
    %dma_wait3A_248 = arith.constant 0 : i32
    %dma_wait3A_249 = arith.constant 0 : i32
    %dma_wait3A_250 = tpu.memref_slice %arg9[%dma_wait3A_248, %dma_wait3A_249] : memref<10000x128xf32, #tpu.memory_space<vmem_shared>> -> memref<10000x128xf32, #tpu.memory_space<vmem_shared>>
    %dma_wait3A_251 = tpu.memref_slice %arg13[%dma_wait3A_240] : memref<3x!tpu.dma_semaphore, #tpu.memory_space<semaphore_mem>> -> memref<1x!tpu.dma_semaphore, #tpu.memory_space<semaphore_mem>>
    %dma_wait3A_252 = tpu.memref_squeeze %dma_wait3A_251 : memref<1x!tpu.dma_semaphore, #tpu.memory_space<semaphore_mem>> -> memref<!tpu.dma_semaphore, #tpu.memory_space<semaphore_mem>>
    tpu.wait_indirect_dma semaphore(%dma_wait3A_252 : memref<!tpu.dma_semaphore, #tpu.memory_space<semaphore_mem>>) src(%dma_wait3A_244 : memref<128x128xf32, #tpu.memory_space<vmem>>) dst(%dma_wait3A_250 : memref<10000x128xf32, #tpu.memory_space<vmem_shared>>)
    %dma_wait3A_253 = arith.constant 1 : i32
    %dma_wait3A_254 = arith.constant 0 : i32
    %dma_wait3A_255 = arith.constant 1 : i32
    %dma_wait3A_256 = arith.constant 0 : i32
    %dma_wait3A_257 = arith.constant 0 : i32
    %dma_wait3A_258 = tpu.memref_slice %arg10[%dma_wait3A_253, %dma_wait3A_256, %dma_wait3A_257] : memref<3x128x128xf32, #tpu.memory_space<vmem>> -> memref<1x128x128xf32, #tpu.memory_space<vmem>>
    %dma_wait3A_259 = tpu.memref_squeeze %dma_wait3A_258 : memref<1x128x128xf32, #tpu.memory_space<vmem>> -> memref<128x128xf32, #tpu.memory_space<vmem>>
    %dma_wait3A_260 = arith.constant 0 : i32
    %dma_wait3A_261 = tpu.memref_slice %arg11[%dma_wait3A_254, %dma_wait3A_260] : memref<8x128xi32, #tpu.memory_space<vmem>> -> memref<1x128xi32, #tpu.memory_space<vmem>>
    %dma_wait3A_262 = tpu.memref_squeeze %dma_wait3A_261 : memref<1x128xi32, #tpu.memory_space<vmem>> -> memref<128xi32, #tpu.memory_space<vmem>>
    %dma_wait3A_263 = arith.constant 0 : i32
    %dma_wait3A_264 = arith.constant 0 : i32
    %dma_wait3A_265 = tpu.memref_slice %arg9[%dma_wait3A_263, %dma_wait3A_264] : memref<10000x128xf32, #tpu.memory_space<vmem_shared>> -> memref<10000x128xf32, #tpu.memory_space<vmem_shared>>
    %dma_wait3A_266 = tpu.memref_slice %arg13[%dma_wait3A_255] : memref<3x!tpu.dma_semaphore, #tpu.memory_space<semaphore_mem>> -> memref<1x!tpu.dma_semaphore, #tpu.memory_space<semaphore_mem>>
    %dma_wait3A_267 = tpu.memref_squeeze %dma_wait3A_266 : memref<1x!tpu.dma_semaphore, #tpu.memory_space<semaphore_mem>> -> memref<!tpu.dma_semaphore, #tpu.memory_space<semaphore_mem>>
    tpu.wait_indirect_dma semaphore(%dma_wait3A_267 : memref<!tpu.dma_semaphore, #tpu.memory_space<semaphore_mem>>) src(%dma_wait3A_259 : memref<128x128xf32, #tpu.memory_space<vmem>>) dst(%dma_wait3A_265 : memref<10000x128xf32, #tpu.memory_space<vmem_shared>>)
    %dma_wait3A_268 = arith.constant 2 : i32
    %dma_wait3A_269 = arith.constant 0 : i32
    %dma_wait3A_270 = arith.constant 2 : i32
    %dma_wait3A_271 = arith.constant 0 : i32
    %dma_wait3A_272 = arith.constant 0 : i32
    %dma_wait3A_273 = tpu.memref_slice %arg10[%dma_wait3A_268, %dma_wait3A_271, %dma_wait3A_272] : memref<3x128x128xf32, #tpu.memory_space<vmem>> -> memref<1x128x128xf32, #tpu.memory_space<vmem>>
    %dma_wait3A_274 = tpu.memref_squeeze %dma_wait3A_273 : memref<1x128x128xf32, #tpu.memory_space<vmem>> -> memref<128x128xf32, #tpu.memory_space<vmem>>
    %dma_wait3A_275 = arith.constant 0 : i32
    %dma_wait3A_276 = tpu.memref_slice %arg11[%dma_wait3A_269, %dma_wait3A_275] : memref<8x128xi32, #tpu.memory_space<vmem>> -> memref<1x128xi32, #tpu.memory_space<vmem>>
    %dma_wait3A_277 = tpu.memref_squeeze %dma_wait3A_276 : memref<1x128xi32, #tpu.memory_space<vmem>> -> memref<128xi32, #tpu.memory_space<vmem>>
    %dma_wait3A_278 = arith.constant 0 : i32
    %dma_wait3A_279 = arith.constant 0 : i32
    %dma_wait3A_280 = tpu.memref_slice %arg9[%dma_wait3A_278, %dma_wait3A_279] : memref<10000x128xf32, #tpu.memory_space<vmem_shared>> -> memref<10000x128xf32, #tpu.memory_space<vmem_shared>>
    %dma_wait3A_281 = tpu.memref_slice %arg13[%dma_wait3A_270] : memref<3x!tpu.dma_semaphore, #tpu.memory_space<semaphore_mem>> -> memref<1x!tpu.dma_semaphore, #tpu.memory_space<semaphore_mem>>
    %dma_wait3A_282 = tpu.memref_squeeze %dma_wait3A_281 : memref<1x!tpu.dma_semaphore, #tpu.memory_space<semaphore_mem>> -> memref<!tpu.dma_semaphore, #tpu.memory_space<semaphore_mem>>
    tpu.wait_indirect_dma semaphore(%dma_wait3A_282 : memref<!tpu.dma_semaphore, #tpu.memory_space<semaphore_mem>>) src(%dma_wait3A_274 : memref<128x128xf32, #tpu.memory_space<vmem>>) dst(%dma_wait3A_280 : memref<10000x128xf32, #tpu.memory_space<vmem_shared>>)
    %barrier3A_283 = arith.constant 0 : index
    tpu.barrier barrier_id(%barrier3A_283)
    "tpu.region"() ({
      %run_scoped3A = tpu.sem_alloc : memref<!tpu.dma_semaphore, #tpu.memory_space<semaphore_mem>>
      %dma_start3A_287 = arith.constant 0 : i32
      %dma_start3A_288 = tpu.memref_slice %arg8[%arg0, %mul3A_2, %dma_start3A_287] : memref<2x10000x128xf32, #tpu.memory_space<hbm>> -> memref<1x624x128xf32, #tpu.memory_space<hbm>>
      %dma_start3A_289 = tpu.memref_squeeze %dma_start3A_288 : memref<1x624x128xf32, #tpu.memory_space<hbm>> -> memref<624x128xf32, #tpu.memory_space<hbm>>
      %dma_start3A_290 = arith.constant 0 : i32
      %dma_start3A_291 = tpu.memref_slice %arg9[%mul3A_2, %dma_start3A_290] : memref<10000x128xf32, #tpu.memory_space<vmem_shared>> -> memref<624x128xf32, #tpu.memory_space<vmem_shared>>
      tpu.enqueue_dma source(%dma_start3A_291 : memref<624x128xf32, #tpu.memory_space<vmem_shared>>) target(%dma_start3A_289 : memref<624x128xf32, #tpu.memory_space<hbm>>) target_semaphore(%run_scoped3A : memref<!tpu.dma_semaphore, #tpu.memory_space<semaphore_mem>>)
      %dma_wait3A_292 = arith.constant 0 : i32
      %dma_wait3A_293 = tpu.memref_slice %arg8[%arg0, %mul3A_2, %dma_wait3A_292] : memref<2x10000x128xf32, #tpu.memory_space<hbm>> -> memref<1x624x128xf32, #tpu.memory_space<hbm>>
      %dma_wait3A_294 = tpu.memref_squeeze %dma_wait3A_293 : memref<1x624x128xf32, #tpu.memory_space<hbm>> -> memref<624x128xf32, #tpu.memory_space<hbm>>
      %dma_wait3A_295 = arith.constant 0 : i32
      %dma_wait3A_296 = tpu.memref_slice %arg9[%mul3A_2, %dma_wait3A_295] : memref<10000x128xf32, #tpu.memory_space<vmem_shared>> -> memref<624x128xf32, #tpu.memory_space<vmem_shared>>
      tpu.wait_dma2 semaphore(%run_scoped3A : memref<!tpu.dma_semaphore, #tpu.memory_space<semaphore_mem>>) src(%dma_wait3A_296 : memref<624x128xf32, #tpu.memory_space<vmem_shared>>) dst(%dma_wait3A_294 : memref<624x128xf32, #tpu.memory_space<hbm>>)
      tpu.yield
    }) : () -> ()
    %convert_element_type3A_284 = arith.extui %eq3A_3 : i1 to i32
    %cond3A_285 = arith.constant 0 : i32
    %cond3A_286 = arith.cmpi ne, %convert_element_type3A_284, %cond3A_285 : i32
    scf.if %cond3A_286 {
      "tpu.region"() ({
        %run_scoped3A = tpu.sem_alloc : memref<!tpu.dma_semaphore, #tpu.memory_space<semaphore_mem>>
        %dma_start3A_287 = arith.constant 9984 : i32
        %dma_start3A_288 = arith.constant 0 : i32
        %dma_start3A_289 = tpu.memref_slice %arg8[%arg0, %dma_start3A_287, %dma_start3A_288] : memref<2x10000x128xf32, #tpu.memory_space<hbm>> -> memref<1x16x128xf32, #tpu.memory_space<hbm>>
        %dma_start3A_290 = tpu.memref_squeeze %dma_start3A_289 : memref<1x16x128xf32, #tpu.memory_space<hbm>> -> memref<16x128xf32, #tpu.memory_space<hbm>>
        %dma_start3A_291 = arith.constant 9984 : i32
        %dma_start3A_292 = arith.constant 0 : i32
        %dma_start3A_293 = tpu.memref_slice %arg9[%dma_start3A_291, %dma_start3A_292] : memref<10000x128xf32, #tpu.memory_space<vmem_shared>> -> memref<16x128xf32, #tpu.memory_space<vmem_shared>>
        tpu.enqueue_dma source(%dma_start3A_293 : memref<16x128xf32, #tpu.memory_space<vmem_shared>>) target(%dma_start3A_290 : memref<16x128xf32, #tpu.memory_space<hbm>>) target_semaphore(%run_scoped3A : memref<!tpu.dma_semaphore, #tpu.memory_space<semaphore_mem>>)
        %dma_wait3A_294 = arith.constant 9984 : i32
        %dma_wait3A_295 = arith.constant 0 : i32
        %dma_wait3A_296 = tpu.memref_slice %arg8[%arg0, %dma_wait3A_294, %dma_wait3A_295] : memref<2x10000x128xf32, #tpu.memory_space<hbm>> -> memref<1x16x128xf32, #tpu.memory_space<hbm>>
        %dma_wait3A_297 = tpu.memref_squeeze %dma_wait3A_296 : memref<1x16x128xf32, #tpu.memory_space<hbm>> -> memref<16x128xf32, #tpu.memory_space<hbm>>
        %dma_wait3A_298 = arith.constant 9984 : i32
        %dma_wait3A_299 = arith.constant 0 : i32
        %dma_wait3A_300 = tpu.memref_slice %arg9[%dma_wait3A_298, %dma_wait3A_299] : memref<10000x128xf32, #tpu.memory_space<vmem_shared>> -> memref<16x128xf32, #tpu.memory_space<vmem_shared>>
        tpu.wait_dma2 semaphore(%run_scoped3A : memref<!tpu.dma_semaphore, #tpu.memory_space<semaphore_mem>>) src(%dma_wait3A_300 : memref<16x128xf32, #tpu.memory_space<vmem_shared>>) dst(%dma_wait3A_297 : memref<16x128xf32, #tpu.memory_space<hbm>>)
        tpu.yield
      }) : () -> ()
    } else {
    }
    return
  }
}

module attributes {stable_mosaic.version = 14 : i64} {
  func.func @_mlp_body(%arg0: i32, %arg1: memref<2x2000x128xf32, #tpu.memory_space<vmem>>, %arg2: memref<2x2000x128xf32, #tpu.memory_space<vmem>>, %arg3: memref<2000x128xf32, #tpu.memory_space<vmem>>, %arg4: memref<128x128xf32, #tpu.memory_space<vmem>>, %arg5: memref<1x128xf32, #tpu.memory_space<vmem>>, %arg6: memref<128x128xf32, #tpu.memory_space<vmem>>, %arg7: memref<1x128xf32, #tpu.memory_space<vmem>>, %arg8: memref<128x128xf32, #tpu.memory_space<vmem>>, %arg9: memref<1x128xf32, #tpu.memory_space<vmem>>, %arg10: memref<128x128xf32, #tpu.memory_space<vmem>>, %arg11: memref<1x128xf32, #tpu.memory_space<vmem>>, %arg12: memref<128x128xf32, #tpu.memory_space<vmem>>, %arg13: memref<128x128xf32, #tpu.memory_space<vmem>>, %arg14: memref<1x128xf32, #tpu.memory_space<vmem>>, %arg15: memref<2000x128xf32, #tpu.memory_space<vmem>>) attributes {dimension_semantics = [#tpu.dimension_semantics<arbitrary>], iteration_bounds = array<i64: 5>, scalar_prefetch = 0 : i64, scratch_operands = 0 : i64, tpu.core_type = #tpu.core_type<tc>, window_params = [{transform_indices = @transform_0, window_bounds = array<i64: 2, 2000, 128>}, {transform_indices = @transform_1, window_bounds = array<i64: 2, 2000, 128>}, {transform_indices = @transform_2, window_bounds = array<i64: 2000, 128>}, {pipeline_mode = #tpu.pipeline_mode<synchronous>, transform_indices = @transform_3, window_bounds = array<i64: 128, 128>}, {pipeline_mode = #tpu.pipeline_mode<synchronous>, transform_indices = @transform_4, window_bounds = array<i64: 1, 128>}, {pipeline_mode = #tpu.pipeline_mode<synchronous>, transform_indices = @transform_5, window_bounds = array<i64: 128, 128>}, {pipeline_mode = #tpu.pipeline_mode<synchronous>, transform_indices = @transform_6, window_bounds = array<i64: 1, 128>}, {pipeline_mode = #tpu.pipeline_mode<synchronous>, transform_indices = @transform_7, window_bounds = array<i64: 128, 128>}, {pipeline_mode = #tpu.pipeline_mode<synchronous>, transform_indices = @transform_8, window_bounds = array<i64: 1, 128>}, {pipeline_mode = #tpu.pipeline_mode<synchronous>, transform_indices = @transform_9, window_bounds = array<i64: 128, 128>}, {pipeline_mode = #tpu.pipeline_mode<synchronous>, transform_indices = @transform_10, window_bounds = array<i64: 1, 128>}, {pipeline_mode = #tpu.pipeline_mode<synchronous>, transform_indices = @transform_11, window_bounds = array<i64: 128, 128>}, {pipeline_mode = #tpu.pipeline_mode<synchronous>, transform_indices = @transform_12, window_bounds = array<i64: 128, 128>}, {pipeline_mode = #tpu.pipeline_mode<synchronous>, transform_indices = @transform_13, window_bounds = array<i64: 1, 128>}, {transform_indices = @transform_14, window_bounds = array<i64: 2000, 128>}]} {
    %get3A = arith.constant 0 : index
    %get3A_0 = arith.constant 0 : index
    %get3A_1 = arith.constant 0 : index
    %get3A_2 = vector.load %arg1[%get3A, %get3A_0, %get3A_1] : memref<2x2000x128xf32, #tpu.memory_space<vmem>>, vector<1x2000x128xf32>
    %get3A_3 = vector.shape_cast %get3A_2 : vector<1x2000x128xf32> to vector<2000x128xf32>
    %get3A_4 = arith.constant 1 : index
    %get3A_5 = arith.constant 0 : index
    %get3A_6 = arith.constant 0 : index
    %get3A_7 = vector.load %arg1[%get3A_4, %get3A_5, %get3A_6] : memref<2x2000x128xf32, #tpu.memory_space<vmem>>, vector<1x2000x128xf32>
    %get3A_8 = vector.shape_cast %get3A_7 : vector<1x2000x128xf32> to vector<2000x128xf32>
    %add3A = arith.addf %get3A_3, %get3A_8 : vector<2000x128xf32>
    %get3A_9 = arith.constant 0 : index
    %get3A_10 = arith.constant 0 : index
    %get3A_11 = arith.constant 0 : index
    %get3A_12 = vector.load %arg2[%get3A_9, %get3A_10, %get3A_11] : memref<2x2000x128xf32, #tpu.memory_space<vmem>>, vector<1x2000x128xf32>
    %get3A_13 = vector.shape_cast %get3A_12 : vector<1x2000x128xf32> to vector<2000x128xf32>
    %get3A_14 = arith.constant 1 : index
    %get3A_15 = arith.constant 0 : index
    %get3A_16 = arith.constant 0 : index
    %get3A_17 = vector.load %arg2[%get3A_14, %get3A_15, %get3A_16] : memref<2x2000x128xf32, #tpu.memory_space<vmem>>, vector<1x2000x128xf32>
    %get3A_18 = vector.shape_cast %get3A_17 : vector<1x2000x128xf32> to vector<2000x128xf32>
    %add3A_19 = arith.addf %get3A_13, %get3A_18 : vector<2000x128xf32>
    %sub3A = arith.subf %add3A_19, %add3A : vector<2000x128xf32>
    %get3A_20 = arith.constant 0 : index
    %get3A_21 = arith.constant 0 : index
    %get3A_22 = vector.load %arg4[%get3A_20, %get3A_21] : memref<128x128xf32, #tpu.memory_space<vmem>>, vector<128x128xf32>
    %dot_general3A = arith.constant dense<0.000000e+00> : vector<2000x128xf32>
    %dot_general3A_23 = tpu.matmul %add3A, %get3A_22, %dot_general3A {dimension_numbers = #tpu.dot_dimension_numbers<[1], [1], [0], [0], [0, 0, 1, 0], [], []>, transpose_lhs_hint = false} : vector<2000x128xf32>, vector<128x128xf32>, vector<2000x128xf32> -> vector<2000x128xf32>
    %get3A_24 = arith.constant 0 : index
    %get3A_25 = arith.constant 0 : index
    %get3A_26 = vector.load %arg5[%get3A_24, %get3A_25] : memref<1x128xf32, #tpu.memory_space<vmem>>, vector<1x128xf32>
    %add3A_27 = vector.broadcast %get3A_26 : vector<1x128xf32> to vector<2000x128xf32>
    %add3A_28 = arith.addf %dot_general3A_23, %add3A_27 : vector<2000x128xf32>
    %custom_jvp_call3A = arith.constant 0.000000e+00 : f32
    %max3A = vector.broadcast %custom_jvp_call3A : f32 to vector<2000x128xf32>
    %max3A_29 = arith.maximumf %add3A_28, %max3A : vector<2000x128xf32>
    %sub3A_30 = vector.broadcast %custom_jvp_call3A : f32 to vector<2000x128xf32>
    %sub3A_31 = arith.subf %add3A_28, %sub3A_30 : vector<2000x128xf32>
    %ne3A = arith.cmpf one, %sub3A_31, %sub3A_31 : vector<2000x128xf32>
    %add3A_32 = vector.broadcast %custom_jvp_call3A : f32 to vector<2000x128xf32>
    %add3A_33 = arith.addf %add3A_28, %add3A_32 : vector<2000x128xf32>
    %abs3A = math.absf %sub3A_31 : vector<2000x128xf32>
    %neg3A = arith.constant 0.000000e+00 : f32
    %neg3A_34 = vector.broadcast %neg3A : f32 to vector<2000x128xf32>
    %neg3A_35 = arith.subf %neg3A_34, %abs3A : vector<2000x128xf32>
    %exp3A = math.exp %neg3A_35 : vector<2000x128xf32>
    %log1p3A = math.log1p %exp3A : vector<2000x128xf32>
    %add3A_36 = arith.addf %max3A_29, %log1p3A : vector<2000x128xf32>
    %select_n3A = arith.select %ne3A, %add3A_33, %add3A_36 : vector<2000x128xi1>, vector<2000x128xf32>
    %sub3A_37 = arith.constant 0.693147182 : f32
    %sub3A_38 = vector.broadcast %sub3A_37 : f32 to vector<2000x128xf32>
    %sub3A_39 = arith.subf %select_n3A, %sub3A_38 : vector<2000x128xf32>
    %get3A_40 = arith.constant 0 : index
    %get3A_41 = arith.constant 0 : index
    %get3A_42 = vector.load %arg6[%get3A_40, %get3A_41] : memref<128x128xf32, #tpu.memory_space<vmem>>, vector<128x128xf32>
    %dot_general3A_43 = arith.constant dense<0.000000e+00> : vector<2000x128xf32>
    %dot_general3A_44 = tpu.matmul %sub3A_39, %get3A_42, %dot_general3A_43 {dimension_numbers = #tpu.dot_dimension_numbers<[1], [1], [0], [0], [0, 0, 1, 0], [], []>, transpose_lhs_hint = false} : vector<2000x128xf32>, vector<128x128xf32>, vector<2000x128xf32> -> vector<2000x128xf32>
    %get3A_45 = arith.constant 0 : index
    %get3A_46 = arith.constant 0 : index
    %get3A_47 = vector.load %arg7[%get3A_45, %get3A_46] : memref<1x128xf32, #tpu.memory_space<vmem>>, vector<1x128xf32>
    %add3A_48 = vector.broadcast %get3A_47 : vector<1x128xf32> to vector<2000x128xf32>
    %add3A_49 = arith.addf %dot_general3A_44, %add3A_48 : vector<2000x128xf32>
    %get3A_50 = arith.constant 0 : index
    %get3A_51 = arith.constant 0 : index
    %get3A_52 = vector.load %arg8[%get3A_50, %get3A_51] : memref<128x128xf32, #tpu.memory_space<vmem>>, vector<128x128xf32>
    %dot_general3A_53 = arith.constant dense<0.000000e+00> : vector<2000x128xf32>
    %dot_general3A_54 = tpu.matmul %sub3A, %get3A_52, %dot_general3A_53 {dimension_numbers = #tpu.dot_dimension_numbers<[1], [1], [0], [0], [0, 0, 1, 0], [], []>, transpose_lhs_hint = false} : vector<2000x128xf32>, vector<128x128xf32>, vector<2000x128xf32> -> vector<2000x128xf32>
    %get3A_55 = arith.constant 0 : index
    %get3A_56 = arith.constant 0 : index
    %get3A_57 = vector.load %arg9[%get3A_55, %get3A_56] : memref<1x128xf32, #tpu.memory_space<vmem>>, vector<1x128xf32>
    %add3A_58 = vector.broadcast %get3A_57 : vector<1x128xf32> to vector<2000x128xf32>
    %add3A_59 = arith.addf %dot_general3A_54, %add3A_58 : vector<2000x128xf32>
    %custom_jvp_call3A_60 = arith.constant 0.000000e+00 : f32
    %max3A_61 = vector.broadcast %custom_jvp_call3A_60 : f32 to vector<2000x128xf32>
    %max3A_62 = arith.maximumf %add3A_59, %max3A_61 : vector<2000x128xf32>
    %sub3A_63 = vector.broadcast %custom_jvp_call3A_60 : f32 to vector<2000x128xf32>
    %sub3A_64 = arith.subf %add3A_59, %sub3A_63 : vector<2000x128xf32>
    %ne3A_65 = arith.cmpf one, %sub3A_64, %sub3A_64 : vector<2000x128xf32>
    %add3A_66 = vector.broadcast %custom_jvp_call3A_60 : f32 to vector<2000x128xf32>
    %add3A_67 = arith.addf %add3A_59, %add3A_66 : vector<2000x128xf32>
    %abs3A_68 = math.absf %sub3A_64 : vector<2000x128xf32>
    %neg3A_69 = arith.constant 0.000000e+00 : f32
    %neg3A_70 = vector.broadcast %neg3A_69 : f32 to vector<2000x128xf32>
    %neg3A_71 = arith.subf %neg3A_70, %abs3A_68 : vector<2000x128xf32>
    %exp3A_72 = math.exp %neg3A_71 : vector<2000x128xf32>
    %log1p3A_73 = math.log1p %exp3A_72 : vector<2000x128xf32>
    %add3A_74 = arith.addf %max3A_62, %log1p3A_73 : vector<2000x128xf32>
    %select_n3A_75 = arith.select %ne3A_65, %add3A_67, %add3A_74 : vector<2000x128xi1>, vector<2000x128xf32>
    %sub3A_76 = arith.constant 0.693147182 : f32
    %sub3A_77 = vector.broadcast %sub3A_76 : f32 to vector<2000x128xf32>
    %sub3A_78 = arith.subf %select_n3A_75, %sub3A_77 : vector<2000x128xf32>
    %get3A_79 = arith.constant 0 : index
    %get3A_80 = arith.constant 0 : index
    %get3A_81 = vector.load %arg10[%get3A_79, %get3A_80] : memref<128x128xf32, #tpu.memory_space<vmem>>, vector<128x128xf32>
    %dot_general3A_82 = arith.constant dense<0.000000e+00> : vector<2000x128xf32>
    %dot_general3A_83 = tpu.matmul %sub3A_78, %get3A_81, %dot_general3A_82 {dimension_numbers = #tpu.dot_dimension_numbers<[1], [1], [0], [0], [0, 0, 1, 0], [], []>, transpose_lhs_hint = false} : vector<2000x128xf32>, vector<128x128xf32>, vector<2000x128xf32> -> vector<2000x128xf32>
    %get3A_84 = arith.constant 0 : index
    %get3A_85 = arith.constant 0 : index
    %get3A_86 = vector.load %arg11[%get3A_84, %get3A_85] : memref<1x128xf32, #tpu.memory_space<vmem>>, vector<1x128xf32>
    %add3A_87 = vector.broadcast %get3A_86 : vector<1x128xf32> to vector<2000x128xf32>
    %add3A_88 = arith.addf %dot_general3A_83, %add3A_87 : vector<2000x128xf32>
    %get3A_89 = arith.constant 0 : index
    %get3A_90 = arith.constant 0 : index
    %get3A_91 = vector.load %arg12[%get3A_89, %get3A_90] : memref<128x128xf32, #tpu.memory_space<vmem>>, vector<128x128xf32>
    %dot_general3A_92 = arith.constant dense<0.000000e+00> : vector<2000x128xf32>
    %dot_general3A_93 = tpu.matmul %add3A_49, %get3A_91, %dot_general3A_92 {dimension_numbers = #tpu.dot_dimension_numbers<[1], [1], [0], [0], [0, 0, 1, 0], [], []>, transpose_lhs_hint = false} : vector<2000x128xf32>, vector<128x128xf32>, vector<2000x128xf32> -> vector<2000x128xf32>
    %get3A_94 = arith.constant 0 : index
    %get3A_95 = arith.constant 0 : index
    %get3A_96 = vector.load %arg13[%get3A_94, %get3A_95] : memref<128x128xf32, #tpu.memory_space<vmem>>, vector<128x128xf32>
    %dot_general3A_97 = arith.constant dense<0.000000e+00> : vector<2000x128xf32>
    %dot_general3A_98 = tpu.matmul %add3A_88, %get3A_96, %dot_general3A_97 {dimension_numbers = #tpu.dot_dimension_numbers<[1], [1], [0], [0], [0, 0, 1, 0], [], []>, transpose_lhs_hint = false} : vector<2000x128xf32>, vector<128x128xf32>, vector<2000x128xf32> -> vector<2000x128xf32>
    %add3A_99 = arith.addf %dot_general3A_93, %dot_general3A_98 : vector<2000x128xf32>
    %get3A_100 = arith.constant 0 : index
    %get3A_101 = arith.constant 0 : index
    %get3A_102 = vector.load %arg14[%get3A_100, %get3A_101] : memref<1x128xf32, #tpu.memory_space<vmem>>, vector<1x128xf32>
    %add3A_103 = vector.broadcast %get3A_102 : vector<1x128xf32> to vector<2000x128xf32>
    %add3A_104 = arith.addf %add3A_99, %add3A_103 : vector<2000x128xf32>
    %custom_jvp_call3A_105 = arith.constant 0.000000e+00 : f32
    %max3A_106 = vector.broadcast %custom_jvp_call3A_105 : f32 to vector<2000x128xf32>
    %max3A_107 = arith.maximumf %add3A_104, %max3A_106 : vector<2000x128xf32>
    %sub3A_108 = vector.broadcast %custom_jvp_call3A_105 : f32 to vector<2000x128xf32>
    %sub3A_109 = arith.subf %add3A_104, %sub3A_108 : vector<2000x128xf32>
    %ne3A_110 = arith.cmpf one, %sub3A_109, %sub3A_109 : vector<2000x128xf32>
    %add3A_111 = vector.broadcast %custom_jvp_call3A_105 : f32 to vector<2000x128xf32>
    %add3A_112 = arith.addf %add3A_104, %add3A_111 : vector<2000x128xf32>
    %abs3A_113 = math.absf %sub3A_109 : vector<2000x128xf32>
    %neg3A_114 = arith.constant 0.000000e+00 : f32
    %neg3A_115 = vector.broadcast %neg3A_114 : f32 to vector<2000x128xf32>
    %neg3A_116 = arith.subf %neg3A_115, %abs3A_113 : vector<2000x128xf32>
    %exp3A_117 = math.exp %neg3A_116 : vector<2000x128xf32>
    %log1p3A_118 = math.log1p %exp3A_117 : vector<2000x128xf32>
    %add3A_119 = arith.addf %max3A_107, %log1p3A_118 : vector<2000x128xf32>
    %select_n3A_120 = arith.select %ne3A_110, %add3A_112, %add3A_119 : vector<2000x128xi1>, vector<2000x128xf32>
    %sub3A_121 = arith.constant 0.693147182 : f32
    %sub3A_122 = vector.broadcast %sub3A_121 : f32 to vector<2000x128xf32>
    %sub3A_123 = arith.subf %select_n3A_120, %sub3A_122 : vector<2000x128xf32>
    %get3A_124 = arith.constant 0 : index
    %get3A_125 = arith.constant 0 : index
    %get3A_126 = vector.load %arg3[%get3A_124, %get3A_125] : memref<2000x128xf32, #tpu.memory_space<vmem>>, vector<2000x128xf32>
    %add3A_127 = arith.addf %get3A_126, %sub3A_123 : vector<2000x128xf32>
    %swap3A = arith.constant 0 : index
    %swap3A_128 = arith.constant 0 : index
    %swap3A_129 = vector.load %arg15[%swap3A, %swap3A_128] : memref<2000x128xf32, #tpu.memory_space<vmem>>, vector<2000x128xf32>
    tpu.vector_store %arg15[%swap3A, %swap3A_128], %add3A_127 {strides = array<i32>} : memref<2000x128xf32, #tpu.memory_space<vmem>>, vector<2000x128xf32>,
    return
  }
  func.func @transform_0(%arg0: i32) -> (i32, i32, i32) {
    %c0_i32 = arith.constant 0 : i32
    %c0_i32_0 = arith.constant 0 : i32
    %c0_i32_1 = arith.constant 0 : i32
    return %c0_i32, %arg0, %c0_i32_0 : i32, i32, i32
  }
  func.func @transform_1(%arg0: i32) -> (i32, i32, i32) {
    %c0_i32 = arith.constant 0 : i32
    %c0_i32_0 = arith.constant 0 : i32
    %c0_i32_1 = arith.constant 0 : i32
    return %c0_i32, %arg0, %c0_i32_0 : i32, i32, i32
  }
  func.func @transform_2(%arg0: i32) -> (i32, i32) {
    %c0_i32 = arith.constant 0 : i32
    %c0_i32_0 = arith.constant 0 : i32
    return %arg0, %c0_i32 : i32, i32
  }
  func.func @transform_3(%arg0: i32) -> (i32, i32) {
    %c0_i32 = arith.constant 0 : i32
    %c0_i32_0 = arith.constant 0 : i32
    %c0_i32_1 = arith.constant 0 : i32
    return %c0_i32, %c0_i32_0 : i32, i32
  }
  func.func @transform_4(%arg0: i32) -> (i32, i32) {
    %c0_i32 = arith.constant 0 : i32
    %c0_i32_0 = arith.constant 0 : i32
    %c0_i32_1 = arith.constant 0 : i32
    return %c0_i32, %c0_i32_0 : i32, i32
  }
  func.func @transform_5(%arg0: i32) -> (i32, i32) {
    %c0_i32 = arith.constant 0 : i32
    %c0_i32_0 = arith.constant 0 : i32
    %c0_i32_1 = arith.constant 0 : i32
    return %c0_i32, %c0_i32_0 : i32, i32
  }
  func.func @transform_6(%arg0: i32) -> (i32, i32) {
    %c0_i32 = arith.constant 0 : i32
    %c0_i32_0 = arith.constant 0 : i32
    %c0_i32_1 = arith.constant 0 : i32
    return %c0_i32, %c0_i32_0 : i32, i32
  }
  func.func @transform_7(%arg0: i32) -> (i32, i32) {
    %c0_i32 = arith.constant 0 : i32
    %c0_i32_0 = arith.constant 0 : i32
    %c0_i32_1 = arith.constant 0 : i32
    return %c0_i32, %c0_i32_0 : i32, i32
  }
  func.func @transform_8(%arg0: i32) -> (i32, i32) {
    %c0_i32 = arith.constant 0 : i32
    %c0_i32_0 = arith.constant 0 : i32
    %c0_i32_1 = arith.constant 0 : i32
    return %c0_i32, %c0_i32_0 : i32, i32
  }
  func.func @transform_9(%arg0: i32) -> (i32, i32) {
    %c0_i32 = arith.constant 0 : i32
    %c0_i32_0 = arith.constant 0 : i32
    %c0_i32_1 = arith.constant 0 : i32
    return %c0_i32, %c0_i32_0 : i32, i32
  }
  func.func @transform_10(%arg0: i32) -> (i32, i32) {
    %c0_i32 = arith.constant 0 : i32
    %c0_i32_0 = arith.constant 0 : i32
    %c0_i32_1 = arith.constant 0 : i32
    return %c0_i32, %c0_i32_0 : i32, i32
  }
  func.func @transform_11(%arg0: i32) -> (i32, i32) {
    %c0_i32 = arith.constant 0 : i32
    %c0_i32_0 = arith.constant 0 : i32
    %c0_i32_1 = arith.constant 0 : i32
    return %c0_i32, %c0_i32_0 : i32, i32
  }
  func.func @transform_12(%arg0: i32) -> (i32, i32) {
    %c0_i32 = arith.constant 0 : i32
    %c0_i32_0 = arith.constant 0 : i32
    %c0_i32_1 = arith.constant 0 : i32
    return %c0_i32, %c0_i32_0 : i32, i32
  }
  func.func @transform_13(%arg0: i32) -> (i32, i32) {
    %c0_i32 = arith.constant 0 : i32
    %c0_i32_0 = arith.constant 0 : i32
    %c0_i32_1 = arith.constant 0 : i32
    return %c0_i32, %c0_i32_0 : i32, i32
  }
  func.func @transform_14(%arg0: i32) -> (i32, i32) {
    %c0_i32 = arith.constant 0 : i32
    %c0_i32_0 = arith.constant 0 : i32
    return %arg0, %c0_i32 : i32, i32
  }
}

</mosaic_0001>

<sc_bundles>
// kernel: kernel.4.cloned.1.call-start
scs
__scs_entry_jumppad:
0x0: {  	(pc) =	sbr.rel $0x88, $3  }
0x1: {  	(tag) =	ssettag $0x0;
	lr =	simm.s32 $0x1  }
0x2: {  	[smem:$0x3F92] =	sst lr;
	_ =	strace $0xD0000000  }
0x3: {  	_ = 	snop  }
0x4: {  	_ = 	snop  }
0x5: {  	_ = 	snop  }
0x6: {  	_ = 	snop  }
0x7: {  	_ = 	snop  }
__scs_overlays_trampoline_lowered:
0x8: {  	[smem:$0x3FA1] =	sst s0  }
0x9: {  	[smem:$0x3FA2] =	sst s1  }
0xa: {  	[smem:$0x3FA3] =	sst s2  }
0xb: {  	[smem:$0x3FA4] =	sst s3  }
0xc: {  	[smem:$0x3FA5] =	sst s4  }
0xd: {  	[smem:$0x3FA6] =	sst s5  }
0xe: {  	[smem:$0x3FA7] =	sst s6  }
0xf: {  	[smem:$0x3FA8] =	sst s7  }
0x10: {  	[smem:$0x3FA9] =	sst s8  }
0x11: {  	[smem:$0x3FAA] =	sst s9;
	s0 =	simm.s32 @!p0 $0x0  }
0x12: {  	s1 =	sld [smem:$0x3F90];
	s0 =	simm.s32 @p0 $0x1  }
0x13: {  	[smem:$0x3FAB] =	sst s0;
	s0 =	simm.s32 @!p1 $0x0  }
0x14: {  	s2 =	sld [smem:$0x3F8F];
	s0 =	simm.s32 @p1 $0x1  }
0x15: {  	[smem:$0x3FAC] =	sst s0;
	s0 =	simm.s32 @!p2 $0x0  }
0x16: {  	s3 =	sld [smem:$0x3FDB];
	s0 =	simm.s32 @p2 $0x1  }
0x17: {  	s4 =	simm.s32 $0x1BF5;
	[smem:$0x3FAE] =	sst s0  }
0x18: {  	s0 =	sld [smem:$0x3F91];
	_ =	swait.ge [sflag:s4], $0x0  }
0x19: {  	s7 =	sld [smem:$0x3F92]  }
0x1a: {  	s8 =	sadd.s32 $0xFFFFE003, lr  }
0x1b: {  	s9 =	sadd.s32 $0xFFFFFEF7, lr;
	s5 =	simm.s32 $0xFFFFFFFF;
	p2 =	slt.u32 s8, $0xFFFFF086  }
0x1c: {  	p1 =	slt.u32 s9, $0xF7A;
	s5 =	simm.s32 @!p2 $0x0  }
0x1d: {  	s5 =	simm.s32 @p1 $0x1;
	p0 =	seq.s32 s7, s2  }
0x1e: {  	s7 =	smul.u32 @!p0 $0xF7A, s2;
	p2 =	seq.s32 @!p0 s5, $0x0  }
0x1f: {  	s9 =	smul.u32 $0xF7A, s1;
	s8 =	simm.s32 @!p0 $0x1BF5;
	p2 =	por !p2, p0  }
0x20: {  	[sflag:s8] =	ssyncset.s32 @!p0 $0xFFFFF086;
	s6 =	sadd.s32 @!p0 s3, s7;
	s7 =	simm.s32 @!p0 $0x108  }
0x21: {  	s3 =	sadd.s32 s3, s9;
	s6 =	sadd.s32 @!p0 $0x88, s6;
	s7 =	simm.s32 @p2 $0x1082  }
0x22: {  	[simem:s7], [sflag:s8] =	dma.local @!p0 [hbm:s6], $0xF7A  }
0x23: {  	s9 =	sor.u32 $0xD0000000, s2;
	s6 =	simm.s32 $0x108;
	_ =	swait.ge @!p0 [sflag:s8], $0x0  }
0x24: {  	s3 =	sadd.s32 $0x88, s3;
	s6 =	simm.s32 @!p1 $0x1082;
	[sflag:s4] =	ssyncset.s32 $0xFFFFF086  }
0x25: {  	[simem:s6], [sflag:s4] =	dma.local [hbm:s3], $0xF7A  }
0x26: {  	[smem:$0x3F92] =	sst s1;
	(tag) =	ssettag s2;
	_ =	strace s9  }
0x27: {  	s1 =	sld [smem:$0x3FA2]  }
0x28: {  	s2 =	sld [smem:$0x3FA3]  }
0x29: {  	s4 =	sld [smem:$0x3FA5]  }
0x2a: {  	p0 =	seq.s32 s5, $0x0;
	s5 =	sld [smem:$0x3FA6]  }
0x2b: {  	s6 =	sld [smem:$0x3FA7]  }
0x2c: {  	s7 =	sld [smem:$0x3FA8]  }
0x2d: {  	s3 =	simm.s32 $0x108;
	s8 =	sld [smem:$0x3FA9]  }
0x2e: {  	s3 =	simm.s32 @!p0 $0x1082;
	s9 =	sld [smem:$0x3FAA]  }
0x2f: {  	lr =	sadd.s32 s0, s3;
	s0 =	sld [smem:$0x3FA1]  }
0x30: {  	s3 =	sld [smem:$0x3FA4]  }
0x31: {  	[smem:$0x3FAD] =	sst s10  }
0x32: {  	s10 =	sld [smem:$0x3FAB];
	_ =	sdelay $0x3  }
0x33: {  	p0 =	seq.s32 s10, $0x1;
	s10 =	sld [smem:$0x3FAD];
	_ =	sdelay $0x3  }
0x34: {  	[smem:$0x3FAD] =	sst s10  }
0x35: {  	s10 =	sld [smem:$0x3FAC];
	_ =	sdelay $0x3  }
0x36: {  	p1 =	seq.s32 s10, $0x1;
	s10 =	sld [smem:$0x3FAD];
	_ =	sdelay $0x3  }
0x37: {  	[smem:$0x3FAD] =	sst s10  }
0x38: {  	s10 =	sld [smem:$0x3FAE]  }
0x39: {  	_ = 	snop;
	(pc) =	sbr.ind lr, $3  }
0x3a: {  	_ = 	snop  }
0x3b: {  	_ = 	snop  }
0x3c: {  	p2 =	seq.s32 s10, $0x1;
	s10 =	sld [smem:$0x3FAD]  }
0x3d: {  	_ =	shalt  }
0x3e: {  	_ =	shalt  }
0x3f: {  	_ =	shalt  }
0x40: {  	_ =	shalt  }
0x41: {  	_ =	shalt  }
0x42: {  	_ =	shalt  }
0x43: {  	_ =	shalt  }
0x44: {  	_ =	shalt  }
0x45: {  	_ =	shalt  }
0x46: {  	_ =	shalt  }
0x47: {  	_ =	shalt  }
0x48: {  	_ =	shalt  }
0x49: {  	_ =	shalt  }
0x4a: {  	_ =	shalt  }
0x4b: {  	_ =	shalt  }
0x4c: {  	_ =	shalt  }
0x4d: {  	_ =	shalt  }
0x4e: {  	_ =	shalt  }
0x4f: {  	_ =	shalt  }
0x50: {  	_ =	shalt  }
0x51: {  	_ =	shalt  }
0x52: {  	_ =	shalt  }
0x53: {  	_ =	shalt  }
0x54: {  	_ =	shalt  }
0x55: {  	_ =	shalt  }
0x56: {  	_ =	shalt  }
0x57: {  	_ =	shalt  }
0x58: {  	_ =	shalt  }
0x59: {  	_ =	shalt  }
0x5a: {  	_ =	shalt  }
0x5b: {  	_ =	shalt  }
0x5c: {  	_ =	shalt  }
0x5d: {  	_ =	shalt  }
0x5e: {  	_ =	shalt  }
0x5f: {  	_ =	shalt  }
0x60: {  	_ =	shalt  }
0x61: {  	_ =	shalt  }
0x62: {  	_ =	shalt  }
0x63: {  	_ =	shalt  }
0x64: {  	_ =	shalt  }
0x65: {  	_ =	shalt  }
0x66: {  	_ =	shalt  }
0x67: {  	_ =	shalt  }
0x68: {  	_ =	shalt  }
0x69: {  	_ =	shalt  }
0x6a: {  	_ =	shalt  }
0x6b: {  	_ =	shalt  }
0x6c: {  	_ =	shalt  }
0x6d: {  	_ =	shalt  }
0x6e: {  	_ =	shalt  }
0x6f: {  	_ =	shalt  }
0x70: {  	_ =	shalt  }
0x71: {  	_ =	shalt  }
0x72: {  	_ =	shalt  }
0x73: {  	_ =	shalt  }
0x74: {  	_ =	shalt  }
0x75: {  	_ =	shalt  }
0x76: {  	_ =	shalt  }
0x77: {  	_ =	shalt  }
0x78: {  	_ =	shalt  }
0x79: {  	_ =	shalt  }
0x7a: {  	_ =	shalt  }
0x7b: {  	_ =	shalt  }
0x7c: {  	_ =	shalt  }
0x7d: {  	_ =	shalt  }
0x7e: {  	_ =	shalt  }
0x7f: {  	_ =	shalt  }
0x80: {  	_ =	shalt  }
0x81: {  	_ =	shalt  }
0x82: {  	_ =	shalt  }
0x83: {  	_ =	shalt  }
0x84: {  	_ =	shalt  }
0x85: {  	_ =	shalt  }
0x86: {  	_ =	shalt  }
0x87: {  	_ =	shalt  }
.Lfunc_end0:
.L_simem_size_0:
called_computation_lowered:
.L_overlay_start_0:
0x88: {  	s2 =	sld [smem:$0x3FD9]  }
0x89: {  	s3 =	sld [smem:$0x3FFE];
	_ =	sdelay $0x1  }
0x8a: {  	s1 =	srdreg.scid  }
0x8b: {  	s0 =	sand.u32 $0x1, s1  }
0x8c: {  	s17 =	sshll.u32 s0, $0xA;
	s2 =	sadd.s32 s3, s2  }
0x8d: {  	s2 =	sadd.s32 s2, s17  }
0x8e: {  	[smem:$0x3FB9] =	sst s2  }
0x8f: {  	_ = 	snop  }
0x90: {  	s2 =	sld [smem:$0x3FC8]  }
0x91: {  	s18 =	sld [smem:$0x3FC6]  }
0x92: {  	s4 =	sld [smem:$0x3FD0];
	(tm) =	ssettm $0x1  }
0x93: {  	s5 =	sld [smem:$0x3FFB];
	_ =	sdelay $0x3  }
0x94: {  	_ =	strace s5  }
0x95: {  	s5 =	sld [smem:$0x3FFC];
	_ =	sdelay $0x3  }
0x96: {  	_ =	strace s5  }
0x97: {  	s5 =	sld [smem:$0x3FFD];
	_ =	sdelay $0x3  }
0x98: {  	_ =	strace s5  }
0x99: {  	_ =	strace $0x8FFFFFFF  }
0x9a: {  	s19 =	sld [smem:$0x3FDB];
	_ =	sdelay $0x1  }
0x9b: {  	s6 =	simm.s32 $_scs_section_size  }
0x9c: {  	s7 =	simm.s32 $_size__tile_overlayer_lowered;
	s8 =	simm.s32 $_tile_overlayer_lowered  }
0x9d: {  	s22 =	simm.s32 $0x1BFF;
	s21 =	sshll.u32 s8, $0x1;
	s5 =	sadd.s32 s6, s19  }
0x9e: {  	s9 =	simm.s32 $0x0;
	s20 =	sshll.u32 s7, $0x1;
	s7 =	sadd.s32 s21, s5  }
0x9f: {  	[timem:s9], [sflag:s22] =	dma.local [hbm:s7], s20  }
0xa0: {  	_ =	swait.ge [sflag:s22], s20  }
0xa1: {  	s6 =	ssub.s32 $0x0, s20;
	[sflag:s22] =	ssyncset.done $0x0  }
0xa2: {  	[sflag:s22] =	ssyncadd.s32 s6;
	_ =	sdelay $0x1  }
0xa3: {  	s23 =	simm.s32 $0x1B8B  }
0xa4: {  	_ =	swait.ge [sflag:s23], $0x1  }
0xa5: {  	[sflag:s23] =	ssyncset.done $0x0  }
0xa6: {  	s25 =	simm.s32 $0x1B8E;
	s24 =	sld [smem:$0x3FFE];
	[sflag:s23] =	ssyncadd.s32 $0xFFFFFFFF  }
0xa7: {  	s26 =	simm.s32 $execute0_lowered;
	[smem:$0x3FD2] =	sst s25  }
0xa8: {  	s7 =	sshll.u32 s26, $0x1;
	_ =	strace $0x80000046;
	[dreg:$0x1] =	wrdreg $0xFFFFFFFF  }
0xa9: {  	s28 =	simm.s32 $_size_execute0_lowered;
	s5 =	sadd.s32 s5, s7;
	[dreg:$0x0] =	wrdreg $0x0  }
0xaa: {  	s7 =	sshll.u32 s28, $0x1;
	[dreg:$0x2] =	wrdreg s5  }
0xab: {  	[dreg:$0x3] =	wrdreg s7  }
0xac: {  	[dreg:$0x4] =	wrdreg $0xC0  }
0xad: {  	_ =	task [dreg:s9], $0x5FFFF  }
0xae: {  	[dreg:$0x1] =	wrdreg $0xFFFFFFFF  }
0xaf: {  	[dreg:$0x0] =	wrdreg $0x60  }
0xb0: {  	[dreg:$0x2] =	wrdreg s2  }
0xb1: {  	[dreg:$0x3] =	wrdreg s4  }
0xb2: {  	[dreg:$0x4] =	wrdreg s18  }
0xb3: {  	[dreg:$0x5] =	wrdreg s24  }
0xb4: {  	[dreg:$0x6] =	wrdreg $0x0  }
0xb5: {  	[dreg:$0x7] =	wrdreg $0x9  }
0xb6: {  	_ =	task.clear_ibuf [dreg:s9], $0x8FFFF;
	_ =	strace $0x90000046  }
0xb7: {  	s29 =	simm.s32 $0x9;
	_ =	strace $0x80000048  }
0xb8: {  	_ =	swait.ge [sflag:s29], $0x1  }
0xb9: {  	[sflag:s29] =	ssyncadd.s32 $0xFFFFFFFF  }
0xba: {  	_ =	strace $0x90000048  }
0xbb: {  	_ =	sfence  }
0xbc: {  	s30 =	sld [smem:$0x0];
	_ =	sdelay $0x2  }
0xbd: {  	s31 =	sshll.u32 s1, $0xD;
	s1 =	sshrl.u32 s1, $0x2  }
0xbe: {  	s3 =	sand.u32 $0x4000, s31;
	s1 =	sadd.s32 s1, s30  }
0xbf: {  	s0 =	sor.u32 s3, s0;
	s1 =	sshll.u32 s1, $0x11  }
0xc0: {  	s0 =	sor.u32 s1, s0  }
0xc1: {  	s0 =	sadd.s32 $0x8F2B, s0  }
0xc2: {  	[sflag:s0] =	ssyncadd.remote.s32 $0x1  }
0xc3: {  	_ =	sfence.sel $0xFFFF  }
0xc4: {  	[dreg:$0x0] =	wrdreg $0xFFFFFFFF;
	(pc) =	sbr.abs _section_cstart, $3  }
0xc5: {  	[dreg:$0x1] =	wrdreg $0xFFFFFFFF  }
0xc6: {  	_ =	task.clear_ibuf [dreg:s9], $0x2FFFF;
	_ =	strace $0x9FFFFFFF  }
0xc7: {  	(tm) =	ssettm $0x7FFFFFFF  }
tec
execute0_lowered:
.L_overlay_start_1:
0x0: {  	(tag) =	ssettag $0x1  }
0x1: {  	s19 =	rddreg [dreg:$0x0]  }
0x2: {  	s0 =	rddreg [dreg:$0x1]  }
0x3: {  	s21 =	rddreg [dreg:$0x2]  }
0x4: {  	s1 =	srdreg.scid;
	s5 =	rddreg [dreg:$0x3]  }
0x5: {  	s20 =	stileid.u32;
	s4 =	rddreg [dreg:$0x4]  }
0x6: {  	s29 =	simm.s32 $0x0;
	s14 =	simm.s32 $0x50;
	s15 =	simm.s32 $0x4  }
0x7: {  	s8 =	sand.u32 $0x1, s1;
	s23 =	sshll.u32 s20, $0x1;
	s10 =	sshll.u32 s20, $0x3  }
0x8: {  	[smem:$0x7FF] =	sst s29;
	s9 =	sadd.s32 $0xE800, s5;
	s25 =	smul.u32 $0x13800, s20  }
0x9: {  	s12 =	sadd.s32 $0x5CA00, s5;
	p1 =	slt.u32 s20, $0xC;
	s18 =	smul.u32 $0x12, s20  }
0xa: {  	s3 =	sor.u32 s8, s23;
	s11 =	sshll.u32 s8, $0x2;
	_ =	strace $0x80000047  }
0xb: {  	s2 =	ssub.s32 $0x2, s8;
	s13 =	smul.u32 $0x138800, s8;
	s14 =	simm.s32 @!p1 $0x48  }
0xc: {  	p1 =	slt.u32 s20, $0xE;
	s8 =	smul.u32 $0x9, s8;
	s7 =	smin.u32 s3, $0x1C  }
0xd: {  	s6 =	sshrl.u32 s2, $0x1;
	p0 =	seq.s32 s3, $0x1F;
	s17 =	smin.u32 s3, $0x18  }
0xe: {  	s24 =	sadd.s32 s10, s7;
	s2 =	ssub.s32 s2, s6;
	s15 =	simm.s32 @!p0 $0x0  }
0xf: {  	s16 =	sadd.s32 s25, s13;
	s13 =	sshrl.u32 s13, $0x3;
	s31 =	sadd.s32 s8, s18  }
0x10: {  	s10 =	sor.u32 s11, s10;
	s1 =	sadd.s32 s11, s24;
	s6 =	sor.u32 s14, s15  }
0x11: {  	s26 =	sshrl.u32 s16, $0x3;
	s15 =	simm.s32 $0x28;
	s16 =	simm.s32 $0x2  }
0x12: {  	s13 =	sadd.s32 $0x27000, s13;
	s2 =	smax.u32 s2, $0x1;
	s1 =	sshll.u32 s1, $0x7  }
0x13: {  	s15 =	simm.s32 @!p1 $0x20;
	s22 =	sadd.s32 s9, s26;
	[dreg:$0x19] =	wrdreg s2  }
0x14: {  	s16 =	simm.s32 @!p0 $0x0;
	s9 =	sadd.s32 s9, s13;
	[dreg:$0xc] =	wrdreg s22  }
0x15: {  	s14 =	sadd.s32 s12, s26;
	s28 =	sshll.u32 s6, $0x2;
	[dreg:$0xd] =	wrdreg s9  }
0x16: {  	s12 =	sadd.s32 s12, s13;
	s1 =	sadd.s32 s1, s5;
	[dreg:$0xe] =	wrdreg s14  }
0x17: {  	s9 =	sor.u32 s15, s16;
	[dreg:$0xf] =	wrdreg s12;
	s14 =	sadd.s32 $0x10, s28  }
0x18: {  	s16 =	sadd.s32 s17, s31;
	s22 =	smul.u32 $0x9, s3;
	s5 =	sadd.s32 $0xC000, s5  }
0x19: {  	s28 =	sadd.s32 s18, s17;
	s3 =	sshll.u32 s3, $0x2;
	s23 =	sand.u32 $0x1E0, s14  }
0x1a: {  	s30 =	sshll.u32 s16, $0xE;
	[dreg:$0x10] =	wrdreg s5;
	s16 =	sadd.s32 s8, s28  }
0x1b: {  	s3 =	sadd.s32 s7, s3;
	s28 =	sadd.s32 $0x138000, s4;
	[dreg:$0x8] =	wrdreg s23  }
0x1c: {  	s24 =	sor.u32 $0x2000, s30;
	s25 =	sadd.s32 s17, s22;
	[dreg:$0x16] =	wrdreg s28  }
0x1d: {  	s17 =	sadd.s32 $0x4000, s30;
	s3 =	sshll.u32 s3, $0xE;
	[dreg:$0x6] =	wrdreg s24  }
0x1e: {  	s22 =	sshll.u32 s20, $0x6;
	[dreg:$0x7] =	wrdreg s17;
	s3 =	sadd.s32 s21, s3  }
0x1f: {  	s7 =	sadd.s32 s7, s10;
	s11 =	sor.u32 $0x1C07, s22;
	[dreg:$0x17] =	wrdreg s3  }
0x20: {  	s26 =	sshll.u32 s25, $0xE;
	s25 =	sshll.u32 s7, $0xE;
	[dreg:$0x14] =	wrdreg s11  }
0x21: {  	s15 =	sadd.s32 s19, s26;
	[dreg:$0x15] =	wrdreg s25  }
0x22: {  	s31 =	smul.u32 $0x4E000, s20;
	s7 =	sor.u32 $0x2000, s25;
	[dreg:$0x11] =	wrdreg s15  }
0x23: {  	s5 =	sshll.u32 s16, $0x7;
	s26 =	sadd.s32 $0x4000, s25;
	[dreg:$0x9] =	wrdreg s7  }
0x24: {  	s0 =	sadd.s32 s5, s0;
	s3 =	sadd.s32 $0x800, s3;
	[dreg:$0xa] =	wrdreg s26  }
0x25: {  	s0 =	sadd.s32 $0x9C80, s0;
	[dreg:$0x18] =	wrdreg s3  }
0x26: {  	s19 =	sshrl.u32 s31, $0x2;
	s31 =	sadd.s32 $0x7080, s1;
	[dreg:$0x1a] =	wrdreg s0  }
0x27: {  	s23 =	sshll.u32 s9, $0x2;
	s18 =	sadd.s32 $0x800, s15;
	[dreg:$0x1b] =	wrdreg s31  }
0x28: {  	s24 =	sadd.s32 $0x18, s23;
	s8 =	sadd.s32 s19, s4;
	[dreg:$0x12] =	wrdreg s18  }
0x29: {  	p0 =	sne.s32 s20, $0xF;
	[dreg:$0x13] =	wrdreg s8;
	s8 =	sand.u32 $0xE0, s24  }
0x2a: {  	s2 =	simm.s32 $0x1F880;
	s3 =	simm.s32 $0x0;
	[dreg:$0xb] =	wrdreg s8  }
.LBB2_1:
0x2b: {  	[dreg:$0x1c] =	wrdreg s3  }
0x2c: {  	s0 =	rddreg [dreg:$0x11]  }
0x2d: {  	s23 =	rddreg [dreg:$0x12]  }
0x2e: {  	s1 =	simm.s32 $0x13880;
	s25 =	rddreg [dreg:$0x13]  }
0x2f: {  	[tilespmem:s1], [sflag:$0x1] =	stream.linear.gather [hbm4b:s0+s29], $0x4000, $0x38;
	[tilespmem:$0x1FC80] =	vst v63  }
0x30: {  	s26 =	sshrl.u32 s25, $0x3;
	s0 =	rddreg [dreg:$0x10]  }
0x31: {  	s24 =	simm.s32 $0x17880;
	s31 =	simm.s32 $0x7;
	[dreg:$0x1d] =	wrdreg s26  }
0x32: {  	[tilespmem:s24], [sflag:$0x2] =	stream.linear.gather [hbm4b:s23+s29], $0x4000, $0x38;
	[tilespmem:$0x1FC80] =	vst v63  }
0x33: {  	[spmem:s26], [sflag:s11] =	dma.local [hbm:s0], $0x2700  }
0x34: {  	_ =	swait.ge [sflag:s31], $0x2700  }
0x35: {  	s1 =	rddreg [dreg:$0x16]  }
0x36: {  	[sflag:s31] =	ssyncset.done $0x0;
	s1 =	sshrl.u32 @!p0 s1, $0x3  }
0x37: {  	[sflag:s31] =	ssyncadd.s32 $0xFFFFD900;
	[dreg:$0x1e] =	wrdreg s1  }
0x38: {  	[spmem:s1], [sflag:s11] =	dma.local @!p0 [hbm:s0], $0x100  }
0x39: {  	s0 =	simm.s32 @!p0 $0x7  }
0x3a: {  	s7 =	simm.s32 $0x3;
	s8 =	simm.s32 $0x8;
	_ =	swait.ge @!p0 [sflag:s0], $0x100  }
0x3b: {  	s10 =	simm.s32 $0x9;
	s16 =	simm.s32 $0x5;
	[sflag:s0] =	ssyncset.done @!p0 $0x0  }
0x3c: {  	s17 =	simm.s32 $0x6;
	s15 =	simm.s32 $0x4;
	[sflag:s0] =	ssyncadd.s32 @!p0 $0xFFFFFF00  }
0x3d: {  	s28 =	simm.s32 $0x7;
	s20 =	simm.s32 $0x0;
	[bflag:$0x0] =	sbarrier.arrive $0xFFFF  }
0x3e: {  	s25 =	simm.s32 $0x0;
	s23 =	simm.s32 $0x13880;
	s24 =	rddreg [dreg:$0x1a]  }
0x3f: {  	s26 =	simm.s32 $0x1;
	s11 =	simm.s32 $0x2;
	s22 =	rddreg [dreg:$0x0]  }
.LBB2_2:
0x40: {  	s0 =	smulhi.u32 $0xAAAAAAAB, s11  }
0x41: {  	[tilespmem:s2], [sflag:$0x7] =	stream.linear.gather [hbm4b:s24+s29], $0x400, $0x38;
	[tilespmem:$0x1FC80] =	vst v63  }
0x42: {  	s1 =	smulhi.u32 $0xAAAAAAAB, s20  }
0x43: {  	s14 =	sadd.s32 $0xFFFFFFFE, s15;
	s5 =	simm.s32 $0x7;
	s0 =	sshrl.u32 s0, $0x1  }
0x44: {  	p1 =	sge.u32 s14, s6;
	_ =	swait.ge [sflag:s5], $0x400;
	s3 =	smul.u32 $0xFFFFFFF4, s0  }
0x45: {  	s1 =	sshrl.u32 s1, $0x1;
	p2 =	seq.s32 @!p1 s25, $0x0;
	s0 =	smul.u32 $0xFFFD0000, s0  }
0x46: {  	[sflag:s5] =	ssyncset.done $0x0;
	s14 =	sshra.s32 @!p1 s25, $0x2;
	s19 =	smul.u32 $0xFFFFFFF4, s1  }
0x47: {  	p2 =	por p2, p1;
	[sflag:s5] =	ssyncadd.s32 $0xFFFFFC00;
	s1 =	smul.u32 $0xFFFD0000, s1  }
0x48: {  	s18 =	sshra.s32 s3, $0x2;
	s3 =	sshra.s32 @!p2 s25, $0x2;
	s0 =	sshra.s32 @!p1 s0, $0x2  }
0x49: {  	s12 =	sshra.s32 s19, $0x2;
	s21 =	sadd.s32 $0x6, s18;
	s2 =	sadd.s32 $0x3, s18  }
0x4a: {  	s18 =	sadd.s32 $0xFFFFFFFC, s15;
	s0 =	sadd.s32 @!p1 s0, s23;
	s3 =	sadd.s32 @!p2 s3, s21  }
0x4b: {  	s13 =	sadd.s32 @!p1 $0x8000, s0;
	s0 =	sadd.s32 @!p1 s22, s30;
	_ =	swait.ge @!p2 [sflag:s3], $0x4000  }
0x4c: {  	s31 =	sadd.s32 @!p1 s14, s2;
	s2 =	simm.s32 @!p1 $0x0;
	[sflag:s3] =	ssyncset.done @!p2 $0x0  }
0x4d: {  	s0 =	sadd.s32 @!p1 $0x1000, s0;
	[sflag:s3] =	ssyncadd.s32 @!p2 $0xFFFFC000;
	p2 =	sge.u32 s18, s6  }
0x4e: {  	[tilespmem:s13], [sflag:s31] =	stream.linear.gather @!p1 [hbm4b:s0+s2], $0x4000, $0x38;
	[tilespmem:$0x1FC80] =	vst v63  }
0x4f: {  	s18 =	smulhi.u32 $0xAAAAAAAB, s7;
	s2 =	sadd.s32 $0x1, s12;
	s3 =	sshra.s32 @!p2 s25, $0x2  }
0x50: {  	s0 =	sadd.s32 $0x4, s12;
	s1 =	sshra.s32 @!p2 s1, $0x2;
	s12 =	sadd.s32 $0xFFFFFFFD, s15  }
0x51: {  	s2 =	sadd.s32 @!p2 s3, s2;
	s5 =	sshrl.u32 s18, $0x1;
	s1 =	sadd.s32 @!p2 s1, s23  }
0x52: {  	s0 =	sadd.s32 @!p2 s3, s0;
	s3 =	simm.s32 @!p2 $0x1F880;
	_ =	swait.ge @!p2 [sflag:s2], $0x4000  }
0x53: {  	p3 =	sge.u32 s12, s6;
	s19 =	smul.u32 $0xFFFFFFF4, s5;
	[sflag:s2] =	ssyncset.done @!p2 $0x0  }
0x54: {  	s5 =	smul.u32 $0xFFFD0000, s5;
	[sflag:s2] =	ssyncadd.s32 @!p2 $0xFFFFC000;
	s2 =	simm.s32 @!p2 $0x80  }
0x55: {  	[spmem:s4] =	stream.indirect.scatter.add.f32 @!p2 [tilespmem:s1], [sflag:s0], $0x80, s3, s2, $0xb8;
	[tilespmem:$0x1FC80] =	vst v63  }
0x56: {  	s1 =	sadd.s32 $0xFFFFFFFF, s15;
	s2 =	sshra.s32 s19, $0x2;
	s3 =	smulhi.u32 $0xAAAAAAAB, s26  }
0x57: {  	s19 =	smov.u32 s30;
	p2 =	sge.u32 s1, s6;
	s0 =	sadd.s32 $0x7, s2  }
0x58: {  	s30 =	sadd.s32 $0x4, s2;
	s18 =	sshra.s32 @!p2 s25, $0x2;
	s2 =	sshrl.u32 s3, $0x1  }
0x59: {  	s1 =	sshra.s32 @!p2 s5, $0x2;
	s29 =	sadd.s32 @!p2 s22, s19;
	s3 =	sadd.s32 @!p2 s18, s0  }
0x5a: {  	s0 =	smul.u32 $0xFFFFFFF4, s2;
	s1 =	sadd.s32 @!p2 s1, s23;
	s18 =	sadd.s32 @!p2 s18, s30  }
0x5b: {  	s29 =	sadd.s32 @!p2 $0x1800, s29;
	s2 =	smul.u32 $0xFFFD0000, s2;
	_ =	swait.ge @!p2 [sflag:s3], $0x4000  }
0x5c: {  	s30 =	simm.s32 @!p2 $0x0;
	s1 =	sadd.s32 @!p2 $0xC000, s1;
	[sflag:s3] =	ssyncset.done @!p2 $0x0  }
0x5d: {  	s0 =	sshra.s32 s0, $0x2;
	s2 =	sshra.s32 @!p3 s2, $0x2;
	[sflag:s3] =	ssyncadd.s32 @!p2 $0xFFFFC000  }
0x5e: {  	[tilespmem:s1], [sflag:s18] =	stream.linear.gather @!p2 [hbm4b:s29+s30], $0x4000, $0x38;
	[tilespmem:$0x1FC80] =	vst v63  }
0x5f: {  	s5 =	sadd.s32 $0x2, s0;
	s2 =	sadd.s32 @!p3 s2, s23;
	s30 =	sshra.s32 @!p3 s25, $0x2  }
0x60: {  	s0 =	sadd.s32 $0x5, s0;
	s29 =	smulhi.u32 $0xAAAAAAAB, s15;
	s5 =	sadd.s32 @!p3 s30, s5  }
0x61: {  	s2 =	sadd.s32 @!p3 $0x4000, s2;
	s0 =	sadd.s32 @!p3 s30, s0;
	_ =	swait.ge @!p3 [sflag:s5], $0x4000  }
0x62: {  	s30 =	simm.s32 @!p3 $0x1F900;
	s29 =	sshrl.u32 s29, $0x1;
	[sflag:s5] =	ssyncset.done @!p3 $0x0  }
0x63: {  	s12 =	smul.u32 $0xFFFFFFF4, s29;
	[sflag:s5] =	ssyncadd.s32 @!p3 $0xFFFFC000;
	s5 =	simm.s32 @!p3 $0x80  }
0x64: {  	[spmem:s4] =	stream.indirect.scatter.add.f32 @!p3 [tilespmem:s2], [sflag:s0], $0x80, s30, s5, $0xb8;
	[tilespmem:$0x1FC80] =	vst v63  }
0x65: {  	s0 =	sshra.s32 s12, $0x2;
	p3 =	sge.u32 s15, s6;
	s12 =	smul.u32 $0xFFFD0000, s29  }
0x66: {  	s2 =	sadd.s32 $0x8, s0;
	s5 =	sshra.s32 @!p3 s25, $0x2  }
0x67: {  	s30 =	sadd.s32 $0x5, s0;
	s2 =	sadd.s32 @!p3 s5, s2;
	s12 =	sshra.s32 @!p3 s12, $0x2  }
0x68: {  	s5 =	sadd.s32 @!p3 s5, s30;
	_ =	swait.ge @!p3 [sflag:s2], $0x4000;
	s12 =	sadd.s32 @!p3 s12, s23  }
0x69: {  	s29 =	rddreg [dreg:$0x6];
	[sflag:s2] =	ssyncset.done @!p3 $0x0;
	s0 =	sadd.s32 @!p3 $0x10000, s12  }
0x6a: {  	[sflag:s2] =	ssyncadd.s32 @!p3 $0xFFFFC000;
	s12 =	sadd.s32 @!p3 s22, s29;
	s29 =	simm.s32 @!p3 $0x0  }
0x6b: {  	[tilespmem:s0], [sflag:s5] =	stream.linear.gather @!p3 [hbm4b:s12+s29], $0x4000, $0x38;
	[tilespmem:$0x1FC80] =	vst v63  }
0x6c: {  	s12 =	smulhi.u32 $0xAAAAAAAB, s16;
	_ =	swait.ge @!p1 [sflag:s31], $0x4000  }
0x6d: {  	s14 =	sadd.s32 @!p1 s14, s21;
	s21 =	simm.s32 @!p1 $0x80;
	[sflag:s31] =	ssyncset.done @!p1 $0x0  }
0x6e: {  	s29 =	simm.s32 @!p1 $0x1F980;
	s12 =	sshrl.u32 s12, $0x1;
	[sflag:s31] =	ssyncadd.s32 @!p1 $0xFFFFC000  }
0x6f: {  	[spmem:s4] =	stream.indirect.scatter.add.f32 @!p1 [tilespmem:s13], [sflag:s14], $0x80, s29, s21, $0xb8;
	[tilespmem:$0x1FC80] =	vst v63  }
0x70: {  	s14 =	smul.u32 $0xFFFFFFF4, s12  }
0x71: {  	s21 =	sadd.s32 $0x1, s15;
	s12 =	smul.u32 $0xFFFD0000, s12  }
0x72: {  	p1 =	sge.u32 s21, s6;
	s31 =	sshra.s32 s14, $0x2  }
0x73: {  	s29 =	sshra.s32 @!p1 s25, $0x2;
	s12 =	sshra.s32 @!p1 s12, $0x2;
	s13 =	sadd.s32 $0x9, s31  }
0x74: {  	s21 =	sadd.s32 $0x6, s31;
	s12 =	sadd.s32 @!p1 s12, s23;
	s13 =	sadd.s32 @!p1 s29, s13  }
0x75: {  	s31 =	smulhi.u32 $0xAAAAAAAB, s17;
	s14 =	sadd.s32 @!p1 $0x14000, s12;
	_ =	swait.ge @!p1 [sflag:s13], $0x4000  }
0x76: {  	s12 =	sadd.s32 @!p1 s22, s19;
	s21 =	sadd.s32 @!p1 s29, s21;
	[sflag:s13] =	ssyncset.done @!p1 $0x0  }
0x77: {  	s29 =	simm.s32 @!p1 $0x0;
	s12 =	sadd.s32 @!p1 $0x2800, s12;
	[sflag:s13] =	ssyncadd.s32 @!p1 $0xFFFFC000  }
0x78: {  	[tilespmem:s14], [sflag:s21] =	stream.linear.gather @!p1 [hbm4b:s12+s29], $0x4000, $0x38;
	[tilespmem:$0x1FC80] =	vst v63  }
0x79: {  	_ =	swait.ge @!p2 [sflag:s18], $0x4000  }
0x7a: {  	s12 =	sshrl.u32 s31, $0x1;
	[sflag:s18] =	ssyncset.done @!p2 $0x0  }
0x7b: {  	s29 =	simm.s32 @!p2 $0x1FA00;
	[sflag:s18] =	ssyncadd.s32 @!p2 $0xFFFFC000;
	s18 =	simm.s32 @!p2 $0x80  }
0x7c: {  	[spmem:s4] =	stream.indirect.scatter.add.f32 @!p2 [tilespmem:s1], [sflag:s3], $0x80, s29, s18, $0xb8;
	[tilespmem:$0x1FC80] =	vst v63  }
0x7d: {  	s3 =	smul.u32 $0xFFFFFFF4, s12  }
0x7e: {  	s18 =	sadd.s32 $0x2, s15  }
0x7f: {  	p2 =	sge.u32 s18, s6;
	s31 =	sshra.s32 s3, $0x2;
	s3 =	smul.u32 $0xFFFD0000, s12  }
0x80: {  	s12 =	sshra.s32 @!p2 s25, $0x2;
	s29 =	sadd.s32 @!p2 s22, s19;
	s1 =	sadd.s32 $0xA, s31  }
0x81: {  	s18 =	sadd.s32 $0x7, s31;
	s31 =	smulhi.u32 $0xAAAAAAAB, s28;
	s1 =	sadd.s32 @!p2 s12, s1  }
0x82: {  	s3 =	sshra.s32 @!p2 s3, $0x2;
	s18 =	sadd.s32 @!p2 s12, s18;
	_ =	swait.ge @!p2 [sflag:s1], $0x4000  }
0x83: {  	s12 =	sadd.s32 @!p2 $0x3000, s29;
	s3 =	sadd.s32 @!p2 s3, s23;
	[sflag:s1] =	ssyncset.done @!p2 $0x0  }
0x84: {  	s29 =	simm.s32 @!p2 $0x0;
	s3 =	sadd.s32 @!p2 $0x18000, s3;
	[sflag:s1] =	ssyncadd.s32 @!p2 $0xFFFFC000  }
0x85: {  	[tilespmem:s3], [sflag:s18] =	stream.linear.gather @!p2 [hbm4b:s12+s29], $0x4000, $0x38;
	[tilespmem:$0x1FC80] =	vst v63  }
0x86: {  	_ =	swait.ge @!p3 [sflag:s5], $0x4000  }
0x87: {  	s12 =	sshrl.u32 s31, $0x1;
	[sflag:s5] =	ssyncset.done @!p3 $0x0  }
0x88: {  	s29 =	simm.s32 @!p3 $0x1FA80;
	[sflag:s5] =	ssyncadd.s32 @!p3 $0xFFFFC000;
	s5 =	simm.s32 @!p3 $0x80  }
0x89: {  	[spmem:s4] =	stream.indirect.scatter.add.f32 @!p3 [tilespmem:s0], [sflag:s2], $0x80, s29, s5, $0xb8;
	[tilespmem:$0x1FC80] =	vst v63  }
0x8a: {  	s2 =	smul.u32 $0xFFFFFFF4, s12  }
0x8b: {  	s5 =	sadd.s32 $0x3, s15  }
0x8c: {  	p3 =	sge.u32 s5, s6;
	s5 =	smul.u32 $0xFFFD0000, s12;
	s0 =	sshra.s32 s2, $0x2  }
0x8d: {  	s31 =	smulhi.u32 $0xAAAAAAAB, s8;
	s12 =	sshra.s32 @!p3 s25, $0x2;
	s2 =	sadd.s32 $0xB, s0  }
0x8e: {  	s5 =	sshra.s32 @!p3 s5, $0x2;
	s29 =	sadd.s32 $0x8, s0;
	s2 =	sadd.s32 @!p3 s12, s2  }
0x8f: {  	s0 =	sadd.s32 @!p3 s5, s23;
	s5 =	sadd.s32 @!p3 s22, s19;
	_ =	swait.ge @!p3 [sflag:s2], $0x4000  }
0x90: {  	s12 =	sadd.s32 @!p3 s12, s29;
	s29 =	simm.s32 @!p3 $0x0;
	[sflag:s2] =	ssyncset.done @!p3 $0x0  }
0x91: {  	s0 =	sadd.s32 @!p3 $0x1C000, s0;
	s5 =	sadd.s32 @!p3 $0x3800, s5;
	[sflag:s2] =	ssyncadd.s32 @!p3 $0xFFFFC000  }
0x92: {  	[tilespmem:s0], [sflag:s12] =	stream.linear.gather @!p3 [hbm4b:s5+s29], $0x4000, $0x38;
	[tilespmem:$0x1FC80] =	vst v63  }
0x93: {  	_ =	swait.ge @!p1 [sflag:s21], $0x4000  }
0x94: {  	s5 =	sshrl.u32 s31, $0x1;
	[sflag:s21] =	ssyncset.done @!p1 $0x0  }
0x95: {  	s29 =	simm.s32 @!p1 $0x1FB00;
	[sflag:s21] =	ssyncadd.s32 @!p1 $0xFFFFC000;
	s21 =	simm.s32 @!p1 $0x80  }
0x96: {  	[spmem:s4] =	stream.indirect.scatter.add.f32 @!p1 [tilespmem:s14], [sflag:s13], $0x80, s29, s21, $0xb8;
	[tilespmem:$0x1FC80] =	vst v63  }
0x97: {  	s14 =	smul.u32 $0xFFFFFFF4, s5  }
0x98: {  	s21 =	sadd.s32 $0x4, s15;
	s5 =	smul.u32 $0xFFFD0000, s5  }
0x99: {  	p1 =	sge.u32 s21, s6;
	s13 =	sshra.s32 s14, $0x2  }
0x9a: {  	s21 =	sshra.s32 @!p1 s25, $0x2;
	s5 =	sshra.s32 @!p1 s5, $0x2;
	s14 =	sadd.s32 $0xC, s13  }
0x9b: {  	s5 =	sadd.s32 @!p1 s5, s23;
	s14 =	sadd.s32 @!p1 s21, s14  }
0x9c: {  	s13 =	sadd.s32 $0x9, s13;
	s5 =	sadd.s32 @!p1 $0x20000, s5;
	_ =	swait.ge @!p1 [sflag:s14], $0x4000  }
0x9d: {  	s13 =	sadd.s32 @!p1 s21, s13;
	s29 =	rddreg [dreg:$0x7];
	[sflag:s14] =	ssyncset.done @!p1 $0x0  }
0x9e: {  	s21 =	simm.s32 @!p1 $0x0;
	[sflag:s14] =	ssyncadd.s32 @!p1 $0xFFFFC000;
	s14 =	sadd.s32 @!p1 s22, s29  }
0x9f: {  	[tilespmem:s5], [sflag:s13] =	stream.linear.gather @!p1 [hbm4b:s14+s21], $0x4000, $0x38;
	[tilespmem:$0x1FC80] =	vst v63  }
0xa0: {  	_ =	swait.ge @!p2 [sflag:s18], $0x4000  }
0xa1: {  	s31 =	smulhi.u32 $0xAAAAAAAB, s10;
	[sflag:s18] =	ssyncset.done @!p2 $0x0  }
0xa2: {  	s13 =	simm.s32 @!p2 $0x80;
	s14 =	simm.s32 @!p2 $0x1FB80;
	[sflag:s18] =	ssyncadd.s32 @!p2 $0xFFFFC000  }
0xa3: {  	[spmem:s4] =	stream.indirect.scatter.add.f32 @!p2 [tilespmem:s3], [sflag:s1], $0x80, s14, s13, $0xb8;
	[tilespmem:$0x1FC80] =	vst v63  }
0xa4: {  	s14 =	sshrl.u32 s31, $0x1  }
0xa5: {  	s18 =	smul.u32 $0xFFFFFFF4, s14  }
0xa6: {  	s21 =	sadd.s32 $0x5, s15  }
0xa7: {  	s20 =	sadd.s32 $0x8, s20;
	p1 =	sge.u32 s21, s6;
	s3 =	sshra.s32 s18, $0x2  }
0xa8: {  	s13 =	sshra.s32 @!p1 s25, $0x2;
	s1 =	smul.u32 $0xFFFD0000, s14;
	s5 =	sadd.s32 $0xD, s3  }
0xa9: {  	s11 =	sadd.s32 $0x8, s11;
	s24 =	sadd.s32 $0x80, s24;
	s5 =	sadd.s32 @!p1 s13, s5  }
0xaa: {  	s7 =	sadd.s32 $0x8, s7;
	s1 =	sshra.s32 @!p1 s1, $0x2;
	_ =	swait.ge @!p1 [sflag:s5], $0x4000  }
0xab: {  	s3 =	sadd.s32 $0xA, s3;
	s1 =	sadd.s32 @!p1 s1, s23;
	[sflag:s5] =	ssyncset.done @!p1 $0x0  }
0xac: {  	s1 =	sadd.s32 @!p1 $0x24000, s1;
	[sflag:s5] =	ssyncadd.s32 @!p1 $0xFFFFC000;
	s5 =	sadd.s32 @!p1 s22, s19  }
0xad: {  	s3 =	sadd.s32 @!p1 s13, s3;
	s13 =	simm.s32 @!p1 $0x0;
	s5 =	sadd.s32 @!p1 $0x4800, s5  }
0xae: {  	[tilespmem:s1], [sflag:s3] =	stream.linear.gather @!p1 [hbm4b:s5+s13], $0x4000, $0x38;
	[tilespmem:$0x1FC80] =	vst v63  }
0xaf: {  	s26 =	sadd.s32 $0x8, s26;
	s30 =	smov.u32 s19;
	_ =	swait.ge @!p3 [sflag:s12], $0x4000  }
0xb0: {  	s16 =	sadd.s32 $0x8, s16;
	s25 =	sadd.s32 $0x20, s25;
	s31 =	rddreg [dreg:$0x8]  }
0xb1: {  	s17 =	sadd.s32 $0x8, s17;
	s28 =	sadd.s32 $0x8, s28;
	p1 =	sne.s32 s31, s25  }
.Ltmp0:
0xb2: {  	s8 =	sadd.s32 $0x8, s8;
	s10 =	sadd.s32 $0x8, s10;
	(pc) =	sbr.rel @p1 .LBB2_2-.Ltmp0, $4  }
0xb3: {  	s29 =	simm.s32 $0x0;
	s15 =	sadd.s32 $0x8, s15;
	[sflag:s12] =	ssyncset.done @!p3 $0x0  }
0xb4: {  	s1 =	simm.s32 @!p3 $0x80;
	s3 =	simm.s32 @!p3 $0x1FC00;
	[sflag:s12] =	ssyncadd.s32 @!p3 $0xFFFFC000  }
0xb5: {  	[spmem:s4] =	stream.indirect.scatter.add.f32 @!p3 [tilespmem:s0], [sflag:s2], $0x80, s3, s1, $0xb8;
	[tilespmem:$0x1FC80] =	vst v63  }
0xb6: {  	s23 =	sadd.s32 $0x20000, s23;
	s22 =	sadd.s32 $0x4000, s22;
	s2 =	simm.s32 $0x1F880  }
0xb7: {  	s0 =	simm.s32 $0x4  }
0xb8: {  	_ =	swait.ge [sflag:s0], $0x4000  }
0xb9: {  	[sflag:s0] =	ssyncset.done $0x0  }
0xba: {  	s21 =	simm.s32 $0x5;
	[sflag:s0] =	ssyncadd.s32 $0xFFFFC000  }
0xbb: {  	_ =	swait.ge [sflag:s21], $0x4000  }
0xbc: {  	[sflag:s21] =	ssyncset.done $0x0  }
0xbd: {  	s22 =	simm.s32 $0x6;
	[sflag:s21] =	ssyncadd.s32 $0xFFFFC000  }
0xbe: {  	_ =	swait.ge [sflag:s22], $0x4000  }
0xbf: {  	[sflag:s22] =	ssyncset.done $0x0  }
0xc0: {  	[sflag:s22] =	ssyncadd.s32 $0xFFFFC000  }
0xc1: {  	[bflag:$0x0] =	sbarrier.arrive $0xFFFF  }
0xc2: {  	s23 =	rddreg [dreg:$0xc]  }
0xc3: {  	s1 =	rddreg [dreg:$0x14]  }
0xc4: {  	s24 =	simm.s32 $0x7;
	s3 =	rddreg [dreg:$0x1d]  }
0xc5: {  	[hbm:s23], [sflag:s1] =	dma.local [spmem:s3], $0x2700  }
0xc6: {  	_ =	swait.ge [sflag:s24], $0x2700  }
0xc7: {  	[sflag:s24] =	ssyncset.done $0x0;
	s0 =	rddreg [dreg:$0xd]  }
0xc8: {  	s3 =	rddreg [dreg:$0x1e];
	[sflag:s24] =	ssyncadd.s32 $0xFFFFD900  }
0xc9: {  	[hbm:s0], [sflag:s1] =	dma.local @!p0 [spmem:s3], $0x100  }
0xca: {  	s0 =	simm.s32 @!p0 $0x7  }
0xcb: {  	_ =	swait.ge @!p0 [sflag:s0], $0x100  }
0xcc: {  	s26 =	simm.s32 $0x0;
	s7 =	simm.s32 $0x13880;
	[sflag:s0] =	ssyncset.done @!p0 $0x0  }
0xcd: {  	s31 =	simm.s32 $0x17880;
	s25 =	rddreg [dreg:$0x17];
	[sflag:s0] =	ssyncadd.s32 @!p0 $0xFFFFFF00  }
0xce: {  	[tilespmem:s7], [sflag:$0x1] =	stream.linear.gather [hbm4b:s25+s26], $0x4000, $0x38;
	[tilespmem:$0x1FC80] =	vst v63  }
0xcf: {  	s8 =	simm.s32 $0x7;
	s10 =	simm.s32 $0x4;
	s30 =	rddreg [dreg:$0x18]  }
0xd0: {  	[tilespmem:s31], [sflag:$0x2] =	stream.linear.gather [hbm4b:s30+s26], $0x4000, $0x38;
	[tilespmem:$0x1FC80] =	vst v63  }
0xd1: {  	s11 =	simm.s32 $0x6;
	s16 =	simm.s32 $0x5;
	[bflag:$0x0] =	sbarrier.arrive $0xFFFF  }
0xd2: {  	s17 =	simm.s32 $0x3;
	s15 =	simm.s32 $0x1;
	s23 =	rddreg [dreg:$0x1b]  }
0xd3: {  	s28 =	simm.s32 $0x2;
	s22 =	simm.s32 $0x9;
	s20 =	rddreg [dreg:$0x2]  }
0xd4: {  	s24 =	simm.s32 $0x8;
	s25 =	simm.s32 $0x0;
	s18 =	rddreg [dreg:$0x15]  }
.LBB2_4:
0xd5: {  	s0 =	smulhi.u32 $0xAAAAAAAB, s28  }
0xd6: {  	[tilespmem:s2], [sflag:$0x7] =	stream.linear.gather [hbm4b:s23+s29], $0x400, $0x38;
	[tilespmem:$0x1FC80] =	vst v63  }
0xd7: {  	s1 =	smulhi.u32 $0xAAAAAAAB, s26;
	s21 =	sadd.s32 $0xFFFFFFFE, s10  }
0xd8: {  	s5 =	simm.s32 $0x7;
	s12 =	sadd.s32 $0xFFFFFFFC, s10;
	p1 =	sge.u32 s21, s9  }
0xd9: {  	_ =	swait.ge [sflag:s5], $0x400;
	s0 =	sshrl.u32 s0, $0x1;
	s1 =	sshrl.u32 s1, $0x1  }
0xda: {  	p2 =	seq.s32 @!p1 s25, $0x0;
	[sflag:s5] =	ssyncset.done $0x0;
	s3 =	smul.u32 $0xFFFFFFF4, s0  }
0xdb: {  	s14 =	sshra.s32 @!p1 s25, $0x2;
	p2 =	por p2, p1;
	s0 =	smul.u32 $0xFFFD0000, s0  }
0xdc: {  	[sflag:s5] =	ssyncadd.s32 $0xFFFFFC00;
	s31 =	smul.u32 $0xFFFFFFF4, s1;
	s30 =	sshra.s32 s3, $0x2  }
0xdd: {  	s1 =	smul.u32 $0xFFFD0000, s1;
	s3 =	sshra.s32 @!p2 s25, $0x2;
	s21 =	sadd.s32 $0x6, s30  }
0xde: {  	s0 =	sshra.s32 @!p1 s0, $0x2;
	s2 =	sadd.s32 $0x3, s30;
	s3 =	sadd.s32 @!p2 s3, s21  }
0xdf: {  	s0 =	sadd.s32 @!p1 s0, s7;
	s30 =	smulhi.u32 $0xAAAAAAAB, s17;
	_ =	swait.ge @!p2 [sflag:s3], $0x4000  }
0xe0: {  	s13 =	sadd.s32 @!p1 $0x8000, s0;
	s0 =	sadd.s32 @!p1 s20, s18;
	[sflag:s3] =	ssyncset.done @!p2 $0x0  }
0xe1: {  	s18 =	sshra.s32 s31, $0x2;
	s0 =	sadd.s32 @!p1 $0x1000, s0;
	[sflag:s3] =	ssyncadd.s32 @!p2 $0xFFFFC000  }
0xe2: {  	s3 =	sadd.s32 @!p1 s14, s2;
	s2 =	simm.s32 @!p1 $0x0;
	p2 =	sge.u32 s12, s9  }
0xe3: {  	[tilespmem:s13], [sflag:s3] =	stream.linear.gather @!p1 [hbm4b:s0+s2], $0x4000, $0x38;
	[tilespmem:$0x1FC80] =	vst v63  }
0xe4: {  	s12 =	sshrl.u32 s30, $0x1;
	s2 =	sadd.s32 $0x1, s18;
	s5 =	sshra.s32 @!p2 s25, $0x2  }
0xe5: {  	s0 =	sadd.s32 $0x4, s18;
	s1 =	sshra.s32 @!p2 s1, $0x2;
	s2 =	sadd.s32 @!p2 s5, s2  }
0xe6: {  	s31 =	smul.u32 $0xFFFFFFF4, s12;
	s1 =	sadd.s32 @!p2 s1, s7;
	_ =	swait.ge @!p2 [sflag:s2], $0x4000  }
0xe7: {  	s0 =	sadd.s32 @!p2 s5, s0;
	s5 =	simm.s32 @!p2 $0x1F880;
	[sflag:s2] =	ssyncset.done @!p2 $0x0  }
0xe8: {  	s30 =	sshra.s32 s31, $0x2;
	[sflag:s2] =	ssyncadd.s32 @!p2 $0xFFFFC000;
	s2 =	simm.s32 @!p2 $0x80  }
0xe9: {  	[spmem:s4] =	stream.indirect.scatter.add.f32 @!p2 [tilespmem:s1], [sflag:s0], $0x80, s5, s2, $0xb8;
	[tilespmem:$0x1FC80] =	vst v63  }
0xea: {  	s31 =	smulhi.u32 $0xAAAAAAAB, s15;
	s18 =	sadd.s32 $0x4, s30;
	s5 =	sadd.s32 $0xFFFFFFFF, s10  }
0xeb: {  	s0 =	sadd.s32 $0x7, s30;
	s30 =	smulhi.u32 $0xAAAAAAAB, s10;
	p2 =	sge.u32 s5, s9  }
0xec: {  	s2 =	sshrl.u32 s31, $0x1;
	s5 =	smul.u32 $0xFFFD0000, s12;
	s12 =	sshra.s32 @!p2 s25, $0x2  }
0xed: {  	s31 =	sadd.s32 @!p2 s12, s0;
	s0 =	smul.u32 $0xFFFFFFF4, s2  }
0xee: {  	s1 =	sshra.s32 @!p2 s5, $0x2;
	s5 =	sadd.s32 $0xFFFFFFFD, s10;
	s18 =	sadd.s32 @!p2 s12, s18  }
0xef: {  	s2 =	smul.u32 $0xFFFD0000, s2;
	_ =	swait.ge @!p2 [sflag:s31], $0x4000;
	s1 =	sadd.s32 @!p2 s1, s7  }
0xf0: {  	p3 =	sge.u32 s5, s9;
	[sflag:s31] =	ssyncset.done @!p2 $0x0;
	s29 =	rddreg [dreg:$0x15]  }
0xf1: {  	s1 =	sadd.s32 @!p2 $0xC000, s1;
	s0 =	sshra.s32 s0, $0x2;
	s29 =	sadd.s32 @!p2 s20, s29  }
0xf2: {  	[sflag:s31] =	ssyncadd.s32 @!p2 $0xFFFFC000;
	s12 =	sadd.s32 @!p2 $0x1800, s29;
	s29 =	simm.s32 @!p2 $0x0  }
0xf3: {  	[tilespmem:s1], [sflag:s18] =	stream.linear.gather @!p2 [hbm4b:s12+s29], $0x4000, $0x38;
	[tilespmem:$0x1FC80] =	vst v63  }
0xf4: {  	s2 =	sshra.s32 @!p3 s2, $0x2;
	s5 =	sadd.s32 $0x2, s0;
	s29 =	sshra.s32 @!p3 s25, $0x2  }
0xf5: {  	s2 =	sadd.s32 @!p3 s2, s7;
	s0 =	sadd.s32 $0x5, s0;
	s5 =	sadd.s32 @!p3 s29, s5  }
0xf6: {  	s2 =	sadd.s32 @!p3 $0x4000, s2;
	s12 =	sshrl.u32 s30, $0x1;
	_ =	swait.ge @!p3 [sflag:s5], $0x4000  }
0xf7: {  	s30 =	smul.u32 $0xFFFFFFF4, s12;
	s0 =	sadd.s32 @!p3 s29, s0;
	[sflag:s5] =	ssyncset.done @!p3 $0x0  }
0xf8: {  	s29 =	simm.s32 @!p3 $0x1F900;
	[sflag:s5] =	ssyncadd.s32 @!p3 $0xFFFFC000;
	s5 =	simm.s32 @!p3 $0x80  }
0xf9: {  	[spmem:s4] =	stream.indirect.scatter.add.f32 @!p3 [tilespmem:s2], [sflag:s0], $0x80, s29, s5, $0xb8;
	[tilespmem:$0x1FC80] =	vst v63  }
0xfa: {  	s12 =	smul.u32 $0xFFFD0000, s12;
	s30 =	sshra.s32 s30, $0x2;
	p3 =	sge.u32 s10, s9  }
0xfb: {  	s2 =	sadd.s32 $0x8, s30;
	s5 =	sshra.s32 @!p3 s25, $0x2  }
0xfc: {  	s30 =	sadd.s32 $0x5, s30;
	s12 =	sshra.s32 @!p3 s12, $0x2;
	s2 =	sadd.s32 @!p3 s5, s2  }
0xfd: {  	s12 =	sadd.s32 @!p3 s12, s7;
	s5 =	sadd.s32 @!p3 s5, s30;
	_ =	swait.ge @!p3 [sflag:s2], $0x4000  }
0xfe: {  	s0 =	sadd.s32 @!p3 $0x10000, s12;
	s29 =	rddreg [dreg:$0x9];
	[sflag:s2] =	ssyncset.done @!p3 $0x0  }
0xff: {  	[sflag:s2] =	ssyncadd.s32 @!p3 $0xFFFFC000;
	s12 =	sadd.s32 @!p3 s20, s29;
	s29 =	simm.s32 @!p3 $0x0  }
0x100: {  	[tilespmem:s0], [sflag:s5] =	stream.linear.gather @!p3 [hbm4b:s12+s29], $0x4000, $0x38;
	[tilespmem:$0x1FC80] =	vst v63  }
0x101: {  	s30 =	smulhi.u32 $0xAAAAAAAB, s16;
	_ =	swait.ge @!p1 [sflag:s3], $0x4000  }
0x102: {  	[sflag:s3] =	ssyncset.done @!p1 $0x0  }
0x103: {  	s12 =	sshrl.u32 s30, $0x1;
	[sflag:s3] =	ssyncadd.s32 @!p1 $0xFFFFC000  }
0x104: {  	s3 =	sadd.s32 @!p1 s14, s21;
	s14 =	simm.s32 @!p1 $0x80;
	s21 =	simm.s32 @!p1 $0x1F980  }
0x105: {  	[spmem:s4] =	stream.indirect.scatter.add.f32 @!p1 [tilespmem:s13], [sflag:s3], $0x80, s21, s14, $0xb8;
	[tilespmem:$0x1FC80] =	vst v63  }
0x106: {  	s14 =	smul.u32 $0xFFFFFFF4, s12  }
0x107: {  	s21 =	sadd.s32 $0x1, s10  }
0x108: {  	s12 =	smul.u32 $0xFFFD0000, s12;
	p1 =	sge.u32 s21, s9;
	s30 =	sshra.s32 s14, $0x2  }
0x109: {  	s21 =	sshra.s32 @!p1 s25, $0x2;
	s3 =	sadd.s32 $0x9, s30  }
0x10a: {  	s12 =	sshra.s32 @!p1 s12, $0x2;
	s3 =	sadd.s32 @!p1 s21, s3  }
0x10b: {  	s14 =	sadd.s32 $0x6, s30;
	s12 =	sadd.s32 @!p1 s12, s7;
	_ =	swait.ge @!p1 [sflag:s3], $0x4000  }
0x10c: {  	s30 =	smulhi.u32 $0xAAAAAAAB, s11;
	s13 =	sadd.s32 @!p1 $0x14000, s12;
	s12 =	rddreg [dreg:$0x15]  }
0x10d: {  	s21 =	sadd.s32 @!p1 s21, s14;
	[sflag:s3] =	ssyncset.done @!p1 $0x0;
	s12 =	sadd.s32 @!p1 s20, s12  }
0x10e: {  	s14 =	simm.s32 @!p1 $0x0;
	[sflag:s3] =	ssyncadd.s32 @!p1 $0xFFFFC000;
	s12 =	sadd.s32 @!p1 $0x2800, s12  }
0x10f: {  	[tilespmem:s13], [sflag:s21] =	stream.linear.gather @!p1 [hbm4b:s12+s14], $0x4000, $0x38;
	[tilespmem:$0x1FC80] =	vst v63  }
0x110: {  	_ =	swait.ge @!p2 [sflag:s18], $0x4000  }
0x111: {  	s12 =	sshrl.u32 s30, $0x1;
	[sflag:s18] =	ssyncset.done @!p2 $0x0  }
0x112: {  	s14 =	simm.s32 @!p2 $0x80;
	[sflag:s18] =	ssyncadd.s32 @!p2 $0xFFFFC000;
	s18 =	simm.s32 @!p2 $0x1FA00  }
0x113: {  	[spmem:s4] =	stream.indirect.scatter.add.f32 @!p2 [tilespmem:s1], [sflag:s31], $0x80, s18, s14, $0xb8;
	[tilespmem:$0x1FC80] =	vst v63  }
0x114: {  	s14 =	smul.u32 $0xFFFFFFF4, s12  }
0x115: {  	s18 =	sadd.s32 $0x2, s10  }
0x116: {  	s12 =	smul.u32 $0xFFFD0000, s12;
	p2 =	sge.u32 s18, s9;
	s30 =	sshra.s32 s14, $0x2  }
0x117: {  	s29 =	sshra.s32 @!p2 s25, $0x2;
	s1 =	sadd.s32 $0xA, s30  }
0x118: {  	s12 =	sshra.s32 @!p2 s12, $0x2;
	s1 =	sadd.s32 @!p2 s29, s1  }
0x119: {  	s31 =	smulhi.u32 $0xAAAAAAAB, s8;
	s12 =	sadd.s32 @!p2 s12, s7;
	_ =	swait.ge @!p2 [sflag:s1], $0x4000  }
0x11a: {  	s18 =	sadd.s32 $0x7, s30;
	s14 =	sadd.s32 @!p2 $0x18000, s12;
	s12 =	rddreg [dreg:$0x15]  }
0x11b: {  	s18 =	sadd.s32 @!p2 s29, s18;
	[sflag:s1] =	ssyncset.done @!p2 $0x0;
	s12 =	sadd.s32 @!p2 s20, s12  }
0x11c: {  	s29 =	simm.s32 @!p2 $0x0;
	[sflag:s1] =	ssyncadd.s32 @!p2 $0xFFFFC000;
	s12 =	sadd.s32 @!p2 $0x3000, s12  }
0x11d: {  	[tilespmem:s14], [sflag:s18] =	stream.linear.gather @!p2 [hbm4b:s12+s29], $0x4000, $0x38;
	[tilespmem:$0x1FC80] =	vst v63  }
0x11e: {  	_ =	swait.ge @!p3 [sflag:s5], $0x4000  }
0x11f: {  	s12 =	sshrl.u32 s31, $0x1;
	[sflag:s5] =	ssyncset.done @!p3 $0x0  }
0x120: {  	s29 =	simm.s32 @!p3 $0x1FA80;
	[sflag:s5] =	ssyncadd.s32 @!p3 $0xFFFFC000;
	s5 =	simm.s32 @!p3 $0x80  }
0x121: {  	[spmem:s4] =	stream.indirect.scatter.add.f32 @!p3 [tilespmem:s0], [sflag:s2], $0x80, s29, s5, $0xb8;
	[tilespmem:$0x1FC80] =	vst v63  }
0x122: {  	s5 =	smul.u32 $0xFFFFFFF4, s12  }
0x123: {  	s30 =	sadd.s32 $0x3, s10  }
0x124: {  	p3 =	sge.u32 s30, s9;
	s0 =	sshra.s32 s5, $0x2  }
0x125: {  	s5 =	smul.u32 $0xFFFD0000, s12;
	s12 =	sshra.s32 @!p3 s25, $0x2;
	s2 =	sadd.s32 $0xB, s0  }
0x126: {  	s31 =	smulhi.u32 $0xAAAAAAAB, s24;
	s2 =	sadd.s32 @!p3 s12, s2  }
0x127: {  	s29 =	sadd.s32 $0x8, s0;
	s5 =	sshra.s32 @!p3 s5, $0x2;
	_ =	swait.ge @!p3 [sflag:s2], $0x4000  }
0x128: {  	s12 =	sadd.s32 @!p3 s12, s29;
	s0 =	sadd.s32 @!p3 s5, s7;
	s5 =	rddreg [dreg:$0x15]  }
0x129: {  	s29 =	simm.s32 @!p3 $0x0;
	[sflag:s2] =	ssyncset.done @!p3 $0x0;
	s5 =	sadd.s32 @!p3 s20, s5  }
0x12a: {  	s0 =	sadd.s32 @!p3 $0x1C000, s0;
	[sflag:s2] =	ssyncadd.s32 @!p3 $0xFFFFC000;
	s5 =	sadd.s32 @!p3 $0x3800, s5  }
0x12b: {  	[tilespmem:s0], [sflag:s12] =	stream.linear.gather @!p3 [hbm4b:s5+s29], $0x4000, $0x38;
	[tilespmem:$0x1FC80] =	vst v63  }
0x12c: {  	_ =	swait.ge @!p1 [sflag:s21], $0x4000  }
0x12d: {  	s5 =	sshrl.u32 s31, $0x1;
	[sflag:s21] =	ssyncset.done @!p1 $0x0  }
0x12e: {  	s29 =	simm.s32 @!p1 $0x1FB00;
	[sflag:s21] =	ssyncadd.s32 @!p1 $0xFFFFC000;
	s21 =	simm.s32 @!p1 $0x80  }
0x12f: {  	[spmem:s4] =	stream.indirect.scatter.add.f32 @!p1 [tilespmem:s13], [sflag:s3], $0x80, s29, s21, $0xb8;
	[tilespmem:$0x1FC80] =	vst v63  }
0x130: {  	s21 =	smul.u32 $0xFFFFFFF4, s5  }
0x131: {  	s30 =	sadd.s32 $0x4, s10;
	s5 =	smul.u32 $0xFFFD0000, s5  }
0x132: {  	p1 =	sge.u32 s30, s9;
	s3 =	sshra.s32 s21, $0x2  }
0x133: {  	s21 =	sshra.s32 @!p1 s25, $0x2;
	s5 =	sshra.s32 @!p1 s5, $0x2;
	s13 =	sadd.s32 $0xC, s3  }
0x134: {  	s31 =	smulhi.u32 $0xAAAAAAAB, s22;
	s5 =	sadd.s32 @!p1 s5, s7;
	s13 =	sadd.s32 @!p1 s21, s13  }
0x135: {  	s3 =	sadd.s32 $0x9, s3;
	s5 =	sadd.s32 @!p1 $0x20000, s5;
	_ =	swait.ge @!p1 [sflag:s13], $0x4000  }
0x136: {  	s3 =	sadd.s32 @!p1 s21, s3;
	s29 =	rddreg [dreg:$0xa];
	[sflag:s13] =	ssyncset.done @!p1 $0x0  }
0x137: {  	s21 =	simm.s32 @!p1 $0x0;
	[sflag:s13] =	ssyncadd.s32 @!p1 $0xFFFFC000;
	s13 =	sadd.s32 @!p1 s20, s29  }
0x138: {  	[tilespmem:s5], [sflag:s3] =	stream.linear.gather @!p1 [hbm4b:s13+s21], $0x4000, $0x38;
	[tilespmem:$0x1FC80] =	vst v63  }
0x139: {  	s26 =	sadd.s32 $0x8, s26;
	s21 =	sshrl.u32 s31, $0x1  }
0x13a: {  	s30 =	sadd.s32 $0x5, s10;
	_ =	swait.ge @!p2 [sflag:s18], $0x4000;
	s3 =	smul.u32 $0xFFFFFFF4, s21  }
0x13b: {  	s5 =	simm.s32 @!p2 $0x80;
	s13 =	simm.s32 @!p2 $0x1FB80;
	[sflag:s18] =	ssyncset.done @!p2 $0x0  }
0x13c: {  	p1 =	sge.u32 s30, s9;
	[sflag:s18] =	ssyncadd.s32 @!p2 $0xFFFFC000;
	s3 =	sshra.s32 s3, $0x2  }
0x13d: {  	[spmem:s4] =	stream.indirect.scatter.add.f32 @!p2 [tilespmem:s14], [sflag:s1], $0x80, s13, s5, $0xb8;
	[tilespmem:$0x1FC80] =	vst v63  }
0x13e: {  	s28 =	sadd.s32 $0x8, s28;
	s5 =	sadd.s32 $0xD, s3;
	s13 =	sshra.s32 @!p1 s25, $0x2  }
0x13f: {  	s23 =	sadd.s32 $0x80, s23;
	s1 =	smul.u32 $0xFFFD0000, s21;
	s5 =	sadd.s32 @!p1 s13, s5  }
0x140: {  	s18 =	rddreg [dreg:$0x15];
	s3 =	sadd.s32 $0xA, s3;
	_ =	swait.ge @!p1 [sflag:s5], $0x4000  }
0x141: {  	s3 =	sadd.s32 @!p1 s13, s3;
	s1 =	sshra.s32 @!p1 s1, $0x2;
	[sflag:s5] =	ssyncset.done @!p1 $0x0  }
0x142: {  	s1 =	sadd.s32 @!p1 s1, s7;
	[sflag:s5] =	ssyncadd.s32 @!p1 $0xFFFFC000;
	s5 =	sadd.s32 @!p1 s20, s18  }
0x143: {  	s13 =	simm.s32 @!p1 $0x0;
	s1 =	sadd.s32 @!p1 $0x24000, s1;
	s5 =	sadd.s32 @!p1 $0x4800, s5  }
0x144: {  	[tilespmem:s1], [sflag:s3] =	stream.linear.gather @!p1 [hbm4b:s5+s13], $0x4000, $0x38;
	[tilespmem:$0x1FC80] =	vst v63  }
0x145: {  	s17 =	sadd.s32 $0x8, s17;
	s15 =	sadd.s32 $0x8, s15;
	_ =	swait.ge @!p3 [sflag:s12], $0x4000  }
0x146: {  	s16 =	sadd.s32 $0x8, s16;
	s25 =	sadd.s32 $0x20, s25;
	s31 =	rddreg [dreg:$0xb]  }
0x147: {  	s11 =	sadd.s32 $0x8, s11;
	s8 =	sadd.s32 $0x8, s8;
	p1 =	sne.s32 s31, s25  }
.Ltmp1:
0x148: {  	s24 =	sadd.s32 $0x8, s24;
	s22 =	sadd.s32 $0x8, s22;
	(pc) =	sbr.rel @p1 .LBB2_4-.Ltmp1, $4  }
0x149: {  	s10 =	sadd.s32 $0x8, s10;
	s29 =	simm.s32 $0x0;
	[sflag:s12] =	ssyncset.done @!p3 $0x0  }
0x14a: {  	s1 =	simm.s32 @!p3 $0x80;
	s3 =	simm.s32 @!p3 $0x1FC00;
	[sflag:s12] =	ssyncadd.s32 @!p3 $0xFFFFC000  }
0x14b: {  	[spmem:s4] =	stream.indirect.scatter.add.f32 @!p3 [tilespmem:s0], [sflag:s2], $0x80, s3, s1, $0xb8;
	[tilespmem:$0x1FC80] =	vst v63  }
0x14c: {  	s7 =	sadd.s32 $0x20000, s7;
	s20 =	sadd.s32 $0x4000, s20;
	s2 =	simm.s32 $0x1F880  }
0x14d: {  	s0 =	simm.s32 $0x4  }
0x14e: {  	_ =	swait.ge [sflag:s0], $0x4000  }
0x14f: {  	[sflag:s0] =	ssyncset.done $0x0  }
0x150: {  	s24 =	simm.s32 $0x5;
	[sflag:s0] =	ssyncadd.s32 $0xFFFFC000  }
0x151: {  	_ =	swait.ge [sflag:s24], $0x4000  }
0x152: {  	[sflag:s24] =	ssyncset.done $0x0  }
0x153: {  	s25 =	simm.s32 $0x6;
	[sflag:s24] =	ssyncadd.s32 $0xFFFFC000  }
0x154: {  	_ =	swait.ge [sflag:s25], $0x4000  }
0x155: {  	[sflag:s25] =	ssyncset.done $0x0  }
0x156: {  	[sflag:s25] =	ssyncadd.s32 $0xFFFFC000  }
0x157: {  	[bflag:$0x0] =	sbarrier.arrive $0xFFFF  }
0x158: {  	s26 =	rddreg [dreg:$0xe]  }
0x159: {  	s11 =	rddreg [dreg:$0x14]  }
0x15a: {  	s28 =	simm.s32 $0x7;
	s1 =	rddreg [dreg:$0x1d]  }
0x15b: {  	[hbm:s26], [sflag:s11] =	dma.local [spmem:s1], $0x2700  }
0x15c: {  	_ =	swait.ge [sflag:s28], $0x2700  }
0x15d: {  	[sflag:s28] =	ssyncset.done $0x0;
	s0 =	rddreg [dreg:$0xf]  }
0x15e: {  	s1 =	rddreg [dreg:$0x1e];
	[sflag:s28] =	ssyncadd.s32 $0xFFFFD900  }
0x15f: {  	[hbm:s0], [sflag:s11] =	dma.local @!p0 [spmem:s1], $0x100  }
0x160: {  	s0 =	simm.s32 @!p0 $0x7  }
0x161: {  	_ =	swait.ge @!p0 [sflag:s0], $0x100  }
0x162: {  	s3 =	rddreg [dreg:$0x1c]  }
0x163: {  	s31 =	rddreg [dreg:$0x19];
	s3 =	sadd.s32 $0x1, s3  }
0x164: {  	p1 =	sne.s32 s3, s31  }
.Ltmp2:
0x165: {  	_ = 	snop;
	(pc) =	sbr.rel @p1 .LBB2_1-.Ltmp2, $3  }
0x166: {  	_ =	sdelay $0x1  }
0x167: {  	[sflag:s0] =	ssyncset.done @!p0 $0x0  }
0x168: {  	s30 =	smov.u32 s19;
	[sflag:s0] =	ssyncadd.s32 @!p0 $0xFFFFFF00  }
0x169: {  	_ =	sfence.sel $0x180000  }
0x16a: {  	[bflag:$0x0] =	sbarrier.arrive $0xFFFF  }
0x16b: {  	_ =	strace $0x90000047  }
0x16c: {  	s0 =	stileid.u32;
	[bflag:$0x2] =	sbarrier.arrive $0xFFFF  }
0x16d: {  	p0 =	sne.s32 s0, $0x0;
	s0 =	rddreg [dreg:$0x5]  }
0x16e: {  	s0 =	sadd.s32 @!p0 $0x100000, s0  }
0x16f: {  	[sflag:s0] =	ssyncadd.tile.s32 @!p0 $0x1;
	_ =	shalt  }
.Lfunc_end2:
_tile_overlayer_lowered:
.L_overlay_start_2:
0x170: {  	(tag) =	ssettag $0x2  }
0x171: {  	s0 =	rddreg [dreg:$0x0];
	s2 =	stileid.u32  }
0x172: {  	s1 =	rddreg [dreg:$0x1];
	p0 =	sne.s32 s2, $0x0  }
0x173: {  	s3 =	rddreg [dreg:$0x2];
	[bflag:$0x3] =	sbarrier.arrive $0xFFFF;
	s2 =	simm.s32 @!p0 $0x1C07  }
0x174: {  	[timem:s3], [sflag:s2] =	dma.local @!p0 [hbm:s0], s1  }
0x175: {  	s0 =	simm.s32 @!p0 $0x7  }
0x176: {  	_ =	swait.ge @!p0 [sflag:s0], s1  }
0x177: {  	s1 =	ssub.s32 @!p0 $0x0, s1;
	[sflag:s0] =	ssyncset.done @!p0 $0x0  }
0x178: {  	[sflag:s0] =	ssyncadd.s32 @!p0 s1  }
0x179: {  	[bflag:$0x3] =	sbarrier.arrive $0xFFFF  }
0x17a: {  	_ =	shalt  }

</sc_bundles>
